<compile_context>
chip_gen: v7x
topology: tpu7x:2x2x1
jax: 0.10.2.dev20260603
libtpu: 0.0.44.dev20260713+nightly
codegen_flags: <defaults>
</compile_context>

<pallas_src>
import jax
import jax.numpy as jnp
from jax import lax
from jax.experimental import pallas as pl
from jax.experimental.pallas import tpu as pltpu
from jax.experimental.pallas import tpu_sc as plsc

D = 28
L = 16
NC, NS = 2, 16
NW = NC * NS
B = 128
CT = 2048

_params = pltpu.CompilerParams(use_tc_tiling_on_sc=False,
                               needs_layout_passes=False)


def _worker_id():
    return lax.axis_index("s") * NC + lax.axis_index("c")


def _gather_start(src_hbm, idx_ref, dst, sem):
    return pltpu.async_copy(src_hbm.at[idx_ref], dst, sem)


def _transpose_body(nt_hbm, out_hbm, in_v, out_v):
    ncols = nt_hbm.shape[1]
    cpw = ncols // NW
    cstart = _worker_id() * cpw
    io = lax.iota(jnp.int32, L)

    def blk(g, carry):
        base = cstart + g * CT
        pltpu.sync_copy(nt_hbm.at[:, pl.ds(base, CT)], in_v)

        def grp(t, c):
            o = t * L
            for j in range(8):
                v = in_v[j, pl.ds(o, L)]
                plsc.store_scatter(out_v, [o + io, jnp.full((L,), j, jnp.int32)], v)
            return c

        lax.fori_loop(0, CT // L, grp, 0)
        pltpu.sync_copy(out_v, out_hbm.at[pl.ds(base, CT)])
        return carry

    lax.fori_loop(0, cpw // CT, blk, 0)


def _drain(data_hbm, rows_v, sem):
    pltpu.make_async_copy(data_hbm.at[pl.ds(0, rows_v.shape[0])],
                          rows_v, sem).wait()


def _body(idx_hbm, nids_hbm, data_hbm, wt_hbm, out_hbm,
          idx_v, cid_v, cix0, cix1, w_v, rows0, rows1, out_v, sem_n, sem_d):
    n = idx_hbm.shape[0]
    qpw = n // NW
    nblk = qpw // B
    wstart = _worker_id() * qpw
    nch = (B * 8) // 128
    io = lax.iota(jnp.int32, L)
    pat_q = lax.shift_right_logical(io, 3)
    pat_j = lax.bitwise_and(io, 7)

    def stage1(qbase, cix_v, rows_v):
        pltpu.sync_copy(idx_hbm.at[pl.ds(qbase, B)], idx_v)
        _gather_start(nids_hbm, idx_v, cid_v, sem_n).wait()
        for k in range(B * 8 // L):
            v = plsc.load_gather(cid_v, [pat_q + 2 * k, pat_j])
            cix_v[k // 8, pl.ds((k % 8) * L, L)] = v
        for c in range(nch):
            _gather_start(data_hbm, cix_v.at[c],
                          rows_v.at[pl.ds(c * 128, 128), :], sem_d)

    def stage2(qbase, rows_v):
        pltpu.sync_copy(wt_hbm.at[:, pl.ds(qbase, B)], w_v)
        _drain(data_hbm, rows_v, sem_d)

        def qstep(p, c):
            w_pair = plsc.load_gather(w_v, [pat_j, pat_q + 2 * p])
            for h in range(2):
                q = 2 * p + h
                acc0 = jnp.zeros((L,), jnp.float32)
                acc1 = jnp.zeros((L,), jnp.float32)
                for j in range(8):
                    wj = w_pair.at[jnp.full((L,), 8 * h + j, jnp.int32)].get(
                        mode="promise_in_bounds")
                    r0 = rows_v[8 * q + j, pl.ds(0, L)]
                    r1 = rows_v[8 * q + j, pl.ds(D - L, L)]
                    acc0 = acc0 + wj * r0
                    acc1 = acc1 + wj * r1
                out_v[q, pl.ds(0, L)] = acc0
                out_v[q, pl.ds(D - L, L)] = acc1
            return c

        lax.fori_loop(0, B // 2, qstep, 0)
        pltpu.sync_copy(out_v, out_hbm.at[pl.ds(qbase, B)])

    stage1(wstart, cix0, rows0)

    def pair(t, carry):
        g0 = 2 * t
        qb0 = wstart + g0 * B
        stage1(qb0 + B, cix1, rows1)
        stage2(qb0, rows0)

        @pl.when(g0 + 2 < nblk)
        def _():
            stage1(qb0 + 2 * B, cix0, rows0)

        stage2(qb0 + B, rows1)
        return carry

    lax.fori_loop(0, nblk // 2, pair, 0)


def kernel(indices, nids, data, weights):
    n = indices.shape[0]
    nnodes = nids.shape[0]
    mesh = plsc.VectorSubcoreMesh(core_axis_name="c", subcore_axis_name="s",
                                  num_cores=NC, num_subcores=NS)
    data32 = jnp.pad(data, ((0, 0), (0, 32 - D)))
    tr_f = pl.kernel(
        _transpose_body,
        out_type=jax.ShapeDtypeStruct((nnodes, 8), jnp.int32),
        mesh=mesh,
        compiler_params=_params,
        scratch_types=[
            pltpu.VMEM((8, CT), jnp.int32),
            pltpu.VMEM((CT, 8), jnp.int32),
        ],
    )
    nids_rm = tr_f(nids.T)
    f = pl.kernel(
        _body,
        out_type=jax.ShapeDtypeStruct((n, D), jnp.float32),
        mesh=mesh,
        compiler_params=_params,
        scratch_types=[
            pltpu.VMEM((B,), jnp.int32),
            pltpu.VMEM((B, 8), jnp.int32),
            pltpu.VMEM((B * 8 // 128, 128), jnp.int32),
            pltpu.VMEM((B * 8 // 128, 128), jnp.int32),
            pltpu.VMEM((8, B), jnp.float32),
            pltpu.VMEM((B * 8, 32), jnp.float32),
            pltpu.VMEM((B * 8, 32), jnp.float32),
            pltpu.VMEM((B, D), jnp.float32),
            pltpu.SemaphoreType.DMA,
            pltpu.SemaphoreType.DMA,
        ],
    )
    return f(indices, nids_rm, data32, weights.T)

# --- scband reference (transcript-rebuilt; emitter-appended) ---
"""Pipeline reference for scband-corner-tree-3058016715044 (READ-ONLY COPY).

The authoritative reference and input builder live on the scoring server;
editing this copy changes nothing except your own understanding.
"""

import jax, jax.numpy as jnp
import numpy as np

DATA_DIM = 28
N_NODES = 524288
N_CORNERS = 600000
N_QUERIES = 262144
INIT_RGB = 0.5
INIT_SIGMA = 0.1


def setup_inputs(seed: int = 0) -> dict:
    key = jax.random.key(seed)
    k1, k2, k3, k4 = jax.random.split(key, 4)
    # query node indices (forward arg)
    indices = jax.random.randint(k1, (N_QUERIES,), 0, N_NODES, dtype=jnp.int32)
    # tree corner-id table: each node has 8 corner ids into the dedup'd corner data table
    nids = jax.random.randint(k2, (N_NODES, 8), 0, N_CORNERS, dtype=jnp.int32)
    # learned corner data table (EmbeddingBag weight), initialized like CornerTree.refine
    data = jnp.concatenate([
        jnp.full((N_CORNERS, DATA_DIM - 1), INIT_RGB, dtype=jnp.float32),
        jnp.full((N_CORNERS, 1), INIT_SIGMA, dtype=jnp.float32),
    ], axis=1)
    data = data + 0.01 * jax.random.normal(k3, (N_CORNERS, DATA_DIM), dtype=jnp.float32)
    # trilinear interpolation weights per query (normalized, 8 corners)
    w = jax.random.uniform(k4, (N_QUERIES, 8), dtype=jnp.float32)
    weights = w / jnp.sum(w, axis=1, keepdims=True)
    return {"indices": indices, "nids": nids, "data": data, "weights": weights}


def reference(indices, nids, data, weights):
    # CornerTree.query: for each queried node, gather its 8 corner ids,
    # gather the corresponding rows of the corner data table, and do a
    # weighted sum (torch.nn.EmbeddingBag(mode='sum') with per-sample weights).
    corner_ids = jnp.take(nids, indices, axis=0)                  # [N, 8]
    corner_vals = jnp.take(data, corner_ids.reshape(-1), axis=0)  # [N*8, D]
    corner_vals = corner_vals.reshape(N_QUERIES, 8, DATA_DIM)
    out = jnp.sum(corner_vals * weights[:, :, None], axis=1)      # [N, D]
    return out

if __name__ == "__main__":
    import jax
    _d = setup_inputs()
    print(jax.jit(kernel)(*tuple(_d.values())))

</pallas_src>

<mosaic_0001>
#map = affine_map<(d0, d1) -> (0)>
#map1 = affine_map<(d0, d1) -> (0, 0)>
module attributes {stable_mosaic.version = 14 : i64} {
  func.func @_body(%arg0: i32, %arg1: i32, %arg2: memref<262144xi32, #tpu.memory_space<hbm>>, %arg3: memref<524288x8xi32, #tpu.memory_space<hbm>>, %arg4: memref<600000x32xf32, #tpu.memory_space<hbm>>, %arg5: memref<8x262144xf32, #tpu.memory_space<hbm>>, %arg6: memref<262144x28xf32, #tpu.memory_space<hbm>>, %arg7: memref<128xi32, #tpu.memory_space<vmem>>, %arg8: memref<128x8xi32, #tpu.memory_space<vmem>>, %arg9: memref<8x128xi32, #tpu.memory_space<vmem>>, %arg10: memref<8x128xi32, #tpu.memory_space<vmem>>, %arg11: memref<8x128xf32, #tpu.memory_space<vmem>>, %arg12: memref<1024x32xf32, #tpu.memory_space<vmem>>, %arg13: memref<1024x32xf32, #tpu.memory_space<vmem>>, %arg14: memref<128x28xf32, #tpu.memory_space<vmem>>, %arg15: memref<!tpu.dma_semaphore, #tpu.memory_space<semaphore_mem>>, %arg16: memref<!tpu.dma_semaphore, #tpu.memory_space<semaphore_mem>>) attributes {dimension_semantics = [#tpu.dimension_semantics<core_parallel>, #tpu.dimension_semantics<subcore_parallel>], iteration_bounds = array<i64: 2, 16>, scalar_prefetch = 0 : i64, scratch_operands = 10 : i64, tpu.core_type = #tpu.core_type<sc_vector_subcore>, window_params = [{transform_indices = #map}, {transform_indices = #map1}, {transform_indices = #map1}, {transform_indices = #map1}, {transform_indices = #map1}]} {
    %mul3A = arith.constant 2 : i32
    %mul3A_0 = arith.muli %arg1, %mul3A : i32
    %add3A = arith.addi %mul3A_0, %arg0 : i32
    %mul3A_1 = arith.constant 8192 : i32
    %mul3A_2 = arith.muli %add3A, %mul3A_1 : i32
    %iota3A = tpu.iota {dimensions = array<i32: 0>} : vector<16xi32>
    %shift_right_logical3A = arith.constant 3 : i32
    %shift_right_logical3A_3 = vector.broadcast %shift_right_logical3A : i32 to vector<16xi32>
    %shift_right_logical3A_4 = arith.shrui %iota3A, %shift_right_logical3A_3 : vector<16xi32>
    %and3A = arith.constant 7 : i32
    %and3A_5 = vector.broadcast %and3A : i32 to vector<16xi32>
    %and3A_6 = arith.andi %iota3A, %and3A_5 : vector<16xi32>
    "tpu.region"() ({
      %run_scoped3A = tpu.sem_alloc : memref<!tpu.dma_semaphore, #tpu.memory_space<semaphore_mem>>
      %dma_start3A_606 = tpu.memref_slice %arg2[%mul3A_2] : memref<262144xi32, #tpu.memory_space<hbm>> -> memref<128xi32, #tpu.memory_space<hbm>>
      %dma_start3A_607 = tpu.memref_slice %arg2[%mul3A_2] : memref<262144xi32, #tpu.memory_space<hbm>> -> memref<128xi32, #tpu.memory_space<hbm>>
      tpu.enqueue_dma source(%dma_start3A_607 : memref<128xi32, #tpu.memory_space<hbm>>) target(%arg7 : memref<128xi32, #tpu.memory_space<vmem>>) target_semaphore(%run_scoped3A : memref<!tpu.dma_semaphore, #tpu.memory_space<semaphore_mem>>)
      %dma_wait3A_608 = tpu.memref_slice %arg2[%mul3A_2] : memref<262144xi32, #tpu.memory_space<hbm>> -> memref<128xi32, #tpu.memory_space<hbm>>
      %dma_wait3A_609 = tpu.memref_slice %arg2[%mul3A_2] : memref<262144xi32, #tpu.memory_space<hbm>> -> memref<128xi32, #tpu.memory_space<hbm>>
      tpu.wait_dma2 semaphore(%run_scoped3A : memref<!tpu.dma_semaphore, #tpu.memory_space<semaphore_mem>>) src(%dma_wait3A_609 : memref<128xi32, #tpu.memory_space<hbm>>) dst(%arg7 : memref<128xi32, #tpu.memory_space<vmem>>)
      tpu.yield
    }) : () -> ()
    %dma_start3A = arith.constant 0 : i32
    %dma_start3A_7 = arith.constant 0 : i32
    %dma_start3A_8 = tpu.memref_slice %arg3[%dma_start3A, %dma_start3A_7] : memref<524288x8xi32, #tpu.memory_space<hbm>> -> memref<524288x8xi32, #tpu.memory_space<hbm>>
    tpu.enqueue_indirect_dma source(%dma_start3A_8 : memref<524288x8xi32, #tpu.memory_space<hbm>>) target(%arg8 : memref<128x8xi32, #tpu.memory_space<vmem>>) offsets(%arg7 : memref<128xi32, #tpu.memory_space<vmem>>) semaphore(%arg15 : memref<!tpu.dma_semaphore, #tpu.memory_space<semaphore_mem>>)
    %dma_wait3A = arith.constant 0 : i32
    %dma_wait3A_9 = arith.constant 0 : i32
    %dma_wait3A_10 = tpu.memref_slice %arg3[%dma_wait3A, %dma_wait3A_9] : memref<524288x8xi32, #tpu.memory_space<hbm>> -> memref<524288x8xi32, #tpu.memory_space<hbm>>
    tpu.wait_indirect_dma semaphore(%arg15 : memref<!tpu.dma_semaphore, #tpu.memory_space<semaphore_mem>>) src(%dma_wait3A_10 : memref<524288x8xi32, #tpu.memory_space<hbm>>) dst(%arg8 : memref<128x8xi32, #tpu.memory_space<vmem>>)
    %add3A_11 = arith.constant 0 : i32
    %add3A_12 = vector.broadcast %add3A_11 : i32 to vector<16xi32>
    %add3A_13 = arith.addi %shift_right_logical3A_4, %add3A_12 : vector<16xi32>
    %gather3A = tpu.vector_load_idx %arg8[%add3A_13, %and3A_6] : memref<128x8xi32, #tpu.memory_space<vmem>>[vector<16xi32>, vector<16xi32>], vector<16xi32>,
    %swap3A = arith.constant 0 : i32
    %swap3A_14 = arith.index_cast %swap3A : i32 to index
    %swap3A_15 = arith.constant 0 : index
    %swap3A_16 = tpu.vector_load %arg9[%swap3A_14, %swap3A_15] {strides = array<i32>} : memref<8x128xi32, #tpu.memory_space<vmem>>, vector<16xi32>,
    tpu.vector_store %arg9[%swap3A_14, %swap3A_15], %gather3A {strides = array<i32>} : memref<8x128xi32, #tpu.memory_space<vmem>>, vector<16xi32>,
    %add3A_17 = arith.constant 2 : i32
    %add3A_18 = vector.broadcast %add3A_17 : i32 to vector<16xi32>
    %add3A_19 = arith.addi %shift_right_logical3A_4, %add3A_18 : vector<16xi32>
    %gather3A_20 = tpu.vector_load_idx %arg8[%add3A_19, %and3A_6] : memref<128x8xi32, #tpu.memory_space<vmem>>[vector<16xi32>, vector<16xi32>], vector<16xi32>,
    %swap3A_21 = arith.constant 0 : i32
    %swap3A_22 = arith.index_cast %swap3A_21 : i32 to index
    %swap3A_23 = arith.constant 16 : index
    %swap3A_24 = tpu.vector_load %arg9[%swap3A_22, %swap3A_23] {strides = array<i32>} : memref<8x128xi32, #tpu.memory_space<vmem>>, vector<16xi32>,
    tpu.vector_store %arg9[%swap3A_22, %swap3A_23], %gather3A_20 {strides = array<i32>} : memref<8x128xi32, #tpu.memory_space<vmem>>, vector<16xi32>,
    %add3A_25 = arith.constant 4 : i32
    %add3A_26 = vector.broadcast %add3A_25 : i32 to vector<16xi32>
    %add3A_27 = arith.addi %shift_right_logical3A_4, %add3A_26 : vector<16xi32>
    %gather3A_28 = tpu.vector_load_idx %arg8[%add3A_27, %and3A_6] : memref<128x8xi32, #tpu.memory_space<vmem>>[vector<16xi32>, vector<16xi32>], vector<16xi32>,
    %swap3A_29 = arith.constant 0 : i32
    %swap3A_30 = arith.index_cast %swap3A_29 : i32 to index
    %swap3A_31 = arith.constant 32 : index
    %swap3A_32 = tpu.vector_load %arg9[%swap3A_30, %swap3A_31] {strides = array<i32>} : memref<8x128xi32, #tpu.memory_space<vmem>>, vector<16xi32>,
    tpu.vector_store %arg9[%swap3A_30, %swap3A_31], %gather3A_28 {strides = array<i32>} : memref<8x128xi32, #tpu.memory_space<vmem>>, vector<16xi32>,
    %add3A_33 = arith.constant 6 : i32
    %add3A_34 = vector.broadcast %add3A_33 : i32 to vector<16xi32>
    %add3A_35 = arith.addi %shift_right_logical3A_4, %add3A_34 : vector<16xi32>
    %gather3A_36 = tpu.vector_load_idx %arg8[%add3A_35, %and3A_6] : memref<128x8xi32, #tpu.memory_space<vmem>>[vector<16xi32>, vector<16xi32>], vector<16xi32>,
    %swap3A_37 = arith.constant 0 : i32
    %swap3A_38 = arith.index_cast %swap3A_37 : i32 to index
    %swap3A_39 = arith.constant 48 : index
    %swap3A_40 = tpu.vector_load %arg9[%swap3A_38, %swap3A_39] {strides = array<i32>} : memref<8x128xi32, #tpu.memory_space<vmem>>, vector<16xi32>,
    tpu.vector_store %arg9[%swap3A_38, %swap3A_39], %gather3A_36 {strides = array<i32>} : memref<8x128xi32, #tpu.memory_space<vmem>>, vector<16xi32>,
    %add3A_41 = arith.constant 8 : i32
    %add3A_42 = vector.broadcast %add3A_41 : i32 to vector<16xi32>
    %add3A_43 = arith.addi %shift_right_logical3A_4, %add3A_42 : vector<16xi32>
    %gather3A_44 = tpu.vector_load_idx %arg8[%add3A_43, %and3A_6] : memref<128x8xi32, #tpu.memory_space<vmem>>[vector<16xi32>, vector<16xi32>], vector<16xi32>,
    %swap3A_45 = arith.constant 0 : i32
    %swap3A_46 = arith.index_cast %swap3A_45 : i32 to index
    %swap3A_47 = arith.constant 64 : index
    %swap3A_48 = tpu.vector_load %arg9[%swap3A_46, %swap3A_47] {strides = array<i32>} : memref<8x128xi32, #tpu.memory_space<vmem>>, vector<16xi32>,
    tpu.vector_store %arg9[%swap3A_46, %swap3A_47], %gather3A_44 {strides = array<i32>} : memref<8x128xi32, #tpu.memory_space<vmem>>, vector<16xi32>,
    %add3A_49 = arith.constant 10 : i32
    %add3A_50 = vector.broadcast %add3A_49 : i32 to vector<16xi32>
    %add3A_51 = arith.addi %shift_right_logical3A_4, %add3A_50 : vector<16xi32>
    %gather3A_52 = tpu.vector_load_idx %arg8[%add3A_51, %and3A_6] : memref<128x8xi32, #tpu.memory_space<vmem>>[vector<16xi32>, vector<16xi32>], vector<16xi32>,
    %swap3A_53 = arith.constant 0 : i32
    %swap3A_54 = arith.index_cast %swap3A_53 : i32 to index
    %swap3A_55 = arith.constant 80 : index
    %swap3A_56 = tpu.vector_load %arg9[%swap3A_54, %swap3A_55] {strides = array<i32>} : memref<8x128xi32, #tpu.memory_space<vmem>>, vector<16xi32>,
    tpu.vector_store %arg9[%swap3A_54, %swap3A_55], %gather3A_52 {strides = array<i32>} : memref<8x128xi32, #tpu.memory_space<vmem>>, vector<16xi32>,
    %add3A_57 = arith.constant 12 : i32
    %add3A_58 = vector.broadcast %add3A_57 : i32 to vector<16xi32>
    %add3A_59 = arith.addi %shift_right_logical3A_4, %add3A_58 : vector<16xi32>
    %gather3A_60 = tpu.vector_load_idx %arg8[%add3A_59, %and3A_6] : memref<128x8xi32, #tpu.memory_space<vmem>>[vector<16xi32>, vector<16xi32>], vector<16xi32>,
    %swap3A_61 = arith.constant 0 : i32
    %swap3A_62 = arith.index_cast %swap3A_61 : i32 to index
    %swap3A_63 = arith.constant 96 : index
    %swap3A_64 = tpu.vector_load %arg9[%swap3A_62, %swap3A_63] {strides = array<i32>} : memref<8x128xi32, #tpu.memory_space<vmem>>, vector<16xi32>,
    tpu.vector_store %arg9[%swap3A_62, %swap3A_63], %gather3A_60 {strides = array<i32>} : memref<8x128xi32, #tpu.memory_space<vmem>>, vector<16xi32>,
    %add3A_65 = arith.constant 14 : i32
    %add3A_66 = vector.broadcast %add3A_65 : i32 to vector<16xi32>
    %add3A_67 = arith.addi %shift_right_logical3A_4, %add3A_66 : vector<16xi32>
    %gather3A_68 = tpu.vector_load_idx %arg8[%add3A_67, %and3A_6] : memref<128x8xi32, #tpu.memory_space<vmem>>[vector<16xi32>, vector<16xi32>], vector<16xi32>,
    %swap3A_69 = arith.constant 0 : i32
    %swap3A_70 = arith.index_cast %swap3A_69 : i32 to index
    %swap3A_71 = arith.constant 112 : index
    %swap3A_72 = tpu.vector_load %arg9[%swap3A_70, %swap3A_71] {strides = array<i32>} : memref<8x128xi32, #tpu.memory_space<vmem>>, vector<16xi32>,
    tpu.vector_store %arg9[%swap3A_70, %swap3A_71], %gather3A_68 {strides = array<i32>} : memref<8x128xi32, #tpu.memory_space<vmem>>, vector<16xi32>,
    %add3A_73 = arith.constant 16 : i32
    %add3A_74 = vector.broadcast %add3A_73 : i32 to vector<16xi32>
    %add3A_75 = arith.addi %shift_right_logical3A_4, %add3A_74 : vector<16xi32>
    %gather3A_76 = tpu.vector_load_idx %arg8[%add3A_75, %and3A_6] : memref<128x8xi32, #tpu.memory_space<vmem>>[vector<16xi32>, vector<16xi32>], vector<16xi32>,
    %swap3A_77 = arith.constant 1 : i32
    %swap3A_78 = arith.index_cast %swap3A_77 : i32 to index
    %swap3A_79 = arith.constant 0 : index
    %swap3A_80 = tpu.vector_load %arg9[%swap3A_78, %swap3A_79] {strides = array<i32>} : memref<8x128xi32, #tpu.memory_space<vmem>>, vector<16xi32>,
    tpu.vector_store %arg9[%swap3A_78, %swap3A_79], %gather3A_76 {strides = array<i32>} : memref<8x128xi32, #tpu.memory_space<vmem>>, vector<16xi32>,
    %add3A_81 = arith.constant 18 : i32
    %add3A_82 = vector.broadcast %add3A_81 : i32 to vector<16xi32>
    %add3A_83 = arith.addi %shift_right_logical3A_4, %add3A_82 : vector<16xi32>
    %gather3A_84 = tpu.vector_load_idx %arg8[%add3A_83, %and3A_6] : memref<128x8xi32, #tpu.memory_space<vmem>>[vector<16xi32>, vector<16xi32>], vector<16xi32>,
    %swap3A_85 = arith.constant 1 : i32
    %swap3A_86 = arith.index_cast %swap3A_85 : i32 to index
    %swap3A_87 = arith.constant 16 : index
    %swap3A_88 = tpu.vector_load %arg9[%swap3A_86, %swap3A_87] {strides = array<i32>} : memref<8x128xi32, #tpu.memory_space<vmem>>, vector<16xi32>,
    tpu.vector_store %arg9[%swap3A_86, %swap3A_87], %gather3A_84 {strides = array<i32>} : memref<8x128xi32, #tpu.memory_space<vmem>>, vector<16xi32>,
    %add3A_89 = arith.constant 20 : i32
    %add3A_90 = vector.broadcast %add3A_89 : i32 to vector<16xi32>
    %add3A_91 = arith.addi %shift_right_logical3A_4, %add3A_90 : vector<16xi32>
    %gather3A_92 = tpu.vector_load_idx %arg8[%add3A_91, %and3A_6] : memref<128x8xi32, #tpu.memory_space<vmem>>[vector<16xi32>, vector<16xi32>], vector<16xi32>,
    %swap3A_93 = arith.constant 1 : i32
    %swap3A_94 = arith.index_cast %swap3A_93 : i32 to index
    %swap3A_95 = arith.constant 32 : index
    %swap3A_96 = tpu.vector_load %arg9[%swap3A_94, %swap3A_95] {strides = array<i32>} : memref<8x128xi32, #tpu.memory_space<vmem>>, vector<16xi32>,
    tpu.vector_store %arg9[%swap3A_94, %swap3A_95], %gather3A_92 {strides = array<i32>} : memref<8x128xi32, #tpu.memory_space<vmem>>, vector<16xi32>,
    %add3A_97 = arith.constant 22 : i32
    %add3A_98 = vector.broadcast %add3A_97 : i32 to vector<16xi32>
    %add3A_99 = arith.addi %shift_right_logical3A_4, %add3A_98 : vector<16xi32>
    %gather3A_100 = tpu.vector_load_idx %arg8[%add3A_99, %and3A_6] : memref<128x8xi32, #tpu.memory_space<vmem>>[vector<16xi32>, vector<16xi32>], vector<16xi32>,
    %swap3A_101 = arith.constant 1 : i32
    %swap3A_102 = arith.index_cast %swap3A_101 : i32 to index
    %swap3A_103 = arith.constant 48 : index
    %swap3A_104 = tpu.vector_load %arg9[%swap3A_102, %swap3A_103] {strides = array<i32>} : memref<8x128xi32, #tpu.memory_space<vmem>>, vector<16xi32>,
    tpu.vector_store %arg9[%swap3A_102, %swap3A_103], %gather3A_100 {strides = array<i32>} : memref<8x128xi32, #tpu.memory_space<vmem>>, vector<16xi32>,
    %add3A_105 = arith.constant 24 : i32
    %add3A_106 = vector.broadcast %add3A_105 : i32 to vector<16xi32>
    %add3A_107 = arith.addi %shift_right_logical3A_4, %add3A_106 : vector<16xi32>
    %gather3A_108 = tpu.vector_load_idx %arg8[%add3A_107, %and3A_6] : memref<128x8xi32, #tpu.memory_space<vmem>>[vector<16xi32>, vector<16xi32>], vector<16xi32>,
    %swap3A_109 = arith.constant 1 : i32
    %swap3A_110 = arith.index_cast %swap3A_109 : i32 to index
    %swap3A_111 = arith.constant 64 : index
    %swap3A_112 = tpu.vector_load %arg9[%swap3A_110, %swap3A_111] {strides = array<i32>} : memref<8x128xi32, #tpu.memory_space<vmem>>, vector<16xi32>,
    tpu.vector_store %arg9[%swap3A_110, %swap3A_111], %gather3A_108 {strides = array<i32>} : memref<8x128xi32, #tpu.memory_space<vmem>>, vector<16xi32>,
    %add3A_113 = arith.constant 26 : i32
    %add3A_114 = vector.broadcast %add3A_113 : i32 to vector<16xi32>
    %add3A_115 = arith.addi %shift_right_logical3A_4, %add3A_114 : vector<16xi32>
    %gather3A_116 = tpu.vector_load_idx %arg8[%add3A_115, %and3A_6] : memref<128x8xi32, #tpu.memory_space<vmem>>[vector<16xi32>, vector<16xi32>], vector<16xi32>,
    %swap3A_117 = arith.constant 1 : i32
    %swap3A_118 = arith.index_cast %swap3A_117 : i32 to index
    %swap3A_119 = arith.constant 80 : index
    %swap3A_120 = tpu.vector_load %arg9[%swap3A_118, %swap3A_119] {strides = array<i32>} : memref<8x128xi32, #tpu.memory_space<vmem>>, vector<16xi32>,
    tpu.vector_store %arg9[%swap3A_118, %swap3A_119], %gather3A_116 {strides = array<i32>} : memref<8x128xi32, #tpu.memory_space<vmem>>, vector<16xi32>,
    %add3A_121 = arith.constant 28 : i32
    %add3A_122 = vector.broadcast %add3A_121 : i32 to vector<16xi32>
    %add3A_123 = arith.addi %shift_right_logical3A_4, %add3A_122 : vector<16xi32>
    %gather3A_124 = tpu.vector_load_idx %arg8[%add3A_123, %and3A_6] : memref<128x8xi32, #tpu.memory_space<vmem>>[vector<16xi32>, vector<16xi32>], vector<16xi32>,
    %swap3A_125 = arith.constant 1 : i32
    %swap3A_126 = arith.index_cast %swap3A_125 : i32 to index
    %swap3A_127 = arith.constant 96 : index
    %swap3A_128 = tpu.vector_load %arg9[%swap3A_126, %swap3A_127] {strides = array<i32>} : memref<8x128xi32, #tpu.memory_space<vmem>>, vector<16xi32>,
    tpu.vector_store %arg9[%swap3A_126, %swap3A_127], %gather3A_124 {strides = array<i32>} : memref<8x128xi32, #tpu.memory_space<vmem>>, vector<16xi32>,
    %add3A_129 = arith.constant 30 : i32
    %add3A_130 = vector.broadcast %add3A_129 : i32 to vector<16xi32>
    %add3A_131 = arith.addi %shift_right_logical3A_4, %add3A_130 : vector<16xi32>
    %gather3A_132 = tpu.vector_load_idx %arg8[%add3A_131, %and3A_6] : memref<128x8xi32, #tpu.memory_space<vmem>>[vector<16xi32>, vector<16xi32>], vector<16xi32>,
    %swap3A_133 = arith.constant 1 : i32
    %swap3A_134 = arith.index_cast %swap3A_133 : i32 to index
    %swap3A_135 = arith.constant 112 : index
    %swap3A_136 = tpu.vector_load %arg9[%swap3A_134, %swap3A_135] {strides = array<i32>} : memref<8x128xi32, #tpu.memory_space<vmem>>, vector<16xi32>,
    tpu.vector_store %arg9[%swap3A_134, %swap3A_135], %gather3A_132 {strides = array<i32>} : memref<8x128xi32, #tpu.memory_space<vmem>>, vector<16xi32>,
    %add3A_137 = arith.constant 32 : i32
    %add3A_138 = vector.broadcast %add3A_137 : i32 to vector<16xi32>
    %add3A_139 = arith.addi %shift_right_logical3A_4, %add3A_138 : vector<16xi32>
    %gather3A_140 = tpu.vector_load_idx %arg8[%add3A_139, %and3A_6] : memref<128x8xi32, #tpu.memory_space<vmem>>[vector<16xi32>, vector<16xi32>], vector<16xi32>,
    %swap3A_141 = arith.constant 2 : i32
    %swap3A_142 = arith.index_cast %swap3A_141 : i32 to index
    %swap3A_143 = arith.constant 0 : index
    %swap3A_144 = tpu.vector_load %arg9[%swap3A_142, %swap3A_143] {strides = array<i32>} : memref<8x128xi32, #tpu.memory_space<vmem>>, vector<16xi32>,
    tpu.vector_store %arg9[%swap3A_142, %swap3A_143], %gather3A_140 {strides = array<i32>} : memref<8x128xi32, #tpu.memory_space<vmem>>, vector<16xi32>,
    %add3A_145 = arith.constant 34 : i32
    %add3A_146 = vector.broadcast %add3A_145 : i32 to vector<16xi32>
    %add3A_147 = arith.addi %shift_right_logical3A_4, %add3A_146 : vector<16xi32>
    %gather3A_148 = tpu.vector_load_idx %arg8[%add3A_147, %and3A_6] : memref<128x8xi32, #tpu.memory_space<vmem>>[vector<16xi32>, vector<16xi32>], vector<16xi32>,
    %swap3A_149 = arith.constant 2 : i32
    %swap3A_150 = arith.index_cast %swap3A_149 : i32 to index
    %swap3A_151 = arith.constant 16 : index
    %swap3A_152 = tpu.vector_load %arg9[%swap3A_150, %swap3A_151] {strides = array<i32>} : memref<8x128xi32, #tpu.memory_space<vmem>>, vector<16xi32>,
    tpu.vector_store %arg9[%swap3A_150, %swap3A_151], %gather3A_148 {strides = array<i32>} : memref<8x128xi32, #tpu.memory_space<vmem>>, vector<16xi32>,
    %add3A_153 = arith.constant 36 : i32
    %add3A_154 = vector.broadcast %add3A_153 : i32 to vector<16xi32>
    %add3A_155 = arith.addi %shift_right_logical3A_4, %add3A_154 : vector<16xi32>
    %gather3A_156 = tpu.vector_load_idx %arg8[%add3A_155, %and3A_6] : memref<128x8xi32, #tpu.memory_space<vmem>>[vector<16xi32>, vector<16xi32>], vector<16xi32>,
    %swap3A_157 = arith.constant 2 : i32
    %swap3A_158 = arith.index_cast %swap3A_157 : i32 to index
    %swap3A_159 = arith.constant 32 : index
    %swap3A_160 = tpu.vector_load %arg9[%swap3A_158, %swap3A_159] {strides = array<i32>} : memref<8x128xi32, #tpu.memory_space<vmem>>, vector<16xi32>,
    tpu.vector_store %arg9[%swap3A_158, %swap3A_159], %gather3A_156 {strides = array<i32>} : memref<8x128xi32, #tpu.memory_space<vmem>>, vector<16xi32>,
    %add3A_161 = arith.constant 38 : i32
    %add3A_162 = vector.broadcast %add3A_161 : i32 to vector<16xi32>
    %add3A_163 = arith.addi %shift_right_logical3A_4, %add3A_162 : vector<16xi32>
    %gather3A_164 = tpu.vector_load_idx %arg8[%add3A_163, %and3A_6] : memref<128x8xi32, #tpu.memory_space<vmem>>[vector<16xi32>, vector<16xi32>], vector<16xi32>,
    %swap3A_165 = arith.constant 2 : i32
    %swap3A_166 = arith.index_cast %swap3A_165 : i32 to index
    %swap3A_167 = arith.constant 48 : index
    %swap3A_168 = tpu.vector_load %arg9[%swap3A_166, %swap3A_167] {strides = array<i32>} : memref<8x128xi32, #tpu.memory_space<vmem>>, vector<16xi32>,
    tpu.vector_store %arg9[%swap3A_166, %swap3A_167], %gather3A_164 {strides = array<i32>} : memref<8x128xi32, #tpu.memory_space<vmem>>, vector<16xi32>,
    %add3A_169 = arith.constant 40 : i32
    %add3A_170 = vector.broadcast %add3A_169 : i32 to vector<16xi32>
    %add3A_171 = arith.addi %shift_right_logical3A_4, %add3A_170 : vector<16xi32>
    %gather3A_172 = tpu.vector_load_idx %arg8[%add3A_171, %and3A_6] : memref<128x8xi32, #tpu.memory_space<vmem>>[vector<16xi32>, vector<16xi32>], vector<16xi32>,
    %swap3A_173 = arith.constant 2 : i32
    %swap3A_174 = arith.index_cast %swap3A_173 : i32 to index
    %swap3A_175 = arith.constant 64 : index
    %swap3A_176 = tpu.vector_load %arg9[%swap3A_174, %swap3A_175] {strides = array<i32>} : memref<8x128xi32, #tpu.memory_space<vmem>>, vector<16xi32>,
    tpu.vector_store %arg9[%swap3A_174, %swap3A_175], %gather3A_172 {strides = array<i32>} : memref<8x128xi32, #tpu.memory_space<vmem>>, vector<16xi32>,
    %add3A_177 = arith.constant 42 : i32
    %add3A_178 = vector.broadcast %add3A_177 : i32 to vector<16xi32>
    %add3A_179 = arith.addi %shift_right_logical3A_4, %add3A_178 : vector<16xi32>
    %gather3A_180 = tpu.vector_load_idx %arg8[%add3A_179, %and3A_6] : memref<128x8xi32, #tpu.memory_space<vmem>>[vector<16xi32>, vector<16xi32>], vector<16xi32>,
    %swap3A_181 = arith.constant 2 : i32
    %swap3A_182 = arith.index_cast %swap3A_181 : i32 to index
    %swap3A_183 = arith.constant 80 : index
    %swap3A_184 = tpu.vector_load %arg9[%swap3A_182, %swap3A_183] {strides = array<i32>} : memref<8x128xi32, #tpu.memory_space<vmem>>, vector<16xi32>,
    tpu.vector_store %arg9[%swap3A_182, %swap3A_183], %gather3A_180 {strides = array<i32>} : memref<8x128xi32, #tpu.memory_space<vmem>>, vector<16xi32>,
    %add3A_185 = arith.constant 44 : i32
    %add3A_186 = vector.broadcast %add3A_185 : i32 to vector<16xi32>
    %add3A_187 = arith.addi %shift_right_logical3A_4, %add3A_186 : vector<16xi32>
    %gather3A_188 = tpu.vector_load_idx %arg8[%add3A_187, %and3A_6] : memref<128x8xi32, #tpu.memory_space<vmem>>[vector<16xi32>, vector<16xi32>], vector<16xi32>,
    %swap3A_189 = arith.constant 2 : i32
    %swap3A_190 = arith.index_cast %swap3A_189 : i32 to index
    %swap3A_191 = arith.constant 96 : index
    %swap3A_192 = tpu.vector_load %arg9[%swap3A_190, %swap3A_191] {strides = array<i32>} : memref<8x128xi32, #tpu.memory_space<vmem>>, vector<16xi32>,
    tpu.vector_store %arg9[%swap3A_190, %swap3A_191], %gather3A_188 {strides = array<i32>} : memref<8x128xi32, #tpu.memory_space<vmem>>, vector<16xi32>,
    %add3A_193 = arith.constant 46 : i32
    %add3A_194 = vector.broadcast %add3A_193 : i32 to vector<16xi32>
    %add3A_195 = arith.addi %shift_right_logical3A_4, %add3A_194 : vector<16xi32>
    %gather3A_196 = tpu.vector_load_idx %arg8[%add3A_195, %and3A_6] : memref<128x8xi32, #tpu.memory_space<vmem>>[vector<16xi32>, vector<16xi32>], vector<16xi32>,
    %swap3A_197 = arith.constant 2 : i32
    %swap3A_198 = arith.index_cast %swap3A_197 : i32 to index
    %swap3A_199 = arith.constant 112 : index
    %swap3A_200 = tpu.vector_load %arg9[%swap3A_198, %swap3A_199] {strides = array<i32>} : memref<8x128xi32, #tpu.memory_space<vmem>>, vector<16xi32>,
    tpu.vector_store %arg9[%swap3A_198, %swap3A_199], %gather3A_196 {strides = array<i32>} : memref<8x128xi32, #tpu.memory_space<vmem>>, vector<16xi32>,
    %add3A_201 = arith.constant 48 : i32
    %add3A_202 = vector.broadcast %add3A_201 : i32 to vector<16xi32>
    %add3A_203 = arith.addi %shift_right_logical3A_4, %add3A_202 : vector<16xi32>
    %gather3A_204 = tpu.vector_load_idx %arg8[%add3A_203, %and3A_6] : memref<128x8xi32, #tpu.memory_space<vmem>>[vector<16xi32>, vector<16xi32>], vector<16xi32>,
    %swap3A_205 = arith.constant 3 : i32
    %swap3A_206 = arith.index_cast %swap3A_205 : i32 to index
    %swap3A_207 = arith.constant 0 : index
    %swap3A_208 = tpu.vector_load %arg9[%swap3A_206, %swap3A_207] {strides = array<i32>} : memref<8x128xi32, #tpu.memory_space<vmem>>, vector<16xi32>,
    tpu.vector_store %arg9[%swap3A_206, %swap3A_207], %gather3A_204 {strides = array<i32>} : memref<8x128xi32, #tpu.memory_space<vmem>>, vector<16xi32>,
    %add3A_209 = arith.constant 50 : i32
    %add3A_210 = vector.broadcast %add3A_209 : i32 to vector<16xi32>
    %add3A_211 = arith.addi %shift_right_logical3A_4, %add3A_210 : vector<16xi32>
    %gather3A_212 = tpu.vector_load_idx %arg8[%add3A_211, %and3A_6] : memref<128x8xi32, #tpu.memory_space<vmem>>[vector<16xi32>, vector<16xi32>], vector<16xi32>,
    %swap3A_213 = arith.constant 3 : i32
    %swap3A_214 = arith.index_cast %swap3A_213 : i32 to index
    %swap3A_215 = arith.constant 16 : index
    %swap3A_216 = tpu.vector_load %arg9[%swap3A_214, %swap3A_215] {strides = array<i32>} : memref<8x128xi32, #tpu.memory_space<vmem>>, vector<16xi32>,
    tpu.vector_store %arg9[%swap3A_214, %swap3A_215], %gather3A_212 {strides = array<i32>} : memref<8x128xi32, #tpu.memory_space<vmem>>, vector<16xi32>,
    %add3A_217 = arith.constant 52 : i32
    %add3A_218 = vector.broadcast %add3A_217 : i32 to vector<16xi32>
    %add3A_219 = arith.addi %shift_right_logical3A_4, %add3A_218 : vector<16xi32>
    %gather3A_220 = tpu.vector_load_idx %arg8[%add3A_219, %and3A_6] : memref<128x8xi32, #tpu.memory_space<vmem>>[vector<16xi32>, vector<16xi32>], vector<16xi32>,
    %swap3A_221 = arith.constant 3 : i32
    %swap3A_222 = arith.index_cast %swap3A_221 : i32 to index
    %swap3A_223 = arith.constant 32 : index
    %swap3A_224 = tpu.vector_load %arg9[%swap3A_222, %swap3A_223] {strides = array<i32>} : memref<8x128xi32, #tpu.memory_space<vmem>>, vector<16xi32>,
    tpu.vector_store %arg9[%swap3A_222, %swap3A_223], %gather3A_220 {strides = array<i32>} : memref<8x128xi32, #tpu.memory_space<vmem>>, vector<16xi32>,
    %add3A_225 = arith.constant 54 : i32
    %add3A_226 = vector.broadcast %add3A_225 : i32 to vector<16xi32>
    %add3A_227 = arith.addi %shift_right_logical3A_4, %add3A_226 : vector<16xi32>
    %gather3A_228 = tpu.vector_load_idx %arg8[%add3A_227, %and3A_6] : memref<128x8xi32, #tpu.memory_space<vmem>>[vector<16xi32>, vector<16xi32>], vector<16xi32>,
    %swap3A_229 = arith.constant 3 : i32
    %swap3A_230 = arith.index_cast %swap3A_229 : i32 to index
    %swap3A_231 = arith.constant 48 : index
    %swap3A_232 = tpu.vector_load %arg9[%swap3A_230, %swap3A_231] {strides = array<i32>} : memref<8x128xi32, #tpu.memory_space<vmem>>, vector<16xi32>,
    tpu.vector_store %arg9[%swap3A_230, %swap3A_231], %gather3A_228 {strides = array<i32>} : memref<8x128xi32, #tpu.memory_space<vmem>>, vector<16xi32>,
    %add3A_233 = arith.constant 56 : i32
    %add3A_234 = vector.broadcast %add3A_233 : i32 to vector<16xi32>
    %add3A_235 = arith.addi %shift_right_logical3A_4, %add3A_234 : vector<16xi32>
    %gather3A_236 = tpu.vector_load_idx %arg8[%add3A_235, %and3A_6] : memref<128x8xi32, #tpu.memory_space<vmem>>[vector<16xi32>, vector<16xi32>], vector<16xi32>,
    %swap3A_237 = arith.constant 3 : i32
    %swap3A_238 = arith.index_cast %swap3A_237 : i32 to index
    %swap3A_239 = arith.constant 64 : index
    %swap3A_240 = tpu.vector_load %arg9[%swap3A_238, %swap3A_239] {strides = array<i32>} : memref<8x128xi32, #tpu.memory_space<vmem>>, vector<16xi32>,
    tpu.vector_store %arg9[%swap3A_238, %swap3A_239], %gather3A_236 {strides = array<i32>} : memref<8x128xi32, #tpu.memory_space<vmem>>, vector<16xi32>,
    %add3A_241 = arith.constant 58 : i32
    %add3A_242 = vector.broadcast %add3A_241 : i32 to vector<16xi32>
    %add3A_243 = arith.addi %shift_right_logical3A_4, %add3A_242 : vector<16xi32>
    %gather3A_244 = tpu.vector_load_idx %arg8[%add3A_243, %and3A_6] : memref<128x8xi32, #tpu.memory_space<vmem>>[vector<16xi32>, vector<16xi32>], vector<16xi32>,
    %swap3A_245 = arith.constant 3 : i32
    %swap3A_246 = arith.index_cast %swap3A_245 : i32 to index
    %swap3A_247 = arith.constant 80 : index
    %swap3A_248 = tpu.vector_load %arg9[%swap3A_246, %swap3A_247] {strides = array<i32>} : memref<8x128xi32, #tpu.memory_space<vmem>>, vector<16xi32>,
    tpu.vector_store %arg9[%swap3A_246, %swap3A_247], %gather3A_244 {strides = array<i32>} : memref<8x128xi32, #tpu.memory_space<vmem>>, vector<16xi32>,
    %add3A_249 = arith.constant 60 : i32
    %add3A_250 = vector.broadcast %add3A_249 : i32 to vector<16xi32>
    %add3A_251 = arith.addi %shift_right_logical3A_4, %add3A_250 : vector<16xi32>
    %gather3A_252 = tpu.vector_load_idx %arg8[%add3A_251, %and3A_6] : memref<128x8xi32, #tpu.memory_space<vmem>>[vector<16xi32>, vector<16xi32>], vector<16xi32>,
    %swap3A_253 = arith.constant 3 : i32
    %swap3A_254 = arith.index_cast %swap3A_253 : i32 to index
    %swap3A_255 = arith.constant 96 : index
    %swap3A_256 = tpu.vector_load %arg9[%swap3A_254, %swap3A_255] {strides = array<i32>} : memref<8x128xi32, #tpu.memory_space<vmem>>, vector<16xi32>,
    tpu.vector_store %arg9[%swap3A_254, %swap3A_255], %gather3A_252 {strides = array<i32>} : memref<8x128xi32, #tpu.memory_space<vmem>>, vector<16xi32>,
    %add3A_257 = arith.constant 62 : i32
    %add3A_258 = vector.broadcast %add3A_257 : i32 to vector<16xi32>
    %add3A_259 = arith.addi %shift_right_logical3A_4, %add3A_258 : vector<16xi32>
    %gather3A_260 = tpu.vector_load_idx %arg8[%add3A_259, %and3A_6] : memref<128x8xi32, #tpu.memory_space<vmem>>[vector<16xi32>, vector<16xi32>], vector<16xi32>,
    %swap3A_261 = arith.constant 3 : i32
    %swap3A_262 = arith.index_cast %swap3A_261 : i32 to index
    %swap3A_263 = arith.constant 112 : index
    %swap3A_264 = tpu.vector_load %arg9[%swap3A_262, %swap3A_263] {strides = array<i32>} : memref<8x128xi32, #tpu.memory_space<vmem>>, vector<16xi32>,
    tpu.vector_store %arg9[%swap3A_262, %swap3A_263], %gather3A_260 {strides = array<i32>} : memref<8x128xi32, #tpu.memory_space<vmem>>, vector<16xi32>,
    %add3A_265 = arith.constant 64 : i32
    %add3A_266 = vector.broadcast %add3A_265 : i32 to vector<16xi32>
    %add3A_267 = arith.addi %shift_right_logical3A_4, %add3A_266 : vector<16xi32>
    %gather3A_268 = tpu.vector_load_idx %arg8[%add3A_267, %and3A_6] : memref<128x8xi32, #tpu.memory_space<vmem>>[vector<16xi32>, vector<16xi32>], vector<16xi32>,
    %swap3A_269 = arith.constant 4 : i32
    %swap3A_270 = arith.index_cast %swap3A_269 : i32 to index
    %swap3A_271 = arith.constant 0 : index
    %swap3A_272 = tpu.vector_load %arg9[%swap3A_270, %swap3A_271] {strides = array<i32>} : memref<8x128xi32, #tpu.memory_space<vmem>>, vector<16xi32>,
    tpu.vector_store %arg9[%swap3A_270, %swap3A_271], %gather3A_268 {strides = array<i32>} : memref<8x128xi32, #tpu.memory_space<vmem>>, vector<16xi32>,
    %add3A_273 = arith.constant 66 : i32
    %add3A_274 = vector.broadcast %add3A_273 : i32 to vector<16xi32>
    %add3A_275 = arith.addi %shift_right_logical3A_4, %add3A_274 : vector<16xi32>
    %gather3A_276 = tpu.vector_load_idx %arg8[%add3A_275, %and3A_6] : memref<128x8xi32, #tpu.memory_space<vmem>>[vector<16xi32>, vector<16xi32>], vector<16xi32>,
    %swap3A_277 = arith.constant 4 : i32
    %swap3A_278 = arith.index_cast %swap3A_277 : i32 to index
    %swap3A_279 = arith.constant 16 : index
    %swap3A_280 = tpu.vector_load %arg9[%swap3A_278, %swap3A_279] {strides = array<i32>} : memref<8x128xi32, #tpu.memory_space<vmem>>, vector<16xi32>,
    tpu.vector_store %arg9[%swap3A_278, %swap3A_279], %gather3A_276 {strides = array<i32>} : memref<8x128xi32, #tpu.memory_space<vmem>>, vector<16xi32>,
    %add3A_281 = arith.constant 68 : i32
    %add3A_282 = vector.broadcast %add3A_281 : i32 to vector<16xi32>
    %add3A_283 = arith.addi %shift_right_logical3A_4, %add3A_282 : vector<16xi32>
    %gather3A_284 = tpu.vector_load_idx %arg8[%add3A_283, %and3A_6] : memref<128x8xi32, #tpu.memory_space<vmem>>[vector<16xi32>, vector<16xi32>], vector<16xi32>,
    %swap3A_285 = arith.constant 4 : i32
    %swap3A_286 = arith.index_cast %swap3A_285 : i32 to index
    %swap3A_287 = arith.constant 32 : index
    %swap3A_288 = tpu.vector_load %arg9[%swap3A_286, %swap3A_287] {strides = array<i32>} : memref<8x128xi32, #tpu.memory_space<vmem>>, vector<16xi32>,
    tpu.vector_store %arg9[%swap3A_286, %swap3A_287], %gather3A_284 {strides = array<i32>} : memref<8x128xi32, #tpu.memory_space<vmem>>, vector<16xi32>,
    %add3A_289 = arith.constant 70 : i32
    %add3A_290 = vector.broadcast %add3A_289 : i32 to vector<16xi32>
    %add3A_291 = arith.addi %shift_right_logical3A_4, %add3A_290 : vector<16xi32>
    %gather3A_292 = tpu.vector_load_idx %arg8[%add3A_291, %and3A_6] : memref<128x8xi32, #tpu.memory_space<vmem>>[vector<16xi32>, vector<16xi32>], vector<16xi32>,
    %swap3A_293 = arith.constant 4 : i32
    %swap3A_294 = arith.index_cast %swap3A_293 : i32 to index
    %swap3A_295 = arith.constant 48 : index
    %swap3A_296 = tpu.vector_load %arg9[%swap3A_294, %swap3A_295] {strides = array<i32>} : memref<8x128xi32, #tpu.memory_space<vmem>>, vector<16xi32>,
    tpu.vector_store %arg9[%swap3A_294, %swap3A_295], %gather3A_292 {strides = array<i32>} : memref<8x128xi32, #tpu.memory_space<vmem>>, vector<16xi32>,
    %add3A_297 = arith.constant 72 : i32
    %add3A_298 = vector.broadcast %add3A_297 : i32 to vector<16xi32>
    %add3A_299 = arith.addi %shift_right_logical3A_4, %add3A_298 : vector<16xi32>
    %gather3A_300 = tpu.vector_load_idx %arg8[%add3A_299, %and3A_6] : memref<128x8xi32, #tpu.memory_space<vmem>>[vector<16xi32>, vector<16xi32>], vector<16xi32>,
    %swap3A_301 = arith.constant 4 : i32
    %swap3A_302 = arith.index_cast %swap3A_301 : i32 to index
    %swap3A_303 = arith.constant 64 : index
    %swap3A_304 = tpu.vector_load %arg9[%swap3A_302, %swap3A_303] {strides = array<i32>} : memref<8x128xi32, #tpu.memory_space<vmem>>, vector<16xi32>,
    tpu.vector_store %arg9[%swap3A_302, %swap3A_303], %gather3A_300 {strides = array<i32>} : memref<8x128xi32, #tpu.memory_space<vmem>>, vector<16xi32>,
    %add3A_305 = arith.constant 74 : i32
    %add3A_306 = vector.broadcast %add3A_305 : i32 to vector<16xi32>
    %add3A_307 = arith.addi %shift_right_logical3A_4, %add3A_306 : vector<16xi32>
    %gather3A_308 = tpu.vector_load_idx %arg8[%add3A_307, %and3A_6] : memref<128x8xi32, #tpu.memory_space<vmem>>[vector<16xi32>, vector<16xi32>], vector<16xi32>,
    %swap3A_309 = arith.constant 4 : i32
    %swap3A_310 = arith.index_cast %swap3A_309 : i32 to index
    %swap3A_311 = arith.constant 80 : index
    %swap3A_312 = tpu.vector_load %arg9[%swap3A_310, %swap3A_311] {strides = array<i32>} : memref<8x128xi32, #tpu.memory_space<vmem>>, vector<16xi32>,
    tpu.vector_store %arg9[%swap3A_310, %swap3A_311], %gather3A_308 {strides = array<i32>} : memref<8x128xi32, #tpu.memory_space<vmem>>, vector<16xi32>,
    %add3A_313 = arith.constant 76 : i32
    %add3A_314 = vector.broadcast %add3A_313 : i32 to vector<16xi32>
    %add3A_315 = arith.addi %shift_right_logical3A_4, %add3A_314 : vector<16xi32>
    %gather3A_316 = tpu.vector_load_idx %arg8[%add3A_315, %and3A_6] : memref<128x8xi32, #tpu.memory_space<vmem>>[vector<16xi32>, vector<16xi32>], vector<16xi32>,
    %swap3A_317 = arith.constant 4 : i32
    %swap3A_318 = arith.index_cast %swap3A_317 : i32 to index
    %swap3A_319 = arith.constant 96 : index
    %swap3A_320 = tpu.vector_load %arg9[%swap3A_318, %swap3A_319] {strides = array<i32>} : memref<8x128xi32, #tpu.memory_space<vmem>>, vector<16xi32>,
    tpu.vector_store %arg9[%swap3A_318, %swap3A_319], %gather3A_316 {strides = array<i32>} : memref<8x128xi32, #tpu.memory_space<vmem>>, vector<16xi32>,
    %add3A_321 = arith.constant 78 : i32
    %add3A_322 = vector.broadcast %add3A_321 : i32 to vector<16xi32>
    %add3A_323 = arith.addi %shift_right_logical3A_4, %add3A_322 : vector<16xi32>
    %gather3A_324 = tpu.vector_load_idx %arg8[%add3A_323, %and3A_6] : memref<128x8xi32, #tpu.memory_space<vmem>>[vector<16xi32>, vector<16xi32>], vector<16xi32>,
    %swap3A_325 = arith.constant 4 : i32
    %swap3A_326 = arith.index_cast %swap3A_325 : i32 to index
    %swap3A_327 = arith.constant 112 : index
    %swap3A_328 = tpu.vector_load %arg9[%swap3A_326, %swap3A_327] {strides = array<i32>} : memref<8x128xi32, #tpu.memory_space<vmem>>, vector<16xi32>,
    tpu.vector_store %arg9[%swap3A_326, %swap3A_327], %gather3A_324 {strides = array<i32>} : memref<8x128xi32, #tpu.memory_space<vmem>>, vector<16xi32>,
    %add3A_329 = arith.constant 80 : i32
    %add3A_330 = vector.broadcast %add3A_329 : i32 to vector<16xi32>
    %add3A_331 = arith.addi %shift_right_logical3A_4, %add3A_330 : vector<16xi32>
    %gather3A_332 = tpu.vector_load_idx %arg8[%add3A_331, %and3A_6] : memref<128x8xi32, #tpu.memory_space<vmem>>[vector<16xi32>, vector<16xi32>], vector<16xi32>,
    %swap3A_333 = arith.constant 5 : i32
    %swap3A_334 = arith.index_cast %swap3A_333 : i32 to index
    %swap3A_335 = arith.constant 0 : index
    %swap3A_336 = tpu.vector_load %arg9[%swap3A_334, %swap3A_335] {strides = array<i32>} : memref<8x128xi32, #tpu.memory_space<vmem>>, vector<16xi32>,
    tpu.vector_store %arg9[%swap3A_334, %swap3A_335], %gather3A_332 {strides = array<i32>} : memref<8x128xi32, #tpu.memory_space<vmem>>, vector<16xi32>,
    %add3A_337 = arith.constant 82 : i32
    %add3A_338 = vector.broadcast %add3A_337 : i32 to vector<16xi32>
    %add3A_339 = arith.addi %shift_right_logical3A_4, %add3A_338 : vector<16xi32>
    %gather3A_340 = tpu.vector_load_idx %arg8[%add3A_339, %and3A_6] : memref<128x8xi32, #tpu.memory_space<vmem>>[vector<16xi32>, vector<16xi32>], vector<16xi32>,
    %swap3A_341 = arith.constant 5 : i32
    %swap3A_342 = arith.index_cast %swap3A_341 : i32 to index
    %swap3A_343 = arith.constant 16 : index
    %swap3A_344 = tpu.vector_load %arg9[%swap3A_342, %swap3A_343] {strides = array<i32>} : memref<8x128xi32, #tpu.memory_space<vmem>>, vector<16xi32>,
    tpu.vector_store %arg9[%swap3A_342, %swap3A_343], %gather3A_340 {strides = array<i32>} : memref<8x128xi32, #tpu.memory_space<vmem>>, vector<16xi32>,
    %add3A_345 = arith.constant 84 : i32
    %add3A_346 = vector.broadcast %add3A_345 : i32 to vector<16xi32>
    %add3A_347 = arith.addi %shift_right_logical3A_4, %add3A_346 : vector<16xi32>
    %gather3A_348 = tpu.vector_load_idx %arg8[%add3A_347, %and3A_6] : memref<128x8xi32, #tpu.memory_space<vmem>>[vector<16xi32>, vector<16xi32>], vector<16xi32>,
    %swap3A_349 = arith.constant 5 : i32
    %swap3A_350 = arith.index_cast %swap3A_349 : i32 to index
    %swap3A_351 = arith.constant 32 : index
    %swap3A_352 = tpu.vector_load %arg9[%swap3A_350, %swap3A_351] {strides = array<i32>} : memref<8x128xi32, #tpu.memory_space<vmem>>, vector<16xi32>,
    tpu.vector_store %arg9[%swap3A_350, %swap3A_351], %gather3A_348 {strides = array<i32>} : memref<8x128xi32, #tpu.memory_space<vmem>>, vector<16xi32>,
    %add3A_353 = arith.constant 86 : i32
    %add3A_354 = vector.broadcast %add3A_353 : i32 to vector<16xi32>
    %add3A_355 = arith.addi %shift_right_logical3A_4, %add3A_354 : vector<16xi32>
    %gather3A_356 = tpu.vector_load_idx %arg8[%add3A_355, %and3A_6] : memref<128x8xi32, #tpu.memory_space<vmem>>[vector<16xi32>, vector<16xi32>], vector<16xi32>,
    %swap3A_357 = arith.constant 5 : i32
    %swap3A_358 = arith.index_cast %swap3A_357 : i32 to index
    %swap3A_359 = arith.constant 48 : index
    %swap3A_360 = tpu.vector_load %arg9[%swap3A_358, %swap3A_359] {strides = array<i32>} : memref<8x128xi32, #tpu.memory_space<vmem>>, vector<16xi32>,
    tpu.vector_store %arg9[%swap3A_358, %swap3A_359], %gather3A_356 {strides = array<i32>} : memref<8x128xi32, #tpu.memory_space<vmem>>, vector<16xi32>,
    %add3A_361 = arith.constant 88 : i32
    %add3A_362 = vector.broadcast %add3A_361 : i32 to vector<16xi32>
    %add3A_363 = arith.addi %shift_right_logical3A_4, %add3A_362 : vector<16xi32>
    %gather3A_364 = tpu.vector_load_idx %arg8[%add3A_363, %and3A_6] : memref<128x8xi32, #tpu.memory_space<vmem>>[vector<16xi32>, vector<16xi32>], vector<16xi32>,
    %swap3A_365 = arith.constant 5 : i32
    %swap3A_366 = arith.index_cast %swap3A_365 : i32 to index
    %swap3A_367 = arith.constant 64 : index
    %swap3A_368 = tpu.vector_load %arg9[%swap3A_366, %swap3A_367] {strides = array<i32>} : memref<8x128xi32, #tpu.memory_space<vmem>>, vector<16xi32>,
    tpu.vector_store %arg9[%swap3A_366, %swap3A_367], %gather3A_364 {strides = array<i32>} : memref<8x128xi32, #tpu.memory_space<vmem>>, vector<16xi32>,
    %add3A_369 = arith.constant 90 : i32
    %add3A_370 = vector.broadcast %add3A_369 : i32 to vector<16xi32>
    %add3A_371 = arith.addi %shift_right_logical3A_4, %add3A_370 : vector<16xi32>
    %gather3A_372 = tpu.vector_load_idx %arg8[%add3A_371, %and3A_6] : memref<128x8xi32, #tpu.memory_space<vmem>>[vector<16xi32>, vector<16xi32>], vector<16xi32>,
    %swap3A_373 = arith.constant 5 : i32
    %swap3A_374 = arith.index_cast %swap3A_373 : i32 to index
    %swap3A_375 = arith.constant 80 : index
    %swap3A_376 = tpu.vector_load %arg9[%swap3A_374, %swap3A_375] {strides = array<i32>} : memref<8x128xi32, #tpu.memory_space<vmem>>, vector<16xi32>,
    tpu.vector_store %arg9[%swap3A_374, %swap3A_375], %gather3A_372 {strides = array<i32>} : memref<8x128xi32, #tpu.memory_space<vmem>>, vector<16xi32>,
    %add3A_377 = arith.constant 92 : i32
    %add3A_378 = vector.broadcast %add3A_377 : i32 to vector<16xi32>
    %add3A_379 = arith.addi %shift_right_logical3A_4, %add3A_378 : vector<16xi32>
    %gather3A_380 = tpu.vector_load_idx %arg8[%add3A_379, %and3A_6] : memref<128x8xi32, #tpu.memory_space<vmem>>[vector<16xi32>, vector<16xi32>], vector<16xi32>,
    %swap3A_381 = arith.constant 5 : i32
    %swap3A_382 = arith.index_cast %swap3A_381 : i32 to index
    %swap3A_383 = arith.constant 96 : index
    %swap3A_384 = tpu.vector_load %arg9[%swap3A_382, %swap3A_383] {strides = array<i32>} : memref<8x128xi32, #tpu.memory_space<vmem>>, vector<16xi32>,
    tpu.vector_store %arg9[%swap3A_382, %swap3A_383], %gather3A_380 {strides = array<i32>} : memref<8x128xi32, #tpu.memory_space<vmem>>, vector<16xi32>,
    %add3A_385 = arith.constant 94 : i32
    %add3A_386 = vector.broadcast %add3A_385 : i32 to vector<16xi32>
    %add3A_387 = arith.addi %shift_right_logical3A_4, %add3A_386 : vector<16xi32>
    %gather3A_388 = tpu.vector_load_idx %arg8[%add3A_387, %and3A_6] : memref<128x8xi32, #tpu.memory_space<vmem>>[vector<16xi32>, vector<16xi32>], vector<16xi32>,
    %swap3A_389 = arith.constant 5 : i32
    %swap3A_390 = arith.index_cast %swap3A_389 : i32 to index
    %swap3A_391 = arith.constant 112 : index
    %swap3A_392 = tpu.vector_load %arg9[%swap3A_390, %swap3A_391] {strides = array<i32>} : memref<8x128xi32, #tpu.memory_space<vmem>>, vector<16xi32>,
    tpu.vector_store %arg9[%swap3A_390, %swap3A_391], %gather3A_388 {strides = array<i32>} : memref<8x128xi32, #tpu.memory_space<vmem>>, vector<16xi32>,
    %add3A_393 = arith.constant 96 : i32
    %add3A_394 = vector.broadcast %add3A_393 : i32 to vector<16xi32>
    %add3A_395 = arith.addi %shift_right_logical3A_4, %add3A_394 : vector<16xi32>
    %gather3A_396 = tpu.vector_load_idx %arg8[%add3A_395, %and3A_6] : memref<128x8xi32, #tpu.memory_space<vmem>>[vector<16xi32>, vector<16xi32>], vector<16xi32>,
    %swap3A_397 = arith.constant 6 : i32
    %swap3A_398 = arith.index_cast %swap3A_397 : i32 to index
    %swap3A_399 = arith.constant 0 : index
    %swap3A_400 = tpu.vector_load %arg9[%swap3A_398, %swap3A_399] {strides = array<i32>} : memref<8x128xi32, #tpu.memory_space<vmem>>, vector<16xi32>,
    tpu.vector_store %arg9[%swap3A_398, %swap3A_399], %gather3A_396 {strides = array<i32>} : memref<8x128xi32, #tpu.memory_space<vmem>>, vector<16xi32>,
    %add3A_401 = arith.constant 98 : i32
    %add3A_402 = vector.broadcast %add3A_401 : i32 to vector<16xi32>
    %add3A_403 = arith.addi %shift_right_logical3A_4, %add3A_402 : vector<16xi32>
    %gather3A_404 = tpu.vector_load_idx %arg8[%add3A_403, %and3A_6] : memref<128x8xi32, #tpu.memory_space<vmem>>[vector<16xi32>, vector<16xi32>], vector<16xi32>,
    %swap3A_405 = arith.constant 6 : i32
    %swap3A_406 = arith.index_cast %swap3A_405 : i32 to index
    %swap3A_407 = arith.constant 16 : index
    %swap3A_408 = tpu.vector_load %arg9[%swap3A_406, %swap3A_407] {strides = array<i32>} : memref<8x128xi32, #tpu.memory_space<vmem>>, vector<16xi32>,
    tpu.vector_store %arg9[%swap3A_406, %swap3A_407], %gather3A_404 {strides = array<i32>} : memref<8x128xi32, #tpu.memory_space<vmem>>, vector<16xi32>,
    %add3A_409 = arith.constant 100 : i32
    %add3A_410 = vector.broadcast %add3A_409 : i32 to vector<16xi32>
    %add3A_411 = arith.addi %shift_right_logical3A_4, %add3A_410 : vector<16xi32>
    %gather3A_412 = tpu.vector_load_idx %arg8[%add3A_411, %and3A_6] : memref<128x8xi32, #tpu.memory_space<vmem>>[vector<16xi32>, vector<16xi32>], vector<16xi32>,
    %swap3A_413 = arith.constant 6 : i32
    %swap3A_414 = arith.index_cast %swap3A_413 : i32 to index
    %swap3A_415 = arith.constant 32 : index
    %swap3A_416 = tpu.vector_load %arg9[%swap3A_414, %swap3A_415] {strides = array<i32>} : memref<8x128xi32, #tpu.memory_space<vmem>>, vector<16xi32>,
    tpu.vector_store %arg9[%swap3A_414, %swap3A_415], %gather3A_412 {strides = array<i32>} : memref<8x128xi32, #tpu.memory_space<vmem>>, vector<16xi32>,
    %add3A_417 = arith.constant 102 : i32
    %add3A_418 = vector.broadcast %add3A_417 : i32 to vector<16xi32>
    %add3A_419 = arith.addi %shift_right_logical3A_4, %add3A_418 : vector<16xi32>
    %gather3A_420 = tpu.vector_load_idx %arg8[%add3A_419, %and3A_6] : memref<128x8xi32, #tpu.memory_space<vmem>>[vector<16xi32>, vector<16xi32>], vector<16xi32>,
    %swap3A_421 = arith.constant 6 : i32
    %swap3A_422 = arith.index_cast %swap3A_421 : i32 to index
    %swap3A_423 = arith.constant 48 : index
    %swap3A_424 = tpu.vector_load %arg9[%swap3A_422, %swap3A_423] {strides = array<i32>} : memref<8x128xi32, #tpu.memory_space<vmem>>, vector<16xi32>,
    tpu.vector_store %arg9[%swap3A_422, %swap3A_423], %gather3A_420 {strides = array<i32>} : memref<8x128xi32, #tpu.memory_space<vmem>>, vector<16xi32>,
    %add3A_425 = arith.constant 104 : i32
    %add3A_426 = vector.broadcast %add3A_425 : i32 to vector<16xi32>
    %add3A_427 = arith.addi %shift_right_logical3A_4, %add3A_426 : vector<16xi32>
    %gather3A_428 = tpu.vector_load_idx %arg8[%add3A_427, %and3A_6] : memref<128x8xi32, #tpu.memory_space<vmem>>[vector<16xi32>, vector<16xi32>], vector<16xi32>,
    %swap3A_429 = arith.constant 6 : i32
    %swap3A_430 = arith.index_cast %swap3A_429 : i32 to index
    %swap3A_431 = arith.constant 64 : index
    %swap3A_432 = tpu.vector_load %arg9[%swap3A_430, %swap3A_431] {strides = array<i32>} : memref<8x128xi32, #tpu.memory_space<vmem>>, vector<16xi32>,
    tpu.vector_store %arg9[%swap3A_430, %swap3A_431], %gather3A_428 {strides = array<i32>} : memref<8x128xi32, #tpu.memory_space<vmem>>, vector<16xi32>,
    %add3A_433 = arith.constant 106 : i32
    %add3A_434 = vector.broadcast %add3A_433 : i32 to vector<16xi32>
    %add3A_435 = arith.addi %shift_right_logical3A_4, %add3A_434 : vector<16xi32>
    %gather3A_436 = tpu.vector_load_idx %arg8[%add3A_435, %and3A_6] : memref<128x8xi32, #tpu.memory_space<vmem>>[vector<16xi32>, vector<16xi32>], vector<16xi32>,
    %swap3A_437 = arith.constant 6 : i32
    %swap3A_438 = arith.index_cast %swap3A_437 : i32 to index
    %swap3A_439 = arith.constant 80 : index
    %swap3A_440 = tpu.vector_load %arg9[%swap3A_438, %swap3A_439] {strides = array<i32>} : memref<8x128xi32, #tpu.memory_space<vmem>>, vector<16xi32>,
    tpu.vector_store %arg9[%swap3A_438, %swap3A_439], %gather3A_436 {strides = array<i32>} : memref<8x128xi32, #tpu.memory_space<vmem>>, vector<16xi32>,
    %add3A_441 = arith.constant 108 : i32
    %add3A_442 = vector.broadcast %add3A_441 : i32 to vector<16xi32>
    %add3A_443 = arith.addi %shift_right_logical3A_4, %add3A_442 : vector<16xi32>
    %gather3A_444 = tpu.vector_load_idx %arg8[%add3A_443, %and3A_6] : memref<128x8xi32, #tpu.memory_space<vmem>>[vector<16xi32>, vector<16xi32>], vector<16xi32>,
    %swap3A_445 = arith.constant 6 : i32
    %swap3A_446 = arith.index_cast %swap3A_445 : i32 to index
    %swap3A_447 = arith.constant 96 : index
    %swap3A_448 = tpu.vector_load %arg9[%swap3A_446, %swap3A_447] {strides = array<i32>} : memref<8x128xi32, #tpu.memory_space<vmem>>, vector<16xi32>,
    tpu.vector_store %arg9[%swap3A_446, %swap3A_447], %gather3A_444 {strides = array<i32>} : memref<8x128xi32, #tpu.memory_space<vmem>>, vector<16xi32>,
    %add3A_449 = arith.constant 110 : i32
    %add3A_450 = vector.broadcast %add3A_449 : i32 to vector<16xi32>
    %add3A_451 = arith.addi %shift_right_logical3A_4, %add3A_450 : vector<16xi32>
    %gather3A_452 = tpu.vector_load_idx %arg8[%add3A_451, %and3A_6] : memref<128x8xi32, #tpu.memory_space<vmem>>[vector<16xi32>, vector<16xi32>], vector<16xi32>,
    %swap3A_453 = arith.constant 6 : i32
    %swap3A_454 = arith.index_cast %swap3A_453 : i32 to index
    %swap3A_455 = arith.constant 112 : index
    %swap3A_456 = tpu.vector_load %arg9[%swap3A_454, %swap3A_455] {strides = array<i32>} : memref<8x128xi32, #tpu.memory_space<vmem>>, vector<16xi32>,
    tpu.vector_store %arg9[%swap3A_454, %swap3A_455], %gather3A_452 {strides = array<i32>} : memref<8x128xi32, #tpu.memory_space<vmem>>, vector<16xi32>,
    %add3A_457 = arith.constant 112 : i32
    %add3A_458 = vector.broadcast %add3A_457 : i32 to vector<16xi32>
    %add3A_459 = arith.addi %shift_right_logical3A_4, %add3A_458 : vector<16xi32>
    %gather3A_460 = tpu.vector_load_idx %arg8[%add3A_459, %and3A_6] : memref<128x8xi32, #tpu.memory_space<vmem>>[vector<16xi32>, vector<16xi32>], vector<16xi32>,
    %swap3A_461 = arith.constant 7 : i32
    %swap3A_462 = arith.index_cast %swap3A_461 : i32 to index
    %swap3A_463 = arith.constant 0 : index
    %swap3A_464 = tpu.vector_load %arg9[%swap3A_462, %swap3A_463] {strides = array<i32>} : memref<8x128xi32, #tpu.memory_space<vmem>>, vector<16xi32>,
    tpu.vector_store %arg9[%swap3A_462, %swap3A_463], %gather3A_460 {strides = array<i32>} : memref<8x128xi32, #tpu.memory_space<vmem>>, vector<16xi32>,
    %add3A_465 = arith.constant 114 : i32
    %add3A_466 = vector.broadcast %add3A_465 : i32 to vector<16xi32>
    %add3A_467 = arith.addi %shift_right_logical3A_4, %add3A_466 : vector<16xi32>
    %gather3A_468 = tpu.vector_load_idx %arg8[%add3A_467, %and3A_6] : memref<128x8xi32, #tpu.memory_space<vmem>>[vector<16xi32>, vector<16xi32>], vector<16xi32>,
    %swap3A_469 = arith.constant 7 : i32
    %swap3A_470 = arith.index_cast %swap3A_469 : i32 to index
    %swap3A_471 = arith.constant 16 : index
    %swap3A_472 = tpu.vector_load %arg9[%swap3A_470, %swap3A_471] {strides = array<i32>} : memref<8x128xi32, #tpu.memory_space<vmem>>, vector<16xi32>,
    tpu.vector_store %arg9[%swap3A_470, %swap3A_471], %gather3A_468 {strides = array<i32>} : memref<8x128xi32, #tpu.memory_space<vmem>>, vector<16xi32>,
    %add3A_473 = arith.constant 116 : i32
    %add3A_474 = vector.broadcast %add3A_473 : i32 to vector<16xi32>
    %add3A_475 = arith.addi %shift_right_logical3A_4, %add3A_474 : vector<16xi32>
    %gather3A_476 = tpu.vector_load_idx %arg8[%add3A_475, %and3A_6] : memref<128x8xi32, #tpu.memory_space<vmem>>[vector<16xi32>, vector<16xi32>], vector<16xi32>,
    %swap3A_477 = arith.constant 7 : i32
    %swap3A_478 = arith.index_cast %swap3A_477 : i32 to index
    %swap3A_479 = arith.constant 32 : index
    %swap3A_480 = tpu.vector_load %arg9[%swap3A_478, %swap3A_479] {strides = array<i32>} : memref<8x128xi32, #tpu.memory_space<vmem>>, vector<16xi32>,
    tpu.vector_store %arg9[%swap3A_478, %swap3A_479], %gather3A_476 {strides = array<i32>} : memref<8x128xi32, #tpu.memory_space<vmem>>, vector<16xi32>,
    %add3A_481 = arith.constant 118 : i32
    %add3A_482 = vector.broadcast %add3A_481 : i32 to vector<16xi32>
    %add3A_483 = arith.addi %shift_right_logical3A_4, %add3A_482 : vector<16xi32>
    %gather3A_484 = tpu.vector_load_idx %arg8[%add3A_483, %and3A_6] : memref<128x8xi32, #tpu.memory_space<vmem>>[vector<16xi32>, vector<16xi32>], vector<16xi32>,
    %swap3A_485 = arith.constant 7 : i32
    %swap3A_486 = arith.index_cast %swap3A_485 : i32 to index
    %swap3A_487 = arith.constant 48 : index
    %swap3A_488 = tpu.vector_load %arg9[%swap3A_486, %swap3A_487] {strides = array<i32>} : memref<8x128xi32, #tpu.memory_space<vmem>>, vector<16xi32>,
    tpu.vector_store %arg9[%swap3A_486, %swap3A_487], %gather3A_484 {strides = array<i32>} : memref<8x128xi32, #tpu.memory_space<vmem>>, vector<16xi32>,
    %add3A_489 = arith.constant 120 : i32
    %add3A_490 = vector.broadcast %add3A_489 : i32 to vector<16xi32>
    %add3A_491 = arith.addi %shift_right_logical3A_4, %add3A_490 : vector<16xi32>
    %gather3A_492 = tpu.vector_load_idx %arg8[%add3A_491, %and3A_6] : memref<128x8xi32, #tpu.memory_space<vmem>>[vector<16xi32>, vector<16xi32>], vector<16xi32>,
    %swap3A_493 = arith.constant 7 : i32
    %swap3A_494 = arith.index_cast %swap3A_493 : i32 to index
    %swap3A_495 = arith.constant 64 : index
    %swap3A_496 = tpu.vector_load %arg9[%swap3A_494, %swap3A_495] {strides = array<i32>} : memref<8x128xi32, #tpu.memory_space<vmem>>, vector<16xi32>,
    tpu.vector_store %arg9[%swap3A_494, %swap3A_495], %gather3A_492 {strides = array<i32>} : memref<8x128xi32, #tpu.memory_space<vmem>>, vector<16xi32>,
    %add3A_497 = arith.constant 122 : i32
    %add3A_498 = vector.broadcast %add3A_497 : i32 to vector<16xi32>
    %add3A_499 = arith.addi %shift_right_logical3A_4, %add3A_498 : vector<16xi32>
    %gather3A_500 = tpu.vector_load_idx %arg8[%add3A_499, %and3A_6] : memref<128x8xi32, #tpu.memory_space<vmem>>[vector<16xi32>, vector<16xi32>], vector<16xi32>,
    %swap3A_501 = arith.constant 7 : i32
    %swap3A_502 = arith.index_cast %swap3A_501 : i32 to index
    %swap3A_503 = arith.constant 80 : index
    %swap3A_504 = tpu.vector_load %arg9[%swap3A_502, %swap3A_503] {strides = array<i32>} : memref<8x128xi32, #tpu.memory_space<vmem>>, vector<16xi32>,
    tpu.vector_store %arg9[%swap3A_502, %swap3A_503], %gather3A_500 {strides = array<i32>} : memref<8x128xi32, #tpu.memory_space<vmem>>, vector<16xi32>,
    %add3A_505 = arith.constant 124 : i32
    %add3A_506 = vector.broadcast %add3A_505 : i32 to vector<16xi32>
    %add3A_507 = arith.addi %shift_right_logical3A_4, %add3A_506 : vector<16xi32>
    %gather3A_508 = tpu.vector_load_idx %arg8[%add3A_507, %and3A_6] : memref<128x8xi32, #tpu.memory_space<vmem>>[vector<16xi32>, vector<16xi32>], vector<16xi32>,
    %swap3A_509 = arith.constant 7 : i32
    %swap3A_510 = arith.index_cast %swap3A_509 : i32 to index
    %swap3A_511 = arith.constant 96 : index
    %swap3A_512 = tpu.vector_load %arg9[%swap3A_510, %swap3A_511] {strides = array<i32>} : memref<8x128xi32, #tpu.memory_space<vmem>>, vector<16xi32>,
    tpu.vector_store %arg9[%swap3A_510, %swap3A_511], %gather3A_508 {strides = array<i32>} : memref<8x128xi32, #tpu.memory_space<vmem>>, vector<16xi32>,
    %add3A_513 = arith.constant 126 : i32
    %add3A_514 = vector.broadcast %add3A_513 : i32 to vector<16xi32>
    %add3A_515 = arith.addi %shift_right_logical3A_4, %add3A_514 : vector<16xi32>
    %gather3A_516 = tpu.vector_load_idx %arg8[%add3A_515, %and3A_6] : memref<128x8xi32, #tpu.memory_space<vmem>>[vector<16xi32>, vector<16xi32>], vector<16xi32>,
    %swap3A_517 = arith.constant 7 : i32
    %swap3A_518 = arith.index_cast %swap3A_517 : i32 to index
    %swap3A_519 = arith.constant 112 : index
    %swap3A_520 = tpu.vector_load %arg9[%swap3A_518, %swap3A_519] {strides = array<i32>} : memref<8x128xi32, #tpu.memory_space<vmem>>, vector<16xi32>,
    tpu.vector_store %arg9[%swap3A_518, %swap3A_519], %gather3A_516 {strides = array<i32>} : memref<8x128xi32, #tpu.memory_space<vmem>>, vector<16xi32>,
    %dma_start3A_521 = arith.constant 0 : i32
    %dma_start3A_522 = arith.constant 0 : i32
    %dma_start3A_523 = arith.constant 0 : i32
    %dma_start3A_524 = tpu.memref_slice %arg12[%dma_start3A_522, %dma_start3A_523] : memref<1024x32xf32, #tpu.memory_space<vmem>> -> memref<128x32xf32, #tpu.memory_space<vmem>>
    %dma_start3A_525 = arith.constant 0 : i32
    %dma_start3A_526 = tpu.memref_slice %arg9[%dma_start3A_521, %dma_start3A_525] : memref<8x128xi32, #tpu.memory_space<vmem>> -> memref<1x128xi32, #tpu.memory_space<vmem>>
    %dma_start3A_527 = tpu.memref_squeeze %dma_start3A_526 : memref<1x128xi32, #tpu.memory_space<vmem>> -> memref<128xi32, #tpu.memory_space<vmem>>
    %dma_start3A_528 = arith.constant 0 : i32
    %dma_start3A_529 = arith.constant 0 : i32
    %dma_start3A_530 = tpu.memref_slice %arg4[%dma_start3A_528, %dma_start3A_529] : memref<600000x32xf32, #tpu.memory_space<hbm>> -> memref<600000x32xf32, #tpu.memory_space<hbm>>
    tpu.enqueue_indirect_dma source(%dma_start3A_530 : memref<600000x32xf32, #tpu.memory_space<hbm>>) target(%dma_start3A_524 : memref<128x32xf32, #tpu.memory_space<vmem>>) offsets(%dma_start3A_527 : memref<128xi32, #tpu.memory_space<vmem>>) semaphore(%arg16 : memref<!tpu.dma_semaphore, #tpu.memory_space<semaphore_mem>>)
    %dma_start3A_531 = arith.constant 1 : i32
    %dma_start3A_532 = arith.constant 128 : i32
    %dma_start3A_533 = arith.constant 0 : i32
    %dma_start3A_534 = tpu.memref_slice %arg12[%dma_start3A_532, %dma_start3A_533] : memref<1024x32xf32, #tpu.memory_space<vmem>> -> memref<128x32xf32, #tpu.memory_space<vmem>>
    %dma_start3A_535 = arith.constant 0 : i32
    %dma_start3A_536 = tpu.memref_slice %arg9[%dma_start3A_531, %dma_start3A_535] : memref<8x128xi32, #tpu.memory_space<vmem>> -> memref<1x128xi32, #tpu.memory_space<vmem>>
    %dma_start3A_537 = tpu.memref_squeeze %dma_start3A_536 : memref<1x128xi32, #tpu.memory_space<vmem>> -> memref<128xi32, #tpu.memory_space<vmem>>
    %dma_start3A_538 = arith.constant 0 : i32
    %dma_start3A_539 = arith.constant 0 : i32
    %dma_start3A_540 = tpu.memref_slice %arg4[%dma_start3A_538, %dma_start3A_539] : memref<600000x32xf32, #tpu.memory_space<hbm>> -> memref<600000x32xf32, #tpu.memory_space<hbm>>
    tpu.enqueue_indirect_dma source(%dma_start3A_540 : memref<600000x32xf32, #tpu.memory_space<hbm>>) target(%dma_start3A_534 : memref<128x32xf32, #tpu.memory_space<vmem>>) offsets(%dma_start3A_537 : memref<128xi32, #tpu.memory_space<vmem>>) semaphore(%arg16 : memref<!tpu.dma_semaphore, #tpu.memory_space<semaphore_mem>>)
    %dma_start3A_541 = arith.constant 2 : i32
    %dma_start3A_542 = arith.constant 256 : i32
    %dma_start3A_543 = arith.constant 0 : i32
    %dma_start3A_544 = tpu.memref_slice %arg12[%dma_start3A_542, %dma_start3A_543] : memref<1024x32xf32, #tpu.memory_space<vmem>> -> memref<128x32xf32, #tpu.memory_space<vmem>>
    %dma_start3A_545 = arith.constant 0 : i32
    %dma_start3A_546 = tpu.memref_slice %arg9[%dma_start3A_541, %dma_start3A_545] : memref<8x128xi32, #tpu.memory_space<vmem>> -> memref<1x128xi32, #tpu.memory_space<vmem>>
    %dma_start3A_547 = tpu.memref_squeeze %dma_start3A_546 : memref<1x128xi32, #tpu.memory_space<vmem>> -> memref<128xi32, #tpu.memory_space<vmem>>
    %dma_start3A_548 = arith.constant 0 : i32
    %dma_start3A_549 = arith.constant 0 : i32
    %dma_start3A_550 = tpu.memref_slice %arg4[%dma_start3A_548, %dma_start3A_549] : memref<600000x32xf32, #tpu.memory_space<hbm>> -> memref<600000x32xf32, #tpu.memory_space<hbm>>
    tpu.enqueue_indirect_dma source(%dma_start3A_550 : memref<600000x32xf32, #tpu.memory_space<hbm>>) target(%dma_start3A_544 : memref<128x32xf32, #tpu.memory_space<vmem>>) offsets(%dma_start3A_547 : memref<128xi32, #tpu.memory_space<vmem>>) semaphore(%arg16 : memref<!tpu.dma_semaphore, #tpu.memory_space<semaphore_mem>>)
    %dma_start3A_551 = arith.constant 3 : i32
    %dma_start3A_552 = arith.constant 384 : i32
    %dma_start3A_553 = arith.constant 0 : i32
    %dma_start3A_554 = tpu.memref_slice %arg12[%dma_start3A_552, %dma_start3A_553] : memref<1024x32xf32, #tpu.memory_space<vmem>> -> memref<128x32xf32, #tpu.memory_space<vmem>>
    %dma_start3A_555 = arith.constant 0 : i32
    %dma_start3A_556 = tpu.memref_slice %arg9[%dma_start3A_551, %dma_start3A_555] : memref<8x128xi32, #tpu.memory_space<vmem>> -> memref<1x128xi32, #tpu.memory_space<vmem>>
    %dma_start3A_557 = tpu.memref_squeeze %dma_start3A_556 : memref<1x128xi32, #tpu.memory_space<vmem>> -> memref<128xi32, #tpu.memory_space<vmem>>
    %dma_start3A_558 = arith.constant 0 : i32
    %dma_start3A_559 = arith.constant 0 : i32
    %dma_start3A_560 = tpu.memref_slice %arg4[%dma_start3A_558, %dma_start3A_559] : memref<600000x32xf32, #tpu.memory_space<hbm>> -> memref<600000x32xf32, #tpu.memory_space<hbm>>
    tpu.enqueue_indirect_dma source(%dma_start3A_560 : memref<600000x32xf32, #tpu.memory_space<hbm>>) target(%dma_start3A_554 : memref<128x32xf32, #tpu.memory_space<vmem>>) offsets(%dma_start3A_557 : memref<128xi32, #tpu.memory_space<vmem>>) semaphore(%arg16 : memref<!tpu.dma_semaphore, #tpu.memory_space<semaphore_mem>>)
    %dma_start3A_561 = arith.constant 4 : i32
    %dma_start3A_562 = arith.constant 512 : i32
    %dma_start3A_563 = arith.constant 0 : i32
    %dma_start3A_564 = tpu.memref_slice %arg12[%dma_start3A_562, %dma_start3A_563] : memref<1024x32xf32, #tpu.memory_space<vmem>> -> memref<128x32xf32, #tpu.memory_space<vmem>>
    %dma_start3A_565 = arith.constant 0 : i32
    %dma_start3A_566 = tpu.memref_slice %arg9[%dma_start3A_561, %dma_start3A_565] : memref<8x128xi32, #tpu.memory_space<vmem>> -> memref<1x128xi32, #tpu.memory_space<vmem>>
    %dma_start3A_567 = tpu.memref_squeeze %dma_start3A_566 : memref<1x128xi32, #tpu.memory_space<vmem>> -> memref<128xi32, #tpu.memory_space<vmem>>
    %dma_start3A_568 = arith.constant 0 : i32
    %dma_start3A_569 = arith.constant 0 : i32
    %dma_start3A_570 = tpu.memref_slice %arg4[%dma_start3A_568, %dma_start3A_569] : memref<600000x32xf32, #tpu.memory_space<hbm>> -> memref<600000x32xf32, #tpu.memory_space<hbm>>
    tpu.enqueue_indirect_dma source(%dma_start3A_570 : memref<600000x32xf32, #tpu.memory_space<hbm>>) target(%dma_start3A_564 : memref<128x32xf32, #tpu.memory_space<vmem>>) offsets(%dma_start3A_567 : memref<128xi32, #tpu.memory_space<vmem>>) semaphore(%arg16 : memref<!tpu.dma_semaphore, #tpu.memory_space<semaphore_mem>>)
    %dma_start3A_571 = arith.constant 5 : i32
    %dma_start3A_572 = arith.constant 640 : i32
    %dma_start3A_573 = arith.constant 0 : i32
    %dma_start3A_574 = tpu.memref_slice %arg12[%dma_start3A_572, %dma_start3A_573] : memref<1024x32xf32, #tpu.memory_space<vmem>> -> memref<128x32xf32, #tpu.memory_space<vmem>>
    %dma_start3A_575 = arith.constant 0 : i32
    %dma_start3A_576 = tpu.memref_slice %arg9[%dma_start3A_571, %dma_start3A_575] : memref<8x128xi32, #tpu.memory_space<vmem>> -> memref<1x128xi32, #tpu.memory_space<vmem>>
    %dma_start3A_577 = tpu.memref_squeeze %dma_start3A_576 : memref<1x128xi32, #tpu.memory_space<vmem>> -> memref<128xi32, #tpu.memory_space<vmem>>
    %dma_start3A_578 = arith.constant 0 : i32
    %dma_start3A_579 = arith.constant 0 : i32
    %dma_start3A_580 = tpu.memref_slice %arg4[%dma_start3A_578, %dma_start3A_579] : memref<600000x32xf32, #tpu.memory_space<hbm>> -> memref<600000x32xf32, #tpu.memory_space<hbm>>
    tpu.enqueue_indirect_dma source(%dma_start3A_580 : memref<600000x32xf32, #tpu.memory_space<hbm>>) target(%dma_start3A_574 : memref<128x32xf32, #tpu.memory_space<vmem>>) offsets(%dma_start3A_577 : memref<128xi32, #tpu.memory_space<vmem>>) semaphore(%arg16 : memref<!tpu.dma_semaphore, #tpu.memory_space<semaphore_mem>>)
    %dma_start3A_581 = arith.constant 6 : i32
    %dma_start3A_582 = arith.constant 768 : i32
    %dma_start3A_583 = arith.constant 0 : i32
    %dma_start3A_584 = tpu.memref_slice %arg12[%dma_start3A_582, %dma_start3A_583] : memref<1024x32xf32, #tpu.memory_space<vmem>> -> memref<128x32xf32, #tpu.memory_space<vmem>>
    %dma_start3A_585 = arith.constant 0 : i32
    %dma_start3A_586 = tpu.memref_slice %arg9[%dma_start3A_581, %dma_start3A_585] : memref<8x128xi32, #tpu.memory_space<vmem>> -> memref<1x128xi32, #tpu.memory_space<vmem>>
    %dma_start3A_587 = tpu.memref_squeeze %dma_start3A_586 : memref<1x128xi32, #tpu.memory_space<vmem>> -> memref<128xi32, #tpu.memory_space<vmem>>
    %dma_start3A_588 = arith.constant 0 : i32
    %dma_start3A_589 = arith.constant 0 : i32
    %dma_start3A_590 = tpu.memref_slice %arg4[%dma_start3A_588, %dma_start3A_589] : memref<600000x32xf32, #tpu.memory_space<hbm>> -> memref<600000x32xf32, #tpu.memory_space<hbm>>
    tpu.enqueue_indirect_dma source(%dma_start3A_590 : memref<600000x32xf32, #tpu.memory_space<hbm>>) target(%dma_start3A_584 : memref<128x32xf32, #tpu.memory_space<vmem>>) offsets(%dma_start3A_587 : memref<128xi32, #tpu.memory_space<vmem>>) semaphore(%arg16 : memref<!tpu.dma_semaphore, #tpu.memory_space<semaphore_mem>>)
    %dma_start3A_591 = arith.constant 7 : i32
    %dma_start3A_592 = arith.constant 896 : i32
    %dma_start3A_593 = arith.constant 0 : i32
    %dma_start3A_594 = tpu.memref_slice %arg12[%dma_start3A_592, %dma_start3A_593] : memref<1024x32xf32, #tpu.memory_space<vmem>> -> memref<128x32xf32, #tpu.memory_space<vmem>>
    %dma_start3A_595 = arith.constant 0 : i32
    %dma_start3A_596 = tpu.memref_slice %arg9[%dma_start3A_591, %dma_start3A_595] : memref<8x128xi32, #tpu.memory_space<vmem>> -> memref<1x128xi32, #tpu.memory_space<vmem>>
    %dma_start3A_597 = tpu.memref_squeeze %dma_start3A_596 : memref<1x128xi32, #tpu.memory_space<vmem>> -> memref<128xi32, #tpu.memory_space<vmem>>
    %dma_start3A_598 = arith.constant 0 : i32
    %dma_start3A_599 = arith.constant 0 : i32
    %dma_start3A_600 = tpu.memref_slice %arg4[%dma_start3A_598, %dma_start3A_599] : memref<600000x32xf32, #tpu.memory_space<hbm>> -> memref<600000x32xf32, #tpu.memory_space<hbm>>
    tpu.enqueue_indirect_dma source(%dma_start3A_600 : memref<600000x32xf32, #tpu.memory_space<hbm>>) target(%dma_start3A_594 : memref<128x32xf32, #tpu.memory_space<vmem>>) offsets(%dma_start3A_597 : memref<128xi32, #tpu.memory_space<vmem>>) semaphore(%arg16 : memref<!tpu.dma_semaphore, #tpu.memory_space<semaphore_mem>>)
    %scan3A = arith.constant 0 : i32
    %scan3A_601 = arith.constant 0 : i32
    %scan3A_602 = arith.constant 32 : i32
    %scan3A_603 = arith.addi %scan3A_601, %scan3A_602 : i32
    %scan3A_604 = arith.constant 1 : i32
    scf.for %scan3A_606 = %scan3A_601 to %scan3A_603 step %scan3A_604  : i32 {
      %mul3A_607 = arith.constant 2 : i32
      %mul3A_608 = arith.muli %mul3A_607, %scan3A_606 : i32
      %mul3A_609 = arith.constant 128 : i32
      %mul3A_610 = arith.muli %mul3A_608, %mul3A_609 : i32
      %add3A_611 = arith.addi %mul3A_2, %mul3A_610 : i32
      %add3A_612 = arith.constant 128 : i32
      %add3A_613 = arith.addi %add3A_611, %add3A_612 : i32
      "tpu.region"() ({
        %run_scoped3A = tpu.sem_alloc : memref<!tpu.dma_semaphore, #tpu.memory_space<semaphore_mem>>
        %dma_start3A_1242 = tpu.memref_slice %arg2[%add3A_613] : memref<262144xi32, #tpu.memory_space<hbm>> -> memref<128xi32, #tpu.memory_space<hbm>>
        %dma_start3A_1243 = tpu.memref_slice %arg2[%add3A_613] : memref<262144xi32, #tpu.memory_space<hbm>> -> memref<128xi32, #tpu.memory_space<hbm>>
        tpu.enqueue_dma source(%dma_start3A_1243 : memref<128xi32, #tpu.memory_space<hbm>>) target(%arg7 : memref<128xi32, #tpu.memory_space<vmem>>) target_semaphore(%run_scoped3A : memref<!tpu.dma_semaphore, #tpu.memory_space<semaphore_mem>>)
        %dma_wait3A_1244 = tpu.memref_slice %arg2[%add3A_613] : memref<262144xi32, #tpu.memory_space<hbm>> -> memref<128xi32, #tpu.memory_space<hbm>>
        %dma_wait3A_1245 = tpu.memref_slice %arg2[%add3A_613] : memref<262144xi32, #tpu.memory_space<hbm>> -> memref<128xi32, #tpu.memory_space<hbm>>
        tpu.wait_dma2 semaphore(%run_scoped3A : memref<!tpu.dma_semaphore, #tpu.memory_space<semaphore_mem>>) src(%dma_wait3A_1245 : memref<128xi32, #tpu.memory_space<hbm>>) dst(%arg7 : memref<128xi32, #tpu.memory_space<vmem>>)
        tpu.yield
      }) : () -> ()
      %dma_start3A_614 = arith.constant 0 : i32
      %dma_start3A_615 = arith.constant 0 : i32
      %dma_start3A_616 = tpu.memref_slice %arg3[%dma_start3A_614, %dma_start3A_615] : memref<524288x8xi32, #tpu.memory_space<hbm>> -> memref<524288x8xi32, #tpu.memory_space<hbm>>
      tpu.enqueue_indirect_dma source(%dma_start3A_616 : memref<524288x8xi32, #tpu.memory_space<hbm>>) target(%arg8 : memref<128x8xi32, #tpu.memory_space<vmem>>) offsets(%arg7 : memref<128xi32, #tpu.memory_space<vmem>>) semaphore(%arg15 : memref<!tpu.dma_semaphore, #tpu.memory_space<semaphore_mem>>)
      %dma_wait3A_617 = arith.constant 0 : i32
      %dma_wait3A_618 = arith.constant 0 : i32
      %dma_wait3A_619 = tpu.memref_slice %arg3[%dma_wait3A_617, %dma_wait3A_618] : memref<524288x8xi32, #tpu.memory_space<hbm>> -> memref<524288x8xi32, #tpu.memory_space<hbm>>
      tpu.wait_indirect_dma semaphore(%arg15 : memref<!tpu.dma_semaphore, #tpu.memory_space<semaphore_mem>>) src(%dma_wait3A_619 : memref<524288x8xi32, #tpu.memory_space<hbm>>) dst(%arg8 : memref<128x8xi32, #tpu.memory_space<vmem>>)
      %add3A_620 = arith.constant 0 : i32
      %add3A_621 = vector.broadcast %add3A_620 : i32 to vector<16xi32>
      %add3A_622 = arith.addi %shift_right_logical3A_4, %add3A_621 : vector<16xi32>
      %gather3A_623 = tpu.vector_load_idx %arg8[%add3A_622, %and3A_6] : memref<128x8xi32, #tpu.memory_space<vmem>>[vector<16xi32>, vector<16xi32>], vector<16xi32>,
      %swap3A_624 = arith.constant 0 : i32
      %swap3A_625 = arith.index_cast %swap3A_624 : i32 to index
      %swap3A_626 = arith.constant 0 : index
      %swap3A_627 = tpu.vector_load %arg10[%swap3A_625, %swap3A_626] {strides = array<i32>} : memref<8x128xi32, #tpu.memory_space<vmem>>, vector<16xi32>,
      tpu.vector_store %arg10[%swap3A_625, %swap3A_626], %gather3A_623 {strides = array<i32>} : memref<8x128xi32, #tpu.memory_space<vmem>>, vector<16xi32>,
      %add3A_628 = arith.constant 2 : i32
      %add3A_629 = vector.broadcast %add3A_628 : i32 to vector<16xi32>
      %add3A_630 = arith.addi %shift_right_logical3A_4, %add3A_629 : vector<16xi32>
      %gather3A_631 = tpu.vector_load_idx %arg8[%add3A_630, %and3A_6] : memref<128x8xi32, #tpu.memory_space<vmem>>[vector<16xi32>, vector<16xi32>], vector<16xi32>,
      %swap3A_632 = arith.constant 0 : i32
      %swap3A_633 = arith.index_cast %swap3A_632 : i32 to index
      %swap3A_634 = arith.constant 16 : index
      %swap3A_635 = tpu.vector_load %arg10[%swap3A_633, %swap3A_634] {strides = array<i32>} : memref<8x128xi32, #tpu.memory_space<vmem>>, vector<16xi32>,
      tpu.vector_store %arg10[%swap3A_633, %swap3A_634], %gather3A_631 {strides = array<i32>} : memref<8x128xi32, #tpu.memory_space<vmem>>, vector<16xi32>,
      %add3A_636 = arith.constant 4 : i32
      %add3A_637 = vector.broadcast %add3A_636 : i32 to vector<16xi32>
      %add3A_638 = arith.addi %shift_right_logical3A_4, %add3A_637 : vector<16xi32>
      %gather3A_639 = tpu.vector_load_idx %arg8[%add3A_638, %and3A_6] : memref<128x8xi32, #tpu.memory_space<vmem>>[vector<16xi32>, vector<16xi32>], vector<16xi32>,
      %swap3A_640 = arith.constant 0 : i32
      %swap3A_641 = arith.index_cast %swap3A_640 : i32 to index
      %swap3A_642 = arith.constant 32 : index
      %swap3A_643 = tpu.vector_load %arg10[%swap3A_641, %swap3A_642] {strides = array<i32>} : memref<8x128xi32, #tpu.memory_space<vmem>>, vector<16xi32>,
      tpu.vector_store %arg10[%swap3A_641, %swap3A_642], %gather3A_639 {strides = array<i32>} : memref<8x128xi32, #tpu.memory_space<vmem>>, vector<16xi32>,
      %add3A_644 = arith.constant 6 : i32
      %add3A_645 = vector.broadcast %add3A_644 : i32 to vector<16xi32>
      %add3A_646 = arith.addi %shift_right_logical3A_4, %add3A_645 : vector<16xi32>
      %gather3A_647 = tpu.vector_load_idx %arg8[%add3A_646, %and3A_6] : memref<128x8xi32, #tpu.memory_space<vmem>>[vector<16xi32>, vector<16xi32>], vector<16xi32>,
      %swap3A_648 = arith.constant 0 : i32
      %swap3A_649 = arith.index_cast %swap3A_648 : i32 to index
      %swap3A_650 = arith.constant 48 : index
      %swap3A_651 = tpu.vector_load %arg10[%swap3A_649, %swap3A_650] {strides = array<i32>} : memref<8x128xi32, #tpu.memory_space<vmem>>, vector<16xi32>,
      tpu.vector_store %arg10[%swap3A_649, %swap3A_650], %gather3A_647 {strides = array<i32>} : memref<8x128xi32, #tpu.memory_space<vmem>>, vector<16xi32>,
      %add3A_652 = arith.constant 8 : i32
      %add3A_653 = vector.broadcast %add3A_652 : i32 to vector<16xi32>
      %add3A_654 = arith.addi %shift_right_logical3A_4, %add3A_653 : vector<16xi32>
      %gather3A_655 = tpu.vector_load_idx %arg8[%add3A_654, %and3A_6] : memref<128x8xi32, #tpu.memory_space<vmem>>[vector<16xi32>, vector<16xi32>], vector<16xi32>,
      %swap3A_656 = arith.constant 0 : i32
      %swap3A_657 = arith.index_cast %swap3A_656 : i32 to index
      %swap3A_658 = arith.constant 64 : index
      %swap3A_659 = tpu.vector_load %arg10[%swap3A_657, %swap3A_658] {strides = array<i32>} : memref<8x128xi32, #tpu.memory_space<vmem>>, vector<16xi32>,
      tpu.vector_store %arg10[%swap3A_657, %swap3A_658], %gather3A_655 {strides = array<i32>} : memref<8x128xi32, #tpu.memory_space<vmem>>, vector<16xi32>,
      %add3A_660 = arith.constant 10 : i32
      %add3A_661 = vector.broadcast %add3A_660 : i32 to vector<16xi32>
      %add3A_662 = arith.addi %shift_right_logical3A_4, %add3A_661 : vector<16xi32>
      %gather3A_663 = tpu.vector_load_idx %arg8[%add3A_662, %and3A_6] : memref<128x8xi32, #tpu.memory_space<vmem>>[vector<16xi32>, vector<16xi32>], vector<16xi32>,
      %swap3A_664 = arith.constant 0 : i32
      %swap3A_665 = arith.index_cast %swap3A_664 : i32 to index
      %swap3A_666 = arith.constant 80 : index
      %swap3A_667 = tpu.vector_load %arg10[%swap3A_665, %swap3A_666] {strides = array<i32>} : memref<8x128xi32, #tpu.memory_space<vmem>>, vector<16xi32>,
      tpu.vector_store %arg10[%swap3A_665, %swap3A_666], %gather3A_663 {strides = array<i32>} : memref<8x128xi32, #tpu.memory_space<vmem>>, vector<16xi32>,
      %add3A_668 = arith.constant 12 : i32
      %add3A_669 = vector.broadcast %add3A_668 : i32 to vector<16xi32>
      %add3A_670 = arith.addi %shift_right_logical3A_4, %add3A_669 : vector<16xi32>
      %gather3A_671 = tpu.vector_load_idx %arg8[%add3A_670, %and3A_6] : memref<128x8xi32, #tpu.memory_space<vmem>>[vector<16xi32>, vector<16xi32>], vector<16xi32>,
      %swap3A_672 = arith.constant 0 : i32
      %swap3A_673 = arith.index_cast %swap3A_672 : i32 to index
      %swap3A_674 = arith.constant 96 : index
      %swap3A_675 = tpu.vector_load %arg10[%swap3A_673, %swap3A_674] {strides = array<i32>} : memref<8x128xi32, #tpu.memory_space<vmem>>, vector<16xi32>,
      tpu.vector_store %arg10[%swap3A_673, %swap3A_674], %gather3A_671 {strides = array<i32>} : memref<8x128xi32, #tpu.memory_space<vmem>>, vector<16xi32>,
      %add3A_676 = arith.constant 14 : i32
      %add3A_677 = vector.broadcast %add3A_676 : i32 to vector<16xi32>
      %add3A_678 = arith.addi %shift_right_logical3A_4, %add3A_677 : vector<16xi32>
      %gather3A_679 = tpu.vector_load_idx %arg8[%add3A_678, %and3A_6] : memref<128x8xi32, #tpu.memory_space<vmem>>[vector<16xi32>, vector<16xi32>], vector<16xi32>,
      %swap3A_680 = arith.constant 0 : i32
      %swap3A_681 = arith.index_cast %swap3A_680 : i32 to index
      %swap3A_682 = arith.constant 112 : index
      %swap3A_683 = tpu.vector_load %arg10[%swap3A_681, %swap3A_682] {strides = array<i32>} : memref<8x128xi32, #tpu.memory_space<vmem>>, vector<16xi32>,
      tpu.vector_store %arg10[%swap3A_681, %swap3A_682], %gather3A_679 {strides = array<i32>} : memref<8x128xi32, #tpu.memory_space<vmem>>, vector<16xi32>,
      %add3A_684 = arith.constant 16 : i32
      %add3A_685 = vector.broadcast %add3A_684 : i32 to vector<16xi32>
      %add3A_686 = arith.addi %shift_right_logical3A_4, %add3A_685 : vector<16xi32>
      %gather3A_687 = tpu.vector_load_idx %arg8[%add3A_686, %and3A_6] : memref<128x8xi32, #tpu.memory_space<vmem>>[vector<16xi32>, vector<16xi32>], vector<16xi32>,
      %swap3A_688 = arith.constant 1 : i32
      %swap3A_689 = arith.index_cast %swap3A_688 : i32 to index
      %swap3A_690 = arith.constant 0 : index
      %swap3A_691 = tpu.vector_load %arg10[%swap3A_689, %swap3A_690] {strides = array<i32>} : memref<8x128xi32, #tpu.memory_space<vmem>>, vector<16xi32>,
      tpu.vector_store %arg10[%swap3A_689, %swap3A_690], %gather3A_687 {strides = array<i32>} : memref<8x128xi32, #tpu.memory_space<vmem>>, vector<16xi32>,
      %add3A_692 = arith.constant 18 : i32
      %add3A_693 = vector.broadcast %add3A_692 : i32 to vector<16xi32>
      %add3A_694 = arith.addi %shift_right_logical3A_4, %add3A_693 : vector<16xi32>
      %gather3A_695 = tpu.vector_load_idx %arg8[%add3A_694, %and3A_6] : memref<128x8xi32, #tpu.memory_space<vmem>>[vector<16xi32>, vector<16xi32>], vector<16xi32>,
      %swap3A_696 = arith.constant 1 : i32
      %swap3A_697 = arith.index_cast %swap3A_696 : i32 to index
      %swap3A_698 = arith.constant 16 : index
      %swap3A_699 = tpu.vector_load %arg10[%swap3A_697, %swap3A_698] {strides = array<i32>} : memref<8x128xi32, #tpu.memory_space<vmem>>, vector<16xi32>,
      tpu.vector_store %arg10[%swap3A_697, %swap3A_698], %gather3A_695 {strides = array<i32>} : memref<8x128xi32, #tpu.memory_space<vmem>>, vector<16xi32>,
      %add3A_700 = arith.constant 20 : i32
      %add3A_701 = vector.broadcast %add3A_700 : i32 to vector<16xi32>
      %add3A_702 = arith.addi %shift_right_logical3A_4, %add3A_701 : vector<16xi32>
      %gather3A_703 = tpu.vector_load_idx %arg8[%add3A_702, %and3A_6] : memref<128x8xi32, #tpu.memory_space<vmem>>[vector<16xi32>, vector<16xi32>], vector<16xi32>,
      %swap3A_704 = arith.constant 1 : i32
      %swap3A_705 = arith.index_cast %swap3A_704 : i32 to index
      %swap3A_706 = arith.constant 32 : index
      %swap3A_707 = tpu.vector_load %arg10[%swap3A_705, %swap3A_706] {strides = array<i32>} : memref<8x128xi32, #tpu.memory_space<vmem>>, vector<16xi32>,
      tpu.vector_store %arg10[%swap3A_705, %swap3A_706], %gather3A_703 {strides = array<i32>} : memref<8x128xi32, #tpu.memory_space<vmem>>, vector<16xi32>,
      %add3A_708 = arith.constant 22 : i32
      %add3A_709 = vector.broadcast %add3A_708 : i32 to vector<16xi32>
      %add3A_710 = arith.addi %shift_right_logical3A_4, %add3A_709 : vector<16xi32>
      %gather3A_711 = tpu.vector_load_idx %arg8[%add3A_710, %and3A_6] : memref<128x8xi32, #tpu.memory_space<vmem>>[vector<16xi32>, vector<16xi32>], vector<16xi32>,
      %swap3A_712 = arith.constant 1 : i32
      %swap3A_713 = arith.index_cast %swap3A_712 : i32 to index
      %swap3A_714 = arith.constant 48 : index
      %swap3A_715 = tpu.vector_load %arg10[%swap3A_713, %swap3A_714] {strides = array<i32>} : memref<8x128xi32, #tpu.memory_space<vmem>>, vector<16xi32>,
      tpu.vector_store %arg10[%swap3A_713, %swap3A_714], %gather3A_711 {strides = array<i32>} : memref<8x128xi32, #tpu.memory_space<vmem>>, vector<16xi32>,
      %add3A_716 = arith.constant 24 : i32
      %add3A_717 = vector.broadcast %add3A_716 : i32 to vector<16xi32>
      %add3A_718 = arith.addi %shift_right_logical3A_4, %add3A_717 : vector<16xi32>
      %gather3A_719 = tpu.vector_load_idx %arg8[%add3A_718, %and3A_6] : memref<128x8xi32, #tpu.memory_space<vmem>>[vector<16xi32>, vector<16xi32>], vector<16xi32>,
      %swap3A_720 = arith.constant 1 : i32
      %swap3A_721 = arith.index_cast %swap3A_720 : i32 to index
      %swap3A_722 = arith.constant 64 : index
      %swap3A_723 = tpu.vector_load %arg10[%swap3A_721, %swap3A_722] {strides = array<i32>} : memref<8x128xi32, #tpu.memory_space<vmem>>, vector<16xi32>,
      tpu.vector_store %arg10[%swap3A_721, %swap3A_722], %gather3A_719 {strides = array<i32>} : memref<8x128xi32, #tpu.memory_space<vmem>>, vector<16xi32>,
      %add3A_724 = arith.constant 26 : i32
      %add3A_725 = vector.broadcast %add3A_724 : i32 to vector<16xi32>
      %add3A_726 = arith.addi %shift_right_logical3A_4, %add3A_725 : vector<16xi32>
      %gather3A_727 = tpu.vector_load_idx %arg8[%add3A_726, %and3A_6] : memref<128x8xi32, #tpu.memory_space<vmem>>[vector<16xi32>, vector<16xi32>], vector<16xi32>,
      %swap3A_728 = arith.constant 1 : i32
      %swap3A_729 = arith.index_cast %swap3A_728 : i32 to index
      %swap3A_730 = arith.constant 80 : index
      %swap3A_731 = tpu.vector_load %arg10[%swap3A_729, %swap3A_730] {strides = array<i32>} : memref<8x128xi32, #tpu.memory_space<vmem>>, vector<16xi32>,
      tpu.vector_store %arg10[%swap3A_729, %swap3A_730], %gather3A_727 {strides = array<i32>} : memref<8x128xi32, #tpu.memory_space<vmem>>, vector<16xi32>,
      %add3A_732 = arith.constant 28 : i32
      %add3A_733 = vector.broadcast %add3A_732 : i32 to vector<16xi32>
      %add3A_734 = arith.addi %shift_right_logical3A_4, %add3A_733 : vector<16xi32>
      %gather3A_735 = tpu.vector_load_idx %arg8[%add3A_734, %and3A_6] : memref<128x8xi32, #tpu.memory_space<vmem>>[vector<16xi32>, vector<16xi32>], vector<16xi32>,
      %swap3A_736 = arith.constant 1 : i32
      %swap3A_737 = arith.index_cast %swap3A_736 : i32 to index
      %swap3A_738 = arith.constant 96 : index
      %swap3A_739 = tpu.vector_load %arg10[%swap3A_737, %swap3A_738] {strides = array<i32>} : memref<8x128xi32, #tpu.memory_space<vmem>>, vector<16xi32>,
      tpu.vector_store %arg10[%swap3A_737, %swap3A_738], %gather3A_735 {strides = array<i32>} : memref<8x128xi32, #tpu.memory_space<vmem>>, vector<16xi32>,
      %add3A_740 = arith.constant 30 : i32
      %add3A_741 = vector.broadcast %add3A_740 : i32 to vector<16xi32>
      %add3A_742 = arith.addi %shift_right_logical3A_4, %add3A_741 : vector<16xi32>
      %gather3A_743 = tpu.vector_load_idx %arg8[%add3A_742, %and3A_6] : memref<128x8xi32, #tpu.memory_space<vmem>>[vector<16xi32>, vector<16xi32>], vector<16xi32>,
      %swap3A_744 = arith.constant 1 : i32
      %swap3A_745 = arith.index_cast %swap3A_744 : i32 to index
      %swap3A_746 = arith.constant 112 : index
      %swap3A_747 = tpu.vector_load %arg10[%swap3A_745, %swap3A_746] {strides = array<i32>} : memref<8x128xi32, #tpu.memory_space<vmem>>, vector<16xi32>,
      tpu.vector_store %arg10[%swap3A_745, %swap3A_746], %gather3A_743 {strides = array<i32>} : memref<8x128xi32, #tpu.memory_space<vmem>>, vector<16xi32>,
      %add3A_748 = arith.constant 32 : i32
      %add3A_749 = vector.broadcast %add3A_748 : i32 to vector<16xi32>
      %add3A_750 = arith.addi %shift_right_logical3A_4, %add3A_749 : vector<16xi32>
      %gather3A_751 = tpu.vector_load_idx %arg8[%add3A_750, %and3A_6] : memref<128x8xi32, #tpu.memory_space<vmem>>[vector<16xi32>, vector<16xi32>], vector<16xi32>,
      %swap3A_752 = arith.constant 2 : i32
      %swap3A_753 = arith.index_cast %swap3A_752 : i32 to index
      %swap3A_754 = arith.constant 0 : index
      %swap3A_755 = tpu.vector_load %arg10[%swap3A_753, %swap3A_754] {strides = array<i32>} : memref<8x128xi32, #tpu.memory_space<vmem>>, vector<16xi32>,
      tpu.vector_store %arg10[%swap3A_753, %swap3A_754], %gather3A_751 {strides = array<i32>} : memref<8x128xi32, #tpu.memory_space<vmem>>, vector<16xi32>,
      %add3A_756 = arith.constant 34 : i32
      %add3A_757 = vector.broadcast %add3A_756 : i32 to vector<16xi32>
      %add3A_758 = arith.addi %shift_right_logical3A_4, %add3A_757 : vector<16xi32>
      %gather3A_759 = tpu.vector_load_idx %arg8[%add3A_758, %and3A_6] : memref<128x8xi32, #tpu.memory_space<vmem>>[vector<16xi32>, vector<16xi32>], vector<16xi32>,
      %swap3A_760 = arith.constant 2 : i32
      %swap3A_761 = arith.index_cast %swap3A_760 : i32 to index
      %swap3A_762 = arith.constant 16 : index
      %swap3A_763 = tpu.vector_load %arg10[%swap3A_761, %swap3A_762] {strides = array<i32>} : memref<8x128xi32, #tpu.memory_space<vmem>>, vector<16xi32>,
      tpu.vector_store %arg10[%swap3A_761, %swap3A_762], %gather3A_759 {strides = array<i32>} : memref<8x128xi32, #tpu.memory_space<vmem>>, vector<16xi32>,
      %add3A_764 = arith.constant 36 : i32
      %add3A_765 = vector.broadcast %add3A_764 : i32 to vector<16xi32>
      %add3A_766 = arith.addi %shift_right_logical3A_4, %add3A_765 : vector<16xi32>
      %gather3A_767 = tpu.vector_load_idx %arg8[%add3A_766, %and3A_6] : memref<128x8xi32, #tpu.memory_space<vmem>>[vector<16xi32>, vector<16xi32>], vector<16xi32>,
      %swap3A_768 = arith.constant 2 : i32
      %swap3A_769 = arith.index_cast %swap3A_768 : i32 to index
      %swap3A_770 = arith.constant 32 : index
      %swap3A_771 = tpu.vector_load %arg10[%swap3A_769, %swap3A_770] {strides = array<i32>} : memref<8x128xi32, #tpu.memory_space<vmem>>, vector<16xi32>,
      tpu.vector_store %arg10[%swap3A_769, %swap3A_770], %gather3A_767 {strides = array<i32>} : memref<8x128xi32, #tpu.memory_space<vmem>>, vector<16xi32>,
      %add3A_772 = arith.constant 38 : i32
      %add3A_773 = vector.broadcast %add3A_772 : i32 to vector<16xi32>
      %add3A_774 = arith.addi %shift_right_logical3A_4, %add3A_773 : vector<16xi32>
      %gather3A_775 = tpu.vector_load_idx %arg8[%add3A_774, %and3A_6] : memref<128x8xi32, #tpu.memory_space<vmem>>[vector<16xi32>, vector<16xi32>], vector<16xi32>,
      %swap3A_776 = arith.constant 2 : i32
      %swap3A_777 = arith.index_cast %swap3A_776 : i32 to index
      %swap3A_778 = arith.constant 48 : index
      %swap3A_779 = tpu.vector_load %arg10[%swap3A_777, %swap3A_778] {strides = array<i32>} : memref<8x128xi32, #tpu.memory_space<vmem>>, vector<16xi32>,
      tpu.vector_store %arg10[%swap3A_777, %swap3A_778], %gather3A_775 {strides = array<i32>} : memref<8x128xi32, #tpu.memory_space<vmem>>, vector<16xi32>,
      %add3A_780 = arith.constant 40 : i32
      %add3A_781 = vector.broadcast %add3A_780 : i32 to vector<16xi32>
      %add3A_782 = arith.addi %shift_right_logical3A_4, %add3A_781 : vector<16xi32>
      %gather3A_783 = tpu.vector_load_idx %arg8[%add3A_782, %and3A_6] : memref<128x8xi32, #tpu.memory_space<vmem>>[vector<16xi32>, vector<16xi32>], vector<16xi32>,
      %swap3A_784 = arith.constant 2 : i32
      %swap3A_785 = arith.index_cast %swap3A_784 : i32 to index
      %swap3A_786 = arith.constant 64 : index
      %swap3A_787 = tpu.vector_load %arg10[%swap3A_785, %swap3A_786] {strides = array<i32>} : memref<8x128xi32, #tpu.memory_space<vmem>>, vector<16xi32>,
      tpu.vector_store %arg10[%swap3A_785, %swap3A_786], %gather3A_783 {strides = array<i32>} : memref<8x128xi32, #tpu.memory_space<vmem>>, vector<16xi32>,
      %add3A_788 = arith.constant 42 : i32
      %add3A_789 = vector.broadcast %add3A_788 : i32 to vector<16xi32>
      %add3A_790 = arith.addi %shift_right_logical3A_4, %add3A_789 : vector<16xi32>
      %gather3A_791 = tpu.vector_load_idx %arg8[%add3A_790, %and3A_6] : memref<128x8xi32, #tpu.memory_space<vmem>>[vector<16xi32>, vector<16xi32>], vector<16xi32>,
      %swap3A_792 = arith.constant 2 : i32
      %swap3A_793 = arith.index_cast %swap3A_792 : i32 to index
      %swap3A_794 = arith.constant 80 : index
      %swap3A_795 = tpu.vector_load %arg10[%swap3A_793, %swap3A_794] {strides = array<i32>} : memref<8x128xi32, #tpu.memory_space<vmem>>, vector<16xi32>,
      tpu.vector_store %arg10[%swap3A_793, %swap3A_794], %gather3A_791 {strides = array<i32>} : memref<8x128xi32, #tpu.memory_space<vmem>>, vector<16xi32>,
      %add3A_796 = arith.constant 44 : i32
      %add3A_797 = vector.broadcast %add3A_796 : i32 to vector<16xi32>
      %add3A_798 = arith.addi %shift_right_logical3A_4, %add3A_797 : vector<16xi32>
      %gather3A_799 = tpu.vector_load_idx %arg8[%add3A_798, %and3A_6] : memref<128x8xi32, #tpu.memory_space<vmem>>[vector<16xi32>, vector<16xi32>], vector<16xi32>,
      %swap3A_800 = arith.constant 2 : i32
      %swap3A_801 = arith.index_cast %swap3A_800 : i32 to index
      %swap3A_802 = arith.constant 96 : index
      %swap3A_803 = tpu.vector_load %arg10[%swap3A_801, %swap3A_802] {strides = array<i32>} : memref<8x128xi32, #tpu.memory_space<vmem>>, vector<16xi32>,
      tpu.vector_store %arg10[%swap3A_801, %swap3A_802], %gather3A_799 {strides = array<i32>} : memref<8x128xi32, #tpu.memory_space<vmem>>, vector<16xi32>,
      %add3A_804 = arith.constant 46 : i32
      %add3A_805 = vector.broadcast %add3A_804 : i32 to vector<16xi32>
      %add3A_806 = arith.addi %shift_right_logical3A_4, %add3A_805 : vector<16xi32>
      %gather3A_807 = tpu.vector_load_idx %arg8[%add3A_806, %and3A_6] : memref<128x8xi32, #tpu.memory_space<vmem>>[vector<16xi32>, vector<16xi32>], vector<16xi32>,
      %swap3A_808 = arith.constant 2 : i32
      %swap3A_809 = arith.index_cast %swap3A_808 : i32 to index
      %swap3A_810 = arith.constant 112 : index
      %swap3A_811 = tpu.vector_load %arg10[%swap3A_809, %swap3A_810] {strides = array<i32>} : memref<8x128xi32, #tpu.memory_space<vmem>>, vector<16xi32>,
      tpu.vector_store %arg10[%swap3A_809, %swap3A_810], %gather3A_807 {strides = array<i32>} : memref<8x128xi32, #tpu.memory_space<vmem>>, vector<16xi32>,
      %add3A_812 = arith.constant 48 : i32
      %add3A_813 = vector.broadcast %add3A_812 : i32 to vector<16xi32>
      %add3A_814 = arith.addi %shift_right_logical3A_4, %add3A_813 : vector<16xi32>
      %gather3A_815 = tpu.vector_load_idx %arg8[%add3A_814, %and3A_6] : memref<128x8xi32, #tpu.memory_space<vmem>>[vector<16xi32>, vector<16xi32>], vector<16xi32>,
      %swap3A_816 = arith.constant 3 : i32
      %swap3A_817 = arith.index_cast %swap3A_816 : i32 to index
      %swap3A_818 = arith.constant 0 : index
      %swap3A_819 = tpu.vector_load %arg10[%swap3A_817, %swap3A_818] {strides = array<i32>} : memref<8x128xi32, #tpu.memory_space<vmem>>, vector<16xi32>,
      tpu.vector_store %arg10[%swap3A_817, %swap3A_818], %gather3A_815 {strides = array<i32>} : memref<8x128xi32, #tpu.memory_space<vmem>>, vector<16xi32>,
      %add3A_820 = arith.constant 50 : i32
      %add3A_821 = vector.broadcast %add3A_820 : i32 to vector<16xi32>
      %add3A_822 = arith.addi %shift_right_logical3A_4, %add3A_821 : vector<16xi32>
      %gather3A_823 = tpu.vector_load_idx %arg8[%add3A_822, %and3A_6] : memref<128x8xi32, #tpu.memory_space<vmem>>[vector<16xi32>, vector<16xi32>], vector<16xi32>,
      %swap3A_824 = arith.constant 3 : i32
      %swap3A_825 = arith.index_cast %swap3A_824 : i32 to index
      %swap3A_826 = arith.constant 16 : index
      %swap3A_827 = tpu.vector_load %arg10[%swap3A_825, %swap3A_826] {strides = array<i32>} : memref<8x128xi32, #tpu.memory_space<vmem>>, vector<16xi32>,
      tpu.vector_store %arg10[%swap3A_825, %swap3A_826], %gather3A_823 {strides = array<i32>} : memref<8x128xi32, #tpu.memory_space<vmem>>, vector<16xi32>,
      %add3A_828 = arith.constant 52 : i32
      %add3A_829 = vector.broadcast %add3A_828 : i32 to vector<16xi32>
      %add3A_830 = arith.addi %shift_right_logical3A_4, %add3A_829 : vector<16xi32>
      %gather3A_831 = tpu.vector_load_idx %arg8[%add3A_830, %and3A_6] : memref<128x8xi32, #tpu.memory_space<vmem>>[vector<16xi32>, vector<16xi32>], vector<16xi32>,
      %swap3A_832 = arith.constant 3 : i32
      %swap3A_833 = arith.index_cast %swap3A_832 : i32 to index
      %swap3A_834 = arith.constant 32 : index
      %swap3A_835 = tpu.vector_load %arg10[%swap3A_833, %swap3A_834] {strides = array<i32>} : memref<8x128xi32, #tpu.memory_space<vmem>>, vector<16xi32>,
      tpu.vector_store %arg10[%swap3A_833, %swap3A_834], %gather3A_831 {strides = array<i32>} : memref<8x128xi32, #tpu.memory_space<vmem>>, vector<16xi32>,
      %add3A_836 = arith.constant 54 : i32
      %add3A_837 = vector.broadcast %add3A_836 : i32 to vector<16xi32>
      %add3A_838 = arith.addi %shift_right_logical3A_4, %add3A_837 : vector<16xi32>
      %gather3A_839 = tpu.vector_load_idx %arg8[%add3A_838, %and3A_6] : memref<128x8xi32, #tpu.memory_space<vmem>>[vector<16xi32>, vector<16xi32>], vector<16xi32>,
      %swap3A_840 = arith.constant 3 : i32
      %swap3A_841 = arith.index_cast %swap3A_840 : i32 to index
      %swap3A_842 = arith.constant 48 : index
      %swap3A_843 = tpu.vector_load %arg10[%swap3A_841, %swap3A_842] {strides = array<i32>} : memref<8x128xi32, #tpu.memory_space<vmem>>, vector<16xi32>,
      tpu.vector_store %arg10[%swap3A_841, %swap3A_842], %gather3A_839 {strides = array<i32>} : memref<8x128xi32, #tpu.memory_space<vmem>>, vector<16xi32>,
      %add3A_844 = arith.constant 56 : i32
      %add3A_845 = vector.broadcast %add3A_844 : i32 to vector<16xi32>
      %add3A_846 = arith.addi %shift_right_logical3A_4, %add3A_845 : vector<16xi32>
      %gather3A_847 = tpu.vector_load_idx %arg8[%add3A_846, %and3A_6] : memref<128x8xi32, #tpu.memory_space<vmem>>[vector<16xi32>, vector<16xi32>], vector<16xi32>,
      %swap3A_848 = arith.constant 3 : i32
      %swap3A_849 = arith.index_cast %swap3A_848 : i32 to index
      %swap3A_850 = arith.constant 64 : index
      %swap3A_851 = tpu.vector_load %arg10[%swap3A_849, %swap3A_850] {strides = array<i32>} : memref<8x128xi32, #tpu.memory_space<vmem>>, vector<16xi32>,
      tpu.vector_store %arg10[%swap3A_849, %swap3A_850], %gather3A_847 {strides = array<i32>} : memref<8x128xi32, #tpu.memory_space<vmem>>, vector<16xi32>,
      %add3A_852 = arith.constant 58 : i32
      %add3A_853 = vector.broadcast %add3A_852 : i32 to vector<16xi32>
      %add3A_854 = arith.addi %shift_right_logical3A_4, %add3A_853 : vector<16xi32>
      %gather3A_855 = tpu.vector_load_idx %arg8[%add3A_854, %and3A_6] : memref<128x8xi32, #tpu.memory_space<vmem>>[vector<16xi32>, vector<16xi32>], vector<16xi32>,
      %swap3A_856 = arith.constant 3 : i32
      %swap3A_857 = arith.index_cast %swap3A_856 : i32 to index
      %swap3A_858 = arith.constant 80 : index
      %swap3A_859 = tpu.vector_load %arg10[%swap3A_857, %swap3A_858] {strides = array<i32>} : memref<8x128xi32, #tpu.memory_space<vmem>>, vector<16xi32>,
      tpu.vector_store %arg10[%swap3A_857, %swap3A_858], %gather3A_855 {strides = array<i32>} : memref<8x128xi32, #tpu.memory_space<vmem>>, vector<16xi32>,
      %add3A_860 = arith.constant 60 : i32
      %add3A_861 = vector.broadcast %add3A_860 : i32 to vector<16xi32>
      %add3A_862 = arith.addi %shift_right_logical3A_4, %add3A_861 : vector<16xi32>
      %gather3A_863 = tpu.vector_load_idx %arg8[%add3A_862, %and3A_6] : memref<128x8xi32, #tpu.memory_space<vmem>>[vector<16xi32>, vector<16xi32>], vector<16xi32>,
      %swap3A_864 = arith.constant 3 : i32
      %swap3A_865 = arith.index_cast %swap3A_864 : i32 to index
      %swap3A_866 = arith.constant 96 : index
      %swap3A_867 = tpu.vector_load %arg10[%swap3A_865, %swap3A_866] {strides = array<i32>} : memref<8x128xi32, #tpu.memory_space<vmem>>, vector<16xi32>,
      tpu.vector_store %arg10[%swap3A_865, %swap3A_866], %gather3A_863 {strides = array<i32>} : memref<8x128xi32, #tpu.memory_space<vmem>>, vector<16xi32>,
      %add3A_868 = arith.constant 62 : i32
      %add3A_869 = vector.broadcast %add3A_868 : i32 to vector<16xi32>
      %add3A_870 = arith.addi %shift_right_logical3A_4, %add3A_869 : vector<16xi32>
      %gather3A_871 = tpu.vector_load_idx %arg8[%add3A_870, %and3A_6] : memref<128x8xi32, #tpu.memory_space<vmem>>[vector<16xi32>, vector<16xi32>], vector<16xi32>,
      %swap3A_872 = arith.constant 3 : i32
      %swap3A_873 = arith.index_cast %swap3A_872 : i32 to index
      %swap3A_874 = arith.constant 112 : index
      %swap3A_875 = tpu.vector_load %arg10[%swap3A_873, %swap3A_874] {strides = array<i32>} : memref<8x128xi32, #tpu.memory_space<vmem>>, vector<16xi32>,
      tpu.vector_store %arg10[%swap3A_873, %swap3A_874], %gather3A_871 {strides = array<i32>} : memref<8x128xi32, #tpu.memory_space<vmem>>, vector<16xi32>,
      %add3A_876 = arith.constant 64 : i32
      %add3A_877 = vector.broadcast %add3A_876 : i32 to vector<16xi32>
      %add3A_878 = arith.addi %shift_right_logical3A_4, %add3A_877 : vector<16xi32>
      %gather3A_879 = tpu.vector_load_idx %arg8[%add3A_878, %and3A_6] : memref<128x8xi32, #tpu.memory_space<vmem>>[vector<16xi32>, vector<16xi32>], vector<16xi32>,
      %swap3A_880 = arith.constant 4 : i32
      %swap3A_881 = arith.index_cast %swap3A_880 : i32 to index
      %swap3A_882 = arith.constant 0 : index
      %swap3A_883 = tpu.vector_load %arg10[%swap3A_881, %swap3A_882] {strides = array<i32>} : memref<8x128xi32, #tpu.memory_space<vmem>>, vector<16xi32>,
      tpu.vector_store %arg10[%swap3A_881, %swap3A_882], %gather3A_879 {strides = array<i32>} : memref<8x128xi32, #tpu.memory_space<vmem>>, vector<16xi32>,
      %add3A_884 = arith.constant 66 : i32
      %add3A_885 = vector.broadcast %add3A_884 : i32 to vector<16xi32>
      %add3A_886 = arith.addi %shift_right_logical3A_4, %add3A_885 : vector<16xi32>
      %gather3A_887 = tpu.vector_load_idx %arg8[%add3A_886, %and3A_6] : memref<128x8xi32, #tpu.memory_space<vmem>>[vector<16xi32>, vector<16xi32>], vector<16xi32>,
      %swap3A_888 = arith.constant 4 : i32
      %swap3A_889 = arith.index_cast %swap3A_888 : i32 to index
      %swap3A_890 = arith.constant 16 : index
      %swap3A_891 = tpu.vector_load %arg10[%swap3A_889, %swap3A_890] {strides = array<i32>} : memref<8x128xi32, #tpu.memory_space<vmem>>, vector<16xi32>,
      tpu.vector_store %arg10[%swap3A_889, %swap3A_890], %gather3A_887 {strides = array<i32>} : memref<8x128xi32, #tpu.memory_space<vmem>>, vector<16xi32>,
      %add3A_892 = arith.constant 68 : i32
      %add3A_893 = vector.broadcast %add3A_892 : i32 to vector<16xi32>
      %add3A_894 = arith.addi %shift_right_logical3A_4, %add3A_893 : vector<16xi32>
      %gather3A_895 = tpu.vector_load_idx %arg8[%add3A_894, %and3A_6] : memref<128x8xi32, #tpu.memory_space<vmem>>[vector<16xi32>, vector<16xi32>], vector<16xi32>,
      %swap3A_896 = arith.constant 4 : i32
      %swap3A_897 = arith.index_cast %swap3A_896 : i32 to index
      %swap3A_898 = arith.constant 32 : index
      %swap3A_899 = tpu.vector_load %arg10[%swap3A_897, %swap3A_898] {strides = array<i32>} : memref<8x128xi32, #tpu.memory_space<vmem>>, vector<16xi32>,
      tpu.vector_store %arg10[%swap3A_897, %swap3A_898], %gather3A_895 {strides = array<i32>} : memref<8x128xi32, #tpu.memory_space<vmem>>, vector<16xi32>,
      %add3A_900 = arith.constant 70 : i32
      %add3A_901 = vector.broadcast %add3A_900 : i32 to vector<16xi32>
      %add3A_902 = arith.addi %shift_right_logical3A_4, %add3A_901 : vector<16xi32>
      %gather3A_903 = tpu.vector_load_idx %arg8[%add3A_902, %and3A_6] : memref<128x8xi32, #tpu.memory_space<vmem>>[vector<16xi32>, vector<16xi32>], vector<16xi32>,
      %swap3A_904 = arith.constant 4 : i32
      %swap3A_905 = arith.index_cast %swap3A_904 : i32 to index
      %swap3A_906 = arith.constant 48 : index
      %swap3A_907 = tpu.vector_load %arg10[%swap3A_905, %swap3A_906] {strides = array<i32>} : memref<8x128xi32, #tpu.memory_space<vmem>>, vector<16xi32>,
      tpu.vector_store %arg10[%swap3A_905, %swap3A_906], %gather3A_903 {strides = array<i32>} : memref<8x128xi32, #tpu.memory_space<vmem>>, vector<16xi32>,
      %add3A_908 = arith.constant 72 : i32
      %add3A_909 = vector.broadcast %add3A_908 : i32 to vector<16xi32>
      %add3A_910 = arith.addi %shift_right_logical3A_4, %add3A_909 : vector<16xi32>
      %gather3A_911 = tpu.vector_load_idx %arg8[%add3A_910, %and3A_6] : memref<128x8xi32, #tpu.memory_space<vmem>>[vector<16xi32>, vector<16xi32>], vector<16xi32>,
      %swap3A_912 = arith.constant 4 : i32
      %swap3A_913 = arith.index_cast %swap3A_912 : i32 to index
      %swap3A_914 = arith.constant 64 : index
      %swap3A_915 = tpu.vector_load %arg10[%swap3A_913, %swap3A_914] {strides = array<i32>} : memref<8x128xi32, #tpu.memory_space<vmem>>, vector<16xi32>,
      tpu.vector_store %arg10[%swap3A_913, %swap3A_914], %gather3A_911 {strides = array<i32>} : memref<8x128xi32, #tpu.memory_space<vmem>>, vector<16xi32>,
      %add3A_916 = arith.constant 74 : i32
      %add3A_917 = vector.broadcast %add3A_916 : i32 to vector<16xi32>
      %add3A_918 = arith.addi %shift_right_logical3A_4, %add3A_917 : vector<16xi32>
      %gather3A_919 = tpu.vector_load_idx %arg8[%add3A_918, %and3A_6] : memref<128x8xi32, #tpu.memory_space<vmem>>[vector<16xi32>, vector<16xi32>], vector<16xi32>,
      %swap3A_920 = arith.constant 4 : i32
      %swap3A_921 = arith.index_cast %swap3A_920 : i32 to index
      %swap3A_922 = arith.constant 80 : index
      %swap3A_923 = tpu.vector_load %arg10[%swap3A_921, %swap3A_922] {strides = array<i32>} : memref<8x128xi32, #tpu.memory_space<vmem>>, vector<16xi32>,
      tpu.vector_store %arg10[%swap3A_921, %swap3A_922], %gather3A_919 {strides = array<i32>} : memref<8x128xi32, #tpu.memory_space<vmem>>, vector<16xi32>,
      %add3A_924 = arith.constant 76 : i32
      %add3A_925 = vector.broadcast %add3A_924 : i32 to vector<16xi32>
      %add3A_926 = arith.addi %shift_right_logical3A_4, %add3A_925 : vector<16xi32>
      %gather3A_927 = tpu.vector_load_idx %arg8[%add3A_926, %and3A_6] : memref<128x8xi32, #tpu.memory_space<vmem>>[vector<16xi32>, vector<16xi32>], vector<16xi32>,
      %swap3A_928 = arith.constant 4 : i32
      %swap3A_929 = arith.index_cast %swap3A_928 : i32 to index
      %swap3A_930 = arith.constant 96 : index
      %swap3A_931 = tpu.vector_load %arg10[%swap3A_929, %swap3A_930] {strides = array<i32>} : memref<8x128xi32, #tpu.memory_space<vmem>>, vector<16xi32>,
      tpu.vector_store %arg10[%swap3A_929, %swap3A_930], %gather3A_927 {strides = array<i32>} : memref<8x128xi32, #tpu.memory_space<vmem>>, vector<16xi32>,
      %add3A_932 = arith.constant 78 : i32
      %add3A_933 = vector.broadcast %add3A_932 : i32 to vector<16xi32>
      %add3A_934 = arith.addi %shift_right_logical3A_4, %add3A_933 : vector<16xi32>
      %gather3A_935 = tpu.vector_load_idx %arg8[%add3A_934, %and3A_6] : memref<128x8xi32, #tpu.memory_space<vmem>>[vector<16xi32>, vector<16xi32>], vector<16xi32>,
      %swap3A_936 = arith.constant 4 : i32
      %swap3A_937 = arith.index_cast %swap3A_936 : i32 to index
      %swap3A_938 = arith.constant 112 : index
      %swap3A_939 = tpu.vector_load %arg10[%swap3A_937, %swap3A_938] {strides = array<i32>} : memref<8x128xi32, #tpu.memory_space<vmem>>, vector<16xi32>,
      tpu.vector_store %arg10[%swap3A_937, %swap3A_938], %gather3A_935 {strides = array<i32>} : memref<8x128xi32, #tpu.memory_space<vmem>>, vector<16xi32>,
      %add3A_940 = arith.constant 80 : i32
      %add3A_941 = vector.broadcast %add3A_940 : i32 to vector<16xi32>
      %add3A_942 = arith.addi %shift_right_logical3A_4, %add3A_941 : vector<16xi32>
      %gather3A_943 = tpu.vector_load_idx %arg8[%add3A_942, %and3A_6] : memref<128x8xi32, #tpu.memory_space<vmem>>[vector<16xi32>, vector<16xi32>], vector<16xi32>,
      %swap3A_944 = arith.constant 5 : i32
      %swap3A_945 = arith.index_cast %swap3A_944 : i32 to index
      %swap3A_946 = arith.constant 0 : index
      %swap3A_947 = tpu.vector_load %arg10[%swap3A_945, %swap3A_946] {strides = array<i32>} : memref<8x128xi32, #tpu.memory_space<vmem>>, vector<16xi32>,
      tpu.vector_store %arg10[%swap3A_945, %swap3A_946], %gather3A_943 {strides = array<i32>} : memref<8x128xi32, #tpu.memory_space<vmem>>, vector<16xi32>,
      %add3A_948 = arith.constant 82 : i32
      %add3A_949 = vector.broadcast %add3A_948 : i32 to vector<16xi32>
      %add3A_950 = arith.addi %shift_right_logical3A_4, %add3A_949 : vector<16xi32>
      %gather3A_951 = tpu.vector_load_idx %arg8[%add3A_950, %and3A_6] : memref<128x8xi32, #tpu.memory_space<vmem>>[vector<16xi32>, vector<16xi32>], vector<16xi32>,
      %swap3A_952 = arith.constant 5 : i32
      %swap3A_953 = arith.index_cast %swap3A_952 : i32 to index
      %swap3A_954 = arith.constant 16 : index
      %swap3A_955 = tpu.vector_load %arg10[%swap3A_953, %swap3A_954] {strides = array<i32>} : memref<8x128xi32, #tpu.memory_space<vmem>>, vector<16xi32>,
      tpu.vector_store %arg10[%swap3A_953, %swap3A_954], %gather3A_951 {strides = array<i32>} : memref<8x128xi32, #tpu.memory_space<vmem>>, vector<16xi32>,
      %add3A_956 = arith.constant 84 : i32
      %add3A_957 = vector.broadcast %add3A_956 : i32 to vector<16xi32>
      %add3A_958 = arith.addi %shift_right_logical3A_4, %add3A_957 : vector<16xi32>
      %gather3A_959 = tpu.vector_load_idx %arg8[%add3A_958, %and3A_6] : memref<128x8xi32, #tpu.memory_space<vmem>>[vector<16xi32>, vector<16xi32>], vector<16xi32>,
      %swap3A_960 = arith.constant 5 : i32
      %swap3A_961 = arith.index_cast %swap3A_960 : i32 to index
      %swap3A_962 = arith.constant 32 : index
      %swap3A_963 = tpu.vector_load %arg10[%swap3A_961, %swap3A_962] {strides = array<i32>} : memref<8x128xi32, #tpu.memory_space<vmem>>, vector<16xi32>,
      tpu.vector_store %arg10[%swap3A_961, %swap3A_962], %gather3A_959 {strides = array<i32>} : memref<8x128xi32, #tpu.memory_space<vmem>>, vector<16xi32>,
      %add3A_964 = arith.constant 86 : i32
      %add3A_965 = vector.broadcast %add3A_964 : i32 to vector<16xi32>
      %add3A_966 = arith.addi %shift_right_logical3A_4, %add3A_965 : vector<16xi32>
      %gather3A_967 = tpu.vector_load_idx %arg8[%add3A_966, %and3A_6] : memref<128x8xi32, #tpu.memory_space<vmem>>[vector<16xi32>, vector<16xi32>], vector<16xi32>,
      %swap3A_968 = arith.constant 5 : i32
      %swap3A_969 = arith.index_cast %swap3A_968 : i32 to index
      %swap3A_970 = arith.constant 48 : index
      %swap3A_971 = tpu.vector_load %arg10[%swap3A_969, %swap3A_970] {strides = array<i32>} : memref<8x128xi32, #tpu.memory_space<vmem>>, vector<16xi32>,
      tpu.vector_store %arg10[%swap3A_969, %swap3A_970], %gather3A_967 {strides = array<i32>} : memref<8x128xi32, #tpu.memory_space<vmem>>, vector<16xi32>,
      %add3A_972 = arith.constant 88 : i32
      %add3A_973 = vector.broadcast %add3A_972 : i32 to vector<16xi32>
      %add3A_974 = arith.addi %shift_right_logical3A_4, %add3A_973 : vector<16xi32>
      %gather3A_975 = tpu.vector_load_idx %arg8[%add3A_974, %and3A_6] : memref<128x8xi32, #tpu.memory_space<vmem>>[vector<16xi32>, vector<16xi32>], vector<16xi32>,
      %swap3A_976 = arith.constant 5 : i32
      %swap3A_977 = arith.index_cast %swap3A_976 : i32 to index
      %swap3A_978 = arith.constant 64 : index
      %swap3A_979 = tpu.vector_load %arg10[%swap3A_977, %swap3A_978] {strides = array<i32>} : memref<8x128xi32, #tpu.memory_space<vmem>>, vector<16xi32>,
      tpu.vector_store %arg10[%swap3A_977, %swap3A_978], %gather3A_975 {strides = array<i32>} : memref<8x128xi32, #tpu.memory_space<vmem>>, vector<16xi32>,
      %add3A_980 = arith.constant 90 : i32
      %add3A_981 = vector.broadcast %add3A_980 : i32 to vector<16xi32>
      %add3A_982 = arith.addi %shift_right_logical3A_4, %add3A_981 : vector<16xi32>
      %gather3A_983 = tpu.vector_load_idx %arg8[%add3A_982, %and3A_6] : memref<128x8xi32, #tpu.memory_space<vmem>>[vector<16xi32>, vector<16xi32>], vector<16xi32>,
      %swap3A_984 = arith.constant 5 : i32
      %swap3A_985 = arith.index_cast %swap3A_984 : i32 to index
      %swap3A_986 = arith.constant 80 : index
      %swap3A_987 = tpu.vector_load %arg10[%swap3A_985, %swap3A_986] {strides = array<i32>} : memref<8x128xi32, #tpu.memory_space<vmem>>, vector<16xi32>,
      tpu.vector_store %arg10[%swap3A_985, %swap3A_986], %gather3A_983 {strides = array<i32>} : memref<8x128xi32, #tpu.memory_space<vmem>>, vector<16xi32>,
      %add3A_988 = arith.constant 92 : i32
      %add3A_989 = vector.broadcast %add3A_988 : i32 to vector<16xi32>
      %add3A_990 = arith.addi %shift_right_logical3A_4, %add3A_989 : vector<16xi32>
      %gather3A_991 = tpu.vector_load_idx %arg8[%add3A_990, %and3A_6] : memref<128x8xi32, #tpu.memory_space<vmem>>[vector<16xi32>, vector<16xi32>], vector<16xi32>,
      %swap3A_992 = arith.constant 5 : i32
      %swap3A_993 = arith.index_cast %swap3A_992 : i32 to index
      %swap3A_994 = arith.constant 96 : index
      %swap3A_995 = tpu.vector_load %arg10[%swap3A_993, %swap3A_994] {strides = array<i32>} : memref<8x128xi32, #tpu.memory_space<vmem>>, vector<16xi32>,
      tpu.vector_store %arg10[%swap3A_993, %swap3A_994], %gather3A_991 {strides = array<i32>} : memref<8x128xi32, #tpu.memory_space<vmem>>, vector<16xi32>,
      %add3A_996 = arith.constant 94 : i32
      %add3A_997 = vector.broadcast %add3A_996 : i32 to vector<16xi32>
      %add3A_998 = arith.addi %shift_right_logical3A_4, %add3A_997 : vector<16xi32>
      %gather3A_999 = tpu.vector_load_idx %arg8[%add3A_998, %and3A_6] : memref<128x8xi32, #tpu.memory_space<vmem>>[vector<16xi32>, vector<16xi32>], vector<16xi32>,
      %swap3A_1000 = arith.constant 5 : i32
      %swap3A_1001 = arith.index_cast %swap3A_1000 : i32 to index
      %swap3A_1002 = arith.constant 112 : index
      %swap3A_1003 = tpu.vector_load %arg10[%swap3A_1001, %swap3A_1002] {strides = array<i32>} : memref<8x128xi32, #tpu.memory_space<vmem>>, vector<16xi32>,
      tpu.vector_store %arg10[%swap3A_1001, %swap3A_1002], %gather3A_999 {strides = array<i32>} : memref<8x128xi32, #tpu.memory_space<vmem>>, vector<16xi32>,
      %add3A_1004 = arith.constant 96 : i32
      %add3A_1005 = vector.broadcast %add3A_1004 : i32 to vector<16xi32>
      %add3A_1006 = arith.addi %shift_right_logical3A_4, %add3A_1005 : vector<16xi32>
      %gather3A_1007 = tpu.vector_load_idx %arg8[%add3A_1006, %and3A_6] : memref<128x8xi32, #tpu.memory_space<vmem>>[vector<16xi32>, vector<16xi32>], vector<16xi32>,
      %swap3A_1008 = arith.constant 6 : i32
      %swap3A_1009 = arith.index_cast %swap3A_1008 : i32 to index
      %swap3A_1010 = arith.constant 0 : index
      %swap3A_1011 = tpu.vector_load %arg10[%swap3A_1009, %swap3A_1010] {strides = array<i32>} : memref<8x128xi32, #tpu.memory_space<vmem>>, vector<16xi32>,
      tpu.vector_store %arg10[%swap3A_1009, %swap3A_1010], %gather3A_1007 {strides = array<i32>} : memref<8x128xi32, #tpu.memory_space<vmem>>, vector<16xi32>,
      %add3A_1012 = arith.constant 98 : i32
      %add3A_1013 = vector.broadcast %add3A_1012 : i32 to vector<16xi32>
      %add3A_1014 = arith.addi %shift_right_logical3A_4, %add3A_1013 : vector<16xi32>
      %gather3A_1015 = tpu.vector_load_idx %arg8[%add3A_1014, %and3A_6] : memref<128x8xi32, #tpu.memory_space<vmem>>[vector<16xi32>, vector<16xi32>], vector<16xi32>,
      %swap3A_1016 = arith.constant 6 : i32
      %swap3A_1017 = arith.index_cast %swap3A_1016 : i32 to index
      %swap3A_1018 = arith.constant 16 : index
      %swap3A_1019 = tpu.vector_load %arg10[%swap3A_1017, %swap3A_1018] {strides = array<i32>} : memref<8x128xi32, #tpu.memory_space<vmem>>, vector<16xi32>,
      tpu.vector_store %arg10[%swap3A_1017, %swap3A_1018], %gather3A_1015 {strides = array<i32>} : memref<8x128xi32, #tpu.memory_space<vmem>>, vector<16xi32>,
      %add3A_1020 = arith.constant 100 : i32
      %add3A_1021 = vector.broadcast %add3A_1020 : i32 to vector<16xi32>
      %add3A_1022 = arith.addi %shift_right_logical3A_4, %add3A_1021 : vector<16xi32>
      %gather3A_1023 = tpu.vector_load_idx %arg8[%add3A_1022, %and3A_6] : memref<128x8xi32, #tpu.memory_space<vmem>>[vector<16xi32>, vector<16xi32>], vector<16xi32>,
      %swap3A_1024 = arith.constant 6 : i32
      %swap3A_1025 = arith.index_cast %swap3A_1024 : i32 to index
      %swap3A_1026 = arith.constant 32 : index
      %swap3A_1027 = tpu.vector_load %arg10[%swap3A_1025, %swap3A_1026] {strides = array<i32>} : memref<8x128xi32, #tpu.memory_space<vmem>>, vector<16xi32>,
      tpu.vector_store %arg10[%swap3A_1025, %swap3A_1026], %gather3A_1023 {strides = array<i32>} : memref<8x128xi32, #tpu.memory_space<vmem>>, vector<16xi32>,
      %add3A_1028 = arith.constant 102 : i32
      %add3A_1029 = vector.broadcast %add3A_1028 : i32 to vector<16xi32>
      %add3A_1030 = arith.addi %shift_right_logical3A_4, %add3A_1029 : vector<16xi32>
      %gather3A_1031 = tpu.vector_load_idx %arg8[%add3A_1030, %and3A_6] : memref<128x8xi32, #tpu.memory_space<vmem>>[vector<16xi32>, vector<16xi32>], vector<16xi32>,
      %swap3A_1032 = arith.constant 6 : i32
      %swap3A_1033 = arith.index_cast %swap3A_1032 : i32 to index
      %swap3A_1034 = arith.constant 48 : index
      %swap3A_1035 = tpu.vector_load %arg10[%swap3A_1033, %swap3A_1034] {strides = array<i32>} : memref<8x128xi32, #tpu.memory_space<vmem>>, vector<16xi32>,
      tpu.vector_store %arg10[%swap3A_1033, %swap3A_1034], %gather3A_1031 {strides = array<i32>} : memref<8x128xi32, #tpu.memory_space<vmem>>, vector<16xi32>,
      %add3A_1036 = arith.constant 104 : i32
      %add3A_1037 = vector.broadcast %add3A_1036 : i32 to vector<16xi32>
      %add3A_1038 = arith.addi %shift_right_logical3A_4, %add3A_1037 : vector<16xi32>
      %gather3A_1039 = tpu.vector_load_idx %arg8[%add3A_1038, %and3A_6] : memref<128x8xi32, #tpu.memory_space<vmem>>[vector<16xi32>, vector<16xi32>], vector<16xi32>,
      %swap3A_1040 = arith.constant 6 : i32
      %swap3A_1041 = arith.index_cast %swap3A_1040 : i32 to index
      %swap3A_1042 = arith.constant 64 : index
      %swap3A_1043 = tpu.vector_load %arg10[%swap3A_1041, %swap3A_1042] {strides = array<i32>} : memref<8x128xi32, #tpu.memory_space<vmem>>, vector<16xi32>,
      tpu.vector_store %arg10[%swap3A_1041, %swap3A_1042], %gather3A_1039 {strides = array<i32>} : memref<8x128xi32, #tpu.memory_space<vmem>>, vector<16xi32>,
      %add3A_1044 = arith.constant 106 : i32
      %add3A_1045 = vector.broadcast %add3A_1044 : i32 to vector<16xi32>
      %add3A_1046 = arith.addi %shift_right_logical3A_4, %add3A_1045 : vector<16xi32>
      %gather3A_1047 = tpu.vector_load_idx %arg8[%add3A_1046, %and3A_6] : memref<128x8xi32, #tpu.memory_space<vmem>>[vector<16xi32>, vector<16xi32>], vector<16xi32>,
      %swap3A_1048 = arith.constant 6 : i32
      %swap3A_1049 = arith.index_cast %swap3A_1048 : i32 to index
      %swap3A_1050 = arith.constant 80 : index
      %swap3A_1051 = tpu.vector_load %arg10[%swap3A_1049, %swap3A_1050] {strides = array<i32>} : memref<8x128xi32, #tpu.memory_space<vmem>>, vector<16xi32>,
      tpu.vector_store %arg10[%swap3A_1049, %swap3A_1050], %gather3A_1047 {strides = array<i32>} : memref<8x128xi32, #tpu.memory_space<vmem>>, vector<16xi32>,
      %add3A_1052 = arith.constant 108 : i32
      %add3A_1053 = vector.broadcast %add3A_1052 : i32 to vector<16xi32>
      %add3A_1054 = arith.addi %shift_right_logical3A_4, %add3A_1053 : vector<16xi32>
      %gather3A_1055 = tpu.vector_load_idx %arg8[%add3A_1054, %and3A_6] : memref<128x8xi32, #tpu.memory_space<vmem>>[vector<16xi32>, vector<16xi32>], vector<16xi32>,
      %swap3A_1056 = arith.constant 6 : i32
      %swap3A_1057 = arith.index_cast %swap3A_1056 : i32 to index
      %swap3A_1058 = arith.constant 96 : index
      %swap3A_1059 = tpu.vector_load %arg10[%swap3A_1057, %swap3A_1058] {strides = array<i32>} : memref<8x128xi32, #tpu.memory_space<vmem>>, vector<16xi32>,
      tpu.vector_store %arg10[%swap3A_1057, %swap3A_1058], %gather3A_1055 {strides = array<i32>} : memref<8x128xi32, #tpu.memory_space<vmem>>, vector<16xi32>,
      %add3A_1060 = arith.constant 110 : i32
      %add3A_1061 = vector.broadcast %add3A_1060 : i32 to vector<16xi32>
      %add3A_1062 = arith.addi %shift_right_logical3A_4, %add3A_1061 : vector<16xi32>
      %gather3A_1063 = tpu.vector_load_idx %arg8[%add3A_1062, %and3A_6] : memref<128x8xi32, #tpu.memory_space<vmem>>[vector<16xi32>, vector<16xi32>], vector<16xi32>,
      %swap3A_1064 = arith.constant 6 : i32
      %swap3A_1065 = arith.index_cast %swap3A_1064 : i32 to index
      %swap3A_1066 = arith.constant 112 : index
      %swap3A_1067 = tpu.vector_load %arg10[%swap3A_1065, %swap3A_1066] {strides = array<i32>} : memref<8x128xi32, #tpu.memory_space<vmem>>, vector<16xi32>,
      tpu.vector_store %arg10[%swap3A_1065, %swap3A_1066], %gather3A_1063 {strides = array<i32>} : memref<8x128xi32, #tpu.memory_space<vmem>>, vector<16xi32>,
      %add3A_1068 = arith.constant 112 : i32
      %add3A_1069 = vector.broadcast %add3A_1068 : i32 to vector<16xi32>
      %add3A_1070 = arith.addi %shift_right_logical3A_4, %add3A_1069 : vector<16xi32>
      %gather3A_1071 = tpu.vector_load_idx %arg8[%add3A_1070, %and3A_6] : memref<128x8xi32, #tpu.memory_space<vmem>>[vector<16xi32>, vector<16xi32>], vector<16xi32>,
      %swap3A_1072 = arith.constant 7 : i32
      %swap3A_1073 = arith.index_cast %swap3A_1072 : i32 to index
      %swap3A_1074 = arith.constant 0 : index
      %swap3A_1075 = tpu.vector_load %arg10[%swap3A_1073, %swap3A_1074] {strides = array<i32>} : memref<8x128xi32, #tpu.memory_space<vmem>>, vector<16xi32>,
      tpu.vector_store %arg10[%swap3A_1073, %swap3A_1074], %gather3A_1071 {strides = array<i32>} : memref<8x128xi32, #tpu.memory_space<vmem>>, vector<16xi32>,
      %add3A_1076 = arith.constant 114 : i32
      %add3A_1077 = vector.broadcast %add3A_1076 : i32 to vector<16xi32>
      %add3A_1078 = arith.addi %shift_right_logical3A_4, %add3A_1077 : vector<16xi32>
      %gather3A_1079 = tpu.vector_load_idx %arg8[%add3A_1078, %and3A_6] : memref<128x8xi32, #tpu.memory_space<vmem>>[vector<16xi32>, vector<16xi32>], vector<16xi32>,
      %swap3A_1080 = arith.constant 7 : i32
      %swap3A_1081 = arith.index_cast %swap3A_1080 : i32 to index
      %swap3A_1082 = arith.constant 16 : index
      %swap3A_1083 = tpu.vector_load %arg10[%swap3A_1081, %swap3A_1082] {strides = array<i32>} : memref<8x128xi32, #tpu.memory_space<vmem>>, vector<16xi32>,
      tpu.vector_store %arg10[%swap3A_1081, %swap3A_1082], %gather3A_1079 {strides = array<i32>} : memref<8x128xi32, #tpu.memory_space<vmem>>, vector<16xi32>,
      %add3A_1084 = arith.constant 116 : i32
      %add3A_1085 = vector.broadcast %add3A_1084 : i32 to vector<16xi32>
      %add3A_1086 = arith.addi %shift_right_logical3A_4, %add3A_1085 : vector<16xi32>
      %gather3A_1087 = tpu.vector_load_idx %arg8[%add3A_1086, %and3A_6] : memref<128x8xi32, #tpu.memory_space<vmem>>[vector<16xi32>, vector<16xi32>], vector<16xi32>,
      %swap3A_1088 = arith.constant 7 : i32
      %swap3A_1089 = arith.index_cast %swap3A_1088 : i32 to index
      %swap3A_1090 = arith.constant 32 : index
      %swap3A_1091 = tpu.vector_load %arg10[%swap3A_1089, %swap3A_1090] {strides = array<i32>} : memref<8x128xi32, #tpu.memory_space<vmem>>, vector<16xi32>,
      tpu.vector_store %arg10[%swap3A_1089, %swap3A_1090], %gather3A_1087 {strides = array<i32>} : memref<8x128xi32, #tpu.memory_space<vmem>>, vector<16xi32>,
      %add3A_1092 = arith.constant 118 : i32
      %add3A_1093 = vector.broadcast %add3A_1092 : i32 to vector<16xi32>
      %add3A_1094 = arith.addi %shift_right_logical3A_4, %add3A_1093 : vector<16xi32>
      %gather3A_1095 = tpu.vector_load_idx %arg8[%add3A_1094, %and3A_6] : memref<128x8xi32, #tpu.memory_space<vmem>>[vector<16xi32>, vector<16xi32>], vector<16xi32>,
      %swap3A_1096 = arith.constant 7 : i32
      %swap3A_1097 = arith.index_cast %swap3A_1096 : i32 to index
      %swap3A_1098 = arith.constant 48 : index
      %swap3A_1099 = tpu.vector_load %arg10[%swap3A_1097, %swap3A_1098] {strides = array<i32>} : memref<8x128xi32, #tpu.memory_space<vmem>>, vector<16xi32>,
      tpu.vector_store %arg10[%swap3A_1097, %swap3A_1098], %gather3A_1095 {strides = array<i32>} : memref<8x128xi32, #tpu.memory_space<vmem>>, vector<16xi32>,
      %add3A_1100 = arith.constant 120 : i32
      %add3A_1101 = vector.broadcast %add3A_1100 : i32 to vector<16xi32>
      %add3A_1102 = arith.addi %shift_right_logical3A_4, %add3A_1101 : vector<16xi32>
      %gather3A_1103 = tpu.vector_load_idx %arg8[%add3A_1102, %and3A_6] : memref<128x8xi32, #tpu.memory_space<vmem>>[vector<16xi32>, vector<16xi32>], vector<16xi32>,
      %swap3A_1104 = arith.constant 7 : i32
      %swap3A_1105 = arith.index_cast %swap3A_1104 : i32 to index
      %swap3A_1106 = arith.constant 64 : index
      %swap3A_1107 = tpu.vector_load %arg10[%swap3A_1105, %swap3A_1106] {strides = array<i32>} : memref<8x128xi32, #tpu.memory_space<vmem>>, vector<16xi32>,
      tpu.vector_store %arg10[%swap3A_1105, %swap3A_1106], %gather3A_1103 {strides = array<i32>} : memref<8x128xi32, #tpu.memory_space<vmem>>, vector<16xi32>,
      %add3A_1108 = arith.constant 122 : i32
      %add3A_1109 = vector.broadcast %add3A_1108 : i32 to vector<16xi32>
      %add3A_1110 = arith.addi %shift_right_logical3A_4, %add3A_1109 : vector<16xi32>
      %gather3A_1111 = tpu.vector_load_idx %arg8[%add3A_1110, %and3A_6] : memref<128x8xi32, #tpu.memory_space<vmem>>[vector<16xi32>, vector<16xi32>], vector<16xi32>,
      %swap3A_1112 = arith.constant 7 : i32
      %swap3A_1113 = arith.index_cast %swap3A_1112 : i32 to index
      %swap3A_1114 = arith.constant 80 : index
      %swap3A_1115 = tpu.vector_load %arg10[%swap3A_1113, %swap3A_1114] {strides = array<i32>} : memref<8x128xi32, #tpu.memory_space<vmem>>, vector<16xi32>,
      tpu.vector_store %arg10[%swap3A_1113, %swap3A_1114], %gather3A_1111 {strides = array<i32>} : memref<8x128xi32, #tpu.memory_space<vmem>>, vector<16xi32>,
      %add3A_1116 = arith.constant 124 : i32
      %add3A_1117 = vector.broadcast %add3A_1116 : i32 to vector<16xi32>
      %add3A_1118 = arith.addi %shift_right_logical3A_4, %add3A_1117 : vector<16xi32>
      %gather3A_1119 = tpu.vector_load_idx %arg8[%add3A_1118, %and3A_6] : memref<128x8xi32, #tpu.memory_space<vmem>>[vector<16xi32>, vector<16xi32>], vector<16xi32>,
      %swap3A_1120 = arith.constant 7 : i32
      %swap3A_1121 = arith.index_cast %swap3A_1120 : i32 to index
      %swap3A_1122 = arith.constant 96 : index
      %swap3A_1123 = tpu.vector_load %arg10[%swap3A_1121, %swap3A_1122] {strides = array<i32>} : memref<8x128xi32, #tpu.memory_space<vmem>>, vector<16xi32>,
      tpu.vector_store %arg10[%swap3A_1121, %swap3A_1122], %gather3A_1119 {strides = array<i32>} : memref<8x128xi32, #tpu.memory_space<vmem>>, vector<16xi32>,
      %add3A_1124 = arith.constant 126 : i32
      %add3A_1125 = vector.broadcast %add3A_1124 : i32 to vector<16xi32>
      %add3A_1126 = arith.addi %shift_right_logical3A_4, %add3A_1125 : vector<16xi32>
      %gather3A_1127 = tpu.vector_load_idx %arg8[%add3A_1126, %and3A_6] : memref<128x8xi32, #tpu.memory_space<vmem>>[vector<16xi32>, vector<16xi32>], vector<16xi32>,
      %swap3A_1128 = arith.constant 7 : i32
      %swap3A_1129 = arith.index_cast %swap3A_1128 : i32 to index
      %swap3A_1130 = arith.constant 112 : index
      %swap3A_1131 = tpu.vector_load %arg10[%swap3A_1129, %swap3A_1130] {strides = array<i32>} : memref<8x128xi32, #tpu.memory_space<vmem>>, vector<16xi32>,
      tpu.vector_store %arg10[%swap3A_1129, %swap3A_1130], %gather3A_1127 {strides = array<i32>} : memref<8x128xi32, #tpu.memory_space<vmem>>, vector<16xi32>,
      %dma_start3A_1132 = arith.constant 0 : i32
      %dma_start3A_1133 = arith.constant 0 : i32
      %dma_start3A_1134 = arith.constant 0 : i32
      %dma_start3A_1135 = tpu.memref_slice %arg13[%dma_start3A_1133, %dma_start3A_1134] : memref<1024x32xf32, #tpu.memory_space<vmem>> -> memref<128x32xf32, #tpu.memory_space<vmem>>
      %dma_start3A_1136 = arith.constant 0 : i32
      %dma_start3A_1137 = tpu.memref_slice %arg10[%dma_start3A_1132, %dma_start3A_1136] : memref<8x128xi32, #tpu.memory_space<vmem>> -> memref<1x128xi32, #tpu.memory_space<vmem>>
      %dma_start3A_1138 = tpu.memref_squeeze %dma_start3A_1137 : memref<1x128xi32, #tpu.memory_space<vmem>> -> memref<128xi32, #tpu.memory_space<vmem>>
      %dma_start3A_1139 = arith.constant 0 : i32
      %dma_start3A_1140 = arith.constant 0 : i32
      %dma_start3A_1141 = tpu.memref_slice %arg4[%dma_start3A_1139, %dma_start3A_1140] : memref<600000x32xf32, #tpu.memory_space<hbm>> -> memref<600000x32xf32, #tpu.memory_space<hbm>>
      tpu.enqueue_indirect_dma source(%dma_start3A_1141 : memref<600000x32xf32, #tpu.memory_space<hbm>>) target(%dma_start3A_1135 : memref<128x32xf32, #tpu.memory_space<vmem>>) offsets(%dma_start3A_1138 : memref<128xi32, #tpu.memory_space<vmem>>) semaphore(%arg16 : memref<!tpu.dma_semaphore, #tpu.memory_space<semaphore_mem>>)
      %dma_start3A_1142 = arith.constant 1 : i32
      %dma_start3A_1143 = arith.constant 128 : i32
      %dma_start3A_1144 = arith.constant 0 : i32
      %dma_start3A_1145 = tpu.memref_slice %arg13[%dma_start3A_1143, %dma_start3A_1144] : memref<1024x32xf32, #tpu.memory_space<vmem>> -> memref<128x32xf32, #tpu.memory_space<vmem>>
      %dma_start3A_1146 = arith.constant 0 : i32
      %dma_start3A_1147 = tpu.memref_slice %arg10[%dma_start3A_1142, %dma_start3A_1146] : memref<8x128xi32, #tpu.memory_space<vmem>> -> memref<1x128xi32, #tpu.memory_space<vmem>>
      %dma_start3A_1148 = tpu.memref_squeeze %dma_start3A_1147 : memref<1x128xi32, #tpu.memory_space<vmem>> -> memref<128xi32, #tpu.memory_space<vmem>>
      %dma_start3A_1149 = arith.constant 0 : i32
      %dma_start3A_1150 = arith.constant 0 : i32
      %dma_start3A_1151 = tpu.memref_slice %arg4[%dma_start3A_1149, %dma_start3A_1150] : memref<600000x32xf32, #tpu.memory_space<hbm>> -> memref<600000x32xf32, #tpu.memory_space<hbm>>
      tpu.enqueue_indirect_dma source(%dma_start3A_1151 : memref<600000x32xf32, #tpu.memory_space<hbm>>) target(%dma_start3A_1145 : memref<128x32xf32, #tpu.memory_space<vmem>>) offsets(%dma_start3A_1148 : memref<128xi32, #tpu.memory_space<vmem>>) semaphore(%arg16 : memref<!tpu.dma_semaphore, #tpu.memory_space<semaphore_mem>>)
      %dma_start3A_1152 = arith.constant 2 : i32
      %dma_start3A_1153 = arith.constant 256 : i32
      %dma_start3A_1154 = arith.constant 0 : i32
      %dma_start3A_1155 = tpu.memref_slice %arg13[%dma_start3A_1153, %dma_start3A_1154] : memref<1024x32xf32, #tpu.memory_space<vmem>> -> memref<128x32xf32, #tpu.memory_space<vmem>>
      %dma_start3A_1156 = arith.constant 0 : i32
      %dma_start3A_1157 = tpu.memref_slice %arg10[%dma_start3A_1152, %dma_start3A_1156] : memref<8x128xi32, #tpu.memory_space<vmem>> -> memref<1x128xi32, #tpu.memory_space<vmem>>
      %dma_start3A_1158 = tpu.memref_squeeze %dma_start3A_1157 : memref<1x128xi32, #tpu.memory_space<vmem>> -> memref<128xi32, #tpu.memory_space<vmem>>
      %dma_start3A_1159 = arith.constant 0 : i32
      %dma_start3A_1160 = arith.constant 0 : i32
      %dma_start3A_1161 = tpu.memref_slice %arg4[%dma_start3A_1159, %dma_start3A_1160] : memref<600000x32xf32, #tpu.memory_space<hbm>> -> memref<600000x32xf32, #tpu.memory_space<hbm>>
      tpu.enqueue_indirect_dma source(%dma_start3A_1161 : memref<600000x32xf32, #tpu.memory_space<hbm>>) target(%dma_start3A_1155 : memref<128x32xf32, #tpu.memory_space<vmem>>) offsets(%dma_start3A_1158 : memref<128xi32, #tpu.memory_space<vmem>>) semaphore(%arg16 : memref<!tpu.dma_semaphore, #tpu.memory_space<semaphore_mem>>)
      %dma_start3A_1162 = arith.constant 3 : i32
      %dma_start3A_1163 = arith.constant 384 : i32
      %dma_start3A_1164 = arith.constant 0 : i32
      %dma_start3A_1165 = tpu.memref_slice %arg13[%dma_start3A_1163, %dma_start3A_1164] : memref<1024x32xf32, #tpu.memory_space<vmem>> -> memref<128x32xf32, #tpu.memory_space<vmem>>
      %dma_start3A_1166 = arith.constant 0 : i32
      %dma_start3A_1167 = tpu.memref_slice %arg10[%dma_start3A_1162, %dma_start3A_1166] : memref<8x128xi32, #tpu.memory_space<vmem>> -> memref<1x128xi32, #tpu.memory_space<vmem>>
      %dma_start3A_1168 = tpu.memref_squeeze %dma_start3A_1167 : memref<1x128xi32, #tpu.memory_space<vmem>> -> memref<128xi32, #tpu.memory_space<vmem>>
      %dma_start3A_1169 = arith.constant 0 : i32
      %dma_start3A_1170 = arith.constant 0 : i32
      %dma_start3A_1171 = tpu.memref_slice %arg4[%dma_start3A_1169, %dma_start3A_1170] : memref<600000x32xf32, #tpu.memory_space<hbm>> -> memref<600000x32xf32, #tpu.memory_space<hbm>>
      tpu.enqueue_indirect_dma source(%dma_start3A_1171 : memref<600000x32xf32, #tpu.memory_space<hbm>>) target(%dma_start3A_1165 : memref<128x32xf32, #tpu.memory_space<vmem>>) offsets(%dma_start3A_1168 : memref<128xi32, #tpu.memory_space<vmem>>) semaphore(%arg16 : memref<!tpu.dma_semaphore, #tpu.memory_space<semaphore_mem>>)
      %dma_start3A_1172 = arith.constant 4 : i32
      %dma_start3A_1173 = arith.constant 512 : i32
      %dma_start3A_1174 = arith.constant 0 : i32
      %dma_start3A_1175 = tpu.memref_slice %arg13[%dma_start3A_1173, %dma_start3A_1174] : memref<1024x32xf32, #tpu.memory_space<vmem>> -> memref<128x32xf32, #tpu.memory_space<vmem>>
      %dma_start3A_1176 = arith.constant 0 : i32
      %dma_start3A_1177 = tpu.memref_slice %arg10[%dma_start3A_1172, %dma_start3A_1176] : memref<8x128xi32, #tpu.memory_space<vmem>> -> memref<1x128xi32, #tpu.memory_space<vmem>>
      %dma_start3A_1178 = tpu.memref_squeeze %dma_start3A_1177 : memref<1x128xi32, #tpu.memory_space<vmem>> -> memref<128xi32, #tpu.memory_space<vmem>>
      %dma_start3A_1179 = arith.constant 0 : i32
      %dma_start3A_1180 = arith.constant 0 : i32
      %dma_start3A_1181 = tpu.memref_slice %arg4[%dma_start3A_1179, %dma_start3A_1180] : memref<600000x32xf32, #tpu.memory_space<hbm>> -> memref<600000x32xf32, #tpu.memory_space<hbm>>
      tpu.enqueue_indirect_dma source(%dma_start3A_1181 : memref<600000x32xf32, #tpu.memory_space<hbm>>) target(%dma_start3A_1175 : memref<128x32xf32, #tpu.memory_space<vmem>>) offsets(%dma_start3A_1178 : memref<128xi32, #tpu.memory_space<vmem>>) semaphore(%arg16 : memref<!tpu.dma_semaphore, #tpu.memory_space<semaphore_mem>>)
      %dma_start3A_1182 = arith.constant 5 : i32
      %dma_start3A_1183 = arith.constant 640 : i32
      %dma_start3A_1184 = arith.constant 0 : i32
      %dma_start3A_1185 = tpu.memref_slice %arg13[%dma_start3A_1183, %dma_start3A_1184] : memref<1024x32xf32, #tpu.memory_space<vmem>> -> memref<128x32xf32, #tpu.memory_space<vmem>>
      %dma_start3A_1186 = arith.constant 0 : i32
      %dma_start3A_1187 = tpu.memref_slice %arg10[%dma_start3A_1182, %dma_start3A_1186] : memref<8x128xi32, #tpu.memory_space<vmem>> -> memref<1x128xi32, #tpu.memory_space<vmem>>
      %dma_start3A_1188 = tpu.memref_squeeze %dma_start3A_1187 : memref<1x128xi32, #tpu.memory_space<vmem>> -> memref<128xi32, #tpu.memory_space<vmem>>
      %dma_start3A_1189 = arith.constant 0 : i32
      %dma_start3A_1190 = arith.constant 0 : i32
      %dma_start3A_1191 = tpu.memref_slice %arg4[%dma_start3A_1189, %dma_start3A_1190] : memref<600000x32xf32, #tpu.memory_space<hbm>> -> memref<600000x32xf32, #tpu.memory_space<hbm>>
      tpu.enqueue_indirect_dma source(%dma_start3A_1191 : memref<600000x32xf32, #tpu.memory_space<hbm>>) target(%dma_start3A_1185 : memref<128x32xf32, #tpu.memory_space<vmem>>) offsets(%dma_start3A_1188 : memref<128xi32, #tpu.memory_space<vmem>>) semaphore(%arg16 : memref<!tpu.dma_semaphore, #tpu.memory_space<semaphore_mem>>)
      %dma_start3A_1192 = arith.constant 6 : i32
      %dma_start3A_1193 = arith.constant 768 : i32
      %dma_start3A_1194 = arith.constant 0 : i32
      %dma_start3A_1195 = tpu.memref_slice %arg13[%dma_start3A_1193, %dma_start3A_1194] : memref<1024x32xf32, #tpu.memory_space<vmem>> -> memref<128x32xf32, #tpu.memory_space<vmem>>
      %dma_start3A_1196 = arith.constant 0 : i32
      %dma_start3A_1197 = tpu.memref_slice %arg10[%dma_start3A_1192, %dma_start3A_1196] : memref<8x128xi32, #tpu.memory_space<vmem>> -> memref<1x128xi32, #tpu.memory_space<vmem>>
      %dma_start3A_1198 = tpu.memref_squeeze %dma_start3A_1197 : memref<1x128xi32, #tpu.memory_space<vmem>> -> memref<128xi32, #tpu.memory_space<vmem>>
      %dma_start3A_1199 = arith.constant 0 : i32
      %dma_start3A_1200 = arith.constant 0 : i32
      %dma_start3A_1201 = tpu.memref_slice %arg4[%dma_start3A_1199, %dma_start3A_1200] : memref<600000x32xf32, #tpu.memory_space<hbm>> -> memref<600000x32xf32, #tpu.memory_space<hbm>>
      tpu.enqueue_indirect_dma source(%dma_start3A_1201 : memref<600000x32xf32, #tpu.memory_space<hbm>>) target(%dma_start3A_1195 : memref<128x32xf32, #tpu.memory_space<vmem>>) offsets(%dma_start3A_1198 : memref<128xi32, #tpu.memory_space<vmem>>) semaphore(%arg16 : memref<!tpu.dma_semaphore, #tpu.memory_space<semaphore_mem>>)
      %dma_start3A_1202 = arith.constant 7 : i32
      %dma_start3A_1203 = arith.constant 896 : i32
      %dma_start3A_1204 = arith.constant 0 : i32
      %dma_start3A_1205 = tpu.memref_slice %arg13[%dma_start3A_1203, %dma_start3A_1204] : memref<1024x32xf32, #tpu.memory_space<vmem>> -> memref<128x32xf32, #tpu.memory_space<vmem>>
      %dma_start3A_1206 = arith.constant 0 : i32
      %dma_start3A_1207 = tpu.memref_slice %arg10[%dma_start3A_1202, %dma_start3A_1206] : memref<8x128xi32, #tpu.memory_space<vmem>> -> memref<1x128xi32, #tpu.memory_space<vmem>>
      %dma_start3A_1208 = tpu.memref_squeeze %dma_start3A_1207 : memref<1x128xi32, #tpu.memory_space<vmem>> -> memref<128xi32, #tpu.memory_space<vmem>>
      %dma_start3A_1209 = arith.constant 0 : i32
      %dma_start3A_1210 = arith.constant 0 : i32
      %dma_start3A_1211 = tpu.memref_slice %arg4[%dma_start3A_1209, %dma_start3A_1210] : memref<600000x32xf32, #tpu.memory_space<hbm>> -> memref<600000x32xf32, #tpu.memory_space<hbm>>
      tpu.enqueue_indirect_dma source(%dma_start3A_1211 : memref<600000x32xf32, #tpu.memory_space<hbm>>) target(%dma_start3A_1205 : memref<128x32xf32, #tpu.memory_space<vmem>>) offsets(%dma_start3A_1208 : memref<128xi32, #tpu.memory_space<vmem>>) semaphore(%arg16 : memref<!tpu.dma_semaphore, #tpu.memory_space<semaphore_mem>>)
      "tpu.region"() ({
        %run_scoped3A = tpu.sem_alloc : memref<!tpu.dma_semaphore, #tpu.memory_space<semaphore_mem>>
        %dma_start3A_1242 = arith.constant 0 : i32
        %dma_start3A_1243 = tpu.memref_slice %arg5[%dma_start3A_1242, %add3A_611] : memref<8x262144xf32, #tpu.memory_space<hbm>> -> memref<8x128xf32, #tpu.memory_space<hbm>>
        %dma_start3A_1244 = arith.constant 0 : i32
        %dma_start3A_1245 = tpu.memref_slice %arg5[%dma_start3A_1244, %add3A_611] : memref<8x262144xf32, #tpu.memory_space<hbm>> -> memref<8x128xf32, #tpu.memory_space<hbm>>
        tpu.enqueue_dma source(%dma_start3A_1245 : memref<8x128xf32, #tpu.memory_space<hbm>>) target(%arg11 : memref<8x128xf32, #tpu.memory_space<vmem>>) target_semaphore(%run_scoped3A : memref<!tpu.dma_semaphore, #tpu.memory_space<semaphore_mem>>)
        %dma_wait3A_1246 = arith.constant 0 : i32
        %dma_wait3A_1247 = tpu.memref_slice %arg5[%dma_wait3A_1246, %add3A_611] : memref<8x262144xf32, #tpu.memory_space<hbm>> -> memref<8x128xf32, #tpu.memory_space<hbm>>
        %dma_wait3A_1248 = arith.constant 0 : i32
        %dma_wait3A_1249 = tpu.memref_slice %arg5[%dma_wait3A_1248, %add3A_611] : memref<8x262144xf32, #tpu.memory_space<hbm>> -> memref<8x128xf32, #tpu.memory_space<hbm>>
        tpu.wait_dma2 semaphore(%run_scoped3A : memref<!tpu.dma_semaphore, #tpu.memory_space<semaphore_mem>>) src(%dma_wait3A_1249 : memref<8x128xf32, #tpu.memory_space<hbm>>) dst(%arg11 : memref<8x128xf32, #tpu.memory_space<vmem>>)
        tpu.yield
      }) : () -> ()
      %dma_wait3A_1212 = arith.constant 0 : i32
      %dma_wait3A_1213 = arith.constant 0 : i32
      %dma_wait3A_1214 = tpu.memref_slice %arg4[%dma_wait3A_1212, %dma_wait3A_1213] : memref<600000x32xf32, #tpu.memory_space<hbm>> -> memref<1024x32xf32, #tpu.memory_space<hbm>>
      %dma_wait3A_1215 = arith.constant 0 : i32
      %dma_wait3A_1216 = arith.constant 0 : i32
      %dma_wait3A_1217 = tpu.memref_slice %arg4[%dma_wait3A_1215, %dma_wait3A_1216] : memref<600000x32xf32, #tpu.memory_space<hbm>> -> memref<1024x32xf32, #tpu.memory_space<hbm>>
      tpu.wait_dma2 semaphore(%arg16 : memref<!tpu.dma_semaphore, #tpu.memory_space<semaphore_mem>>) src(%dma_wait3A_1217 : memref<1024x32xf32, #tpu.memory_space<hbm>>) dst(%arg12 : memref<1024x32xf32, #tpu.memory_space<vmem>>)
      %scan3A_1218 = arith.constant 0 : i32
      %scan3A_1219 = arith.constant 0 : i32
      %scan3A_1220 = arith.constant 64 : i32
      %scan3A_1221 = arith.addi %scan3A_1219, %scan3A_1220 : i32
      %scan3A_1222 = arith.constant 1 : i32
      scf.for %scan3A_1242 = %scan3A_1219 to %scan3A_1221 step %scan3A_1222  : i32 {
        %mul3A_1243 = arith.constant 2 : i32
        %mul3A_1244 = arith.muli %mul3A_1243, %scan3A_1242 : i32
        %add3A_1245 = vector.broadcast %mul3A_1244 : i32 to vector<16xi32>
        %add3A_1246 = arith.addi %shift_right_logical3A_4, %add3A_1245 : vector<16xi32>
        %gather3A_1247 = tpu.vector_load_idx %arg11[%and3A_6, %add3A_1246] : memref<8x128xf32, #tpu.memory_space<vmem>>[vector<16xi32>, vector<16xi32>], vector<16xf32>,
        %mul3A_1248 = arith.constant 2 : i32
        %mul3A_1249 = arith.muli %mul3A_1248, %scan3A_1242 : i32
        %add3A_1250 = arith.constant 0 : i32
        %add3A_1251 = arith.addi %mul3A_1249, %add3A_1250 : i32
        %broadcast_in_dim3A = arith.constant 0.000000e+00 : f32
        %broadcast_in_dim3A_1252 = vector.broadcast %broadcast_in_dim3A : f32 to vector<16xf32>
        %broadcast_in_dim3A_1253 = arith.constant 0.000000e+00 : f32
        %broadcast_in_dim3A_1254 = vector.broadcast %broadcast_in_dim3A_1253 : f32 to vector<16xf32>
        %broadcast_in_dim3A_1255 = arith.constant 0 : i32
        %broadcast_in_dim3A_1256 = vector.broadcast %broadcast_in_dim3A_1255 : i32 to vector<16xi32>
        %lt3A_1257 = arith.constant 0 : i32
        %lt3A_1258 = vector.broadcast %lt3A_1257 : i32 to vector<16xi32>
        %lt3A_1259 = arith.cmpi slt, %broadcast_in_dim3A_1256, %lt3A_1258 : vector<16xi32>
        %add3A_1260 = arith.constant 16 : i32
        %add3A_1261 = vector.broadcast %add3A_1260 : i32 to vector<16xi32>
        %add3A_1262 = arith.addi %broadcast_in_dim3A_1256, %add3A_1261 : vector<16xi32>
        %select_n3A = arith.select %lt3A_1259, %add3A_1262, %broadcast_in_dim3A_1256 : vector<16xi1>, vector<16xi32>
        %broadcast_in_dim3A_1263 = vector.shape_cast %select_n3A : vector<16xi32> to vector<16x1xi32>
        %gather3A_1264 = vector.shape_cast %broadcast_in_dim3A_1263 : vector<16x1xi32> to vector<16xi32>
        %gather3A_1265 = tpu.dynamic_gather %gather3A_1247[%gather3A_1264] in [0] : vector<16xf32>, vector<16xi32> -> vector<16xf32>
        %mul3A_1266 = arith.constant 8 : i32
        %mul3A_1267 = arith.muli %mul3A_1266, %add3A_1251 : i32
        %add3A_1268 = arith.constant 0 : i32
        %add3A_1269 = arith.addi %mul3A_1267, %add3A_1268 : i32
        %get3A = arith.index_cast %add3A_1269 : i32 to index
        %get3A_1270 = arith.constant 0 : index
        %get3A_1271 = tpu.vector_load %arg12[%get3A, %get3A_1270] {strides = array<i32>} : memref<1024x32xf32, #tpu.memory_space<vmem>>, vector<16xf32>,
        %mul3A_1272 = arith.constant 8 : i32
        %mul3A_1273 = arith.muli %mul3A_1272, %add3A_1251 : i32
        %add3A_1274 = arith.constant 0 : i32
        %add3A_1275 = arith.addi %mul3A_1273, %add3A_1274 : i32
        %get3A_1276 = arith.index_cast %add3A_1275 : i32 to index
        %get3A_1277 = arith.constant 12 : index
        %get3A_1278 = tpu.vector_load %arg12[%get3A_1276, %get3A_1277] {strides = array<i32>} : memref<1024x32xf32, #tpu.memory_space<vmem>>, vector<16xf32>,
        %mul3A_1279 = arith.mulf %gather3A_1265, %get3A_1271 : vector<16xf32>
        %add3A_1280 = arith.addf %broadcast_in_dim3A_1252, %mul3A_1279 : vector<16xf32>
        %mul3A_1281 = arith.mulf %gather3A_1265, %get3A_1278 : vector<16xf32>
        %add3A_1282 = arith.addf %broadcast_in_dim3A_1254, %mul3A_1281 : vector<16xf32>
        %broadcast_in_dim3A_1283 = arith.constant 1 : i32
        %broadcast_in_dim3A_1284 = vector.broadcast %broadcast_in_dim3A_1283 : i32 to vector<16xi32>
        %lt3A_1285 = arith.constant 0 : i32
        %lt3A_1286 = vector.broadcast %lt3A_1285 : i32 to vector<16xi32>
        %lt3A_1287 = arith.cmpi slt, %broadcast_in_dim3A_1284, %lt3A_1286 : vector<16xi32>
        %add3A_1288 = arith.constant 16 : i32
        %add3A_1289 = vector.broadcast %add3A_1288 : i32 to vector<16xi32>
        %add3A_1290 = arith.addi %broadcast_in_dim3A_1284, %add3A_1289 : vector<16xi32>
        %select_n3A_1291 = arith.select %lt3A_1287, %add3A_1290, %broadcast_in_dim3A_1284 : vector<16xi1>, vector<16xi32>
        %broadcast_in_dim3A_1292 = vector.shape_cast %select_n3A_1291 : vector<16xi32> to vector<16x1xi32>
        %gather3A_1293 = vector.shape_cast %broadcast_in_dim3A_1292 : vector<16x1xi32> to vector<16xi32>
        %gather3A_1294 = tpu.dynamic_gather %gather3A_1247[%gather3A_1293] in [0] : vector<16xf32>, vector<16xi32> -> vector<16xf32>
        %mul3A_1295 = arith.constant 8 : i32
        %mul3A_1296 = arith.muli %mul3A_1295, %add3A_1251 : i32
        %add3A_1297 = arith.constant 1 : i32
        %add3A_1298 = arith.addi %mul3A_1296, %add3A_1297 : i32
        %get3A_1299 = arith.index_cast %add3A_1298 : i32 to index
        %get3A_1300 = arith.constant 0 : index
        %get3A_1301 = tpu.vector_load %arg12[%get3A_1299, %get3A_1300] {strides = array<i32>} : memref<1024x32xf32, #tpu.memory_space<vmem>>, vector<16xf32>,
        %mul3A_1302 = arith.constant 8 : i32
        %mul3A_1303 = arith.muli %mul3A_1302, %add3A_1251 : i32
        %add3A_1304 = arith.constant 1 : i32
        %add3A_1305 = arith.addi %mul3A_1303, %add3A_1304 : i32
        %get3A_1306 = arith.index_cast %add3A_1305 : i32 to index
        %get3A_1307 = arith.constant 12 : index
        %get3A_1308 = tpu.vector_load %arg12[%get3A_1306, %get3A_1307] {strides = array<i32>} : memref<1024x32xf32, #tpu.memory_space<vmem>>, vector<16xf32>,
        %mul3A_1309 = arith.mulf %gather3A_1294, %get3A_1301 : vector<16xf32>
        %add3A_1310 = arith.addf %add3A_1280, %mul3A_1309 : vector<16xf32>
        %mul3A_1311 = arith.mulf %gather3A_1294, %get3A_1308 : vector<16xf32>
        %add3A_1312 = arith.addf %add3A_1282, %mul3A_1311 : vector<16xf32>
        %broadcast_in_dim3A_1313 = arith.constant 2 : i32
        %broadcast_in_dim3A_1314 = vector.broadcast %broadcast_in_dim3A_1313 : i32 to vector<16xi32>
        %lt3A_1315 = arith.constant 0 : i32
        %lt3A_1316 = vector.broadcast %lt3A_1315 : i32 to vector<16xi32>
        %lt3A_1317 = arith.cmpi slt, %broadcast_in_dim3A_1314, %lt3A_1316 : vector<16xi32>
        %add3A_1318 = arith.constant 16 : i32
        %add3A_1319 = vector.broadcast %add3A_1318 : i32 to vector<16xi32>
        %add3A_1320 = arith.addi %broadcast_in_dim3A_1314, %add3A_1319 : vector<16xi32>
        %select_n3A_1321 = arith.select %lt3A_1317, %add3A_1320, %broadcast_in_dim3A_1314 : vector<16xi1>, vector<16xi32>
        %broadcast_in_dim3A_1322 = vector.shape_cast %select_n3A_1321 : vector<16xi32> to vector<16x1xi32>
        %gather3A_1323 = vector.shape_cast %broadcast_in_dim3A_1322 : vector<16x1xi32> to vector<16xi32>
        %gather3A_1324 = tpu.dynamic_gather %gather3A_1247[%gather3A_1323] in [0] : vector<16xf32>, vector<16xi32> -> vector<16xf32>
        %mul3A_1325 = arith.constant 8 : i32
        %mul3A_1326 = arith.muli %mul3A_1325, %add3A_1251 : i32
        %add3A_1327 = arith.constant 2 : i32
        %add3A_1328 = arith.addi %mul3A_1326, %add3A_1327 : i32
        %get3A_1329 = arith.index_cast %add3A_1328 : i32 to index
        %get3A_1330 = arith.constant 0 : index
        %get3A_1331 = tpu.vector_load %arg12[%get3A_1329, %get3A_1330] {strides = array<i32>} : memref<1024x32xf32, #tpu.memory_space<vmem>>, vector<16xf32>,
        %mul3A_1332 = arith.constant 8 : i32
        %mul3A_1333 = arith.muli %mul3A_1332, %add3A_1251 : i32
        %add3A_1334 = arith.constant 2 : i32
        %add3A_1335 = arith.addi %mul3A_1333, %add3A_1334 : i32
        %get3A_1336 = arith.index_cast %add3A_1335 : i32 to index
        %get3A_1337 = arith.constant 12 : index
        %get3A_1338 = tpu.vector_load %arg12[%get3A_1336, %get3A_1337] {strides = array<i32>} : memref<1024x32xf32, #tpu.memory_space<vmem>>, vector<16xf32>,
        %mul3A_1339 = arith.mulf %gather3A_1324, %get3A_1331 : vector<16xf32>
        %add3A_1340 = arith.addf %add3A_1310, %mul3A_1339 : vector<16xf32>
        %mul3A_1341 = arith.mulf %gather3A_1324, %get3A_1338 : vector<16xf32>
        %add3A_1342 = arith.addf %add3A_1312, %mul3A_1341 : vector<16xf32>
        %broadcast_in_dim3A_1343 = arith.constant 3 : i32
        %broadcast_in_dim3A_1344 = vector.broadcast %broadcast_in_dim3A_1343 : i32 to vector<16xi32>
        %lt3A_1345 = arith.constant 0 : i32
        %lt3A_1346 = vector.broadcast %lt3A_1345 : i32 to vector<16xi32>
        %lt3A_1347 = arith.cmpi slt, %broadcast_in_dim3A_1344, %lt3A_1346 : vector<16xi32>
        %add3A_1348 = arith.constant 16 : i32
        %add3A_1349 = vector.broadcast %add3A_1348 : i32 to vector<16xi32>
        %add3A_1350 = arith.addi %broadcast_in_dim3A_1344, %add3A_1349 : vector<16xi32>
        %select_n3A_1351 = arith.select %lt3A_1347, %add3A_1350, %broadcast_in_dim3A_1344 : vector<16xi1>, vector<16xi32>
        %broadcast_in_dim3A_1352 = vector.shape_cast %select_n3A_1351 : vector<16xi32> to vector<16x1xi32>
        %gather3A_1353 = vector.shape_cast %broadcast_in_dim3A_1352 : vector<16x1xi32> to vector<16xi32>
        %gather3A_1354 = tpu.dynamic_gather %gather3A_1247[%gather3A_1353] in [0] : vector<16xf32>, vector<16xi32> -> vector<16xf32>
        %mul3A_1355 = arith.constant 8 : i32
        %mul3A_1356 = arith.muli %mul3A_1355, %add3A_1251 : i32
        %add3A_1357 = arith.constant 3 : i32
        %add3A_1358 = arith.addi %mul3A_1356, %add3A_1357 : i32
        %get3A_1359 = arith.index_cast %add3A_1358 : i32 to index
        %get3A_1360 = arith.constant 0 : index
        %get3A_1361 = tpu.vector_load %arg12[%get3A_1359, %get3A_1360] {strides = array<i32>} : memref<1024x32xf32, #tpu.memory_space<vmem>>, vector<16xf32>,
        %mul3A_1362 = arith.constant 8 : i32
        %mul3A_1363 = arith.muli %mul3A_1362, %add3A_1251 : i32
        %add3A_1364 = arith.constant 3 : i32
        %add3A_1365 = arith.addi %mul3A_1363, %add3A_1364 : i32
        %get3A_1366 = arith.index_cast %add3A_1365 : i32 to index
        %get3A_1367 = arith.constant 12 : index
        %get3A_1368 = tpu.vector_load %arg12[%get3A_1366, %get3A_1367] {strides = array<i32>} : memref<1024x32xf32, #tpu.memory_space<vmem>>, vector<16xf32>,
        %mul3A_1369 = arith.mulf %gather3A_1354, %get3A_1361 : vector<16xf32>
        %add3A_1370 = arith.addf %add3A_1340, %mul3A_1369 : vector<16xf32>
        %mul3A_1371 = arith.mulf %gather3A_1354, %get3A_1368 : vector<16xf32>
        %add3A_1372 = arith.addf %add3A_1342, %mul3A_1371 : vector<16xf32>
        %broadcast_in_dim3A_1373 = arith.constant 4 : i32
        %broadcast_in_dim3A_1374 = vector.broadcast %broadcast_in_dim3A_1373 : i32 to vector<16xi32>
        %lt3A_1375 = arith.constant 0 : i32
        %lt3A_1376 = vector.broadcast %lt3A_1375 : i32 to vector<16xi32>
        %lt3A_1377 = arith.cmpi slt, %broadcast_in_dim3A_1374, %lt3A_1376 : vector<16xi32>
        %add3A_1378 = arith.constant 16 : i32
        %add3A_1379 = vector.broadcast %add3A_1378 : i32 to vector<16xi32>
        %add3A_1380 = arith.addi %broadcast_in_dim3A_1374, %add3A_1379 : vector<16xi32>
        %select_n3A_1381 = arith.select %lt3A_1377, %add3A_1380, %broadcast_in_dim3A_1374 : vector<16xi1>, vector<16xi32>
        %broadcast_in_dim3A_1382 = vector.shape_cast %select_n3A_1381 : vector<16xi32> to vector<16x1xi32>
        %gather3A_1383 = vector.shape_cast %broadcast_in_dim3A_1382 : vector<16x1xi32> to vector<16xi32>
        %gather3A_1384 = tpu.dynamic_gather %gather3A_1247[%gather3A_1383] in [0] : vector<16xf32>, vector<16xi32> -> vector<16xf32>
        %mul3A_1385 = arith.constant 8 : i32
        %mul3A_1386 = arith.muli %mul3A_1385, %add3A_1251 : i32
        %add3A_1387 = arith.constant 4 : i32
        %add3A_1388 = arith.addi %mul3A_1386, %add3A_1387 : i32
        %get3A_1389 = arith.index_cast %add3A_1388 : i32 to index
        %get3A_1390 = arith.constant 0 : index
        %get3A_1391 = tpu.vector_load %arg12[%get3A_1389, %get3A_1390] {strides = array<i32>} : memref<1024x32xf32, #tpu.memory_space<vmem>>, vector<16xf32>,
        %mul3A_1392 = arith.constant 8 : i32
        %mul3A_1393 = arith.muli %mul3A_1392, %add3A_1251 : i32
        %add3A_1394 = arith.constant 4 : i32
        %add3A_1395 = arith.addi %mul3A_1393, %add3A_1394 : i32
        %get3A_1396 = arith.index_cast %add3A_1395 : i32 to index
        %get3A_1397 = arith.constant 12 : index
        %get3A_1398 = tpu.vector_load %arg12[%get3A_1396, %get3A_1397] {strides = array<i32>} : memref<1024x32xf32, #tpu.memory_space<vmem>>, vector<16xf32>,
        %mul3A_1399 = arith.mulf %gather3A_1384, %get3A_1391 : vector<16xf32>
        %add3A_1400 = arith.addf %add3A_1370, %mul3A_1399 : vector<16xf32>
        %mul3A_1401 = arith.mulf %gather3A_1384, %get3A_1398 : vector<16xf32>
        %add3A_1402 = arith.addf %add3A_1372, %mul3A_1401 : vector<16xf32>
        %broadcast_in_dim3A_1403 = arith.constant 5 : i32
        %broadcast_in_dim3A_1404 = vector.broadcast %broadcast_in_dim3A_1403 : i32 to vector<16xi32>
        %lt3A_1405 = arith.constant 0 : i32
        %lt3A_1406 = vector.broadcast %lt3A_1405 : i32 to vector<16xi32>
        %lt3A_1407 = arith.cmpi slt, %broadcast_in_dim3A_1404, %lt3A_1406 : vector<16xi32>
        %add3A_1408 = arith.constant 16 : i32
        %add3A_1409 = vector.broadcast %add3A_1408 : i32 to vector<16xi32>
        %add3A_1410 = arith.addi %broadcast_in_dim3A_1404, %add3A_1409 : vector<16xi32>
        %select_n3A_1411 = arith.select %lt3A_1407, %add3A_1410, %broadcast_in_dim3A_1404 : vector<16xi1>, vector<16xi32>
        %broadcast_in_dim3A_1412 = vector.shape_cast %select_n3A_1411 : vector<16xi32> to vector<16x1xi32>
        %gather3A_1413 = vector.shape_cast %broadcast_in_dim3A_1412 : vector<16x1xi32> to vector<16xi32>
        %gather3A_1414 = tpu.dynamic_gather %gather3A_1247[%gather3A_1413] in [0] : vector<16xf32>, vector<16xi32> -> vector<16xf32>
        %mul3A_1415 = arith.constant 8 : i32
        %mul3A_1416 = arith.muli %mul3A_1415, %add3A_1251 : i32
        %add3A_1417 = arith.constant 5 : i32
        %add3A_1418 = arith.addi %mul3A_1416, %add3A_1417 : i32
        %get3A_1419 = arith.index_cast %add3A_1418 : i32 to index
        %get3A_1420 = arith.constant 0 : index
        %get3A_1421 = tpu.vector_load %arg12[%get3A_1419, %get3A_1420] {strides = array<i32>} : memref<1024x32xf32, #tpu.memory_space<vmem>>, vector<16xf32>,
        %mul3A_1422 = arith.constant 8 : i32
        %mul3A_1423 = arith.muli %mul3A_1422, %add3A_1251 : i32
        %add3A_1424 = arith.constant 5 : i32
        %add3A_1425 = arith.addi %mul3A_1423, %add3A_1424 : i32
        %get3A_1426 = arith.index_cast %add3A_1425 : i32 to index
        %get3A_1427 = arith.constant 12 : index
        %get3A_1428 = tpu.vector_load %arg12[%get3A_1426, %get3A_1427] {strides = array<i32>} : memref<1024x32xf32, #tpu.memory_space<vmem>>, vector<16xf32>,
        %mul3A_1429 = arith.mulf %gather3A_1414, %get3A_1421 : vector<16xf32>
        %add3A_1430 = arith.addf %add3A_1400, %mul3A_1429 : vector<16xf32>
        %mul3A_1431 = arith.mulf %gather3A_1414, %get3A_1428 : vector<16xf32>
        %add3A_1432 = arith.addf %add3A_1402, %mul3A_1431 : vector<16xf32>
        %broadcast_in_dim3A_1433 = arith.constant 6 : i32
        %broadcast_in_dim3A_1434 = vector.broadcast %broadcast_in_dim3A_1433 : i32 to vector<16xi32>
        %lt3A_1435 = arith.constant 0 : i32
        %lt3A_1436 = vector.broadcast %lt3A_1435 : i32 to vector<16xi32>
        %lt3A_1437 = arith.cmpi slt, %broadcast_in_dim3A_1434, %lt3A_1436 : vector<16xi32>
        %add3A_1438 = arith.constant 16 : i32
        %add3A_1439 = vector.broadcast %add3A_1438 : i32 to vector<16xi32>
        %add3A_1440 = arith.addi %broadcast_in_dim3A_1434, %add3A_1439 : vector<16xi32>
        %select_n3A_1441 = arith.select %lt3A_1437, %add3A_1440, %broadcast_in_dim3A_1434 : vector<16xi1>, vector<16xi32>
        %broadcast_in_dim3A_1442 = vector.shape_cast %select_n3A_1441 : vector<16xi32> to vector<16x1xi32>
        %gather3A_1443 = vector.shape_cast %broadcast_in_dim3A_1442 : vector<16x1xi32> to vector<16xi32>
        %gather3A_1444 = tpu.dynamic_gather %gather3A_1247[%gather3A_1443] in [0] : vector<16xf32>, vector<16xi32> -> vector<16xf32>
        %mul3A_1445 = arith.constant 8 : i32
        %mul3A_1446 = arith.muli %mul3A_1445, %add3A_1251 : i32
        %add3A_1447 = arith.constant 6 : i32
        %add3A_1448 = arith.addi %mul3A_1446, %add3A_1447 : i32
        %get3A_1449 = arith.index_cast %add3A_1448 : i32 to index
        %get3A_1450 = arith.constant 0 : index
        %get3A_1451 = tpu.vector_load %arg12[%get3A_1449, %get3A_1450] {strides = array<i32>} : memref<1024x32xf32, #tpu.memory_space<vmem>>, vector<16xf32>,
        %mul3A_1452 = arith.constant 8 : i32
        %mul3A_1453 = arith.muli %mul3A_1452, %add3A_1251 : i32
        %add3A_1454 = arith.constant 6 : i32
        %add3A_1455 = arith.addi %mul3A_1453, %add3A_1454 : i32
        %get3A_1456 = arith.index_cast %add3A_1455 : i32 to index
        %get3A_1457 = arith.constant 12 : index
        %get3A_1458 = tpu.vector_load %arg12[%get3A_1456, %get3A_1457] {strides = array<i32>} : memref<1024x32xf32, #tpu.memory_space<vmem>>, vector<16xf32>,
        %mul3A_1459 = arith.mulf %gather3A_1444, %get3A_1451 : vector<16xf32>
        %add3A_1460 = arith.addf %add3A_1430, %mul3A_1459 : vector<16xf32>
        %mul3A_1461 = arith.mulf %gather3A_1444, %get3A_1458 : vector<16xf32>
        %add3A_1462 = arith.addf %add3A_1432, %mul3A_1461 : vector<16xf32>
        %broadcast_in_dim3A_1463 = arith.constant 7 : i32
        %broadcast_in_dim3A_1464 = vector.broadcast %broadcast_in_dim3A_1463 : i32 to vector<16xi32>
        %lt3A_1465 = arith.constant 0 : i32
        %lt3A_1466 = vector.broadcast %lt3A_1465 : i32 to vector<16xi32>
        %lt3A_1467 = arith.cmpi slt, %broadcast_in_dim3A_1464, %lt3A_1466 : vector<16xi32>
        %add3A_1468 = arith.constant 16 : i32
        %add3A_1469 = vector.broadcast %add3A_1468 : i32 to vector<16xi32>
        %add3A_1470 = arith.addi %broadcast_in_dim3A_1464, %add3A_1469 : vector<16xi32>
        %select_n3A_1471 = arith.select %lt3A_1467, %add3A_1470, %broadcast_in_dim3A_1464 : vector<16xi1>, vector<16xi32>
        %broadcast_in_dim3A_1472 = vector.shape_cast %select_n3A_1471 : vector<16xi32> to vector<16x1xi32>
        %gather3A_1473 = vector.shape_cast %broadcast_in_dim3A_1472 : vector<16x1xi32> to vector<16xi32>
        %gather3A_1474 = tpu.dynamic_gather %gather3A_1247[%gather3A_1473] in [0] : vector<16xf32>, vector<16xi32> -> vector<16xf32>
        %mul3A_1475 = arith.constant 8 : i32
        %mul3A_1476 = arith.muli %mul3A_1475, %add3A_1251 : i32
        %add3A_1477 = arith.constant 7 : i32
        %add3A_1478 = arith.addi %mul3A_1476, %add3A_1477 : i32
        %get3A_1479 = arith.index_cast %add3A_1478 : i32 to index
        %get3A_1480 = arith.constant 0 : index
        %get3A_1481 = tpu.vector_load %arg12[%get3A_1479, %get3A_1480] {strides = array<i32>} : memref<1024x32xf32, #tpu.memory_space<vmem>>, vector<16xf32>,
        %mul3A_1482 = arith.constant 8 : i32
        %mul3A_1483 = arith.muli %mul3A_1482, %add3A_1251 : i32
        %add3A_1484 = arith.constant 7 : i32
        %add3A_1485 = arith.addi %mul3A_1483, %add3A_1484 : i32
        %get3A_1486 = arith.index_cast %add3A_1485 : i32 to index
        %get3A_1487 = arith.constant 12 : index
        %get3A_1488 = tpu.vector_load %arg12[%get3A_1486, %get3A_1487] {strides = array<i32>} : memref<1024x32xf32, #tpu.memory_space<vmem>>, vector<16xf32>,
        %mul3A_1489 = arith.mulf %gather3A_1474, %get3A_1481 : vector<16xf32>
        %add3A_1490 = arith.addf %add3A_1460, %mul3A_1489 : vector<16xf32>
        %mul3A_1491 = arith.mulf %gather3A_1474, %get3A_1488 : vector<16xf32>
        %add3A_1492 = arith.addf %add3A_1462, %mul3A_1491 : vector<16xf32>
        %swap3A_1493 = arith.index_cast %add3A_1251 : i32 to index
        %swap3A_1494 = arith.constant 0 : index
        %swap3A_1495 = tpu.vector_load %arg14[%swap3A_1493, %swap3A_1494] {strides = array<i32>} : memref<128x28xf32, #tpu.memory_space<vmem>>, vector<16xf32>,
        tpu.vector_store %arg14[%swap3A_1493, %swap3A_1494], %add3A_1490 {strides = array<i32>} : memref<128x28xf32, #tpu.memory_space<vmem>>, vector<16xf32>,
        %swap3A_1496 = arith.index_cast %add3A_1251 : i32 to index
        %swap3A_1497 = arith.constant 12 : index
        %swap3A_1498 = tpu.vector_load %arg14[%swap3A_1496, %swap3A_1497] {strides = array<i32>} : memref<128x28xf32, #tpu.memory_space<vmem>>, vector<16xf32>,
        tpu.vector_store %arg14[%swap3A_1496, %swap3A_1497], %add3A_1492 {strides = array<i32>} : memref<128x28xf32, #tpu.memory_space<vmem>>, vector<16xf32>,
        %mul3A_1499 = arith.constant 2 : i32
        %mul3A_1500 = arith.muli %mul3A_1499, %scan3A_1242 : i32
        %add3A_1501 = arith.constant 1 : i32
        %add3A_1502 = arith.addi %mul3A_1500, %add3A_1501 : i32
        %broadcast_in_dim3A_1503 = arith.constant 0.000000e+00 : f32
        %broadcast_in_dim3A_1504 = vector.broadcast %broadcast_in_dim3A_1503 : f32 to vector<16xf32>
        %broadcast_in_dim3A_1505 = arith.constant 0.000000e+00 : f32
        %broadcast_in_dim3A_1506 = vector.broadcast %broadcast_in_dim3A_1505 : f32 to vector<16xf32>
        %broadcast_in_dim3A_1507 = arith.constant 8 : i32
        %broadcast_in_dim3A_1508 = vector.broadcast %broadcast_in_dim3A_1507 : i32 to vector<16xi32>
        %lt3A_1509 = arith.constant 0 : i32
        %lt3A_1510 = vector.broadcast %lt3A_1509 : i32 to vector<16xi32>
        %lt3A_1511 = arith.cmpi slt, %broadcast_in_dim3A_1508, %lt3A_1510 : vector<16xi32>
        %add3A_1512 = arith.constant 16 : i32
        %add3A_1513 = vector.broadcast %add3A_1512 : i32 to vector<16xi32>
        %add3A_1514 = arith.addi %broadcast_in_dim3A_1508, %add3A_1513 : vector<16xi32>
        %select_n3A_1515 = arith.select %lt3A_1511, %add3A_1514, %broadcast_in_dim3A_1508 : vector<16xi1>, vector<16xi32>
        %broadcast_in_dim3A_1516 = vector.shape_cast %select_n3A_1515 : vector<16xi32> to vector<16x1xi32>
        %gather3A_1517 = vector.shape_cast %broadcast_in_dim3A_1516 : vector<16x1xi32> to vector<16xi32>
        %gather3A_1518 = tpu.dynamic_gather %gather3A_1247[%gather3A_1517] in [0] : vector<16xf32>, vector<16xi32> -> vector<16xf32>
        %mul3A_1519 = arith.constant 8 : i32
        %mul3A_1520 = arith.muli %mul3A_1519, %add3A_1502 : i32
        %add3A_1521 = arith.constant 0 : i32
        %add3A_1522 = arith.addi %mul3A_1520, %add3A_1521 : i32
        %get3A_1523 = arith.index_cast %add3A_1522 : i32 to index
        %get3A_1524 = arith.constant 0 : index
        %get3A_1525 = tpu.vector_load %arg12[%get3A_1523, %get3A_1524] {strides = array<i32>} : memref<1024x32xf32, #tpu.memory_space<vmem>>, vector<16xf32>,
        %mul3A_1526 = arith.constant 8 : i32
        %mul3A_1527 = arith.muli %mul3A_1526, %add3A_1502 : i32
        %add3A_1528 = arith.constant 0 : i32
        %add3A_1529 = arith.addi %mul3A_1527, %add3A_1528 : i32
        %get3A_1530 = arith.index_cast %add3A_1529 : i32 to index
        %get3A_1531 = arith.constant 12 : index
        %get3A_1532 = tpu.vector_load %arg12[%get3A_1530, %get3A_1531] {strides = array<i32>} : memref<1024x32xf32, #tpu.memory_space<vmem>>, vector<16xf32>,
        %mul3A_1533 = arith.mulf %gather3A_1518, %get3A_1525 : vector<16xf32>
        %add3A_1534 = arith.addf %broadcast_in_dim3A_1504, %mul3A_1533 : vector<16xf32>
        %mul3A_1535 = arith.mulf %gather3A_1518, %get3A_1532 : vector<16xf32>
        %add3A_1536 = arith.addf %broadcast_in_dim3A_1506, %mul3A_1535 : vector<16xf32>
        %broadcast_in_dim3A_1537 = arith.constant 9 : i32
        %broadcast_in_dim3A_1538 = vector.broadcast %broadcast_in_dim3A_1537 : i32 to vector<16xi32>
        %lt3A_1539 = arith.constant 0 : i32
        %lt3A_1540 = vector.broadcast %lt3A_1539 : i32 to vector<16xi32>
        %lt3A_1541 = arith.cmpi slt, %broadcast_in_dim3A_1538, %lt3A_1540 : vector<16xi32>
        %add3A_1542 = arith.constant 16 : i32
        %add3A_1543 = vector.broadcast %add3A_1542 : i32 to vector<16xi32>
        %add3A_1544 = arith.addi %broadcast_in_dim3A_1538, %add3A_1543 : vector<16xi32>
        %select_n3A_1545 = arith.select %lt3A_1541, %add3A_1544, %broadcast_in_dim3A_1538 : vector<16xi1>, vector<16xi32>
        %broadcast_in_dim3A_1546 = vector.shape_cast %select_n3A_1545 : vector<16xi32> to vector<16x1xi32>
        %gather3A_1547 = vector.shape_cast %broadcast_in_dim3A_1546 : vector<16x1xi32> to vector<16xi32>
        %gather3A_1548 = tpu.dynamic_gather %gather3A_1247[%gather3A_1547] in [0] : vector<16xf32>, vector<16xi32> -> vector<16xf32>
        %mul3A_1549 = arith.constant 8 : i32
        %mul3A_1550 = arith.muli %mul3A_1549, %add3A_1502 : i32
        %add3A_1551 = arith.constant 1 : i32
        %add3A_1552 = arith.addi %mul3A_1550, %add3A_1551 : i32
        %get3A_1553 = arith.index_cast %add3A_1552 : i32 to index
        %get3A_1554 = arith.constant 0 : index
        %get3A_1555 = tpu.vector_load %arg12[%get3A_1553, %get3A_1554] {strides = array<i32>} : memref<1024x32xf32, #tpu.memory_space<vmem>>, vector<16xf32>,
        %mul3A_1556 = arith.constant 8 : i32
        %mul3A_1557 = arith.muli %mul3A_1556, %add3A_1502 : i32
        %add3A_1558 = arith.constant 1 : i32
        %add3A_1559 = arith.addi %mul3A_1557, %add3A_1558 : i32
        %get3A_1560 = arith.index_cast %add3A_1559 : i32 to index
        %get3A_1561 = arith.constant 12 : index
        %get3A_1562 = tpu.vector_load %arg12[%get3A_1560, %get3A_1561] {strides = array<i32>} : memref<1024x32xf32, #tpu.memory_space<vmem>>, vector<16xf32>,
        %mul3A_1563 = arith.mulf %gather3A_1548, %get3A_1555 : vector<16xf32>
        %add3A_1564 = arith.addf %add3A_1534, %mul3A_1563 : vector<16xf32>
        %mul3A_1565 = arith.mulf %gather3A_1548, %get3A_1562 : vector<16xf32>
        %add3A_1566 = arith.addf %add3A_1536, %mul3A_1565 : vector<16xf32>
        %broadcast_in_dim3A_1567 = arith.constant 10 : i32
        %broadcast_in_dim3A_1568 = vector.broadcast %broadcast_in_dim3A_1567 : i32 to vector<16xi32>
        %lt3A_1569 = arith.constant 0 : i32
        %lt3A_1570 = vector.broadcast %lt3A_1569 : i32 to vector<16xi32>
        %lt3A_1571 = arith.cmpi slt, %broadcast_in_dim3A_1568, %lt3A_1570 : vector<16xi32>
        %add3A_1572 = arith.constant 16 : i32
        %add3A_1573 = vector.broadcast %add3A_1572 : i32 to vector<16xi32>
        %add3A_1574 = arith.addi %broadcast_in_dim3A_1568, %add3A_1573 : vector<16xi32>
        %select_n3A_1575 = arith.select %lt3A_1571, %add3A_1574, %broadcast_in_dim3A_1568 : vector<16xi1>, vector<16xi32>
        %broadcast_in_dim3A_1576 = vector.shape_cast %select_n3A_1575 : vector<16xi32> to vector<16x1xi32>
        %gather3A_1577 = vector.shape_cast %broadcast_in_dim3A_1576 : vector<16x1xi32> to vector<16xi32>
        %gather3A_1578 = tpu.dynamic_gather %gather3A_1247[%gather3A_1577] in [0] : vector<16xf32>, vector<16xi32> -> vector<16xf32>
        %mul3A_1579 = arith.constant 8 : i32
        %mul3A_1580 = arith.muli %mul3A_1579, %add3A_1502 : i32
        %add3A_1581 = arith.constant 2 : i32
        %add3A_1582 = arith.addi %mul3A_1580, %add3A_1581 : i32
        %get3A_1583 = arith.index_cast %add3A_1582 : i32 to index
        %get3A_1584 = arith.constant 0 : index
        %get3A_1585 = tpu.vector_load %arg12[%get3A_1583, %get3A_1584] {strides = array<i32>} : memref<1024x32xf32, #tpu.memory_space<vmem>>, vector<16xf32>,
        %mul3A_1586 = arith.constant 8 : i32
        %mul3A_1587 = arith.muli %mul3A_1586, %add3A_1502 : i32
        %add3A_1588 = arith.constant 2 : i32
        %add3A_1589 = arith.addi %mul3A_1587, %add3A_1588 : i32
        %get3A_1590 = arith.index_cast %add3A_1589 : i32 to index
        %get3A_1591 = arith.constant 12 : index
        %get3A_1592 = tpu.vector_load %arg12[%get3A_1590, %get3A_1591] {strides = array<i32>} : memref<1024x32xf32, #tpu.memory_space<vmem>>, vector<16xf32>,
        %mul3A_1593 = arith.mulf %gather3A_1578, %get3A_1585 : vector<16xf32>
        %add3A_1594 = arith.addf %add3A_1564, %mul3A_1593 : vector<16xf32>
        %mul3A_1595 = arith.mulf %gather3A_1578, %get3A_1592 : vector<16xf32>
        %add3A_1596 = arith.addf %add3A_1566, %mul3A_1595 : vector<16xf32>
        %broadcast_in_dim3A_1597 = arith.constant 11 : i32
        %broadcast_in_dim3A_1598 = vector.broadcast %broadcast_in_dim3A_1597 : i32 to vector<16xi32>
        %lt3A_1599 = arith.constant 0 : i32
        %lt3A_1600 = vector.broadcast %lt3A_1599 : i32 to vector<16xi32>
        %lt3A_1601 = arith.cmpi slt, %broadcast_in_dim3A_1598, %lt3A_1600 : vector<16xi32>
        %add3A_1602 = arith.constant 16 : i32
        %add3A_1603 = vector.broadcast %add3A_1602 : i32 to vector<16xi32>
        %add3A_1604 = arith.addi %broadcast_in_dim3A_1598, %add3A_1603 : vector<16xi32>
        %select_n3A_1605 = arith.select %lt3A_1601, %add3A_1604, %broadcast_in_dim3A_1598 : vector<16xi1>, vector<16xi32>
        %broadcast_in_dim3A_1606 = vector.shape_cast %select_n3A_1605 : vector<16xi32> to vector<16x1xi32>
        %gather3A_1607 = vector.shape_cast %broadcast_in_dim3A_1606 : vector<16x1xi32> to vector<16xi32>
        %gather3A_1608 = tpu.dynamic_gather %gather3A_1247[%gather3A_1607] in [0] : vector<16xf32>, vector<16xi32> -> vector<16xf32>
        %mul3A_1609 = arith.constant 8 : i32
        %mul3A_1610 = arith.muli %mul3A_1609, %add3A_1502 : i32
        %add3A_1611 = arith.constant 3 : i32
        %add3A_1612 = arith.addi %mul3A_1610, %add3A_1611 : i32
        %get3A_1613 = arith.index_cast %add3A_1612 : i32 to index
        %get3A_1614 = arith.constant 0 : index
        %get3A_1615 = tpu.vector_load %arg12[%get3A_1613, %get3A_1614] {strides = array<i32>} : memref<1024x32xf32, #tpu.memory_space<vmem>>, vector<16xf32>,
        %mul3A_1616 = arith.constant 8 : i32
        %mul3A_1617 = arith.muli %mul3A_1616, %add3A_1502 : i32
        %add3A_1618 = arith.constant 3 : i32
        %add3A_1619 = arith.addi %mul3A_1617, %add3A_1618 : i32
        %get3A_1620 = arith.index_cast %add3A_1619 : i32 to index
        %get3A_1621 = arith.constant 12 : index
        %get3A_1622 = tpu.vector_load %arg12[%get3A_1620, %get3A_1621] {strides = array<i32>} : memref<1024x32xf32, #tpu.memory_space<vmem>>, vector<16xf32>,
        %mul3A_1623 = arith.mulf %gather3A_1608, %get3A_1615 : vector<16xf32>
        %add3A_1624 = arith.addf %add3A_1594, %mul3A_1623 : vector<16xf32>
        %mul3A_1625 = arith.mulf %gather3A_1608, %get3A_1622 : vector<16xf32>
        %add3A_1626 = arith.addf %add3A_1596, %mul3A_1625 : vector<16xf32>
        %broadcast_in_dim3A_1627 = arith.constant 12 : i32
        %broadcast_in_dim3A_1628 = vector.broadcast %broadcast_in_dim3A_1627 : i32 to vector<16xi32>
        %lt3A_1629 = arith.constant 0 : i32
        %lt3A_1630 = vector.broadcast %lt3A_1629 : i32 to vector<16xi32>
        %lt3A_1631 = arith.cmpi slt, %broadcast_in_dim3A_1628, %lt3A_1630 : vector<16xi32>
        %add3A_1632 = arith.constant 16 : i32
        %add3A_1633 = vector.broadcast %add3A_1632 : i32 to vector<16xi32>
        %add3A_1634 = arith.addi %broadcast_in_dim3A_1628, %add3A_1633 : vector<16xi32>
        %select_n3A_1635 = arith.select %lt3A_1631, %add3A_1634, %broadcast_in_dim3A_1628 : vector<16xi1>, vector<16xi32>
        %broadcast_in_dim3A_1636 = vector.shape_cast %select_n3A_1635 : vector<16xi32> to vector<16x1xi32>
        %gather3A_1637 = vector.shape_cast %broadcast_in_dim3A_1636 : vector<16x1xi32> to vector<16xi32>
        %gather3A_1638 = tpu.dynamic_gather %gather3A_1247[%gather3A_1637] in [0] : vector<16xf32>, vector<16xi32> -> vector<16xf32>
        %mul3A_1639 = arith.constant 8 : i32
        %mul3A_1640 = arith.muli %mul3A_1639, %add3A_1502 : i32
        %add3A_1641 = arith.constant 4 : i32
        %add3A_1642 = arith.addi %mul3A_1640, %add3A_1641 : i32
        %get3A_1643 = arith.index_cast %add3A_1642 : i32 to index
        %get3A_1644 = arith.constant 0 : index
        %get3A_1645 = tpu.vector_load %arg12[%get3A_1643, %get3A_1644] {strides = array<i32>} : memref<1024x32xf32, #tpu.memory_space<vmem>>, vector<16xf32>,
        %mul3A_1646 = arith.constant 8 : i32
        %mul3A_1647 = arith.muli %mul3A_1646, %add3A_1502 : i32
        %add3A_1648 = arith.constant 4 : i32
        %add3A_1649 = arith.addi %mul3A_1647, %add3A_1648 : i32
        %get3A_1650 = arith.index_cast %add3A_1649 : i32 to index
        %get3A_1651 = arith.constant 12 : index
        %get3A_1652 = tpu.vector_load %arg12[%get3A_1650, %get3A_1651] {strides = array<i32>} : memref<1024x32xf32, #tpu.memory_space<vmem>>, vector<16xf32>,
        %mul3A_1653 = arith.mulf %gather3A_1638, %get3A_1645 : vector<16xf32>
        %add3A_1654 = arith.addf %add3A_1624, %mul3A_1653 : vector<16xf32>
        %mul3A_1655 = arith.mulf %gather3A_1638, %get3A_1652 : vector<16xf32>
        %add3A_1656 = arith.addf %add3A_1626, %mul3A_1655 : vector<16xf32>
        %broadcast_in_dim3A_1657 = arith.constant 13 : i32
        %broadcast_in_dim3A_1658 = vector.broadcast %broadcast_in_dim3A_1657 : i32 to vector<16xi32>
        %lt3A_1659 = arith.constant 0 : i32
        %lt3A_1660 = vector.broadcast %lt3A_1659 : i32 to vector<16xi32>
        %lt3A_1661 = arith.cmpi slt, %broadcast_in_dim3A_1658, %lt3A_1660 : vector<16xi32>
        %add3A_1662 = arith.constant 16 : i32
        %add3A_1663 = vector.broadcast %add3A_1662 : i32 to vector<16xi32>
        %add3A_1664 = arith.addi %broadcast_in_dim3A_1658, %add3A_1663 : vector<16xi32>
        %select_n3A_1665 = arith.select %lt3A_1661, %add3A_1664, %broadcast_in_dim3A_1658 : vector<16xi1>, vector<16xi32>
        %broadcast_in_dim3A_1666 = vector.shape_cast %select_n3A_1665 : vector<16xi32> to vector<16x1xi32>
        %gather3A_1667 = vector.shape_cast %broadcast_in_dim3A_1666 : vector<16x1xi32> to vector<16xi32>
        %gather3A_1668 = tpu.dynamic_gather %gather3A_1247[%gather3A_1667] in [0] : vector<16xf32>, vector<16xi32> -> vector<16xf32>
        %mul3A_1669 = arith.constant 8 : i32
        %mul3A_1670 = arith.muli %mul3A_1669, %add3A_1502 : i32
        %add3A_1671 = arith.constant 5 : i32
        %add3A_1672 = arith.addi %mul3A_1670, %add3A_1671 : i32
        %get3A_1673 = arith.index_cast %add3A_1672 : i32 to index
        %get3A_1674 = arith.constant 0 : index
        %get3A_1675 = tpu.vector_load %arg12[%get3A_1673, %get3A_1674] {strides = array<i32>} : memref<1024x32xf32, #tpu.memory_space<vmem>>, vector<16xf32>,
        %mul3A_1676 = arith.constant 8 : i32
        %mul3A_1677 = arith.muli %mul3A_1676, %add3A_1502 : i32
        %add3A_1678 = arith.constant 5 : i32
        %add3A_1679 = arith.addi %mul3A_1677, %add3A_1678 : i32
        %get3A_1680 = arith.index_cast %add3A_1679 : i32 to index
        %get3A_1681 = arith.constant 12 : index
        %get3A_1682 = tpu.vector_load %arg12[%get3A_1680, %get3A_1681] {strides = array<i32>} : memref<1024x32xf32, #tpu.memory_space<vmem>>, vector<16xf32>,
        %mul3A_1683 = arith.mulf %gather3A_1668, %get3A_1675 : vector<16xf32>
        %add3A_1684 = arith.addf %add3A_1654, %mul3A_1683 : vector<16xf32>
        %mul3A_1685 = arith.mulf %gather3A_1668, %get3A_1682 : vector<16xf32>
        %add3A_1686 = arith.addf %add3A_1656, %mul3A_1685 : vector<16xf32>
        %broadcast_in_dim3A_1687 = arith.constant 14 : i32
        %broadcast_in_dim3A_1688 = vector.broadcast %broadcast_in_dim3A_1687 : i32 to vector<16xi32>
        %lt3A_1689 = arith.constant 0 : i32
        %lt3A_1690 = vector.broadcast %lt3A_1689 : i32 to vector<16xi32>
        %lt3A_1691 = arith.cmpi slt, %broadcast_in_dim3A_1688, %lt3A_1690 : vector<16xi32>
        %add3A_1692 = arith.constant 16 : i32
        %add3A_1693 = vector.broadcast %add3A_1692 : i32 to vector<16xi32>
        %add3A_1694 = arith.addi %broadcast_in_dim3A_1688, %add3A_1693 : vector<16xi32>
        %select_n3A_1695 = arith.select %lt3A_1691, %add3A_1694, %broadcast_in_dim3A_1688 : vector<16xi1>, vector<16xi32>
        %broadcast_in_dim3A_1696 = vector.shape_cast %select_n3A_1695 : vector<16xi32> to vector<16x1xi32>
        %gather3A_1697 = vector.shape_cast %broadcast_in_dim3A_1696 : vector<16x1xi32> to vector<16xi32>
        %gather3A_1698 = tpu.dynamic_gather %gather3A_1247[%gather3A_1697] in [0] : vector<16xf32>, vector<16xi32> -> vector<16xf32>
        %mul3A_1699 = arith.constant 8 : i32
        %mul3A_1700 = arith.muli %mul3A_1699, %add3A_1502 : i32
        %add3A_1701 = arith.constant 6 : i32
        %add3A_1702 = arith.addi %mul3A_1700, %add3A_1701 : i32
        %get3A_1703 = arith.index_cast %add3A_1702 : i32 to index
        %get3A_1704 = arith.constant 0 : index
        %get3A_1705 = tpu.vector_load %arg12[%get3A_1703, %get3A_1704] {strides = array<i32>} : memref<1024x32xf32, #tpu.memory_space<vmem>>, vector<16xf32>,
        %mul3A_1706 = arith.constant 8 : i32
        %mul3A_1707 = arith.muli %mul3A_1706, %add3A_1502 : i32
        %add3A_1708 = arith.constant 6 : i32
        %add3A_1709 = arith.addi %mul3A_1707, %add3A_1708 : i32
        %get3A_1710 = arith.index_cast %add3A_1709 : i32 to index
        %get3A_1711 = arith.constant 12 : index
        %get3A_1712 = tpu.vector_load %arg12[%get3A_1710, %get3A_1711] {strides = array<i32>} : memref<1024x32xf32, #tpu.memory_space<vmem>>, vector<16xf32>,
        %mul3A_1713 = arith.mulf %gather3A_1698, %get3A_1705 : vector<16xf32>
        %add3A_1714 = arith.addf %add3A_1684, %mul3A_1713 : vector<16xf32>
        %mul3A_1715 = arith.mulf %gather3A_1698, %get3A_1712 : vector<16xf32>
        %add3A_1716 = arith.addf %add3A_1686, %mul3A_1715 : vector<16xf32>
        %broadcast_in_dim3A_1717 = arith.constant 15 : i32
        %broadcast_in_dim3A_1718 = vector.broadcast %broadcast_in_dim3A_1717 : i32 to vector<16xi32>
        %lt3A_1719 = arith.constant 0 : i32
        %lt3A_1720 = vector.broadcast %lt3A_1719 : i32 to vector<16xi32>
        %lt3A_1721 = arith.cmpi slt, %broadcast_in_dim3A_1718, %lt3A_1720 : vector<16xi32>
        %add3A_1722 = arith.constant 16 : i32
        %add3A_1723 = vector.broadcast %add3A_1722 : i32 to vector<16xi32>
        %add3A_1724 = arith.addi %broadcast_in_dim3A_1718, %add3A_1723 : vector<16xi32>
        %select_n3A_1725 = arith.select %lt3A_1721, %add3A_1724, %broadcast_in_dim3A_1718 : vector<16xi1>, vector<16xi32>
        %broadcast_in_dim3A_1726 = vector.shape_cast %select_n3A_1725 : vector<16xi32> to vector<16x1xi32>
        %gather3A_1727 = vector.shape_cast %broadcast_in_dim3A_1726 : vector<16x1xi32> to vector<16xi32>
        %gather3A_1728 = tpu.dynamic_gather %gather3A_1247[%gather3A_1727] in [0] : vector<16xf32>, vector<16xi32> -> vector<16xf32>
        %mul3A_1729 = arith.constant 8 : i32
        %mul3A_1730 = arith.muli %mul3A_1729, %add3A_1502 : i32
        %add3A_1731 = arith.constant 7 : i32
        %add3A_1732 = arith.addi %mul3A_1730, %add3A_1731 : i32
        %get3A_1733 = arith.index_cast %add3A_1732 : i32 to index
        %get3A_1734 = arith.constant 0 : index
        %get3A_1735 = tpu.vector_load %arg12[%get3A_1733, %get3A_1734] {strides = array<i32>} : memref<1024x32xf32, #tpu.memory_space<vmem>>, vector<16xf32>,
        %mul3A_1736 = arith.constant 8 : i32
        %mul3A_1737 = arith.muli %mul3A_1736, %add3A_1502 : i32
        %add3A_1738 = arith.constant 7 : i32
        %add3A_1739 = arith.addi %mul3A_1737, %add3A_1738 : i32
        %get3A_1740 = arith.index_cast %add3A_1739 : i32 to index
        %get3A_1741 = arith.constant 12 : index
        %get3A_1742 = tpu.vector_load %arg12[%get3A_1740, %get3A_1741] {strides = array<i32>} : memref<1024x32xf32, #tpu.memory_space<vmem>>, vector<16xf32>,
        %mul3A_1743 = arith.mulf %gather3A_1728, %get3A_1735 : vector<16xf32>
        %add3A_1744 = arith.addf %add3A_1714, %mul3A_1743 : vector<16xf32>
        %mul3A_1745 = arith.mulf %gather3A_1728, %get3A_1742 : vector<16xf32>
        %add3A_1746 = arith.addf %add3A_1716, %mul3A_1745 : vector<16xf32>
        %swap3A_1747 = arith.index_cast %add3A_1502 : i32 to index
        %swap3A_1748 = arith.constant 0 : index
        %swap3A_1749 = tpu.vector_load %arg14[%swap3A_1747, %swap3A_1748] {strides = array<i32>} : memref<128x28xf32, #tpu.memory_space<vmem>>, vector<16xf32>,
        tpu.vector_store %arg14[%swap3A_1747, %swap3A_1748], %add3A_1744 {strides = array<i32>} : memref<128x28xf32, #tpu.memory_space<vmem>>, vector<16xf32>,
        %swap3A_1750 = arith.index_cast %add3A_1502 : i32 to index
        %swap3A_1751 = arith.constant 12 : index
        %swap3A_1752 = tpu.vector_load %arg14[%swap3A_1750, %swap3A_1751] {strides = array<i32>} : memref<128x28xf32, #tpu.memory_space<vmem>>, vector<16xf32>,
        tpu.vector_store %arg14[%swap3A_1750, %swap3A_1751], %add3A_1746 {strides = array<i32>} : memref<128x28xf32, #tpu.memory_space<vmem>>, vector<16xf32>,
      }
      %scan3A_1223 = arith.constant 64 : i32
      "tpu.region"() ({
        %run_scoped3A = tpu.sem_alloc : memref<!tpu.dma_semaphore, #tpu.memory_space<semaphore_mem>>
        %dma_start3A_1242 = arith.constant 0 : i32
        %dma_start3A_1243 = tpu.memref_slice %arg6[%add3A_611, %dma_start3A_1242] : memref<262144x28xf32, #tpu.memory_space<hbm>> -> memref<128x28xf32, #tpu.memory_space<hbm>>
        %dma_start3A_1244 = arith.constant 0 : i32
        %dma_start3A_1245 = tpu.memref_slice %arg6[%add3A_611, %dma_start3A_1244] : memref<262144x28xf32, #tpu.memory_space<hbm>> -> memref<128x28xf32, #tpu.memory_space<hbm>>
        tpu.enqueue_dma source(%arg14 : memref<128x28xf32, #tpu.memory_space<vmem>>) target(%dma_start3A_1245 : memref<128x28xf32, #tpu.memory_space<hbm>>) target_semaphore(%run_scoped3A : memref<!tpu.dma_semaphore, #tpu.memory_space<semaphore_mem>>)
        %dma_wait3A_1246 = arith.constant 0 : i32
        %dma_wait3A_1247 = tpu.memref_slice %arg6[%add3A_611, %dma_wait3A_1246] : memref<262144x28xf32, #tpu.memory_space<hbm>> -> memref<128x28xf32, #tpu.memory_space<hbm>>
        %dma_wait3A_1248 = arith.constant 0 : i32
        %dma_wait3A_1249 = tpu.memref_slice %arg6[%add3A_611, %dma_wait3A_1248] : memref<262144x28xf32, #tpu.memory_space<hbm>> -> memref<128x28xf32, #tpu.memory_space<hbm>>
        tpu.wait_dma2 semaphore(%run_scoped3A : memref<!tpu.dma_semaphore, #tpu.memory_space<semaphore_mem>>) src(%arg14 : memref<128x28xf32, #tpu.memory_space<vmem>>) dst(%dma_wait3A_1249 : memref<128x28xf32, #tpu.memory_space<hbm>>)
        tpu.yield
      }) : () -> ()
      %add3A_1224 = arith.constant 2 : i32
      %add3A_1225 = arith.addi %mul3A_608, %add3A_1224 : i32
      %lt3A = arith.constant 64 : i32
      %lt3A_1226 = arith.cmpi slt, %add3A_1225, %lt3A : i32
      %convert_element_type3A = arith.extui %lt3A_1226 : i1 to i32
      %cond3A = arith.constant 0 : i32
      %cond3A_1227 = arith.cmpi ne, %convert_element_type3A, %cond3A : i32
      scf.if %cond3A_1227 {
        %add3A_1242 = arith.constant 256 : i32
        %add3A_1243 = arith.addi %add3A_611, %add3A_1242 : i32
        "tpu.region"() ({
          %run_scoped3A = tpu.sem_alloc : memref<!tpu.dma_semaphore, #tpu.memory_space<semaphore_mem>>
          %dma_start3A_1842 = tpu.memref_slice %arg2[%add3A_1243] : memref<262144xi32, #tpu.memory_space<hbm>> -> memref<128xi32, #tpu.memory_space<hbm>>
          %dma_start3A_1843 = tpu.memref_slice %arg2[%add3A_1243] : memref<262144xi32, #tpu.memory_space<hbm>> -> memref<128xi32, #tpu.memory_space<hbm>>
          tpu.enqueue_dma source(%dma_start3A_1843 : memref<128xi32, #tpu.memory_space<hbm>>) target(%arg7 : memref<128xi32, #tpu.memory_space<vmem>>) target_semaphore(%run_scoped3A : memref<!tpu.dma_semaphore, #tpu.memory_space<semaphore_mem>>)
          %dma_wait3A_1844 = tpu.memref_slice %arg2[%add3A_1243] : memref<262144xi32, #tpu.memory_space<hbm>> -> memref<128xi32, #tpu.memory_space<hbm>>
          %dma_wait3A_1845 = tpu.memref_slice %arg2[%add3A_1243] : memref<262144xi32, #tpu.memory_space<hbm>> -> memref<128xi32, #tpu.memory_space<hbm>>
          tpu.wait_dma2 semaphore(%run_scoped3A : memref<!tpu.dma_semaphore, #tpu.memory_space<semaphore_mem>>) src(%dma_wait3A_1845 : memref<128xi32, #tpu.memory_space<hbm>>) dst(%arg7 : memref<128xi32, #tpu.memory_space<vmem>>)
          tpu.yield
        }) : () -> ()
        %dma_start3A_1244 = arith.constant 0 : i32
        %dma_start3A_1245 = arith.constant 0 : i32
        %dma_start3A_1246 = tpu.memref_slice %arg3[%dma_start3A_1244, %dma_start3A_1245] : memref<524288x8xi32, #tpu.memory_space<hbm>> -> memref<524288x8xi32, #tpu.memory_space<hbm>>
        tpu.enqueue_indirect_dma source(%dma_start3A_1246 : memref<524288x8xi32, #tpu.memory_space<hbm>>) target(%arg8 : memref<128x8xi32, #tpu.memory_space<vmem>>) offsets(%arg7 : memref<128xi32, #tpu.memory_space<vmem>>) semaphore(%arg15 : memref<!tpu.dma_semaphore, #tpu.memory_space<semaphore_mem>>)
        %dma_wait3A_1247 = arith.constant 0 : i32
        %dma_wait3A_1248 = arith.constant 0 : i32
        %dma_wait3A_1249 = tpu.memref_slice %arg3[%dma_wait3A_1247, %dma_wait3A_1248] : memref<524288x8xi32, #tpu.memory_space<hbm>> -> memref<524288x8xi32, #tpu.memory_space<hbm>>
        tpu.wait_indirect_dma semaphore(%arg15 : memref<!tpu.dma_semaphore, #tpu.memory_space<semaphore_mem>>) src(%dma_wait3A_1249 : memref<524288x8xi32, #tpu.memory_space<hbm>>) dst(%arg8 : memref<128x8xi32, #tpu.memory_space<vmem>>)
        %add3A_1250 = arith.constant 0 : i32
        %add3A_1251 = vector.broadcast %add3A_1250 : i32 to vector<16xi32>
        %add3A_1252 = arith.addi %shift_right_logical3A_4, %add3A_1251 : vector<16xi32>
        %gather3A_1253 = tpu.vector_load_idx %arg8[%add3A_1252, %and3A_6] : memref<128x8xi32, #tpu.memory_space<vmem>>[vector<16xi32>, vector<16xi32>], vector<16xi32>,
        %swap3A_1254 = arith.constant 0 : i32
        %swap3A_1255 = arith.index_cast %swap3A_1254 : i32 to index
        %swap3A_1256 = arith.constant 0 : index
        %swap3A_1257 = tpu.vector_load %arg9[%swap3A_1255, %swap3A_1256] {strides = array<i32>} : memref<8x128xi32, #tpu.memory_space<vmem>>, vector<16xi32>,
        tpu.vector_store %arg9[%swap3A_1255, %swap3A_1256], %gather3A_1253 {strides = array<i32>} : memref<8x128xi32, #tpu.memory_space<vmem>>, vector<16xi32>,
        %add3A_1258 = arith.constant 2 : i32
        %add3A_1259 = vector.broadcast %add3A_1258 : i32 to vector<16xi32>
        %add3A_1260 = arith.addi %shift_right_logical3A_4, %add3A_1259 : vector<16xi32>
        %gather3A_1261 = tpu.vector_load_idx %arg8[%add3A_1260, %and3A_6] : memref<128x8xi32, #tpu.memory_space<vmem>>[vector<16xi32>, vector<16xi32>], vector<16xi32>,
        %swap3A_1262 = arith.constant 0 : i32
        %swap3A_1263 = arith.index_cast %swap3A_1262 : i32 to index
        %swap3A_1264 = arith.constant 16 : index
        %swap3A_1265 = tpu.vector_load %arg9[%swap3A_1263, %swap3A_1264] {strides = array<i32>} : memref<8x128xi32, #tpu.memory_space<vmem>>, vector<16xi32>,
        tpu.vector_store %arg9[%swap3A_1263, %swap3A_1264], %gather3A_1261 {strides = array<i32>} : memref<8x128xi32, #tpu.memory_space<vmem>>, vector<16xi32>,
        %add3A_1266 = arith.constant 4 : i32
        %add3A_1267 = vector.broadcast %add3A_1266 : i32 to vector<16xi32>
        %add3A_1268 = arith.addi %shift_right_logical3A_4, %add3A_1267 : vector<16xi32>
        %gather3A_1269 = tpu.vector_load_idx %arg8[%add3A_1268, %and3A_6] : memref<128x8xi32, #tpu.memory_space<vmem>>[vector<16xi32>, vector<16xi32>], vector<16xi32>,
        %swap3A_1270 = arith.constant 0 : i32
        %swap3A_1271 = arith.index_cast %swap3A_1270 : i32 to index
        %swap3A_1272 = arith.constant 32 : index
        %swap3A_1273 = tpu.vector_load %arg9[%swap3A_1271, %swap3A_1272] {strides = array<i32>} : memref<8x128xi32, #tpu.memory_space<vmem>>, vector<16xi32>,
        tpu.vector_store %arg9[%swap3A_1271, %swap3A_1272], %gather3A_1269 {strides = array<i32>} : memref<8x128xi32, #tpu.memory_space<vmem>>, vector<16xi32>,
        %add3A_1274 = arith.constant 6 : i32
        %add3A_1275 = vector.broadcast %add3A_1274 : i32 to vector<16xi32>
        %add3A_1276 = arith.addi %shift_right_logical3A_4, %add3A_1275 : vector<16xi32>
        %gather3A_1277 = tpu.vector_load_idx %arg8[%add3A_1276, %and3A_6] : memref<128x8xi32, #tpu.memory_space<vmem>>[vector<16xi32>, vector<16xi32>], vector<16xi32>,
        %swap3A_1278 = arith.constant 0 : i32
        %swap3A_1279 = arith.index_cast %swap3A_1278 : i32 to index
        %swap3A_1280 = arith.constant 48 : index
        %swap3A_1281 = tpu.vector_load %arg9[%swap3A_1279, %swap3A_1280] {strides = array<i32>} : memref<8x128xi32, #tpu.memory_space<vmem>>, vector<16xi32>,
        tpu.vector_store %arg9[%swap3A_1279, %swap3A_1280], %gather3A_1277 {strides = array<i32>} : memref<8x128xi32, #tpu.memory_space<vmem>>, vector<16xi32>,
        %add3A_1282 = arith.constant 8 : i32
        %add3A_1283 = vector.broadcast %add3A_1282 : i32 to vector<16xi32>
        %add3A_1284 = arith.addi %shift_right_logical3A_4, %add3A_1283 : vector<16xi32>
        %gather3A_1285 = tpu.vector_load_idx %arg8[%add3A_1284, %and3A_6] : memref<128x8xi32, #tpu.memory_space<vmem>>[vector<16xi32>, vector<16xi32>], vector<16xi32>,
        %swap3A_1286 = arith.constant 0 : i32
        %swap3A_1287 = arith.index_cast %swap3A_1286 : i32 to index
        %swap3A_1288 = arith.constant 64 : index
        %swap3A_1289 = tpu.vector_load %arg9[%swap3A_1287, %swap3A_1288] {strides = array<i32>} : memref<8x128xi32, #tpu.memory_space<vmem>>, vector<16xi32>,
        tpu.vector_store %arg9[%swap3A_1287, %swap3A_1288], %gather3A_1285 {strides = array<i32>} : memref<8x128xi32, #tpu.memory_space<vmem>>, vector<16xi32>,
        %add3A_1290 = arith.constant 10 : i32
        %add3A_1291 = vector.broadcast %add3A_1290 : i32 to vector<16xi32>
        %add3A_1292 = arith.addi %shift_right_logical3A_4, %add3A_1291 : vector<16xi32>
        %gather3A_1293 = tpu.vector_load_idx %arg8[%add3A_1292, %and3A_6] : memref<128x8xi32, #tpu.memory_space<vmem>>[vector<16xi32>, vector<16xi32>], vector<16xi32>,
        %swap3A_1294 = arith.constant 0 : i32
        %swap3A_1295 = arith.index_cast %swap3A_1294 : i32 to index
        %swap3A_1296 = arith.constant 80 : index
        %swap3A_1297 = tpu.vector_load %arg9[%swap3A_1295, %swap3A_1296] {strides = array<i32>} : memref<8x128xi32, #tpu.memory_space<vmem>>, vector<16xi32>,
        tpu.vector_store %arg9[%swap3A_1295, %swap3A_1296], %gather3A_1293 {strides = array<i32>} : memref<8x128xi32, #tpu.memory_space<vmem>>, vector<16xi32>,
        %add3A_1298 = arith.constant 12 : i32
        %add3A_1299 = vector.broadcast %add3A_1298 : i32 to vector<16xi32>
        %add3A_1300 = arith.addi %shift_right_logical3A_4, %add3A_1299 : vector<16xi32>
        %gather3A_1301 = tpu.vector_load_idx %arg8[%add3A_1300, %and3A_6] : memref<128x8xi32, #tpu.memory_space<vmem>>[vector<16xi32>, vector<16xi32>], vector<16xi32>,
        %swap3A_1302 = arith.constant 0 : i32
        %swap3A_1303 = arith.index_cast %swap3A_1302 : i32 to index
        %swap3A_1304 = arith.constant 96 : index
        %swap3A_1305 = tpu.vector_load %arg9[%swap3A_1303, %swap3A_1304] {strides = array<i32>} : memref<8x128xi32, #tpu.memory_space<vmem>>, vector<16xi32>,
        tpu.vector_store %arg9[%swap3A_1303, %swap3A_1304], %gather3A_1301 {strides = array<i32>} : memref<8x128xi32, #tpu.memory_space<vmem>>, vector<16xi32>,
        %add3A_1306 = arith.constant 14 : i32
        %add3A_1307 = vector.broadcast %add3A_1306 : i32 to vector<16xi32>
        %add3A_1308 = arith.addi %shift_right_logical3A_4, %add3A_1307 : vector<16xi32>
        %gather3A_1309 = tpu.vector_load_idx %arg8[%add3A_1308, %and3A_6] : memref<128x8xi32, #tpu.memory_space<vmem>>[vector<16xi32>, vector<16xi32>], vector<16xi32>,
        %swap3A_1310 = arith.constant 0 : i32
        %swap3A_1311 = arith.index_cast %swap3A_1310 : i32 to index
        %swap3A_1312 = arith.constant 112 : index
        %swap3A_1313 = tpu.vector_load %arg9[%swap3A_1311, %swap3A_1312] {strides = array<i32>} : memref<8x128xi32, #tpu.memory_space<vmem>>, vector<16xi32>,
        tpu.vector_store %arg9[%swap3A_1311, %swap3A_1312], %gather3A_1309 {strides = array<i32>} : memref<8x128xi32, #tpu.memory_space<vmem>>, vector<16xi32>,
        %add3A_1314 = arith.constant 16 : i32
        %add3A_1315 = vector.broadcast %add3A_1314 : i32 to vector<16xi32>
        %add3A_1316 = arith.addi %shift_right_logical3A_4, %add3A_1315 : vector<16xi32>
        %gather3A_1317 = tpu.vector_load_idx %arg8[%add3A_1316, %and3A_6] : memref<128x8xi32, #tpu.memory_space<vmem>>[vector<16xi32>, vector<16xi32>], vector<16xi32>,
        %swap3A_1318 = arith.constant 1 : i32
        %swap3A_1319 = arith.index_cast %swap3A_1318 : i32 to index
        %swap3A_1320 = arith.constant 0 : index
        %swap3A_1321 = tpu.vector_load %arg9[%swap3A_1319, %swap3A_1320] {strides = array<i32>} : memref<8x128xi32, #tpu.memory_space<vmem>>, vector<16xi32>,
        tpu.vector_store %arg9[%swap3A_1319, %swap3A_1320], %gather3A_1317 {strides = array<i32>} : memref<8x128xi32, #tpu.memory_space<vmem>>, vector<16xi32>,
        %add3A_1322 = arith.constant 18 : i32
        %add3A_1323 = vector.broadcast %add3A_1322 : i32 to vector<16xi32>
        %add3A_1324 = arith.addi %shift_right_logical3A_4, %add3A_1323 : vector<16xi32>
        %gather3A_1325 = tpu.vector_load_idx %arg8[%add3A_1324, %and3A_6] : memref<128x8xi32, #tpu.memory_space<vmem>>[vector<16xi32>, vector<16xi32>], vector<16xi32>,
        %swap3A_1326 = arith.constant 1 : i32
        %swap3A_1327 = arith.index_cast %swap3A_1326 : i32 to index
        %swap3A_1328 = arith.constant 16 : index
        %swap3A_1329 = tpu.vector_load %arg9[%swap3A_1327, %swap3A_1328] {strides = array<i32>} : memref<8x128xi32, #tpu.memory_space<vmem>>, vector<16xi32>,
        tpu.vector_store %arg9[%swap3A_1327, %swap3A_1328], %gather3A_1325 {strides = array<i32>} : memref<8x128xi32, #tpu.memory_space<vmem>>, vector<16xi32>,
        %add3A_1330 = arith.constant 20 : i32
        %add3A_1331 = vector.broadcast %add3A_1330 : i32 to vector<16xi32>
        %add3A_1332 = arith.addi %shift_right_logical3A_4, %add3A_1331 : vector<16xi32>
        %gather3A_1333 = tpu.vector_load_idx %arg8[%add3A_1332, %and3A_6] : memref<128x8xi32, #tpu.memory_space<vmem>>[vector<16xi32>, vector<16xi32>], vector<16xi32>,
        %swap3A_1334 = arith.constant 1 : i32
        %swap3A_1335 = arith.index_cast %swap3A_1334 : i32 to index
        %swap3A_1336 = arith.constant 32 : index
        %swap3A_1337 = tpu.vector_load %arg9[%swap3A_1335, %swap3A_1336] {strides = array<i32>} : memref<8x128xi32, #tpu.memory_space<vmem>>, vector<16xi32>,
        tpu.vector_store %arg9[%swap3A_1335, %swap3A_1336], %gather3A_1333 {strides = array<i32>} : memref<8x128xi32, #tpu.memory_space<vmem>>, vector<16xi32>,
        %add3A_1338 = arith.constant 22 : i32
        %add3A_1339 = vector.broadcast %add3A_1338 : i32 to vector<16xi32>
        %add3A_1340 = arith.addi %shift_right_logical3A_4, %add3A_1339 : vector<16xi32>
        %gather3A_1341 = tpu.vector_load_idx %arg8[%add3A_1340, %and3A_6] : memref<128x8xi32, #tpu.memory_space<vmem>>[vector<16xi32>, vector<16xi32>], vector<16xi32>,
        %swap3A_1342 = arith.constant 1 : i32
        %swap3A_1343 = arith.index_cast %swap3A_1342 : i32 to index
        %swap3A_1344 = arith.constant 48 : index
        %swap3A_1345 = tpu.vector_load %arg9[%swap3A_1343, %swap3A_1344] {strides = array<i32>} : memref<8x128xi32, #tpu.memory_space<vmem>>, vector<16xi32>,
        tpu.vector_store %arg9[%swap3A_1343, %swap3A_1344], %gather3A_1341 {strides = array<i32>} : memref<8x128xi32, #tpu.memory_space<vmem>>, vector<16xi32>,
        %add3A_1346 = arith.constant 24 : i32
        %add3A_1347 = vector.broadcast %add3A_1346 : i32 to vector<16xi32>
        %add3A_1348 = arith.addi %shift_right_logical3A_4, %add3A_1347 : vector<16xi32>
        %gather3A_1349 = tpu.vector_load_idx %arg8[%add3A_1348, %and3A_6] : memref<128x8xi32, #tpu.memory_space<vmem>>[vector<16xi32>, vector<16xi32>], vector<16xi32>,
        %swap3A_1350 = arith.constant 1 : i32
        %swap3A_1351 = arith.index_cast %swap3A_1350 : i32 to index
        %swap3A_1352 = arith.constant 64 : index
        %swap3A_1353 = tpu.vector_load %arg9[%swap3A_1351, %swap3A_1352] {strides = array<i32>} : memref<8x128xi32, #tpu.memory_space<vmem>>, vector<16xi32>,
        tpu.vector_store %arg9[%swap3A_1351, %swap3A_1352], %gather3A_1349 {strides = array<i32>} : memref<8x128xi32, #tpu.memory_space<vmem>>, vector<16xi32>,
        %add3A_1354 = arith.constant 26 : i32
        %add3A_1355 = vector.broadcast %add3A_1354 : i32 to vector<16xi32>
        %add3A_1356 = arith.addi %shift_right_logical3A_4, %add3A_1355 : vector<16xi32>
        %gather3A_1357 = tpu.vector_load_idx %arg8[%add3A_1356, %and3A_6] : memref<128x8xi32, #tpu.memory_space<vmem>>[vector<16xi32>, vector<16xi32>], vector<16xi32>,
        %swap3A_1358 = arith.constant 1 : i32
        %swap3A_1359 = arith.index_cast %swap3A_1358 : i32 to index
        %swap3A_1360 = arith.constant 80 : index
        %swap3A_1361 = tpu.vector_load %arg9[%swap3A_1359, %swap3A_1360] {strides = array<i32>} : memref<8x128xi32, #tpu.memory_space<vmem>>, vector<16xi32>,
        tpu.vector_store %arg9[%swap3A_1359, %swap3A_1360], %gather3A_1357 {strides = array<i32>} : memref<8x128xi32, #tpu.memory_space<vmem>>, vector<16xi32>,
        %add3A_1362 = arith.constant 28 : i32
        %add3A_1363 = vector.broadcast %add3A_1362 : i32 to vector<16xi32>
        %add3A_1364 = arith.addi %shift_right_logical3A_4, %add3A_1363 : vector<16xi32>
        %gather3A_1365 = tpu.vector_load_idx %arg8[%add3A_1364, %and3A_6] : memref<128x8xi32, #tpu.memory_space<vmem>>[vector<16xi32>, vector<16xi32>], vector<16xi32>,
        %swap3A_1366 = arith.constant 1 : i32
        %swap3A_1367 = arith.index_cast %swap3A_1366 : i32 to index
        %swap3A_1368 = arith.constant 96 : index
        %swap3A_1369 = tpu.vector_load %arg9[%swap3A_1367, %swap3A_1368] {strides = array<i32>} : memref<8x128xi32, #tpu.memory_space<vmem>>, vector<16xi32>,
        tpu.vector_store %arg9[%swap3A_1367, %swap3A_1368], %gather3A_1365 {strides = array<i32>} : memref<8x128xi32, #tpu.memory_space<vmem>>, vector<16xi32>,
        %add3A_1370 = arith.constant 30 : i32
        %add3A_1371 = vector.broadcast %add3A_1370 : i32 to vector<16xi32>
        %add3A_1372 = arith.addi %shift_right_logical3A_4, %add3A_1371 : vector<16xi32>
        %gather3A_1373 = tpu.vector_load_idx %arg8[%add3A_1372, %and3A_6] : memref<128x8xi32, #tpu.memory_space<vmem>>[vector<16xi32>, vector<16xi32>], vector<16xi32>,
        %swap3A_1374 = arith.constant 1 : i32
        %swap3A_1375 = arith.index_cast %swap3A_1374 : i32 to index
        %swap3A_1376 = arith.constant 112 : index
        %swap3A_1377 = tpu.vector_load %arg9[%swap3A_1375, %swap3A_1376] {strides = array<i32>} : memref<8x128xi32, #tpu.memory_space<vmem>>, vector<16xi32>,
        tpu.vector_store %arg9[%swap3A_1375, %swap3A_1376], %gather3A_1373 {strides = array<i32>} : memref<8x128xi32, #tpu.memory_space<vmem>>, vector<16xi32>,
        %add3A_1378 = arith.constant 32 : i32
        %add3A_1379 = vector.broadcast %add3A_1378 : i32 to vector<16xi32>
        %add3A_1380 = arith.addi %shift_right_logical3A_4, %add3A_1379 : vector<16xi32>
        %gather3A_1381 = tpu.vector_load_idx %arg8[%add3A_1380, %and3A_6] : memref<128x8xi32, #tpu.memory_space<vmem>>[vector<16xi32>, vector<16xi32>], vector<16xi32>,
        %swap3A_1382 = arith.constant 2 : i32
        %swap3A_1383 = arith.index_cast %swap3A_1382 : i32 to index
        %swap3A_1384 = arith.constant 0 : index
        %swap3A_1385 = tpu.vector_load %arg9[%swap3A_1383, %swap3A_1384] {strides = array<i32>} : memref<8x128xi32, #tpu.memory_space<vmem>>, vector<16xi32>,
        tpu.vector_store %arg9[%swap3A_1383, %swap3A_1384], %gather3A_1381 {strides = array<i32>} : memref<8x128xi32, #tpu.memory_space<vmem>>, vector<16xi32>,
        %add3A_1386 = arith.constant 34 : i32
        %add3A_1387 = vector.broadcast %add3A_1386 : i32 to vector<16xi32>
        %add3A_1388 = arith.addi %shift_right_logical3A_4, %add3A_1387 : vector<16xi32>
        %gather3A_1389 = tpu.vector_load_idx %arg8[%add3A_1388, %and3A_6] : memref<128x8xi32, #tpu.memory_space<vmem>>[vector<16xi32>, vector<16xi32>], vector<16xi32>,
        %swap3A_1390 = arith.constant 2 : i32
        %swap3A_1391 = arith.index_cast %swap3A_1390 : i32 to index
        %swap3A_1392 = arith.constant 16 : index
        %swap3A_1393 = tpu.vector_load %arg9[%swap3A_1391, %swap3A_1392] {strides = array<i32>} : memref<8x128xi32, #tpu.memory_space<vmem>>, vector<16xi32>,
        tpu.vector_store %arg9[%swap3A_1391, %swap3A_1392], %gather3A_1389 {strides = array<i32>} : memref<8x128xi32, #tpu.memory_space<vmem>>, vector<16xi32>,
        %add3A_1394 = arith.constant 36 : i32
        %add3A_1395 = vector.broadcast %add3A_1394 : i32 to vector<16xi32>
        %add3A_1396 = arith.addi %shift_right_logical3A_4, %add3A_1395 : vector<16xi32>
        %gather3A_1397 = tpu.vector_load_idx %arg8[%add3A_1396, %and3A_6] : memref<128x8xi32, #tpu.memory_space<vmem>>[vector<16xi32>, vector<16xi32>], vector<16xi32>,
        %swap3A_1398 = arith.constant 2 : i32
        %swap3A_1399 = arith.index_cast %swap3A_1398 : i32 to index
        %swap3A_1400 = arith.constant 32 : index
        %swap3A_1401 = tpu.vector_load %arg9[%swap3A_1399, %swap3A_1400] {strides = array<i32>} : memref<8x128xi32, #tpu.memory_space<vmem>>, vector<16xi32>,
        tpu.vector_store %arg9[%swap3A_1399, %swap3A_1400], %gather3A_1397 {strides = array<i32>} : memref<8x128xi32, #tpu.memory_space<vmem>>, vector<16xi32>,
        %add3A_1402 = arith.constant 38 : i32
        %add3A_1403 = vector.broadcast %add3A_1402 : i32 to vector<16xi32>
        %add3A_1404 = arith.addi %shift_right_logical3A_4, %add3A_1403 : vector<16xi32>
        %gather3A_1405 = tpu.vector_load_idx %arg8[%add3A_1404, %and3A_6] : memref<128x8xi32, #tpu.memory_space<vmem>>[vector<16xi32>, vector<16xi32>], vector<16xi32>,
        %swap3A_1406 = arith.constant 2 : i32
        %swap3A_1407 = arith.index_cast %swap3A_1406 : i32 to index
        %swap3A_1408 = arith.constant 48 : index
        %swap3A_1409 = tpu.vector_load %arg9[%swap3A_1407, %swap3A_1408] {strides = array<i32>} : memref<8x128xi32, #tpu.memory_space<vmem>>, vector<16xi32>,
        tpu.vector_store %arg9[%swap3A_1407, %swap3A_1408], %gather3A_1405 {strides = array<i32>} : memref<8x128xi32, #tpu.memory_space<vmem>>, vector<16xi32>,
        %add3A_1410 = arith.constant 40 : i32
        %add3A_1411 = vector.broadcast %add3A_1410 : i32 to vector<16xi32>
        %add3A_1412 = arith.addi %shift_right_logical3A_4, %add3A_1411 : vector<16xi32>
        %gather3A_1413 = tpu.vector_load_idx %arg8[%add3A_1412, %and3A_6] : memref<128x8xi32, #tpu.memory_space<vmem>>[vector<16xi32>, vector<16xi32>], vector<16xi32>,
        %swap3A_1414 = arith.constant 2 : i32
        %swap3A_1415 = arith.index_cast %swap3A_1414 : i32 to index
        %swap3A_1416 = arith.constant 64 : index
        %swap3A_1417 = tpu.vector_load %arg9[%swap3A_1415, %swap3A_1416] {strides = array<i32>} : memref<8x128xi32, #tpu.memory_space<vmem>>, vector<16xi32>,
        tpu.vector_store %arg9[%swap3A_1415, %swap3A_1416], %gather3A_1413 {strides = array<i32>} : memref<8x128xi32, #tpu.memory_space<vmem>>, vector<16xi32>,
        %add3A_1418 = arith.constant 42 : i32
        %add3A_1419 = vector.broadcast %add3A_1418 : i32 to vector<16xi32>
        %add3A_1420 = arith.addi %shift_right_logical3A_4, %add3A_1419 : vector<16xi32>
        %gather3A_1421 = tpu.vector_load_idx %arg8[%add3A_1420, %and3A_6] : memref<128x8xi32, #tpu.memory_space<vmem>>[vector<16xi32>, vector<16xi32>], vector<16xi32>,
        %swap3A_1422 = arith.constant 2 : i32
        %swap3A_1423 = arith.index_cast %swap3A_1422 : i32 to index
        %swap3A_1424 = arith.constant 80 : index
        %swap3A_1425 = tpu.vector_load %arg9[%swap3A_1423, %swap3A_1424] {strides = array<i32>} : memref<8x128xi32, #tpu.memory_space<vmem>>, vector<16xi32>,
        tpu.vector_store %arg9[%swap3A_1423, %swap3A_1424], %gather3A_1421 {strides = array<i32>} : memref<8x128xi32, #tpu.memory_space<vmem>>, vector<16xi32>,
        %add3A_1426 = arith.constant 44 : i32
        %add3A_1427 = vector.broadcast %add3A_1426 : i32 to vector<16xi32>
        %add3A_1428 = arith.addi %shift_right_logical3A_4, %add3A_1427 : vector<16xi32>
        %gather3A_1429 = tpu.vector_load_idx %arg8[%add3A_1428, %and3A_6] : memref<128x8xi32, #tpu.memory_space<vmem>>[vector<16xi32>, vector<16xi32>], vector<16xi32>,
        %swap3A_1430 = arith.constant 2 : i32
        %swap3A_1431 = arith.index_cast %swap3A_1430 : i32 to index
        %swap3A_1432 = arith.constant 96 : index
        %swap3A_1433 = tpu.vector_load %arg9[%swap3A_1431, %swap3A_1432] {strides = array<i32>} : memref<8x128xi32, #tpu.memory_space<vmem>>, vector<16xi32>,
        tpu.vector_store %arg9[%swap3A_1431, %swap3A_1432], %gather3A_1429 {strides = array<i32>} : memref<8x128xi32, #tpu.memory_space<vmem>>, vector<16xi32>,
        %add3A_1434 = arith.constant 46 : i32
        %add3A_1435 = vector.broadcast %add3A_1434 : i32 to vector<16xi32>
        %add3A_1436 = arith.addi %shift_right_logical3A_4, %add3A_1435 : vector<16xi32>
        %gather3A_1437 = tpu.vector_load_idx %arg8[%add3A_1436, %and3A_6] : memref<128x8xi32, #tpu.memory_space<vmem>>[vector<16xi32>, vector<16xi32>], vector<16xi32>,
        %swap3A_1438 = arith.constant 2 : i32
        %swap3A_1439 = arith.index_cast %swap3A_1438 : i32 to index
        %swap3A_1440 = arith.constant 112 : index
        %swap3A_1441 = tpu.vector_load %arg9[%swap3A_1439, %swap3A_1440] {strides = array<i32>} : memref<8x128xi32, #tpu.memory_space<vmem>>, vector<16xi32>,
        tpu.vector_store %arg9[%swap3A_1439, %swap3A_1440], %gather3A_1437 {strides = array<i32>} : memref<8x128xi32, #tpu.memory_space<vmem>>, vector<16xi32>,
        %add3A_1442 = arith.constant 48 : i32
        %add3A_1443 = vector.broadcast %add3A_1442 : i32 to vector<16xi32>
        %add3A_1444 = arith.addi %shift_right_logical3A_4, %add3A_1443 : vector<16xi32>
        %gather3A_1445 = tpu.vector_load_idx %arg8[%add3A_1444, %and3A_6] : memref<128x8xi32, #tpu.memory_space<vmem>>[vector<16xi32>, vector<16xi32>], vector<16xi32>,
        %swap3A_1446 = arith.constant 3 : i32
        %swap3A_1447 = arith.index_cast %swap3A_1446 : i32 to index
        %swap3A_1448 = arith.constant 0 : index
        %swap3A_1449 = tpu.vector_load %arg9[%swap3A_1447, %swap3A_1448] {strides = array<i32>} : memref<8x128xi32, #tpu.memory_space<vmem>>, vector<16xi32>,
        tpu.vector_store %arg9[%swap3A_1447, %swap3A_1448], %gather3A_1445 {strides = array<i32>} : memref<8x128xi32, #tpu.memory_space<vmem>>, vector<16xi32>,
        %add3A_1450 = arith.constant 50 : i32
        %add3A_1451 = vector.broadcast %add3A_1450 : i32 to vector<16xi32>
        %add3A_1452 = arith.addi %shift_right_logical3A_4, %add3A_1451 : vector<16xi32>
        %gather3A_1453 = tpu.vector_load_idx %arg8[%add3A_1452, %and3A_6] : memref<128x8xi32, #tpu.memory_space<vmem>>[vector<16xi32>, vector<16xi32>], vector<16xi32>,
        %swap3A_1454 = arith.constant 3 : i32
        %swap3A_1455 = arith.index_cast %swap3A_1454 : i32 to index
        %swap3A_1456 = arith.constant 16 : index
        %swap3A_1457 = tpu.vector_load %arg9[%swap3A_1455, %swap3A_1456] {strides = array<i32>} : memref<8x128xi32, #tpu.memory_space<vmem>>, vector<16xi32>,
        tpu.vector_store %arg9[%swap3A_1455, %swap3A_1456], %gather3A_1453 {strides = array<i32>} : memref<8x128xi32, #tpu.memory_space<vmem>>, vector<16xi32>,
        %add3A_1458 = arith.constant 52 : i32
        %add3A_1459 = vector.broadcast %add3A_1458 : i32 to vector<16xi32>
        %add3A_1460 = arith.addi %shift_right_logical3A_4, %add3A_1459 : vector<16xi32>
        %gather3A_1461 = tpu.vector_load_idx %arg8[%add3A_1460, %and3A_6] : memref<128x8xi32, #tpu.memory_space<vmem>>[vector<16xi32>, vector<16xi32>], vector<16xi32>,
        %swap3A_1462 = arith.constant 3 : i32
        %swap3A_1463 = arith.index_cast %swap3A_1462 : i32 to index
        %swap3A_1464 = arith.constant 32 : index
        %swap3A_1465 = tpu.vector_load %arg9[%swap3A_1463, %swap3A_1464] {strides = array<i32>} : memref<8x128xi32, #tpu.memory_space<vmem>>, vector<16xi32>,
        tpu.vector_store %arg9[%swap3A_1463, %swap3A_1464], %gather3A_1461 {strides = array<i32>} : memref<8x128xi32, #tpu.memory_space<vmem>>, vector<16xi32>,
        %add3A_1466 = arith.constant 54 : i32
        %add3A_1467 = vector.broadcast %add3A_1466 : i32 to vector<16xi32>
        %add3A_1468 = arith.addi %shift_right_logical3A_4, %add3A_1467 : vector<16xi32>
        %gather3A_1469 = tpu.vector_load_idx %arg8[%add3A_1468, %and3A_6] : memref<128x8xi32, #tpu.memory_space<vmem>>[vector<16xi32>, vector<16xi32>], vector<16xi32>,
        %swap3A_1470 = arith.constant 3 : i32
        %swap3A_1471 = arith.index_cast %swap3A_1470 : i32 to index
        %swap3A_1472 = arith.constant 48 : index
        %swap3A_1473 = tpu.vector_load %arg9[%swap3A_1471, %swap3A_1472] {strides = array<i32>} : memref<8x128xi32, #tpu.memory_space<vmem>>, vector<16xi32>,
        tpu.vector_store %arg9[%swap3A_1471, %swap3A_1472], %gather3A_1469 {strides = array<i32>} : memref<8x128xi32, #tpu.memory_space<vmem>>, vector<16xi32>,
        %add3A_1474 = arith.constant 56 : i32
        %add3A_1475 = vector.broadcast %add3A_1474 : i32 to vector<16xi32>
        %add3A_1476 = arith.addi %shift_right_logical3A_4, %add3A_1475 : vector<16xi32>
        %gather3A_1477 = tpu.vector_load_idx %arg8[%add3A_1476, %and3A_6] : memref<128x8xi32, #tpu.memory_space<vmem>>[vector<16xi32>, vector<16xi32>], vector<16xi32>,
        %swap3A_1478 = arith.constant 3 : i32
        %swap3A_1479 = arith.index_cast %swap3A_1478 : i32 to index
        %swap3A_1480 = arith.constant 64 : index
        %swap3A_1481 = tpu.vector_load %arg9[%swap3A_1479, %swap3A_1480] {strides = array<i32>} : memref<8x128xi32, #tpu.memory_space<vmem>>, vector<16xi32>,
        tpu.vector_store %arg9[%swap3A_1479, %swap3A_1480], %gather3A_1477 {strides = array<i32>} : memref<8x128xi32, #tpu.memory_space<vmem>>, vector<16xi32>,
        %add3A_1482 = arith.constant 58 : i32
        %add3A_1483 = vector.broadcast %add3A_1482 : i32 to vector<16xi32>
        %add3A_1484 = arith.addi %shift_right_logical3A_4, %add3A_1483 : vector<16xi32>
        %gather3A_1485 = tpu.vector_load_idx %arg8[%add3A_1484, %and3A_6] : memref<128x8xi32, #tpu.memory_space<vmem>>[vector<16xi32>, vector<16xi32>], vector<16xi32>,
        %swap3A_1486 = arith.constant 3 : i32
        %swap3A_1487 = arith.index_cast %swap3A_1486 : i32 to index
        %swap3A_1488 = arith.constant 80 : index
        %swap3A_1489 = tpu.vector_load %arg9[%swap3A_1487, %swap3A_1488] {strides = array<i32>} : memref<8x128xi32, #tpu.memory_space<vmem>>, vector<16xi32>,
        tpu.vector_store %arg9[%swap3A_1487, %swap3A_1488], %gather3A_1485 {strides = array<i32>} : memref<8x128xi32, #tpu.memory_space<vmem>>, vector<16xi32>,
        %add3A_1490 = arith.constant 60 : i32
        %add3A_1491 = vector.broadcast %add3A_1490 : i32 to vector<16xi32>
        %add3A_1492 = arith.addi %shift_right_logical3A_4, %add3A_1491 : vector<16xi32>
        %gather3A_1493 = tpu.vector_load_idx %arg8[%add3A_1492, %and3A_6] : memref<128x8xi32, #tpu.memory_space<vmem>>[vector<16xi32>, vector<16xi32>], vector<16xi32>,
        %swap3A_1494 = arith.constant 3 : i32
        %swap3A_1495 = arith.index_cast %swap3A_1494 : i32 to index
        %swap3A_1496 = arith.constant 96 : index
        %swap3A_1497 = tpu.vector_load %arg9[%swap3A_1495, %swap3A_1496] {strides = array<i32>} : memref<8x128xi32, #tpu.memory_space<vmem>>, vector<16xi32>,
        tpu.vector_store %arg9[%swap3A_1495, %swap3A_1496], %gather3A_1493 {strides = array<i32>} : memref<8x128xi32, #tpu.memory_space<vmem>>, vector<16xi32>,
        %add3A_1498 = arith.constant 62 : i32
        %add3A_1499 = vector.broadcast %add3A_1498 : i32 to vector<16xi32>
        %add3A_1500 = arith.addi %shift_right_logical3A_4, %add3A_1499 : vector<16xi32>
        %gather3A_1501 = tpu.vector_load_idx %arg8[%add3A_1500, %and3A_6] : memref<128x8xi32, #tpu.memory_space<vmem>>[vector<16xi32>, vector<16xi32>], vector<16xi32>,
        %swap3A_1502 = arith.constant 3 : i32
        %swap3A_1503 = arith.index_cast %swap3A_1502 : i32 to index
        %swap3A_1504 = arith.constant 112 : index
        %swap3A_1505 = tpu.vector_load %arg9[%swap3A_1503, %swap3A_1504] {strides = array<i32>} : memref<8x128xi32, #tpu.memory_space<vmem>>, vector<16xi32>,
        tpu.vector_store %arg9[%swap3A_1503, %swap3A_1504], %gather3A_1501 {strides = array<i32>} : memref<8x128xi32, #tpu.memory_space<vmem>>, vector<16xi32>,
        %add3A_1506 = arith.constant 64 : i32
        %add3A_1507 = vector.broadcast %add3A_1506 : i32 to vector<16xi32>
        %add3A_1508 = arith.addi %shift_right_logical3A_4, %add3A_1507 : vector<16xi32>
        %gather3A_1509 = tpu.vector_load_idx %arg8[%add3A_1508, %and3A_6] : memref<128x8xi32, #tpu.memory_space<vmem>>[vector<16xi32>, vector<16xi32>], vector<16xi32>,
        %swap3A_1510 = arith.constant 4 : i32
        %swap3A_1511 = arith.index_cast %swap3A_1510 : i32 to index
        %swap3A_1512 = arith.constant 0 : index
        %swap3A_1513 = tpu.vector_load %arg9[%swap3A_1511, %swap3A_1512] {strides = array<i32>} : memref<8x128xi32, #tpu.memory_space<vmem>>, vector<16xi32>,
        tpu.vector_store %arg9[%swap3A_1511, %swap3A_1512], %gather3A_1509 {strides = array<i32>} : memref<8x128xi32, #tpu.memory_space<vmem>>, vector<16xi32>,
        %add3A_1514 = arith.constant 66 : i32
        %add3A_1515 = vector.broadcast %add3A_1514 : i32 to vector<16xi32>
        %add3A_1516 = arith.addi %shift_right_logical3A_4, %add3A_1515 : vector<16xi32>
        %gather3A_1517 = tpu.vector_load_idx %arg8[%add3A_1516, %and3A_6] : memref<128x8xi32, #tpu.memory_space<vmem>>[vector<16xi32>, vector<16xi32>], vector<16xi32>,
        %swap3A_1518 = arith.constant 4 : i32
        %swap3A_1519 = arith.index_cast %swap3A_1518 : i32 to index
        %swap3A_1520 = arith.constant 16 : index
        %swap3A_1521 = tpu.vector_load %arg9[%swap3A_1519, %swap3A_1520] {strides = array<i32>} : memref<8x128xi32, #tpu.memory_space<vmem>>, vector<16xi32>,
        tpu.vector_store %arg9[%swap3A_1519, %swap3A_1520], %gather3A_1517 {strides = array<i32>} : memref<8x128xi32, #tpu.memory_space<vmem>>, vector<16xi32>,
        %add3A_1522 = arith.constant 68 : i32
        %add3A_1523 = vector.broadcast %add3A_1522 : i32 to vector<16xi32>
        %add3A_1524 = arith.addi %shift_right_logical3A_4, %add3A_1523 : vector<16xi32>
        %gather3A_1525 = tpu.vector_load_idx %arg8[%add3A_1524, %and3A_6] : memref<128x8xi32, #tpu.memory_space<vmem>>[vector<16xi32>, vector<16xi32>], vector<16xi32>,
        %swap3A_1526 = arith.constant 4 : i32
        %swap3A_1527 = arith.index_cast %swap3A_1526 : i32 to index
        %swap3A_1528 = arith.constant 32 : index
        %swap3A_1529 = tpu.vector_load %arg9[%swap3A_1527, %swap3A_1528] {strides = array<i32>} : memref<8x128xi32, #tpu.memory_space<vmem>>, vector<16xi32>,
        tpu.vector_store %arg9[%swap3A_1527, %swap3A_1528], %gather3A_1525 {strides = array<i32>} : memref<8x128xi32, #tpu.memory_space<vmem>>, vector<16xi32>,
        %add3A_1530 = arith.constant 70 : i32
        %add3A_1531 = vector.broadcast %add3A_1530 : i32 to vector<16xi32>
        %add3A_1532 = arith.addi %shift_right_logical3A_4, %add3A_1531 : vector<16xi32>
        %gather3A_1533 = tpu.vector_load_idx %arg8[%add3A_1532, %and3A_6] : memref<128x8xi32, #tpu.memory_space<vmem>>[vector<16xi32>, vector<16xi32>], vector<16xi32>,
        %swap3A_1534 = arith.constant 4 : i32
        %swap3A_1535 = arith.index_cast %swap3A_1534 : i32 to index
        %swap3A_1536 = arith.constant 48 : index
        %swap3A_1537 = tpu.vector_load %arg9[%swap3A_1535, %swap3A_1536] {strides = array<i32>} : memref<8x128xi32, #tpu.memory_space<vmem>>, vector<16xi32>,
        tpu.vector_store %arg9[%swap3A_1535, %swap3A_1536], %gather3A_1533 {strides = array<i32>} : memref<8x128xi32, #tpu.memory_space<vmem>>, vector<16xi32>,
        %add3A_1538 = arith.constant 72 : i32
        %add3A_1539 = vector.broadcast %add3A_1538 : i32 to vector<16xi32>
        %add3A_1540 = arith.addi %shift_right_logical3A_4, %add3A_1539 : vector<16xi32>
        %gather3A_1541 = tpu.vector_load_idx %arg8[%add3A_1540, %and3A_6] : memref<128x8xi32, #tpu.memory_space<vmem>>[vector<16xi32>, vector<16xi32>], vector<16xi32>,
        %swap3A_1542 = arith.constant 4 : i32
        %swap3A_1543 = arith.index_cast %swap3A_1542 : i32 to index
        %swap3A_1544 = arith.constant 64 : index
        %swap3A_1545 = tpu.vector_load %arg9[%swap3A_1543, %swap3A_1544] {strides = array<i32>} : memref<8x128xi32, #tpu.memory_space<vmem>>, vector<16xi32>,
        tpu.vector_store %arg9[%swap3A_1543, %swap3A_1544], %gather3A_1541 {strides = array<i32>} : memref<8x128xi32, #tpu.memory_space<vmem>>, vector<16xi32>,
        %add3A_1546 = arith.constant 74 : i32
        %add3A_1547 = vector.broadcast %add3A_1546 : i32 to vector<16xi32>
        %add3A_1548 = arith.addi %shift_right_logical3A_4, %add3A_1547 : vector<16xi32>
        %gather3A_1549 = tpu.vector_load_idx %arg8[%add3A_1548, %and3A_6] : memref<128x8xi32, #tpu.memory_space<vmem>>[vector<16xi32>, vector<16xi32>], vector<16xi32>,
        %swap3A_1550 = arith.constant 4 : i32
        %swap3A_1551 = arith.index_cast %swap3A_1550 : i32 to index
        %swap3A_1552 = arith.constant 80 : index
        %swap3A_1553 = tpu.vector_load %arg9[%swap3A_1551, %swap3A_1552] {strides = array<i32>} : memref<8x128xi32, #tpu.memory_space<vmem>>, vector<16xi32>,
        tpu.vector_store %arg9[%swap3A_1551, %swap3A_1552], %gather3A_1549 {strides = array<i32>} : memref<8x128xi32, #tpu.memory_space<vmem>>, vector<16xi32>,
        %add3A_1554 = arith.constant 76 : i32
        %add3A_1555 = vector.broadcast %add3A_1554 : i32 to vector<16xi32>
        %add3A_1556 = arith.addi %shift_right_logical3A_4, %add3A_1555 : vector<16xi32>
        %gather3A_1557 = tpu.vector_load_idx %arg8[%add3A_1556, %and3A_6] : memref<128x8xi32, #tpu.memory_space<vmem>>[vector<16xi32>, vector<16xi32>], vector<16xi32>,
        %swap3A_1558 = arith.constant 4 : i32
        %swap3A_1559 = arith.index_cast %swap3A_1558 : i32 to index
        %swap3A_1560 = arith.constant 96 : index
        %swap3A_1561 = tpu.vector_load %arg9[%swap3A_1559, %swap3A_1560] {strides = array<i32>} : memref<8x128xi32, #tpu.memory_space<vmem>>, vector<16xi32>,
        tpu.vector_store %arg9[%swap3A_1559, %swap3A_1560], %gather3A_1557 {strides = array<i32>} : memref<8x128xi32, #tpu.memory_space<vmem>>, vector<16xi32>,
        %add3A_1562 = arith.constant 78 : i32
        %add3A_1563 = vector.broadcast %add3A_1562 : i32 to vector<16xi32>
        %add3A_1564 = arith.addi %shift_right_logical3A_4, %add3A_1563 : vector<16xi32>
        %gather3A_1565 = tpu.vector_load_idx %arg8[%add3A_1564, %and3A_6] : memref<128x8xi32, #tpu.memory_space<vmem>>[vector<16xi32>, vector<16xi32>], vector<16xi32>,
        %swap3A_1566 = arith.constant 4 : i32
        %swap3A_1567 = arith.index_cast %swap3A_1566 : i32 to index
        %swap3A_1568 = arith.constant 112 : index
        %swap3A_1569 = tpu.vector_load %arg9[%swap3A_1567, %swap3A_1568] {strides = array<i32>} : memref<8x128xi32, #tpu.memory_space<vmem>>, vector<16xi32>,
        tpu.vector_store %arg9[%swap3A_1567, %swap3A_1568], %gather3A_1565 {strides = array<i32>} : memref<8x128xi32, #tpu.memory_space<vmem>>, vector<16xi32>,
        %add3A_1570 = arith.constant 80 : i32
        %add3A_1571 = vector.broadcast %add3A_1570 : i32 to vector<16xi32>
        %add3A_1572 = arith.addi %shift_right_logical3A_4, %add3A_1571 : vector<16xi32>
        %gather3A_1573 = tpu.vector_load_idx %arg8[%add3A_1572, %and3A_6] : memref<128x8xi32, #tpu.memory_space<vmem>>[vector<16xi32>, vector<16xi32>], vector<16xi32>,
        %swap3A_1574 = arith.constant 5 : i32
        %swap3A_1575 = arith.index_cast %swap3A_1574 : i32 to index
        %swap3A_1576 = arith.constant 0 : index
        %swap3A_1577 = tpu.vector_load %arg9[%swap3A_1575, %swap3A_1576] {strides = array<i32>} : memref<8x128xi32, #tpu.memory_space<vmem>>, vector<16xi32>,
        tpu.vector_store %arg9[%swap3A_1575, %swap3A_1576], %gather3A_1573 {strides = array<i32>} : memref<8x128xi32, #tpu.memory_space<vmem>>, vector<16xi32>,
        %add3A_1578 = arith.constant 82 : i32
        %add3A_1579 = vector.broadcast %add3A_1578 : i32 to vector<16xi32>
        %add3A_1580 = arith.addi %shift_right_logical3A_4, %add3A_1579 : vector<16xi32>
        %gather3A_1581 = tpu.vector_load_idx %arg8[%add3A_1580, %and3A_6] : memref<128x8xi32, #tpu.memory_space<vmem>>[vector<16xi32>, vector<16xi32>], vector<16xi32>,
        %swap3A_1582 = arith.constant 5 : i32
        %swap3A_1583 = arith.index_cast %swap3A_1582 : i32 to index
        %swap3A_1584 = arith.constant 16 : index
        %swap3A_1585 = tpu.vector_load %arg9[%swap3A_1583, %swap3A_1584] {strides = array<i32>} : memref<8x128xi32, #tpu.memory_space<vmem>>, vector<16xi32>,
        tpu.vector_store %arg9[%swap3A_1583, %swap3A_1584], %gather3A_1581 {strides = array<i32>} : memref<8x128xi32, #tpu.memory_space<vmem>>, vector<16xi32>,
        %add3A_1586 = arith.constant 84 : i32
        %add3A_1587 = vector.broadcast %add3A_1586 : i32 to vector<16xi32>
        %add3A_1588 = arith.addi %shift_right_logical3A_4, %add3A_1587 : vector<16xi32>
        %gather3A_1589 = tpu.vector_load_idx %arg8[%add3A_1588, %and3A_6] : memref<128x8xi32, #tpu.memory_space<vmem>>[vector<16xi32>, vector<16xi32>], vector<16xi32>,
        %swap3A_1590 = arith.constant 5 : i32
        %swap3A_1591 = arith.index_cast %swap3A_1590 : i32 to index
        %swap3A_1592 = arith.constant 32 : index
        %swap3A_1593 = tpu.vector_load %arg9[%swap3A_1591, %swap3A_1592] {strides = array<i32>} : memref<8x128xi32, #tpu.memory_space<vmem>>, vector<16xi32>,
        tpu.vector_store %arg9[%swap3A_1591, %swap3A_1592], %gather3A_1589 {strides = array<i32>} : memref<8x128xi32, #tpu.memory_space<vmem>>, vector<16xi32>,
        %add3A_1594 = arith.constant 86 : i32
        %add3A_1595 = vector.broadcast %add3A_1594 : i32 to vector<16xi32>
        %add3A_1596 = arith.addi %shift_right_logical3A_4, %add3A_1595 : vector<16xi32>
        %gather3A_1597 = tpu.vector_load_idx %arg8[%add3A_1596, %and3A_6] : memref<128x8xi32, #tpu.memory_space<vmem>>[vector<16xi32>, vector<16xi32>], vector<16xi32>,
        %swap3A_1598 = arith.constant 5 : i32
        %swap3A_1599 = arith.index_cast %swap3A_1598 : i32 to index
        %swap3A_1600 = arith.constant 48 : index
        %swap3A_1601 = tpu.vector_load %arg9[%swap3A_1599, %swap3A_1600] {strides = array<i32>} : memref<8x128xi32, #tpu.memory_space<vmem>>, vector<16xi32>,
        tpu.vector_store %arg9[%swap3A_1599, %swap3A_1600], %gather3A_1597 {strides = array<i32>} : memref<8x128xi32, #tpu.memory_space<vmem>>, vector<16xi32>,
        %add3A_1602 = arith.constant 88 : i32
        %add3A_1603 = vector.broadcast %add3A_1602 : i32 to vector<16xi32>
        %add3A_1604 = arith.addi %shift_right_logical3A_4, %add3A_1603 : vector<16xi32>
        %gather3A_1605 = tpu.vector_load_idx %arg8[%add3A_1604, %and3A_6] : memref<128x8xi32, #tpu.memory_space<vmem>>[vector<16xi32>, vector<16xi32>], vector<16xi32>,
        %swap3A_1606 = arith.constant 5 : i32
        %swap3A_1607 = arith.index_cast %swap3A_1606 : i32 to index
        %swap3A_1608 = arith.constant 64 : index
        %swap3A_1609 = tpu.vector_load %arg9[%swap3A_1607, %swap3A_1608] {strides = array<i32>} : memref<8x128xi32, #tpu.memory_space<vmem>>, vector<16xi32>,
        tpu.vector_store %arg9[%swap3A_1607, %swap3A_1608], %gather3A_1605 {strides = array<i32>} : memref<8x128xi32, #tpu.memory_space<vmem>>, vector<16xi32>,
        %add3A_1610 = arith.constant 90 : i32
        %add3A_1611 = vector.broadcast %add3A_1610 : i32 to vector<16xi32>
        %add3A_1612 = arith.addi %shift_right_logical3A_4, %add3A_1611 : vector<16xi32>
        %gather3A_1613 = tpu.vector_load_idx %arg8[%add3A_1612, %and3A_6] : memref<128x8xi32, #tpu.memory_space<vmem>>[vector<16xi32>, vector<16xi32>], vector<16xi32>,
        %swap3A_1614 = arith.constant 5 : i32
        %swap3A_1615 = arith.index_cast %swap3A_1614 : i32 to index
        %swap3A_1616 = arith.constant 80 : index
        %swap3A_1617 = tpu.vector_load %arg9[%swap3A_1615, %swap3A_1616] {strides = array<i32>} : memref<8x128xi32, #tpu.memory_space<vmem>>, vector<16xi32>,
        tpu.vector_store %arg9[%swap3A_1615, %swap3A_1616], %gather3A_1613 {strides = array<i32>} : memref<8x128xi32, #tpu.memory_space<vmem>>, vector<16xi32>,
        %add3A_1618 = arith.constant 92 : i32
        %add3A_1619 = vector.broadcast %add3A_1618 : i32 to vector<16xi32>
        %add3A_1620 = arith.addi %shift_right_logical3A_4, %add3A_1619 : vector<16xi32>
        %gather3A_1621 = tpu.vector_load_idx %arg8[%add3A_1620, %and3A_6] : memref<128x8xi32, #tpu.memory_space<vmem>>[vector<16xi32>, vector<16xi32>], vector<16xi32>,
        %swap3A_1622 = arith.constant 5 : i32
        %swap3A_1623 = arith.index_cast %swap3A_1622 : i32 to index
        %swap3A_1624 = arith.constant 96 : index
        %swap3A_1625 = tpu.vector_load %arg9[%swap3A_1623, %swap3A_1624] {strides = array<i32>} : memref<8x128xi32, #tpu.memory_space<vmem>>, vector<16xi32>,
        tpu.vector_store %arg9[%swap3A_1623, %swap3A_1624], %gather3A_1621 {strides = array<i32>} : memref<8x128xi32, #tpu.memory_space<vmem>>, vector<16xi32>,
        %add3A_1626 = arith.constant 94 : i32
        %add3A_1627 = vector.broadcast %add3A_1626 : i32 to vector<16xi32>
        %add3A_1628 = arith.addi %shift_right_logical3A_4, %add3A_1627 : vector<16xi32>
        %gather3A_1629 = tpu.vector_load_idx %arg8[%add3A_1628, %and3A_6] : memref<128x8xi32, #tpu.memory_space<vmem>>[vector<16xi32>, vector<16xi32>], vector<16xi32>,
        %swap3A_1630 = arith.constant 5 : i32
        %swap3A_1631 = arith.index_cast %swap3A_1630 : i32 to index
        %swap3A_1632 = arith.constant 112 : index
        %swap3A_1633 = tpu.vector_load %arg9[%swap3A_1631, %swap3A_1632] {strides = array<i32>} : memref<8x128xi32, #tpu.memory_space<vmem>>, vector<16xi32>,
        tpu.vector_store %arg9[%swap3A_1631, %swap3A_1632], %gather3A_1629 {strides = array<i32>} : memref<8x128xi32, #tpu.memory_space<vmem>>, vector<16xi32>,
        %add3A_1634 = arith.constant 96 : i32
        %add3A_1635 = vector.broadcast %add3A_1634 : i32 to vector<16xi32>
        %add3A_1636 = arith.addi %shift_right_logical3A_4, %add3A_1635 : vector<16xi32>
        %gather3A_1637 = tpu.vector_load_idx %arg8[%add3A_1636, %and3A_6] : memref<128x8xi32, #tpu.memory_space<vmem>>[vector<16xi32>, vector<16xi32>], vector<16xi32>,
        %swap3A_1638 = arith.constant 6 : i32
        %swap3A_1639 = arith.index_cast %swap3A_1638 : i32 to index
        %swap3A_1640 = arith.constant 0 : index
        %swap3A_1641 = tpu.vector_load %arg9[%swap3A_1639, %swap3A_1640] {strides = array<i32>} : memref<8x128xi32, #tpu.memory_space<vmem>>, vector<16xi32>,
        tpu.vector_store %arg9[%swap3A_1639, %swap3A_1640], %gather3A_1637 {strides = array<i32>} : memref<8x128xi32, #tpu.memory_space<vmem>>, vector<16xi32>,
        %add3A_1642 = arith.constant 98 : i32
        %add3A_1643 = vector.broadcast %add3A_1642 : i32 to vector<16xi32>
        %add3A_1644 = arith.addi %shift_right_logical3A_4, %add3A_1643 : vector<16xi32>
        %gather3A_1645 = tpu.vector_load_idx %arg8[%add3A_1644, %and3A_6] : memref<128x8xi32, #tpu.memory_space<vmem>>[vector<16xi32>, vector<16xi32>], vector<16xi32>,
        %swap3A_1646 = arith.constant 6 : i32
        %swap3A_1647 = arith.index_cast %swap3A_1646 : i32 to index
        %swap3A_1648 = arith.constant 16 : index
        %swap3A_1649 = tpu.vector_load %arg9[%swap3A_1647, %swap3A_1648] {strides = array<i32>} : memref<8x128xi32, #tpu.memory_space<vmem>>, vector<16xi32>,
        tpu.vector_store %arg9[%swap3A_1647, %swap3A_1648], %gather3A_1645 {strides = array<i32>} : memref<8x128xi32, #tpu.memory_space<vmem>>, vector<16xi32>,
        %add3A_1650 = arith.constant 100 : i32
        %add3A_1651 = vector.broadcast %add3A_1650 : i32 to vector<16xi32>
        %add3A_1652 = arith.addi %shift_right_logical3A_4, %add3A_1651 : vector<16xi32>
        %gather3A_1653 = tpu.vector_load_idx %arg8[%add3A_1652, %and3A_6] : memref<128x8xi32, #tpu.memory_space<vmem>>[vector<16xi32>, vector<16xi32>], vector<16xi32>,
        %swap3A_1654 = arith.constant 6 : i32
        %swap3A_1655 = arith.index_cast %swap3A_1654 : i32 to index
        %swap3A_1656 = arith.constant 32 : index
        %swap3A_1657 = tpu.vector_load %arg9[%swap3A_1655, %swap3A_1656] {strides = array<i32>} : memref<8x128xi32, #tpu.memory_space<vmem>>, vector<16xi32>,
        tpu.vector_store %arg9[%swap3A_1655, %swap3A_1656], %gather3A_1653 {strides = array<i32>} : memref<8x128xi32, #tpu.memory_space<vmem>>, vector<16xi32>,
        %add3A_1658 = arith.constant 102 : i32
        %add3A_1659 = vector.broadcast %add3A_1658 : i32 to vector<16xi32>
        %add3A_1660 = arith.addi %shift_right_logical3A_4, %add3A_1659 : vector<16xi32>
        %gather3A_1661 = tpu.vector_load_idx %arg8[%add3A_1660, %and3A_6] : memref<128x8xi32, #tpu.memory_space<vmem>>[vector<16xi32>, vector<16xi32>], vector<16xi32>,
        %swap3A_1662 = arith.constant 6 : i32
        %swap3A_1663 = arith.index_cast %swap3A_1662 : i32 to index
        %swap3A_1664 = arith.constant 48 : index
        %swap3A_1665 = tpu.vector_load %arg9[%swap3A_1663, %swap3A_1664] {strides = array<i32>} : memref<8x128xi32, #tpu.memory_space<vmem>>, vector<16xi32>,
        tpu.vector_store %arg9[%swap3A_1663, %swap3A_1664], %gather3A_1661 {strides = array<i32>} : memref<8x128xi32, #tpu.memory_space<vmem>>, vector<16xi32>,
        %add3A_1666 = arith.constant 104 : i32
        %add3A_1667 = vector.broadcast %add3A_1666 : i32 to vector<16xi32>
        %add3A_1668 = arith.addi %shift_right_logical3A_4, %add3A_1667 : vector<16xi32>
        %gather3A_1669 = tpu.vector_load_idx %arg8[%add3A_1668, %and3A_6] : memref<128x8xi32, #tpu.memory_space<vmem>>[vector<16xi32>, vector<16xi32>], vector<16xi32>,
        %swap3A_1670 = arith.constant 6 : i32
        %swap3A_1671 = arith.index_cast %swap3A_1670 : i32 to index
        %swap3A_1672 = arith.constant 64 : index
        %swap3A_1673 = tpu.vector_load %arg9[%swap3A_1671, %swap3A_1672] {strides = array<i32>} : memref<8x128xi32, #tpu.memory_space<vmem>>, vector<16xi32>,
        tpu.vector_store %arg9[%swap3A_1671, %swap3A_1672], %gather3A_1669 {strides = array<i32>} : memref<8x128xi32, #tpu.memory_space<vmem>>, vector<16xi32>,
        %add3A_1674 = arith.constant 106 : i32
        %add3A_1675 = vector.broadcast %add3A_1674 : i32 to vector<16xi32>
        %add3A_1676 = arith.addi %shift_right_logical3A_4, %add3A_1675 : vector<16xi32>
        %gather3A_1677 = tpu.vector_load_idx %arg8[%add3A_1676, %and3A_6] : memref<128x8xi32, #tpu.memory_space<vmem>>[vector<16xi32>, vector<16xi32>], vector<16xi32>,
        %swap3A_1678 = arith.constant 6 : i32
        %swap3A_1679 = arith.index_cast %swap3A_1678 : i32 to index
        %swap3A_1680 = arith.constant 80 : index
        %swap3A_1681 = tpu.vector_load %arg9[%swap3A_1679, %swap3A_1680] {strides = array<i32>} : memref<8x128xi32, #tpu.memory_space<vmem>>, vector<16xi32>,
        tpu.vector_store %arg9[%swap3A_1679, %swap3A_1680], %gather3A_1677 {strides = array<i32>} : memref<8x128xi32, #tpu.memory_space<vmem>>, vector<16xi32>,
        %add3A_1682 = arith.constant 108 : i32
        %add3A_1683 = vector.broadcast %add3A_1682 : i32 to vector<16xi32>
        %add3A_1684 = arith.addi %shift_right_logical3A_4, %add3A_1683 : vector<16xi32>
        %gather3A_1685 = tpu.vector_load_idx %arg8[%add3A_1684, %and3A_6] : memref<128x8xi32, #tpu.memory_space<vmem>>[vector<16xi32>, vector<16xi32>], vector<16xi32>,
        %swap3A_1686 = arith.constant 6 : i32
        %swap3A_1687 = arith.index_cast %swap3A_1686 : i32 to index
        %swap3A_1688 = arith.constant 96 : index
        %swap3A_1689 = tpu.vector_load %arg9[%swap3A_1687, %swap3A_1688] {strides = array<i32>} : memref<8x128xi32, #tpu.memory_space<vmem>>, vector<16xi32>,
        tpu.vector_store %arg9[%swap3A_1687, %swap3A_1688], %gather3A_1685 {strides = array<i32>} : memref<8x128xi32, #tpu.memory_space<vmem>>, vector<16xi32>,
        %add3A_1690 = arith.constant 110 : i32
        %add3A_1691 = vector.broadcast %add3A_1690 : i32 to vector<16xi32>
        %add3A_1692 = arith.addi %shift_right_logical3A_4, %add3A_1691 : vector<16xi32>
        %gather3A_1693 = tpu.vector_load_idx %arg8[%add3A_1692, %and3A_6] : memref<128x8xi32, #tpu.memory_space<vmem>>[vector<16xi32>, vector<16xi32>], vector<16xi32>,
        %swap3A_1694 = arith.constant 6 : i32
        %swap3A_1695 = arith.index_cast %swap3A_1694 : i32 to index
        %swap3A_1696 = arith.constant 112 : index
        %swap3A_1697 = tpu.vector_load %arg9[%swap3A_1695, %swap3A_1696] {strides = array<i32>} : memref<8x128xi32, #tpu.memory_space<vmem>>, vector<16xi32>,
        tpu.vector_store %arg9[%swap3A_1695, %swap3A_1696], %gather3A_1693 {strides = array<i32>} : memref<8x128xi32, #tpu.memory_space<vmem>>, vector<16xi32>,
        %add3A_1698 = arith.constant 112 : i32
        %add3A_1699 = vector.broadcast %add3A_1698 : i32 to vector<16xi32>
        %add3A_1700 = arith.addi %shift_right_logical3A_4, %add3A_1699 : vector<16xi32>
        %gather3A_1701 = tpu.vector_load_idx %arg8[%add3A_1700, %and3A_6] : memref<128x8xi32, #tpu.memory_space<vmem>>[vector<16xi32>, vector<16xi32>], vector<16xi32>,
        %swap3A_1702 = arith.constant 7 : i32
        %swap3A_1703 = arith.index_cast %swap3A_1702 : i32 to index
        %swap3A_1704 = arith.constant 0 : index
        %swap3A_1705 = tpu.vector_load %arg9[%swap3A_1703, %swap3A_1704] {strides = array<i32>} : memref<8x128xi32, #tpu.memory_space<vmem>>, vector<16xi32>,
        tpu.vector_store %arg9[%swap3A_1703, %swap3A_1704], %gather3A_1701 {strides = array<i32>} : memref<8x128xi32, #tpu.memory_space<vmem>>, vector<16xi32>,
        %add3A_1706 = arith.constant 114 : i32
        %add3A_1707 = vector.broadcast %add3A_1706 : i32 to vector<16xi32>
        %add3A_1708 = arith.addi %shift_right_logical3A_4, %add3A_1707 : vector<16xi32>
        %gather3A_1709 = tpu.vector_load_idx %arg8[%add3A_1708, %and3A_6] : memref<128x8xi32, #tpu.memory_space<vmem>>[vector<16xi32>, vector<16xi32>], vector<16xi32>,
        %swap3A_1710 = arith.constant 7 : i32
        %swap3A_1711 = arith.index_cast %swap3A_1710 : i32 to index
        %swap3A_1712 = arith.constant 16 : index
        %swap3A_1713 = tpu.vector_load %arg9[%swap3A_1711, %swap3A_1712] {strides = array<i32>} : memref<8x128xi32, #tpu.memory_space<vmem>>, vector<16xi32>,
        tpu.vector_store %arg9[%swap3A_1711, %swap3A_1712], %gather3A_1709 {strides = array<i32>} : memref<8x128xi32, #tpu.memory_space<vmem>>, vector<16xi32>,
        %add3A_1714 = arith.constant 116 : i32
        %add3A_1715 = vector.broadcast %add3A_1714 : i32 to vector<16xi32>
        %add3A_1716 = arith.addi %shift_right_logical3A_4, %add3A_1715 : vector<16xi32>
        %gather3A_1717 = tpu.vector_load_idx %arg8[%add3A_1716, %and3A_6] : memref<128x8xi32, #tpu.memory_space<vmem>>[vector<16xi32>, vector<16xi32>], vector<16xi32>,
        %swap3A_1718 = arith.constant 7 : i32
        %swap3A_1719 = arith.index_cast %swap3A_1718 : i32 to index
        %swap3A_1720 = arith.constant 32 : index
        %swap3A_1721 = tpu.vector_load %arg9[%swap3A_1719, %swap3A_1720] {strides = array<i32>} : memref<8x128xi32, #tpu.memory_space<vmem>>, vector<16xi32>,
        tpu.vector_store %arg9[%swap3A_1719, %swap3A_1720], %gather3A_1717 {strides = array<i32>} : memref<8x128xi32, #tpu.memory_space<vmem>>, vector<16xi32>,
        %add3A_1722 = arith.constant 118 : i32
        %add3A_1723 = vector.broadcast %add3A_1722 : i32 to vector<16xi32>
        %add3A_1724 = arith.addi %shift_right_logical3A_4, %add3A_1723 : vector<16xi32>
        %gather3A_1725 = tpu.vector_load_idx %arg8[%add3A_1724, %and3A_6] : memref<128x8xi32, #tpu.memory_space<vmem>>[vector<16xi32>, vector<16xi32>], vector<16xi32>,
        %swap3A_1726 = arith.constant 7 : i32
        %swap3A_1727 = arith.index_cast %swap3A_1726 : i32 to index
        %swap3A_1728 = arith.constant 48 : index
        %swap3A_1729 = tpu.vector_load %arg9[%swap3A_1727, %swap3A_1728] {strides = array<i32>} : memref<8x128xi32, #tpu.memory_space<vmem>>, vector<16xi32>,
        tpu.vector_store %arg9[%swap3A_1727, %swap3A_1728], %gather3A_1725 {strides = array<i32>} : memref<8x128xi32, #tpu.memory_space<vmem>>, vector<16xi32>,
        %add3A_1730 = arith.constant 120 : i32
        %add3A_1731 = vector.broadcast %add3A_1730 : i32 to vector<16xi32>
        %add3A_1732 = arith.addi %shift_right_logical3A_4, %add3A_1731 : vector<16xi32>
        %gather3A_1733 = tpu.vector_load_idx %arg8[%add3A_1732, %and3A_6] : memref<128x8xi32, #tpu.memory_space<vmem>>[vector<16xi32>, vector<16xi32>], vector<16xi32>,
        %swap3A_1734 = arith.constant 7 : i32
        %swap3A_1735 = arith.index_cast %swap3A_1734 : i32 to index
        %swap3A_1736 = arith.constant 64 : index
        %swap3A_1737 = tpu.vector_load %arg9[%swap3A_1735, %swap3A_1736] {strides = array<i32>} : memref<8x128xi32, #tpu.memory_space<vmem>>, vector<16xi32>,
        tpu.vector_store %arg9[%swap3A_1735, %swap3A_1736], %gather3A_1733 {strides = array<i32>} : memref<8x128xi32, #tpu.memory_space<vmem>>, vector<16xi32>,
        %add3A_1738 = arith.constant 122 : i32
        %add3A_1739 = vector.broadcast %add3A_1738 : i32 to vector<16xi32>
        %add3A_1740 = arith.addi %shift_right_logical3A_4, %add3A_1739 : vector<16xi32>
        %gather3A_1741 = tpu.vector_load_idx %arg8[%add3A_1740, %and3A_6] : memref<128x8xi32, #tpu.memory_space<vmem>>[vector<16xi32>, vector<16xi32>], vector<16xi32>,
        %swap3A_1742 = arith.constant 7 : i32
        %swap3A_1743 = arith.index_cast %swap3A_1742 : i32 to index
        %swap3A_1744 = arith.constant 80 : index
        %swap3A_1745 = tpu.vector_load %arg9[%swap3A_1743, %swap3A_1744] {strides = array<i32>} : memref<8x128xi32, #tpu.memory_space<vmem>>, vector<16xi32>,
        tpu.vector_store %arg9[%swap3A_1743, %swap3A_1744], %gather3A_1741 {strides = array<i32>} : memref<8x128xi32, #tpu.memory_space<vmem>>, vector<16xi32>,
        %add3A_1746 = arith.constant 124 : i32
        %add3A_1747 = vector.broadcast %add3A_1746 : i32 to vector<16xi32>
        %add3A_1748 = arith.addi %shift_right_logical3A_4, %add3A_1747 : vector<16xi32>
        %gather3A_1749 = tpu.vector_load_idx %arg8[%add3A_1748, %and3A_6] : memref<128x8xi32, #tpu.memory_space<vmem>>[vector<16xi32>, vector<16xi32>], vector<16xi32>,
        %swap3A_1750 = arith.constant 7 : i32
        %swap3A_1751 = arith.index_cast %swap3A_1750 : i32 to index
        %swap3A_1752 = arith.constant 96 : index
        %swap3A_1753 = tpu.vector_load %arg9[%swap3A_1751, %swap3A_1752] {strides = array<i32>} : memref<8x128xi32, #tpu.memory_space<vmem>>, vector<16xi32>,
        tpu.vector_store %arg9[%swap3A_1751, %swap3A_1752], %gather3A_1749 {strides = array<i32>} : memref<8x128xi32, #tpu.memory_space<vmem>>, vector<16xi32>,
        %add3A_1754 = arith.constant 126 : i32
        %add3A_1755 = vector.broadcast %add3A_1754 : i32 to vector<16xi32>
        %add3A_1756 = arith.addi %shift_right_logical3A_4, %add3A_1755 : vector<16xi32>
        %gather3A_1757 = tpu.vector_load_idx %arg8[%add3A_1756, %and3A_6] : memref<128x8xi32, #tpu.memory_space<vmem>>[vector<16xi32>, vector<16xi32>], vector<16xi32>,
        %swap3A_1758 = arith.constant 7 : i32
        %swap3A_1759 = arith.index_cast %swap3A_1758 : i32 to index
        %swap3A_1760 = arith.constant 112 : index
        %swap3A_1761 = tpu.vector_load %arg9[%swap3A_1759, %swap3A_1760] {strides = array<i32>} : memref<8x128xi32, #tpu.memory_space<vmem>>, vector<16xi32>,
        tpu.vector_store %arg9[%swap3A_1759, %swap3A_1760], %gather3A_1757 {strides = array<i32>} : memref<8x128xi32, #tpu.memory_space<vmem>>, vector<16xi32>,
        %dma_start3A_1762 = arith.constant 0 : i32
        %dma_start3A_1763 = arith.constant 0 : i32
        %dma_start3A_1764 = arith.constant 0 : i32
        %dma_start3A_1765 = tpu.memref_slice %arg12[%dma_start3A_1763, %dma_start3A_1764] : memref<1024x32xf32, #tpu.memory_space<vmem>> -> memref<128x32xf32, #tpu.memory_space<vmem>>
        %dma_start3A_1766 = arith.constant 0 : i32
        %dma_start3A_1767 = tpu.memref_slice %arg9[%dma_start3A_1762, %dma_start3A_1766] : memref<8x128xi32, #tpu.memory_space<vmem>> -> memref<1x128xi32, #tpu.memory_space<vmem>>
        %dma_start3A_1768 = tpu.memref_squeeze %dma_start3A_1767 : memref<1x128xi32, #tpu.memory_space<vmem>> -> memref<128xi32, #tpu.memory_space<vmem>>
        %dma_start3A_1769 = arith.constant 0 : i32
        %dma_start3A_1770 = arith.constant 0 : i32
        %dma_start3A_1771 = tpu.memref_slice %arg4[%dma_start3A_1769, %dma_start3A_1770] : memref<600000x32xf32, #tpu.memory_space<hbm>> -> memref<600000x32xf32, #tpu.memory_space<hbm>>
        tpu.enqueue_indirect_dma source(%dma_start3A_1771 : memref<600000x32xf32, #tpu.memory_space<hbm>>) target(%dma_start3A_1765 : memref<128x32xf32, #tpu.memory_space<vmem>>) offsets(%dma_start3A_1768 : memref<128xi32, #tpu.memory_space<vmem>>) semaphore(%arg16 : memref<!tpu.dma_semaphore, #tpu.memory_space<semaphore_mem>>)
        %dma_start3A_1772 = arith.constant 1 : i32
        %dma_start3A_1773 = arith.constant 128 : i32
        %dma_start3A_1774 = arith.constant 0 : i32
        %dma_start3A_1775 = tpu.memref_slice %arg12[%dma_start3A_1773, %dma_start3A_1774] : memref<1024x32xf32, #tpu.memory_space<vmem>> -> memref<128x32xf32, #tpu.memory_space<vmem>>
        %dma_start3A_1776 = arith.constant 0 : i32
        %dma_start3A_1777 = tpu.memref_slice %arg9[%dma_start3A_1772, %dma_start3A_1776] : memref<8x128xi32, #tpu.memory_space<vmem>> -> memref<1x128xi32, #tpu.memory_space<vmem>>
        %dma_start3A_1778 = tpu.memref_squeeze %dma_start3A_1777 : memref<1x128xi32, #tpu.memory_space<vmem>> -> memref<128xi32, #tpu.memory_space<vmem>>
        %dma_start3A_1779 = arith.constant 0 : i32
        %dma_start3A_1780 = arith.constant 0 : i32
        %dma_start3A_1781 = tpu.memref_slice %arg4[%dma_start3A_1779, %dma_start3A_1780] : memref<600000x32xf32, #tpu.memory_space<hbm>> -> memref<600000x32xf32, #tpu.memory_space<hbm>>
        tpu.enqueue_indirect_dma source(%dma_start3A_1781 : memref<600000x32xf32, #tpu.memory_space<hbm>>) target(%dma_start3A_1775 : memref<128x32xf32, #tpu.memory_space<vmem>>) offsets(%dma_start3A_1778 : memref<128xi32, #tpu.memory_space<vmem>>) semaphore(%arg16 : memref<!tpu.dma_semaphore, #tpu.memory_space<semaphore_mem>>)
        %dma_start3A_1782 = arith.constant 2 : i32
        %dma_start3A_1783 = arith.constant 256 : i32
        %dma_start3A_1784 = arith.constant 0 : i32
        %dma_start3A_1785 = tpu.memref_slice %arg12[%dma_start3A_1783, %dma_start3A_1784] : memref<1024x32xf32, #tpu.memory_space<vmem>> -> memref<128x32xf32, #tpu.memory_space<vmem>>
        %dma_start3A_1786 = arith.constant 0 : i32
        %dma_start3A_1787 = tpu.memref_slice %arg9[%dma_start3A_1782, %dma_start3A_1786] : memref<8x128xi32, #tpu.memory_space<vmem>> -> memref<1x128xi32, #tpu.memory_space<vmem>>
        %dma_start3A_1788 = tpu.memref_squeeze %dma_start3A_1787 : memref<1x128xi32, #tpu.memory_space<vmem>> -> memref<128xi32, #tpu.memory_space<vmem>>
        %dma_start3A_1789 = arith.constant 0 : i32
        %dma_start3A_1790 = arith.constant 0 : i32
        %dma_start3A_1791 = tpu.memref_slice %arg4[%dma_start3A_1789, %dma_start3A_1790] : memref<600000x32xf32, #tpu.memory_space<hbm>> -> memref<600000x32xf32, #tpu.memory_space<hbm>>
        tpu.enqueue_indirect_dma source(%dma_start3A_1791 : memref<600000x32xf32, #tpu.memory_space<hbm>>) target(%dma_start3A_1785 : memref<128x32xf32, #tpu.memory_space<vmem>>) offsets(%dma_start3A_1788 : memref<128xi32, #tpu.memory_space<vmem>>) semaphore(%arg16 : memref<!tpu.dma_semaphore, #tpu.memory_space<semaphore_mem>>)
        %dma_start3A_1792 = arith.constant 3 : i32
        %dma_start3A_1793 = arith.constant 384 : i32
        %dma_start3A_1794 = arith.constant 0 : i32
        %dma_start3A_1795 = tpu.memref_slice %arg12[%dma_start3A_1793, %dma_start3A_1794] : memref<1024x32xf32, #tpu.memory_space<vmem>> -> memref<128x32xf32, #tpu.memory_space<vmem>>
        %dma_start3A_1796 = arith.constant 0 : i32
        %dma_start3A_1797 = tpu.memref_slice %arg9[%dma_start3A_1792, %dma_start3A_1796] : memref<8x128xi32, #tpu.memory_space<vmem>> -> memref<1x128xi32, #tpu.memory_space<vmem>>
        %dma_start3A_1798 = tpu.memref_squeeze %dma_start3A_1797 : memref<1x128xi32, #tpu.memory_space<vmem>> -> memref<128xi32, #tpu.memory_space<vmem>>
        %dma_start3A_1799 = arith.constant 0 : i32
        %dma_start3A_1800 = arith.constant 0 : i32
        %dma_start3A_1801 = tpu.memref_slice %arg4[%dma_start3A_1799, %dma_start3A_1800] : memref<600000x32xf32, #tpu.memory_space<hbm>> -> memref<600000x32xf32, #tpu.memory_space<hbm>>
        tpu.enqueue_indirect_dma source(%dma_start3A_1801 : memref<600000x32xf32, #tpu.memory_space<hbm>>) target(%dma_start3A_1795 : memref<128x32xf32, #tpu.memory_space<vmem>>) offsets(%dma_start3A_1798 : memref<128xi32, #tpu.memory_space<vmem>>) semaphore(%arg16 : memref<!tpu.dma_semaphore, #tpu.memory_space<semaphore_mem>>)
        %dma_start3A_1802 = arith.constant 4 : i32
        %dma_start3A_1803 = arith.constant 512 : i32
        %dma_start3A_1804 = arith.constant 0 : i32
        %dma_start3A_1805 = tpu.memref_slice %arg12[%dma_start3A_1803, %dma_start3A_1804] : memref<1024x32xf32, #tpu.memory_space<vmem>> -> memref<128x32xf32, #tpu.memory_space<vmem>>
        %dma_start3A_1806 = arith.constant 0 : i32
        %dma_start3A_1807 = tpu.memref_slice %arg9[%dma_start3A_1802, %dma_start3A_1806] : memref<8x128xi32, #tpu.memory_space<vmem>> -> memref<1x128xi32, #tpu.memory_space<vmem>>
        %dma_start3A_1808 = tpu.memref_squeeze %dma_start3A_1807 : memref<1x128xi32, #tpu.memory_space<vmem>> -> memref<128xi32, #tpu.memory_space<vmem>>
        %dma_start3A_1809 = arith.constant 0 : i32
        %dma_start3A_1810 = arith.constant 0 : i32
        %dma_start3A_1811 = tpu.memref_slice %arg4[%dma_start3A_1809, %dma_start3A_1810] : memref<600000x32xf32, #tpu.memory_space<hbm>> -> memref<600000x32xf32, #tpu.memory_space<hbm>>
        tpu.enqueue_indirect_dma source(%dma_start3A_1811 : memref<600000x32xf32, #tpu.memory_space<hbm>>) target(%dma_start3A_1805 : memref<128x32xf32, #tpu.memory_space<vmem>>) offsets(%dma_start3A_1808 : memref<128xi32, #tpu.memory_space<vmem>>) semaphore(%arg16 : memref<!tpu.dma_semaphore, #tpu.memory_space<semaphore_mem>>)
        %dma_start3A_1812 = arith.constant 5 : i32
        %dma_start3A_1813 = arith.constant 640 : i32
        %dma_start3A_1814 = arith.constant 0 : i32
        %dma_start3A_1815 = tpu.memref_slice %arg12[%dma_start3A_1813, %dma_start3A_1814] : memref<1024x32xf32, #tpu.memory_space<vmem>> -> memref<128x32xf32, #tpu.memory_space<vmem>>
        %dma_start3A_1816 = arith.constant 0 : i32
        %dma_start3A_1817 = tpu.memref_slice %arg9[%dma_start3A_1812, %dma_start3A_1816] : memref<8x128xi32, #tpu.memory_space<vmem>> -> memref<1x128xi32, #tpu.memory_space<vmem>>
        %dma_start3A_1818 = tpu.memref_squeeze %dma_start3A_1817 : memref<1x128xi32, #tpu.memory_space<vmem>> -> memref<128xi32, #tpu.memory_space<vmem>>
        %dma_start3A_1819 = arith.constant 0 : i32
        %dma_start3A_1820 = arith.constant 0 : i32
        %dma_start3A_1821 = tpu.memref_slice %arg4[%dma_start3A_1819, %dma_start3A_1820] : memref<600000x32xf32, #tpu.memory_space<hbm>> -> memref<600000x32xf32, #tpu.memory_space<hbm>>
        tpu.enqueue_indirect_dma source(%dma_start3A_1821 : memref<600000x32xf32, #tpu.memory_space<hbm>>) target(%dma_start3A_1815 : memref<128x32xf32, #tpu.memory_space<vmem>>) offsets(%dma_start3A_1818 : memref<128xi32, #tpu.memory_space<vmem>>) semaphore(%arg16 : memref<!tpu.dma_semaphore, #tpu.memory_space<semaphore_mem>>)
        %dma_start3A_1822 = arith.constant 6 : i32
        %dma_start3A_1823 = arith.constant 768 : i32
        %dma_start3A_1824 = arith.constant 0 : i32
        %dma_start3A_1825 = tpu.memref_slice %arg12[%dma_start3A_1823, %dma_start3A_1824] : memref<1024x32xf32, #tpu.memory_space<vmem>> -> memref<128x32xf32, #tpu.memory_space<vmem>>
        %dma_start3A_1826 = arith.constant 0 : i32
        %dma_start3A_1827 = tpu.memref_slice %arg9[%dma_start3A_1822, %dma_start3A_1826] : memref<8x128xi32, #tpu.memory_space<vmem>> -> memref<1x128xi32, #tpu.memory_space<vmem>>
        %dma_start3A_1828 = tpu.memref_squeeze %dma_start3A_1827 : memref<1x128xi32, #tpu.memory_space<vmem>> -> memref<128xi32, #tpu.memory_space<vmem>>
        %dma_start3A_1829 = arith.constant 0 : i32
        %dma_start3A_1830 = arith.constant 0 : i32
        %dma_start3A_1831 = tpu.memref_slice %arg4[%dma_start3A_1829, %dma_start3A_1830] : memref<600000x32xf32, #tpu.memory_space<hbm>> -> memref<600000x32xf32, #tpu.memory_space<hbm>>
        tpu.enqueue_indirect_dma source(%dma_start3A_1831 : memref<600000x32xf32, #tpu.memory_space<hbm>>) target(%dma_start3A_1825 : memref<128x32xf32, #tpu.memory_space<vmem>>) offsets(%dma_start3A_1828 : memref<128xi32, #tpu.memory_space<vmem>>) semaphore(%arg16 : memref<!tpu.dma_semaphore, #tpu.memory_space<semaphore_mem>>)
        %dma_start3A_1832 = arith.constant 7 : i32
        %dma_start3A_1833 = arith.constant 896 : i32
        %dma_start3A_1834 = arith.constant 0 : i32
        %dma_start3A_1835 = tpu.memref_slice %arg12[%dma_start3A_1833, %dma_start3A_1834] : memref<1024x32xf32, #tpu.memory_space<vmem>> -> memref<128x32xf32, #tpu.memory_space<vmem>>
        %dma_start3A_1836 = arith.constant 0 : i32
        %dma_start3A_1837 = tpu.memref_slice %arg9[%dma_start3A_1832, %dma_start3A_1836] : memref<8x128xi32, #tpu.memory_space<vmem>> -> memref<1x128xi32, #tpu.memory_space<vmem>>
        %dma_start3A_1838 = tpu.memref_squeeze %dma_start3A_1837 : memref<1x128xi32, #tpu.memory_space<vmem>> -> memref<128xi32, #tpu.memory_space<vmem>>
        %dma_start3A_1839 = arith.constant 0 : i32
        %dma_start3A_1840 = arith.constant 0 : i32
        %dma_start3A_1841 = tpu.memref_slice %arg4[%dma_start3A_1839, %dma_start3A_1840] : memref<600000x32xf32, #tpu.memory_space<hbm>> -> memref<600000x32xf32, #tpu.memory_space<hbm>>
        tpu.enqueue_indirect_dma source(%dma_start3A_1841 : memref<600000x32xf32, #tpu.memory_space<hbm>>) target(%dma_start3A_1835 : memref<128x32xf32, #tpu.memory_space<vmem>>) offsets(%dma_start3A_1838 : memref<128xi32, #tpu.memory_space<vmem>>) semaphore(%arg16 : memref<!tpu.dma_semaphore, #tpu.memory_space<semaphore_mem>>)
      } else {
      }
      %add3A_1228 = arith.constant 128 : i32
      %add3A_1229 = arith.addi %add3A_611, %add3A_1228 : i32
      "tpu.region"() ({
        %run_scoped3A = tpu.sem_alloc : memref<!tpu.dma_semaphore, #tpu.memory_space<semaphore_mem>>
        %dma_start3A_1242 = arith.constant 0 : i32
        %dma_start3A_1243 = tpu.memref_slice %arg5[%dma_start3A_1242, %add3A_1229] : memref<8x262144xf32, #tpu.memory_space<hbm>> -> memref<8x128xf32, #tpu.memory_space<hbm>>
        %dma_start3A_1244 = arith.constant 0 : i32
        %dma_start3A_1245 = tpu.memref_slice %arg5[%dma_start3A_1244, %add3A_1229] : memref<8x262144xf32, #tpu.memory_space<hbm>> -> memref<8x128xf32, #tpu.memory_space<hbm>>
        tpu.enqueue_dma source(%dma_start3A_1245 : memref<8x128xf32, #tpu.memory_space<hbm>>) target(%arg11 : memref<8x128xf32, #tpu.memory_space<vmem>>) target_semaphore(%run_scoped3A : memref<!tpu.dma_semaphore, #tpu.memory_space<semaphore_mem>>)
        %dma_wait3A_1246 = arith.constant 0 : i32
        %dma_wait3A_1247 = tpu.memref_slice %arg5[%dma_wait3A_1246, %add3A_1229] : memref<8x262144xf32, #tpu.memory_space<hbm>> -> memref<8x128xf32, #tpu.memory_space<hbm>>
        %dma_wait3A_1248 = arith.constant 0 : i32
        %dma_wait3A_1249 = tpu.memref_slice %arg5[%dma_wait3A_1248, %add3A_1229] : memref<8x262144xf32, #tpu.memory_space<hbm>> -> memref<8x128xf32, #tpu.memory_space<hbm>>
        tpu.wait_dma2 semaphore(%run_scoped3A : memref<!tpu.dma_semaphore, #tpu.memory_space<semaphore_mem>>) src(%dma_wait3A_1249 : memref<8x128xf32, #tpu.memory_space<hbm>>) dst(%arg11 : memref<8x128xf32, #tpu.memory_space<vmem>>)
        tpu.yield
      }) : () -> ()
      %dma_wait3A_1230 = arith.constant 0 : i32
      %dma_wait3A_1231 = arith.constant 0 : i32
      %dma_wait3A_1232 = tpu.memref_slice %arg4[%dma_wait3A_1230, %dma_wait3A_1231] : memref<600000x32xf32, #tpu.memory_space<hbm>> -> memref<1024x32xf32, #tpu.memory_space<hbm>>
      %dma_wait3A_1233 = arith.constant 0 : i32
      %dma_wait3A_1234 = arith.constant 0 : i32
      %dma_wait3A_1235 = tpu.memref_slice %arg4[%dma_wait3A_1233, %dma_wait3A_1234] : memref<600000x32xf32, #tpu.memory_space<hbm>> -> memref<1024x32xf32, #tpu.memory_space<hbm>>
      tpu.wait_dma2 semaphore(%arg16 : memref<!tpu.dma_semaphore, #tpu.memory_space<semaphore_mem>>) src(%dma_wait3A_1235 : memref<1024x32xf32, #tpu.memory_space<hbm>>) dst(%arg13 : memref<1024x32xf32, #tpu.memory_space<vmem>>)
      %scan3A_1236 = arith.constant 0 : i32
      %scan3A_1237 = arith.constant 0 : i32
      %scan3A_1238 = arith.constant 64 : i32
      %scan3A_1239 = arith.addi %scan3A_1237, %scan3A_1238 : i32
      %scan3A_1240 = arith.constant 1 : i32
      scf.for %scan3A_1242 = %scan3A_1237 to %scan3A_1239 step %scan3A_1240  : i32 {
        %mul3A_1243 = arith.constant 2 : i32
        %mul3A_1244 = arith.muli %mul3A_1243, %scan3A_1242 : i32
        %add3A_1245 = vector.broadcast %mul3A_1244 : i32 to vector<16xi32>
        %add3A_1246 = arith.addi %shift_right_logical3A_4, %add3A_1245 : vector<16xi32>
        %gather3A_1247 = tpu.vector_load_idx %arg11[%and3A_6, %add3A_1246] : memref<8x128xf32, #tpu.memory_space<vmem>>[vector<16xi32>, vector<16xi32>], vector<16xf32>,
        %mul3A_1248 = arith.constant 2 : i32
        %mul3A_1249 = arith.muli %mul3A_1248, %scan3A_1242 : i32
        %add3A_1250 = arith.constant 0 : i32
        %add3A_1251 = arith.addi %mul3A_1249, %add3A_1250 : i32
        %broadcast_in_dim3A = arith.constant 0.000000e+00 : f32
        %broadcast_in_dim3A_1252 = vector.broadcast %broadcast_in_dim3A : f32 to vector<16xf32>
        %broadcast_in_dim3A_1253 = arith.constant 0.000000e+00 : f32
        %broadcast_in_dim3A_1254 = vector.broadcast %broadcast_in_dim3A_1253 : f32 to vector<16xf32>
        %broadcast_in_dim3A_1255 = arith.constant 0 : i32
        %broadcast_in_dim3A_1256 = vector.broadcast %broadcast_in_dim3A_1255 : i32 to vector<16xi32>
        %lt3A_1257 = arith.constant 0 : i32
        %lt3A_1258 = vector.broadcast %lt3A_1257 : i32 to vector<16xi32>
        %lt3A_1259 = arith.cmpi slt, %broadcast_in_dim3A_1256, %lt3A_1258 : vector<16xi32>
        %add3A_1260 = arith.constant 16 : i32
        %add3A_1261 = vector.broadcast %add3A_1260 : i32 to vector<16xi32>
        %add3A_1262 = arith.addi %broadcast_in_dim3A_1256, %add3A_1261 : vector<16xi32>
        %select_n3A = arith.select %lt3A_1259, %add3A_1262, %broadcast_in_dim3A_1256 : vector<16xi1>, vector<16xi32>
        %broadcast_in_dim3A_1263 = vector.shape_cast %select_n3A : vector<16xi32> to vector<16x1xi32>
        %gather3A_1264 = vector.shape_cast %broadcast_in_dim3A_1263 : vector<16x1xi32> to vector<16xi32>
        %gather3A_1265 = tpu.dynamic_gather %gather3A_1247[%gather3A_1264] in [0] : vector<16xf32>, vector<16xi32> -> vector<16xf32>
        %mul3A_1266 = arith.constant 8 : i32
        %mul3A_1267 = arith.muli %mul3A_1266, %add3A_1251 : i32
        %add3A_1268 = arith.constant 0 : i32
        %add3A_1269 = arith.addi %mul3A_1267, %add3A_1268 : i32
        %get3A = arith.index_cast %add3A_1269 : i32 to index
        %get3A_1270 = arith.constant 0 : index
        %get3A_1271 = tpu.vector_load %arg13[%get3A, %get3A_1270] {strides = array<i32>} : memref<1024x32xf32, #tpu.memory_space<vmem>>, vector<16xf32>,
        %mul3A_1272 = arith.constant 8 : i32
        %mul3A_1273 = arith.muli %mul3A_1272, %add3A_1251 : i32
        %add3A_1274 = arith.constant 0 : i32
        %add3A_1275 = arith.addi %mul3A_1273, %add3A_1274 : i32
        %get3A_1276 = arith.index_cast %add3A_1275 : i32 to index
        %get3A_1277 = arith.constant 12 : index
        %get3A_1278 = tpu.vector_load %arg13[%get3A_1276, %get3A_1277] {strides = array<i32>} : memref<1024x32xf32, #tpu.memory_space<vmem>>, vector<16xf32>,
        %mul3A_1279 = arith.mulf %gather3A_1265, %get3A_1271 : vector<16xf32>
        %add3A_1280 = arith.addf %broadcast_in_dim3A_1252, %mul3A_1279 : vector<16xf32>
        %mul3A_1281 = arith.mulf %gather3A_1265, %get3A_1278 : vector<16xf32>
        %add3A_1282 = arith.addf %broadcast_in_dim3A_1254, %mul3A_1281 : vector<16xf32>
        %broadcast_in_dim3A_1283 = arith.constant 1 : i32
        %broadcast_in_dim3A_1284 = vector.broadcast %broadcast_in_dim3A_1283 : i32 to vector<16xi32>
        %lt3A_1285 = arith.constant 0 : i32
        %lt3A_1286 = vector.broadcast %lt3A_1285 : i32 to vector<16xi32>
        %lt3A_1287 = arith.cmpi slt, %broadcast_in_dim3A_1284, %lt3A_1286 : vector<16xi32>
        %add3A_1288 = arith.constant 16 : i32
        %add3A_1289 = vector.broadcast %add3A_1288 : i32 to vector<16xi32>
        %add3A_1290 = arith.addi %broadcast_in_dim3A_1284, %add3A_1289 : vector<16xi32>
        %select_n3A_1291 = arith.select %lt3A_1287, %add3A_1290, %broadcast_in_dim3A_1284 : vector<16xi1>, vector<16xi32>
        %broadcast_in_dim3A_1292 = vector.shape_cast %select_n3A_1291 : vector<16xi32> to vector<16x1xi32>
        %gather3A_1293 = vector.shape_cast %broadcast_in_dim3A_1292 : vector<16x1xi32> to vector<16xi32>
        %gather3A_1294 = tpu.dynamic_gather %gather3A_1247[%gather3A_1293] in [0] : vector<16xf32>, vector<16xi32> -> vector<16xf32>
        %mul3A_1295 = arith.constant 8 : i32
        %mul3A_1296 = arith.muli %mul3A_1295, %add3A_1251 : i32
        %add3A_1297 = arith.constant 1 : i32
        %add3A_1298 = arith.addi %mul3A_1296, %add3A_1297 : i32
        %get3A_1299 = arith.index_cast %add3A_1298 : i32 to index
        %get3A_1300 = arith.constant 0 : index
        %get3A_1301 = tpu.vector_load %arg13[%get3A_1299, %get3A_1300] {strides = array<i32>} : memref<1024x32xf32, #tpu.memory_space<vmem>>, vector<16xf32>,
        %mul3A_1302 = arith.constant 8 : i32
        %mul3A_1303 = arith.muli %mul3A_1302, %add3A_1251 : i32
        %add3A_1304 = arith.constant 1 : i32
        %add3A_1305 = arith.addi %mul3A_1303, %add3A_1304 : i32
        %get3A_1306 = arith.index_cast %add3A_1305 : i32 to index
        %get3A_1307 = arith.constant 12 : index
        %get3A_1308 = tpu.vector_load %arg13[%get3A_1306, %get3A_1307] {strides = array<i32>} : memref<1024x32xf32, #tpu.memory_space<vmem>>, vector<16xf32>,
        %mul3A_1309 = arith.mulf %gather3A_1294, %get3A_1301 : vector<16xf32>
        %add3A_1310 = arith.addf %add3A_1280, %mul3A_1309 : vector<16xf32>
        %mul3A_1311 = arith.mulf %gather3A_1294, %get3A_1308 : vector<16xf32>
        %add3A_1312 = arith.addf %add3A_1282, %mul3A_1311 : vector<16xf32>
        %broadcast_in_dim3A_1313 = arith.constant 2 : i32
        %broadcast_in_dim3A_1314 = vector.broadcast %broadcast_in_dim3A_1313 : i32 to vector<16xi32>
        %lt3A_1315 = arith.constant 0 : i32
        %lt3A_1316 = vector.broadcast %lt3A_1315 : i32 to vector<16xi32>
        %lt3A_1317 = arith.cmpi slt, %broadcast_in_dim3A_1314, %lt3A_1316 : vector<16xi32>
        %add3A_1318 = arith.constant 16 : i32
        %add3A_1319 = vector.broadcast %add3A_1318 : i32 to vector<16xi32>
        %add3A_1320 = arith.addi %broadcast_in_dim3A_1314, %add3A_1319 : vector<16xi32>
        %select_n3A_1321 = arith.select %lt3A_1317, %add3A_1320, %broadcast_in_dim3A_1314 : vector<16xi1>, vector<16xi32>
        %broadcast_in_dim3A_1322 = vector.shape_cast %select_n3A_1321 : vector<16xi32> to vector<16x1xi32>
        %gather3A_1323 = vector.shape_cast %broadcast_in_dim3A_1322 : vector<16x1xi32> to vector<16xi32>
        %gather3A_1324 = tpu.dynamic_gather %gather3A_1247[%gather3A_1323] in [0] : vector<16xf32>, vector<16xi32> -> vector<16xf32>
        %mul3A_1325 = arith.constant 8 : i32
        %mul3A_1326 = arith.muli %mul3A_1325, %add3A_1251 : i32
        %add3A_1327 = arith.constant 2 : i32
        %add3A_1328 = arith.addi %mul3A_1326, %add3A_1327 : i32
        %get3A_1329 = arith.index_cast %add3A_1328 : i32 to index
        %get3A_1330 = arith.constant 0 : index
        %get3A_1331 = tpu.vector_load %arg13[%get3A_1329, %get3A_1330] {strides = array<i32>} : memref<1024x32xf32, #tpu.memory_space<vmem>>, vector<16xf32>,
        %mul3A_1332 = arith.constant 8 : i32
        %mul3A_1333 = arith.muli %mul3A_1332, %add3A_1251 : i32
        %add3A_1334 = arith.constant 2 : i32
        %add3A_1335 = arith.addi %mul3A_1333, %add3A_1334 : i32
        %get3A_1336 = arith.index_cast %add3A_1335 : i32 to index
        %get3A_1337 = arith.constant 12 : index
        %get3A_1338 = tpu.vector_load %arg13[%get3A_1336, %get3A_1337] {strides = array<i32>} : memref<1024x32xf32, #tpu.memory_space<vmem>>, vector<16xf32>,
        %mul3A_1339 = arith.mulf %gather3A_1324, %get3A_1331 : vector<16xf32>
        %add3A_1340 = arith.addf %add3A_1310, %mul3A_1339 : vector<16xf32>
        %mul3A_1341 = arith.mulf %gather3A_1324, %get3A_1338 : vector<16xf32>
        %add3A_1342 = arith.addf %add3A_1312, %mul3A_1341 : vector<16xf32>
        %broadcast_in_dim3A_1343 = arith.constant 3 : i32
        %broadcast_in_dim3A_1344 = vector.broadcast %broadcast_in_dim3A_1343 : i32 to vector<16xi32>
        %lt3A_1345 = arith.constant 0 : i32
        %lt3A_1346 = vector.broadcast %lt3A_1345 : i32 to vector<16xi32>
        %lt3A_1347 = arith.cmpi slt, %broadcast_in_dim3A_1344, %lt3A_1346 : vector<16xi32>
        %add3A_1348 = arith.constant 16 : i32
        %add3A_1349 = vector.broadcast %add3A_1348 : i32 to vector<16xi32>
        %add3A_1350 = arith.addi %broadcast_in_dim3A_1344, %add3A_1349 : vector<16xi32>
        %select_n3A_1351 = arith.select %lt3A_1347, %add3A_1350, %broadcast_in_dim3A_1344 : vector<16xi1>, vector<16xi32>
        %broadcast_in_dim3A_1352 = vector.shape_cast %select_n3A_1351 : vector<16xi32> to vector<16x1xi32>
        %gather3A_1353 = vector.shape_cast %broadcast_in_dim3A_1352 : vector<16x1xi32> to vector<16xi32>
        %gather3A_1354 = tpu.dynamic_gather %gather3A_1247[%gather3A_1353] in [0] : vector<16xf32>, vector<16xi32> -> vector<16xf32>
        %mul3A_1355 = arith.constant 8 : i32
        %mul3A_1356 = arith.muli %mul3A_1355, %add3A_1251 : i32
        %add3A_1357 = arith.constant 3 : i32
        %add3A_1358 = arith.addi %mul3A_1356, %add3A_1357 : i32
        %get3A_1359 = arith.index_cast %add3A_1358 : i32 to index
        %get3A_1360 = arith.constant 0 : index
        %get3A_1361 = tpu.vector_load %arg13[%get3A_1359, %get3A_1360] {strides = array<i32>} : memref<1024x32xf32, #tpu.memory_space<vmem>>, vector<16xf32>,
        %mul3A_1362 = arith.constant 8 : i32
        %mul3A_1363 = arith.muli %mul3A_1362, %add3A_1251 : i32
        %add3A_1364 = arith.constant 3 : i32
        %add3A_1365 = arith.addi %mul3A_1363, %add3A_1364 : i32
        %get3A_1366 = arith.index_cast %add3A_1365 : i32 to index
        %get3A_1367 = arith.constant 12 : index
        %get3A_1368 = tpu.vector_load %arg13[%get3A_1366, %get3A_1367] {strides = array<i32>} : memref<1024x32xf32, #tpu.memory_space<vmem>>, vector<16xf32>,
        %mul3A_1369 = arith.mulf %gather3A_1354, %get3A_1361 : vector<16xf32>
        %add3A_1370 = arith.addf %add3A_1340, %mul3A_1369 : vector<16xf32>
        %mul3A_1371 = arith.mulf %gather3A_1354, %get3A_1368 : vector<16xf32>
        %add3A_1372 = arith.addf %add3A_1342, %mul3A_1371 : vector<16xf32>
        %broadcast_in_dim3A_1373 = arith.constant 4 : i32
        %broadcast_in_dim3A_1374 = vector.broadcast %broadcast_in_dim3A_1373 : i32 to vector<16xi32>
        %lt3A_1375 = arith.constant 0 : i32
        %lt3A_1376 = vector.broadcast %lt3A_1375 : i32 to vector<16xi32>
        %lt3A_1377 = arith.cmpi slt, %broadcast_in_dim3A_1374, %lt3A_1376 : vector<16xi32>
        %add3A_1378 = arith.constant 16 : i32
        %add3A_1379 = vector.broadcast %add3A_1378 : i32 to vector<16xi32>
        %add3A_1380 = arith.addi %broadcast_in_dim3A_1374, %add3A_1379 : vector<16xi32>
        %select_n3A_1381 = arith.select %lt3A_1377, %add3A_1380, %broadcast_in_dim3A_1374 : vector<16xi1>, vector<16xi32>
        %broadcast_in_dim3A_1382 = vector.shape_cast %select_n3A_1381 : vector<16xi32> to vector<16x1xi32>
        %gather3A_1383 = vector.shape_cast %broadcast_in_dim3A_1382 : vector<16x1xi32> to vector<16xi32>
        %gather3A_1384 = tpu.dynamic_gather %gather3A_1247[%gather3A_1383] in [0] : vector<16xf32>, vector<16xi32> -> vector<16xf32>
        %mul3A_1385 = arith.constant 8 : i32
        %mul3A_1386 = arith.muli %mul3A_1385, %add3A_1251 : i32
        %add3A_1387 = arith.constant 4 : i32
        %add3A_1388 = arith.addi %mul3A_1386, %add3A_1387 : i32
        %get3A_1389 = arith.index_cast %add3A_1388 : i32 to index
        %get3A_1390 = arith.constant 0 : index
        %get3A_1391 = tpu.vector_load %arg13[%get3A_1389, %get3A_1390] {strides = array<i32>} : memref<1024x32xf32, #tpu.memory_space<vmem>>, vector<16xf32>,
        %mul3A_1392 = arith.constant 8 : i32
        %mul3A_1393 = arith.muli %mul3A_1392, %add3A_1251 : i32
        %add3A_1394 = arith.constant 4 : i32
        %add3A_1395 = arith.addi %mul3A_1393, %add3A_1394 : i32
        %get3A_1396 = arith.index_cast %add3A_1395 : i32 to index
        %get3A_1397 = arith.constant 12 : index
        %get3A_1398 = tpu.vector_load %arg13[%get3A_1396, %get3A_1397] {strides = array<i32>} : memref<1024x32xf32, #tpu.memory_space<vmem>>, vector<16xf32>,
        %mul3A_1399 = arith.mulf %gather3A_1384, %get3A_1391 : vector<16xf32>
        %add3A_1400 = arith.addf %add3A_1370, %mul3A_1399 : vector<16xf32>
        %mul3A_1401 = arith.mulf %gather3A_1384, %get3A_1398 : vector<16xf32>
        %add3A_1402 = arith.addf %add3A_1372, %mul3A_1401 : vector<16xf32>
        %broadcast_in_dim3A_1403 = arith.constant 5 : i32
        %broadcast_in_dim3A_1404 = vector.broadcast %broadcast_in_dim3A_1403 : i32 to vector<16xi32>
        %lt3A_1405 = arith.constant 0 : i32
        %lt3A_1406 = vector.broadcast %lt3A_1405 : i32 to vector<16xi32>
        %lt3A_1407 = arith.cmpi slt, %broadcast_in_dim3A_1404, %lt3A_1406 : vector<16xi32>
        %add3A_1408 = arith.constant 16 : i32
        %add3A_1409 = vector.broadcast %add3A_1408 : i32 to vector<16xi32>
        %add3A_1410 = arith.addi %broadcast_in_dim3A_1404, %add3A_1409 : vector<16xi32>
        %select_n3A_1411 = arith.select %lt3A_1407, %add3A_1410, %broadcast_in_dim3A_1404 : vector<16xi1>, vector<16xi32>
        %broadcast_in_dim3A_1412 = vector.shape_cast %select_n3A_1411 : vector<16xi32> to vector<16x1xi32>
        %gather3A_1413 = vector.shape_cast %broadcast_in_dim3A_1412 : vector<16x1xi32> to vector<16xi32>
        %gather3A_1414 = tpu.dynamic_gather %gather3A_1247[%gather3A_1413] in [0] : vector<16xf32>, vector<16xi32> -> vector<16xf32>
        %mul3A_1415 = arith.constant 8 : i32
        %mul3A_1416 = arith.muli %mul3A_1415, %add3A_1251 : i32
        %add3A_1417 = arith.constant 5 : i32
        %add3A_1418 = arith.addi %mul3A_1416, %add3A_1417 : i32
        %get3A_1419 = arith.index_cast %add3A_1418 : i32 to index
        %get3A_1420 = arith.constant 0 : index
        %get3A_1421 = tpu.vector_load %arg13[%get3A_1419, %get3A_1420] {strides = array<i32>} : memref<1024x32xf32, #tpu.memory_space<vmem>>, vector<16xf32>,
        %mul3A_1422 = arith.constant 8 : i32
        %mul3A_1423 = arith.muli %mul3A_1422, %add3A_1251 : i32
        %add3A_1424 = arith.constant 5 : i32
        %add3A_1425 = arith.addi %mul3A_1423, %add3A_1424 : i32
        %get3A_1426 = arith.index_cast %add3A_1425 : i32 to index
        %get3A_1427 = arith.constant 12 : index
        %get3A_1428 = tpu.vector_load %arg13[%get3A_1426, %get3A_1427] {strides = array<i32>} : memref<1024x32xf32, #tpu.memory_space<vmem>>, vector<16xf32>,
        %mul3A_1429 = arith.mulf %gather3A_1414, %get3A_1421 : vector<16xf32>
        %add3A_1430 = arith.addf %add3A_1400, %mul3A_1429 : vector<16xf32>
        %mul3A_1431 = arith.mulf %gather3A_1414, %get3A_1428 : vector<16xf32>
        %add3A_1432 = arith.addf %add3A_1402, %mul3A_1431 : vector<16xf32>
        %broadcast_in_dim3A_1433 = arith.constant 6 : i32
        %broadcast_in_dim3A_1434 = vector.broadcast %broadcast_in_dim3A_1433 : i32 to vector<16xi32>
        %lt3A_1435 = arith.constant 0 : i32
        %lt3A_1436 = vector.broadcast %lt3A_1435 : i32 to vector<16xi32>
        %lt3A_1437 = arith.cmpi slt, %broadcast_in_dim3A_1434, %lt3A_1436 : vector<16xi32>
        %add3A_1438 = arith.constant 16 : i32
        %add3A_1439 = vector.broadcast %add3A_1438 : i32 to vector<16xi32>
        %add3A_1440 = arith.addi %broadcast_in_dim3A_1434, %add3A_1439 : vector<16xi32>
        %select_n3A_1441 = arith.select %lt3A_1437, %add3A_1440, %broadcast_in_dim3A_1434 : vector<16xi1>, vector<16xi32>
        %broadcast_in_dim3A_1442 = vector.shape_cast %select_n3A_1441 : vector<16xi32> to vector<16x1xi32>
        %gather3A_1443 = vector.shape_cast %broadcast_in_dim3A_1442 : vector<16x1xi32> to vector<16xi32>
        %gather3A_1444 = tpu.dynamic_gather %gather3A_1247[%gather3A_1443] in [0] : vector<16xf32>, vector<16xi32> -> vector<16xf32>
        %mul3A_1445 = arith.constant 8 : i32
        %mul3A_1446 = arith.muli %mul3A_1445, %add3A_1251 : i32
        %add3A_1447 = arith.constant 6 : i32
        %add3A_1448 = arith.addi %mul3A_1446, %add3A_1447 : i32
        %get3A_1449 = arith.index_cast %add3A_1448 : i32 to index
        %get3A_1450 = arith.constant 0 : index
        %get3A_1451 = tpu.vector_load %arg13[%get3A_1449, %get3A_1450] {strides = array<i32>} : memref<1024x32xf32, #tpu.memory_space<vmem>>, vector<16xf32>,
        %mul3A_1452 = arith.constant 8 : i32
        %mul3A_1453 = arith.muli %mul3A_1452, %add3A_1251 : i32
        %add3A_1454 = arith.constant 6 : i32
        %add3A_1455 = arith.addi %mul3A_1453, %add3A_1454 : i32
        %get3A_1456 = arith.index_cast %add3A_1455 : i32 to index
        %get3A_1457 = arith.constant 12 : index
        %get3A_1458 = tpu.vector_load %arg13[%get3A_1456, %get3A_1457] {strides = array<i32>} : memref<1024x32xf32, #tpu.memory_space<vmem>>, vector<16xf32>,
        %mul3A_1459 = arith.mulf %gather3A_1444, %get3A_1451 : vector<16xf32>
        %add3A_1460 = arith.addf %add3A_1430, %mul3A_1459 : vector<16xf32>
        %mul3A_1461 = arith.mulf %gather3A_1444, %get3A_1458 : vector<16xf32>
        %add3A_1462 = arith.addf %add3A_1432, %mul3A_1461 : vector<16xf32>
        %broadcast_in_dim3A_1463 = arith.constant 7 : i32
        %broadcast_in_dim3A_1464 = vector.broadcast %broadcast_in_dim3A_1463 : i32 to vector<16xi32>
        %lt3A_1465 = arith.constant 0 : i32
        %lt3A_1466 = vector.broadcast %lt3A_1465 : i32 to vector<16xi32>
        %lt3A_1467 = arith.cmpi slt, %broadcast_in_dim3A_1464, %lt3A_1466 : vector<16xi32>
        %add3A_1468 = arith.constant 16 : i32
        %add3A_1469 = vector.broadcast %add3A_1468 : i32 to vector<16xi32>
        %add3A_1470 = arith.addi %broadcast_in_dim3A_1464, %add3A_1469 : vector<16xi32>
        %select_n3A_1471 = arith.select %lt3A_1467, %add3A_1470, %broadcast_in_dim3A_1464 : vector<16xi1>, vector<16xi32>
        %broadcast_in_dim3A_1472 = vector.shape_cast %select_n3A_1471 : vector<16xi32> to vector<16x1xi32>
        %gather3A_1473 = vector.shape_cast %broadcast_in_dim3A_1472 : vector<16x1xi32> to vector<16xi32>
        %gather3A_1474 = tpu.dynamic_gather %gather3A_1247[%gather3A_1473] in [0] : vector<16xf32>, vector<16xi32> -> vector<16xf32>
        %mul3A_1475 = arith.constant 8 : i32
        %mul3A_1476 = arith.muli %mul3A_1475, %add3A_1251 : i32
        %add3A_1477 = arith.constant 7 : i32
        %add3A_1478 = arith.addi %mul3A_1476, %add3A_1477 : i32
        %get3A_1479 = arith.index_cast %add3A_1478 : i32 to index
        %get3A_1480 = arith.constant 0 : index
        %get3A_1481 = tpu.vector_load %arg13[%get3A_1479, %get3A_1480] {strides = array<i32>} : memref<1024x32xf32, #tpu.memory_space<vmem>>, vector<16xf32>,
        %mul3A_1482 = arith.constant 8 : i32
        %mul3A_1483 = arith.muli %mul3A_1482, %add3A_1251 : i32
        %add3A_1484 = arith.constant 7 : i32
        %add3A_1485 = arith.addi %mul3A_1483, %add3A_1484 : i32
        %get3A_1486 = arith.index_cast %add3A_1485 : i32 to index
        %get3A_1487 = arith.constant 12 : index
        %get3A_1488 = tpu.vector_load %arg13[%get3A_1486, %get3A_1487] {strides = array<i32>} : memref<1024x32xf32, #tpu.memory_space<vmem>>, vector<16xf32>,
        %mul3A_1489 = arith.mulf %gather3A_1474, %get3A_1481 : vector<16xf32>
        %add3A_1490 = arith.addf %add3A_1460, %mul3A_1489 : vector<16xf32>
        %mul3A_1491 = arith.mulf %gather3A_1474, %get3A_1488 : vector<16xf32>
        %add3A_1492 = arith.addf %add3A_1462, %mul3A_1491 : vector<16xf32>
        %swap3A_1493 = arith.index_cast %add3A_1251 : i32 to index
        %swap3A_1494 = arith.constant 0 : index
        %swap3A_1495 = tpu.vector_load %arg14[%swap3A_1493, %swap3A_1494] {strides = array<i32>} : memref<128x28xf32, #tpu.memory_space<vmem>>, vector<16xf32>,
        tpu.vector_store %arg14[%swap3A_1493, %swap3A_1494], %add3A_1490 {strides = array<i32>} : memref<128x28xf32, #tpu.memory_space<vmem>>, vector<16xf32>,
        %swap3A_1496 = arith.index_cast %add3A_1251 : i32 to index
        %swap3A_1497 = arith.constant 12 : index
        %swap3A_1498 = tpu.vector_load %arg14[%swap3A_1496, %swap3A_1497] {strides = array<i32>} : memref<128x28xf32, #tpu.memory_space<vmem>>, vector<16xf32>,
        tpu.vector_store %arg14[%swap3A_1496, %swap3A_1497], %add3A_1492 {strides = array<i32>} : memref<128x28xf32, #tpu.memory_space<vmem>>, vector<16xf32>,
        %mul3A_1499 = arith.constant 2 : i32
        %mul3A_1500 = arith.muli %mul3A_1499, %scan3A_1242 : i32
        %add3A_1501 = arith.constant 1 : i32
        %add3A_1502 = arith.addi %mul3A_1500, %add3A_1501 : i32
        %broadcast_in_dim3A_1503 = arith.constant 0.000000e+00 : f32
        %broadcast_in_dim3A_1504 = vector.broadcast %broadcast_in_dim3A_1503 : f32 to vector<16xf32>
        %broadcast_in_dim3A_1505 = arith.constant 0.000000e+00 : f32
        %broadcast_in_dim3A_1506 = vector.broadcast %broadcast_in_dim3A_1505 : f32 to vector<16xf32>
        %broadcast_in_dim3A_1507 = arith.constant 8 : i32
        %broadcast_in_dim3A_1508 = vector.broadcast %broadcast_in_dim3A_1507 : i32 to vector<16xi32>
        %lt3A_1509 = arith.constant 0 : i32
        %lt3A_1510 = vector.broadcast %lt3A_1509 : i32 to vector<16xi32>
        %lt3A_1511 = arith.cmpi slt, %broadcast_in_dim3A_1508, %lt3A_1510 : vector<16xi32>
        %add3A_1512 = arith.constant 16 : i32
        %add3A_1513 = vector.broadcast %add3A_1512 : i32 to vector<16xi32>
        %add3A_1514 = arith.addi %broadcast_in_dim3A_1508, %add3A_1513 : vector<16xi32>
        %select_n3A_1515 = arith.select %lt3A_1511, %add3A_1514, %broadcast_in_dim3A_1508 : vector<16xi1>, vector<16xi32>
        %broadcast_in_dim3A_1516 = vector.shape_cast %select_n3A_1515 : vector<16xi32> to vector<16x1xi32>
        %gather3A_1517 = vector.shape_cast %broadcast_in_dim3A_1516 : vector<16x1xi32> to vector<16xi32>
        %gather3A_1518 = tpu.dynamic_gather %gather3A_1247[%gather3A_1517] in [0] : vector<16xf32>, vector<16xi32> -> vector<16xf32>
        %mul3A_1519 = arith.constant 8 : i32
        %mul3A_1520 = arith.muli %mul3A_1519, %add3A_1502 : i32
        %add3A_1521 = arith.constant 0 : i32
        %add3A_1522 = arith.addi %mul3A_1520, %add3A_1521 : i32
        %get3A_1523 = arith.index_cast %add3A_1522 : i32 to index
        %get3A_1524 = arith.constant 0 : index
        %get3A_1525 = tpu.vector_load %arg13[%get3A_1523, %get3A_1524] {strides = array<i32>} : memref<1024x32xf32, #tpu.memory_space<vmem>>, vector<16xf32>,
        %mul3A_1526 = arith.constant 8 : i32
        %mul3A_1527 = arith.muli %mul3A_1526, %add3A_1502 : i32
        %add3A_1528 = arith.constant 0 : i32
        %add3A_1529 = arith.addi %mul3A_1527, %add3A_1528 : i32
        %get3A_1530 = arith.index_cast %add3A_1529 : i32 to index
        %get3A_1531 = arith.constant 12 : index
        %get3A_1532 = tpu.vector_load %arg13[%get3A_1530, %get3A_1531] {strides = array<i32>} : memref<1024x32xf32, #tpu.memory_space<vmem>>, vector<16xf32>,
        %mul3A_1533 = arith.mulf %gather3A_1518, %get3A_1525 : vector<16xf32>
        %add3A_1534 = arith.addf %broadcast_in_dim3A_1504, %mul3A_1533 : vector<16xf32>
        %mul3A_1535 = arith.mulf %gather3A_1518, %get3A_1532 : vector<16xf32>
        %add3A_1536 = arith.addf %broadcast_in_dim3A_1506, %mul3A_1535 : vector<16xf32>
        %broadcast_in_dim3A_1537 = arith.constant 9 : i32
        %broadcast_in_dim3A_1538 = vector.broadcast %broadcast_in_dim3A_1537 : i32 to vector<16xi32>
        %lt3A_1539 = arith.constant 0 : i32
        %lt3A_1540 = vector.broadcast %lt3A_1539 : i32 to vector<16xi32>
        %lt3A_1541 = arith.cmpi slt, %broadcast_in_dim3A_1538, %lt3A_1540 : vector<16xi32>
        %add3A_1542 = arith.constant 16 : i32
        %add3A_1543 = vector.broadcast %add3A_1542 : i32 to vector<16xi32>
        %add3A_1544 = arith.addi %broadcast_in_dim3A_1538, %add3A_1543 : vector<16xi32>
        %select_n3A_1545 = arith.select %lt3A_1541, %add3A_1544, %broadcast_in_dim3A_1538 : vector<16xi1>, vector<16xi32>
        %broadcast_in_dim3A_1546 = vector.shape_cast %select_n3A_1545 : vector<16xi32> to vector<16x1xi32>
        %gather3A_1547 = vector.shape_cast %broadcast_in_dim3A_1546 : vector<16x1xi32> to vector<16xi32>
        %gather3A_1548 = tpu.dynamic_gather %gather3A_1247[%gather3A_1547] in [0] : vector<16xf32>, vector<16xi32> -> vector<16xf32>
        %mul3A_1549 = arith.constant 8 : i32
        %mul3A_1550 = arith.muli %mul3A_1549, %add3A_1502 : i32
        %add3A_1551 = arith.constant 1 : i32
        %add3A_1552 = arith.addi %mul3A_1550, %add3A_1551 : i32
        %get3A_1553 = arith.index_cast %add3A_1552 : i32 to index
        %get3A_1554 = arith.constant 0 : index
        %get3A_1555 = tpu.vector_load %arg13[%get3A_1553, %get3A_1554] {strides = array<i32>} : memref<1024x32xf32, #tpu.memory_space<vmem>>, vector<16xf32>,
        %mul3A_1556 = arith.constant 8 : i32
        %mul3A_1557 = arith.muli %mul3A_1556, %add3A_1502 : i32
        %add3A_1558 = arith.constant 1 : i32
        %add3A_1559 = arith.addi %mul3A_1557, %add3A_1558 : i32
        %get3A_1560 = arith.index_cast %add3A_1559 : i32 to index
        %get3A_1561 = arith.constant 12 : index
        %get3A_1562 = tpu.vector_load %arg13[%get3A_1560, %get3A_1561] {strides = array<i32>} : memref<1024x32xf32, #tpu.memory_space<vmem>>, vector<16xf32>,
        %mul3A_1563 = arith.mulf %gather3A_1548, %get3A_1555 : vector<16xf32>
        %add3A_1564 = arith.addf %add3A_1534, %mul3A_1563 : vector<16xf32>
        %mul3A_1565 = arith.mulf %gather3A_1548, %get3A_1562 : vector<16xf32>
        %add3A_1566 = arith.addf %add3A_1536, %mul3A_1565 : vector<16xf32>
        %broadcast_in_dim3A_1567 = arith.constant 10 : i32
        %broadcast_in_dim3A_1568 = vector.broadcast %broadcast_in_dim3A_1567 : i32 to vector<16xi32>
        %lt3A_1569 = arith.constant 0 : i32
        %lt3A_1570 = vector.broadcast %lt3A_1569 : i32 to vector<16xi32>
        %lt3A_1571 = arith.cmpi slt, %broadcast_in_dim3A_1568, %lt3A_1570 : vector<16xi32>
        %add3A_1572 = arith.constant 16 : i32
        %add3A_1573 = vector.broadcast %add3A_1572 : i32 to vector<16xi32>
        %add3A_1574 = arith.addi %broadcast_in_dim3A_1568, %add3A_1573 : vector<16xi32>
        %select_n3A_1575 = arith.select %lt3A_1571, %add3A_1574, %broadcast_in_dim3A_1568 : vector<16xi1>, vector<16xi32>
        %broadcast_in_dim3A_1576 = vector.shape_cast %select_n3A_1575 : vector<16xi32> to vector<16x1xi32>
        %gather3A_1577 = vector.shape_cast %broadcast_in_dim3A_1576 : vector<16x1xi32> to vector<16xi32>
        %gather3A_1578 = tpu.dynamic_gather %gather3A_1247[%gather3A_1577] in [0] : vector<16xf32>, vector<16xi32> -> vector<16xf32>
        %mul3A_1579 = arith.constant 8 : i32
        %mul3A_1580 = arith.muli %mul3A_1579, %add3A_1502 : i32
        %add3A_1581 = arith.constant 2 : i32
        %add3A_1582 = arith.addi %mul3A_1580, %add3A_1581 : i32
        %get3A_1583 = arith.index_cast %add3A_1582 : i32 to index
        %get3A_1584 = arith.constant 0 : index
        %get3A_1585 = tpu.vector_load %arg13[%get3A_1583, %get3A_1584] {strides = array<i32>} : memref<1024x32xf32, #tpu.memory_space<vmem>>, vector<16xf32>,
        %mul3A_1586 = arith.constant 8 : i32
        %mul3A_1587 = arith.muli %mul3A_1586, %add3A_1502 : i32
        %add3A_1588 = arith.constant 2 : i32
        %add3A_1589 = arith.addi %mul3A_1587, %add3A_1588 : i32
        %get3A_1590 = arith.index_cast %add3A_1589 : i32 to index
        %get3A_1591 = arith.constant 12 : index
        %get3A_1592 = tpu.vector_load %arg13[%get3A_1590, %get3A_1591] {strides = array<i32>} : memref<1024x32xf32, #tpu.memory_space<vmem>>, vector<16xf32>,
        %mul3A_1593 = arith.mulf %gather3A_1578, %get3A_1585 : vector<16xf32>
        %add3A_1594 = arith.addf %add3A_1564, %mul3A_1593 : vector<16xf32>
        %mul3A_1595 = arith.mulf %gather3A_1578, %get3A_1592 : vector<16xf32>
        %add3A_1596 = arith.addf %add3A_1566, %mul3A_1595 : vector<16xf32>
        %broadcast_in_dim3A_1597 = arith.constant 11 : i32
        %broadcast_in_dim3A_1598 = vector.broadcast %broadcast_in_dim3A_1597 : i32 to vector<16xi32>
        %lt3A_1599 = arith.constant 0 : i32
        %lt3A_1600 = vector.broadcast %lt3A_1599 : i32 to vector<16xi32>
        %lt3A_1601 = arith.cmpi slt, %broadcast_in_dim3A_1598, %lt3A_1600 : vector<16xi32>
        %add3A_1602 = arith.constant 16 : i32
        %add3A_1603 = vector.broadcast %add3A_1602 : i32 to vector<16xi32>
        %add3A_1604 = arith.addi %broadcast_in_dim3A_1598, %add3A_1603 : vector<16xi32>
        %select_n3A_1605 = arith.select %lt3A_1601, %add3A_1604, %broadcast_in_dim3A_1598 : vector<16xi1>, vector<16xi32>
        %broadcast_in_dim3A_1606 = vector.shape_cast %select_n3A_1605 : vector<16xi32> to vector<16x1xi32>
        %gather3A_1607 = vector.shape_cast %broadcast_in_dim3A_1606 : vector<16x1xi32> to vector<16xi32>
        %gather3A_1608 = tpu.dynamic_gather %gather3A_1247[%gather3A_1607] in [0] : vector<16xf32>, vector<16xi32> -> vector<16xf32>
        %mul3A_1609 = arith.constant 8 : i32
        %mul3A_1610 = arith.muli %mul3A_1609, %add3A_1502 : i32
        %add3A_1611 = arith.constant 3 : i32
        %add3A_1612 = arith.addi %mul3A_1610, %add3A_1611 : i32
        %get3A_1613 = arith.index_cast %add3A_1612 : i32 to index
        %get3A_1614 = arith.constant 0 : index
        %get3A_1615 = tpu.vector_load %arg13[%get3A_1613, %get3A_1614] {strides = array<i32>} : memref<1024x32xf32, #tpu.memory_space<vmem>>, vector<16xf32>,
        %mul3A_1616 = arith.constant 8 : i32
        %mul3A_1617 = arith.muli %mul3A_1616, %add3A_1502 : i32
        %add3A_1618 = arith.constant 3 : i32
        %add3A_1619 = arith.addi %mul3A_1617, %add3A_1618 : i32
        %get3A_1620 = arith.index_cast %add3A_1619 : i32 to index
        %get3A_1621 = arith.constant 12 : index
        %get3A_1622 = tpu.vector_load %arg13[%get3A_1620, %get3A_1621] {strides = array<i32>} : memref<1024x32xf32, #tpu.memory_space<vmem>>, vector<16xf32>,
        %mul3A_1623 = arith.mulf %gather3A_1608, %get3A_1615 : vector<16xf32>
        %add3A_1624 = arith.addf %add3A_1594, %mul3A_1623 : vector<16xf32>
        %mul3A_1625 = arith.mulf %gather3A_1608, %get3A_1622 : vector<16xf32>
        %add3A_1626 = arith.addf %add3A_1596, %mul3A_1625 : vector<16xf32>
        %broadcast_in_dim3A_1627 = arith.constant 12 : i32
        %broadcast_in_dim3A_1628 = vector.broadcast %broadcast_in_dim3A_1627 : i32 to vector<16xi32>
        %lt3A_1629 = arith.constant 0 : i32
        %lt3A_1630 = vector.broadcast %lt3A_1629 : i32 to vector<16xi32>
        %lt3A_1631 = arith.cmpi slt, %broadcast_in_dim3A_1628, %lt3A_1630 : vector<16xi32>
        %add3A_1632 = arith.constant 16 : i32
        %add3A_1633 = vector.broadcast %add3A_1632 : i32 to vector<16xi32>
        %add3A_1634 = arith.addi %broadcast_in_dim3A_1628, %add3A_1633 : vector<16xi32>
        %select_n3A_1635 = arith.select %lt3A_1631, %add3A_1634, %broadcast_in_dim3A_1628 : vector<16xi1>, vector<16xi32>
        %broadcast_in_dim3A_1636 = vector.shape_cast %select_n3A_1635 : vector<16xi32> to vector<16x1xi32>
        %gather3A_1637 = vector.shape_cast %broadcast_in_dim3A_1636 : vector<16x1xi32> to vector<16xi32>
        %gather3A_1638 = tpu.dynamic_gather %gather3A_1247[%gather3A_1637] in [0] : vector<16xf32>, vector<16xi32> -> vector<16xf32>
        %mul3A_1639 = arith.constant 8 : i32
        %mul3A_1640 = arith.muli %mul3A_1639, %add3A_1502 : i32
        %add3A_1641 = arith.constant 4 : i32
        %add3A_1642 = arith.addi %mul3A_1640, %add3A_1641 : i32
        %get3A_1643 = arith.index_cast %add3A_1642 : i32 to index
        %get3A_1644 = arith.constant 0 : index
        %get3A_1645 = tpu.vector_load %arg13[%get3A_1643, %get3A_1644] {strides = array<i32>} : memref<1024x32xf32, #tpu.memory_space<vmem>>, vector<16xf32>,
        %mul3A_1646 = arith.constant 8 : i32
        %mul3A_1647 = arith.muli %mul3A_1646, %add3A_1502 : i32
        %add3A_1648 = arith.constant 4 : i32
        %add3A_1649 = arith.addi %mul3A_1647, %add3A_1648 : i32
        %get3A_1650 = arith.index_cast %add3A_1649 : i32 to index
        %get3A_1651 = arith.constant 12 : index
        %get3A_1652 = tpu.vector_load %arg13[%get3A_1650, %get3A_1651] {strides = array<i32>} : memref<1024x32xf32, #tpu.memory_space<vmem>>, vector<16xf32>,
        %mul3A_1653 = arith.mulf %gather3A_1638, %get3A_1645 : vector<16xf32>
        %add3A_1654 = arith.addf %add3A_1624, %mul3A_1653 : vector<16xf32>
        %mul3A_1655 = arith.mulf %gather3A_1638, %get3A_1652 : vector<16xf32>
        %add3A_1656 = arith.addf %add3A_1626, %mul3A_1655 : vector<16xf32>
        %broadcast_in_dim3A_1657 = arith.constant 13 : i32
        %broadcast_in_dim3A_1658 = vector.broadcast %broadcast_in_dim3A_1657 : i32 to vector<16xi32>
        %lt3A_1659 = arith.constant 0 : i32
        %lt3A_1660 = vector.broadcast %lt3A_1659 : i32 to vector<16xi32>
        %lt3A_1661 = arith.cmpi slt, %broadcast_in_dim3A_1658, %lt3A_1660 : vector<16xi32>
        %add3A_1662 = arith.constant 16 : i32
        %add3A_1663 = vector.broadcast %add3A_1662 : i32 to vector<16xi32>
        %add3A_1664 = arith.addi %broadcast_in_dim3A_1658, %add3A_1663 : vector<16xi32>
        %select_n3A_1665 = arith.select %lt3A_1661, %add3A_1664, %broadcast_in_dim3A_1658 : vector<16xi1>, vector<16xi32>
        %broadcast_in_dim3A_1666 = vector.shape_cast %select_n3A_1665 : vector<16xi32> to vector<16x1xi32>
        %gather3A_1667 = vector.shape_cast %broadcast_in_dim3A_1666 : vector<16x1xi32> to vector<16xi32>
        %gather3A_1668 = tpu.dynamic_gather %gather3A_1247[%gather3A_1667] in [0] : vector<16xf32>, vector<16xi32> -> vector<16xf32>
        %mul3A_1669 = arith.constant 8 : i32
        %mul3A_1670 = arith.muli %mul3A_1669, %add3A_1502 : i32
        %add3A_1671 = arith.constant 5 : i32
        %add3A_1672 = arith.addi %mul3A_1670, %add3A_1671 : i32
        %get3A_1673 = arith.index_cast %add3A_1672 : i32 to index
        %get3A_1674 = arith.constant 0 : index
        %get3A_1675 = tpu.vector_load %arg13[%get3A_1673, %get3A_1674] {strides = array<i32>} : memref<1024x32xf32, #tpu.memory_space<vmem>>, vector<16xf32>,
        %mul3A_1676 = arith.constant 8 : i32
        %mul3A_1677 = arith.muli %mul3A_1676, %add3A_1502 : i32
        %add3A_1678 = arith.constant 5 : i32
        %add3A_1679 = arith.addi %mul3A_1677, %add3A_1678 : i32
        %get3A_1680 = arith.index_cast %add3A_1679 : i32 to index
        %get3A_1681 = arith.constant 12 : index
        %get3A_1682 = tpu.vector_load %arg13[%get3A_1680, %get3A_1681] {strides = array<i32>} : memref<1024x32xf32, #tpu.memory_space<vmem>>, vector<16xf32>,
        %mul3A_1683 = arith.mulf %gather3A_1668, %get3A_1675 : vector<16xf32>
        %add3A_1684 = arith.addf %add3A_1654, %mul3A_1683 : vector<16xf32>
        %mul3A_1685 = arith.mulf %gather3A_1668, %get3A_1682 : vector<16xf32>
        %add3A_1686 = arith.addf %add3A_1656, %mul3A_1685 : vector<16xf32>
        %broadcast_in_dim3A_1687 = arith.constant 14 : i32
        %broadcast_in_dim3A_1688 = vector.broadcast %broadcast_in_dim3A_1687 : i32 to vector<16xi32>
        %lt3A_1689 = arith.constant 0 : i32
        %lt3A_1690 = vector.broadcast %lt3A_1689 : i32 to vector<16xi32>
        %lt3A_1691 = arith.cmpi slt, %broadcast_in_dim3A_1688, %lt3A_1690 : vector<16xi32>
        %add3A_1692 = arith.constant 16 : i32
        %add3A_1693 = vector.broadcast %add3A_1692 : i32 to vector<16xi32>
        %add3A_1694 = arith.addi %broadcast_in_dim3A_1688, %add3A_1693 : vector<16xi32>
        %select_n3A_1695 = arith.select %lt3A_1691, %add3A_1694, %broadcast_in_dim3A_1688 : vector<16xi1>, vector<16xi32>
        %broadcast_in_dim3A_1696 = vector.shape_cast %select_n3A_1695 : vector<16xi32> to vector<16x1xi32>
        %gather3A_1697 = vector.shape_cast %broadcast_in_dim3A_1696 : vector<16x1xi32> to vector<16xi32>
        %gather3A_1698 = tpu.dynamic_gather %gather3A_1247[%gather3A_1697] in [0] : vector<16xf32>, vector<16xi32> -> vector<16xf32>
        %mul3A_1699 = arith.constant 8 : i32
        %mul3A_1700 = arith.muli %mul3A_1699, %add3A_1502 : i32
        %add3A_1701 = arith.constant 6 : i32
        %add3A_1702 = arith.addi %mul3A_1700, %add3A_1701 : i32
        %get3A_1703 = arith.index_cast %add3A_1702 : i32 to index
        %get3A_1704 = arith.constant 0 : index
        %get3A_1705 = tpu.vector_load %arg13[%get3A_1703, %get3A_1704] {strides = array<i32>} : memref<1024x32xf32, #tpu.memory_space<vmem>>, vector<16xf32>,
        %mul3A_1706 = arith.constant 8 : i32
        %mul3A_1707 = arith.muli %mul3A_1706, %add3A_1502 : i32
        %add3A_1708 = arith.constant 6 : i32
        %add3A_1709 = arith.addi %mul3A_1707, %add3A_1708 : i32
        %get3A_1710 = arith.index_cast %add3A_1709 : i32 to index
        %get3A_1711 = arith.constant 12 : index
        %get3A_1712 = tpu.vector_load %arg13[%get3A_1710, %get3A_1711] {strides = array<i32>} : memref<1024x32xf32, #tpu.memory_space<vmem>>, vector<16xf32>,
        %mul3A_1713 = arith.mulf %gather3A_1698, %get3A_1705 : vector<16xf32>
        %add3A_1714 = arith.addf %add3A_1684, %mul3A_1713 : vector<16xf32>
        %mul3A_1715 = arith.mulf %gather3A_1698, %get3A_1712 : vector<16xf32>
        %add3A_1716 = arith.addf %add3A_1686, %mul3A_1715 : vector<16xf32>
        %broadcast_in_dim3A_1717 = arith.constant 15 : i32
        %broadcast_in_dim3A_1718 = vector.broadcast %broadcast_in_dim3A_1717 : i32 to vector<16xi32>
        %lt3A_1719 = arith.constant 0 : i32
        %lt3A_1720 = vector.broadcast %lt3A_1719 : i32 to vector<16xi32>
        %lt3A_1721 = arith.cmpi slt, %broadcast_in_dim3A_1718, %lt3A_1720 : vector<16xi32>
        %add3A_1722 = arith.constant 16 : i32
        %add3A_1723 = vector.broadcast %add3A_1722 : i32 to vector<16xi32>
        %add3A_1724 = arith.addi %broadcast_in_dim3A_1718, %add3A_1723 : vector<16xi32>
        %select_n3A_1725 = arith.select %lt3A_1721, %add3A_1724, %broadcast_in_dim3A_1718 : vector<16xi1>, vector<16xi32>
        %broadcast_in_dim3A_1726 = vector.shape_cast %select_n3A_1725 : vector<16xi32> to vector<16x1xi32>
        %gather3A_1727 = vector.shape_cast %broadcast_in_dim3A_1726 : vector<16x1xi32> to vector<16xi32>
        %gather3A_1728 = tpu.dynamic_gather %gather3A_1247[%gather3A_1727] in [0] : vector<16xf32>, vector<16xi32> -> vector<16xf32>
        %mul3A_1729 = arith.constant 8 : i32
        %mul3A_1730 = arith.muli %mul3A_1729, %add3A_1502 : i32
        %add3A_1731 = arith.constant 7 : i32
        %add3A_1732 = arith.addi %mul3A_1730, %add3A_1731 : i32
        %get3A_1733 = arith.index_cast %add3A_1732 : i32 to index
        %get3A_1734 = arith.constant 0 : index
        %get3A_1735 = tpu.vector_load %arg13[%get3A_1733, %get3A_1734] {strides = array<i32>} : memref<1024x32xf32, #tpu.memory_space<vmem>>, vector<16xf32>,
        %mul3A_1736 = arith.constant 8 : i32
        %mul3A_1737 = arith.muli %mul3A_1736, %add3A_1502 : i32
        %add3A_1738 = arith.constant 7 : i32
        %add3A_1739 = arith.addi %mul3A_1737, %add3A_1738 : i32
        %get3A_1740 = arith.index_cast %add3A_1739 : i32 to index
        %get3A_1741 = arith.constant 12 : index
        %get3A_1742 = tpu.vector_load %arg13[%get3A_1740, %get3A_1741] {strides = array<i32>} : memref<1024x32xf32, #tpu.memory_space<vmem>>, vector<16xf32>,
        %mul3A_1743 = arith.mulf %gather3A_1728, %get3A_1735 : vector<16xf32>
        %add3A_1744 = arith.addf %add3A_1714, %mul3A_1743 : vector<16xf32>
        %mul3A_1745 = arith.mulf %gather3A_1728, %get3A_1742 : vector<16xf32>
        %add3A_1746 = arith.addf %add3A_1716, %mul3A_1745 : vector<16xf32>
        %swap3A_1747 = arith.index_cast %add3A_1502 : i32 to index
        %swap3A_1748 = arith.constant 0 : index
        %swap3A_1749 = tpu.vector_load %arg14[%swap3A_1747, %swap3A_1748] {strides = array<i32>} : memref<128x28xf32, #tpu.memory_space<vmem>>, vector<16xf32>,
        tpu.vector_store %arg14[%swap3A_1747, %swap3A_1748], %add3A_1744 {strides = array<i32>} : memref<128x28xf32, #tpu.memory_space<vmem>>, vector<16xf32>,
        %swap3A_1750 = arith.index_cast %add3A_1502 : i32 to index
        %swap3A_1751 = arith.constant 12 : index
        %swap3A_1752 = tpu.vector_load %arg14[%swap3A_1750, %swap3A_1751] {strides = array<i32>} : memref<128x28xf32, #tpu.memory_space<vmem>>, vector<16xf32>,
        tpu.vector_store %arg14[%swap3A_1750, %swap3A_1751], %add3A_1746 {strides = array<i32>} : memref<128x28xf32, #tpu.memory_space<vmem>>, vector<16xf32>,
      }
      %scan3A_1241 = arith.constant 64 : i32
      "tpu.region"() ({
        %run_scoped3A = tpu.sem_alloc : memref<!tpu.dma_semaphore, #tpu.memory_space<semaphore_mem>>
        %dma_start3A_1242 = arith.constant 0 : i32
        %dma_start3A_1243 = tpu.memref_slice %arg6[%add3A_1229, %dma_start3A_1242] : memref<262144x28xf32, #tpu.memory_space<hbm>> -> memref<128x28xf32, #tpu.memory_space<hbm>>
        %dma_start3A_1244 = arith.constant 0 : i32
        %dma_start3A_1245 = tpu.memref_slice %arg6[%add3A_1229, %dma_start3A_1244] : memref<262144x28xf32, #tpu.memory_space<hbm>> -> memref<128x28xf32, #tpu.memory_space<hbm>>
        tpu.enqueue_dma source(%arg14 : memref<128x28xf32, #tpu.memory_space<vmem>>) target(%dma_start3A_1245 : memref<128x28xf32, #tpu.memory_space<hbm>>) target_semaphore(%run_scoped3A : memref<!tpu.dma_semaphore, #tpu.memory_space<semaphore_mem>>)
        %dma_wait3A_1246 = arith.constant 0 : i32
        %dma_wait3A_1247 = tpu.memref_slice %arg6[%add3A_1229, %dma_wait3A_1246] : memref<262144x28xf32, #tpu.memory_space<hbm>> -> memref<128x28xf32, #tpu.memory_space<hbm>>
        %dma_wait3A_1248 = arith.constant 0 : i32
        %dma_wait3A_1249 = tpu.memref_slice %arg6[%add3A_1229, %dma_wait3A_1248] : memref<262144x28xf32, #tpu.memory_space<hbm>> -> memref<128x28xf32, #tpu.memory_space<hbm>>
        tpu.wait_dma2 semaphore(%run_scoped3A : memref<!tpu.dma_semaphore, #tpu.memory_space<semaphore_mem>>) src(%arg14 : memref<128x28xf32, #tpu.memory_space<vmem>>) dst(%dma_wait3A_1249 : memref<128x28xf32, #tpu.memory_space<hbm>>)
        tpu.yield
      }) : () -> ()
    }
    %scan3A_605 = arith.constant 32 : i32
    return
  }
}

#map = affine_map<(d0, d1) -> (0, 0)>
module attributes {stable_mosaic.version = 14 : i64} {
  func.func @_transpose_body(%arg0: i32, %arg1: i32, %arg2: memref<8x524288xi32, #tpu.memory_space<hbm>>, %arg3: memref<524288x8xi32, #tpu.memory_space<hbm>>, %arg4: memref<8x2048xi32, #tpu.memory_space<vmem>>, %arg5: memref<2048x8xi32, #tpu.memory_space<vmem>>) attributes {dimension_semantics = [#tpu.dimension_semantics<core_parallel>, #tpu.dimension_semantics<subcore_parallel>], iteration_bounds = array<i64: 2, 16>, scalar_prefetch = 0 : i64, scratch_operands = 2 : i64, tpu.core_type = #tpu.core_type<sc_vector_subcore>, window_params = [{transform_indices = #map}, {transform_indices = #map}]} {
    %mul3A = arith.constant 2 : i32
    %mul3A_0 = arith.muli %arg1, %mul3A : i32
    %add3A = arith.addi %mul3A_0, %arg0 : i32
    %mul3A_1 = arith.constant 16384 : i32
    %mul3A_2 = arith.muli %add3A, %mul3A_1 : i32
    %iota3A = tpu.iota {dimensions = array<i32: 0>} : vector<16xi32>
    %scan3A = arith.constant 0 : i32
    %scan3A_3 = arith.constant 0 : i32
    %scan3A_4 = arith.constant 8 : i32
    %scan3A_5 = arith.addi %scan3A_3, %scan3A_4 : i32
    %scan3A_6 = arith.constant 1 : i32
    scf.for %scan3A_8 = %scan3A_3 to %scan3A_5 step %scan3A_6  : i32 {
      %mul3A_9 = arith.constant 2048 : i32
      %mul3A_10 = arith.muli %scan3A_8, %mul3A_9 : i32
      %add3A_11 = arith.addi %mul3A_2, %mul3A_10 : i32
      "tpu.region"() ({
        %run_scoped3A = tpu.sem_alloc : memref<!tpu.dma_semaphore, #tpu.memory_space<semaphore_mem>>
        %dma_start3A = arith.constant 0 : i32
        %dma_start3A_18 = tpu.memref_slice %arg2[%dma_start3A, %add3A_11] : memref<8x524288xi32, #tpu.memory_space<hbm>> -> memref<8x2048xi32, #tpu.memory_space<hbm>>
        %dma_start3A_19 = arith.constant 0 : i32
        %dma_start3A_20 = tpu.memref_slice %arg2[%dma_start3A_19, %add3A_11] : memref<8x524288xi32, #tpu.memory_space<hbm>> -> memref<8x2048xi32, #tpu.memory_space<hbm>>
        tpu.enqueue_dma source(%dma_start3A_20 : memref<8x2048xi32, #tpu.memory_space<hbm>>) target(%arg4 : memref<8x2048xi32, #tpu.memory_space<vmem>>) target_semaphore(%run_scoped3A : memref<!tpu.dma_semaphore, #tpu.memory_space<semaphore_mem>>)
        %dma_wait3A = arith.constant 0 : i32
        %dma_wait3A_21 = tpu.memref_slice %arg2[%dma_wait3A, %add3A_11] : memref<8x524288xi32, #tpu.memory_space<hbm>> -> memref<8x2048xi32, #tpu.memory_space<hbm>>
        %dma_wait3A_22 = arith.constant 0 : i32
        %dma_wait3A_23 = tpu.memref_slice %arg2[%dma_wait3A_22, %add3A_11] : memref<8x524288xi32, #tpu.memory_space<hbm>> -> memref<8x2048xi32, #tpu.memory_space<hbm>>
        tpu.wait_dma2 semaphore(%run_scoped3A : memref<!tpu.dma_semaphore, #tpu.memory_space<semaphore_mem>>) src(%dma_wait3A_23 : memref<8x2048xi32, #tpu.memory_space<hbm>>) dst(%arg4 : memref<8x2048xi32, #tpu.memory_space<vmem>>)
        tpu.yield
      }) : () -> ()
      %scan3A_12 = arith.constant 0 : i32
      %scan3A_13 = arith.constant 0 : i32
      %scan3A_14 = arith.constant 128 : i32
      %scan3A_15 = arith.addi %scan3A_13, %scan3A_14 : i32
      %scan3A_16 = arith.constant 1 : i32
      scf.for %scan3A_18 = %scan3A_13 to %scan3A_15 step %scan3A_16  : i32 {
        %mul3A_19 = arith.constant 16 : i32
        %mul3A_20 = arith.muli %scan3A_18, %mul3A_19 : i32
        %get3A = arith.constant 0 : i32
        %get3A_21 = arith.index_cast %get3A : i32 to index
        %get3A_22 = arith.index_cast %mul3A_20 : i32 to index
        %get3A_23 = tpu.vector_load %arg4[%get3A_21, %get3A_22] {strides = array<i32>} : memref<8x2048xi32, #tpu.memory_space<vmem>>, vector<16xi32>,
        %add3A_24 = vector.broadcast %mul3A_20 : i32 to vector<16xi32>
        %add3A_25 = arith.addi %add3A_24, %iota3A : vector<16xi32>
        %broadcast_in_dim3A = arith.constant 0 : i32
        %broadcast_in_dim3A_26 = vector.broadcast %broadcast_in_dim3A : i32 to vector<16xi32>
        tpu.vector_store_idx %arg5[%add3A_25, %broadcast_in_dim3A_26], %get3A_23 : memref<2048x8xi32, #tpu.memory_space<vmem>>[vector<16xi32>, vector<16xi32>], vector<16xi32>,
        %get3A_27 = arith.constant 1 : i32
        %get3A_28 = arith.index_cast %get3A_27 : i32 to index
        %get3A_29 = arith.index_cast %mul3A_20 : i32 to index
        %get3A_30 = tpu.vector_load %arg4[%get3A_28, %get3A_29] {strides = array<i32>} : memref<8x2048xi32, #tpu.memory_space<vmem>>, vector<16xi32>,
        %add3A_31 = vector.broadcast %mul3A_20 : i32 to vector<16xi32>
        %add3A_32 = arith.addi %add3A_31, %iota3A : vector<16xi32>
        %broadcast_in_dim3A_33 = arith.constant 1 : i32
        %broadcast_in_dim3A_34 = vector.broadcast %broadcast_in_dim3A_33 : i32 to vector<16xi32>
        tpu.vector_store_idx %arg5[%add3A_32, %broadcast_in_dim3A_34], %get3A_30 : memref<2048x8xi32, #tpu.memory_space<vmem>>[vector<16xi32>, vector<16xi32>], vector<16xi32>,
        %get3A_35 = arith.constant 2 : i32
        %get3A_36 = arith.index_cast %get3A_35 : i32 to index
        %get3A_37 = arith.index_cast %mul3A_20 : i32 to index
        %get3A_38 = tpu.vector_load %arg4[%get3A_36, %get3A_37] {strides = array<i32>} : memref<8x2048xi32, #tpu.memory_space<vmem>>, vector<16xi32>,
        %add3A_39 = vector.broadcast %mul3A_20 : i32 to vector<16xi32>
        %add3A_40 = arith.addi %add3A_39, %iota3A : vector<16xi32>
        %broadcast_in_dim3A_41 = arith.constant 2 : i32
        %broadcast_in_dim3A_42 = vector.broadcast %broadcast_in_dim3A_41 : i32 to vector<16xi32>
        tpu.vector_store_idx %arg5[%add3A_40, %broadcast_in_dim3A_42], %get3A_38 : memref<2048x8xi32, #tpu.memory_space<vmem>>[vector<16xi32>, vector<16xi32>], vector<16xi32>,
        %get3A_43 = arith.constant 3 : i32
        %get3A_44 = arith.index_cast %get3A_43 : i32 to index
        %get3A_45 = arith.index_cast %mul3A_20 : i32 to index
        %get3A_46 = tpu.vector_load %arg4[%get3A_44, %get3A_45] {strides = array<i32>} : memref<8x2048xi32, #tpu.memory_space<vmem>>, vector<16xi32>,
        %add3A_47 = vector.broadcast %mul3A_20 : i32 to vector<16xi32>
        %add3A_48 = arith.addi %add3A_47, %iota3A : vector<16xi32>
        %broadcast_in_dim3A_49 = arith.constant 3 : i32
        %broadcast_in_dim3A_50 = vector.broadcast %broadcast_in_dim3A_49 : i32 to vector<16xi32>
        tpu.vector_store_idx %arg5[%add3A_48, %broadcast_in_dim3A_50], %get3A_46 : memref<2048x8xi32, #tpu.memory_space<vmem>>[vector<16xi32>, vector<16xi32>], vector<16xi32>,
        %get3A_51 = arith.constant 4 : i32
        %get3A_52 = arith.index_cast %get3A_51 : i32 to index
        %get3A_53 = arith.index_cast %mul3A_20 : i32 to index
        %get3A_54 = tpu.vector_load %arg4[%get3A_52, %get3A_53] {strides = array<i32>} : memref<8x2048xi32, #tpu.memory_space<vmem>>, vector<16xi32>,
        %add3A_55 = vector.broadcast %mul3A_20 : i32 to vector<16xi32>
        %add3A_56 = arith.addi %add3A_55, %iota3A : vector<16xi32>
        %broadcast_in_dim3A_57 = arith.constant 4 : i32
        %broadcast_in_dim3A_58 = vector.broadcast %broadcast_in_dim3A_57 : i32 to vector<16xi32>
        tpu.vector_store_idx %arg5[%add3A_56, %broadcast_in_dim3A_58], %get3A_54 : memref<2048x8xi32, #tpu.memory_space<vmem>>[vector<16xi32>, vector<16xi32>], vector<16xi32>,
        %get3A_59 = arith.constant 5 : i32
        %get3A_60 = arith.index_cast %get3A_59 : i32 to index
        %get3A_61 = arith.index_cast %mul3A_20 : i32 to index
        %get3A_62 = tpu.vector_load %arg4[%get3A_60, %get3A_61] {strides = array<i32>} : memref<8x2048xi32, #tpu.memory_space<vmem>>, vector<16xi32>,
        %add3A_63 = vector.broadcast %mul3A_20 : i32 to vector<16xi32>
        %add3A_64 = arith.addi %add3A_63, %iota3A : vector<16xi32>
        %broadcast_in_dim3A_65 = arith.constant 5 : i32
        %broadcast_in_dim3A_66 = vector.broadcast %broadcast_in_dim3A_65 : i32 to vector<16xi32>
        tpu.vector_store_idx %arg5[%add3A_64, %broadcast_in_dim3A_66], %get3A_62 : memref<2048x8xi32, #tpu.memory_space<vmem>>[vector<16xi32>, vector<16xi32>], vector<16xi32>,
        %get3A_67 = arith.constant 6 : i32
        %get3A_68 = arith.index_cast %get3A_67 : i32 to index
        %get3A_69 = arith.index_cast %mul3A_20 : i32 to index
        %get3A_70 = tpu.vector_load %arg4[%get3A_68, %get3A_69] {strides = array<i32>} : memref<8x2048xi32, #tpu.memory_space<vmem>>, vector<16xi32>,
        %add3A_71 = vector.broadcast %mul3A_20 : i32 to vector<16xi32>
        %add3A_72 = arith.addi %add3A_71, %iota3A : vector<16xi32>
        %broadcast_in_dim3A_73 = arith.constant 6 : i32
        %broadcast_in_dim3A_74 = vector.broadcast %broadcast_in_dim3A_73 : i32 to vector<16xi32>
        tpu.vector_store_idx %arg5[%add3A_72, %broadcast_in_dim3A_74], %get3A_70 : memref<2048x8xi32, #tpu.memory_space<vmem>>[vector<16xi32>, vector<16xi32>], vector<16xi32>,
        %get3A_75 = arith.constant 7 : i32
        %get3A_76 = arith.index_cast %get3A_75 : i32 to index
        %get3A_77 = arith.index_cast %mul3A_20 : i32 to index
        %get3A_78 = tpu.vector_load %arg4[%get3A_76, %get3A_77] {strides = array<i32>} : memref<8x2048xi32, #tpu.memory_space<vmem>>, vector<16xi32>,
        %add3A_79 = vector.broadcast %mul3A_20 : i32 to vector<16xi32>
        %add3A_80 = arith.addi %add3A_79, %iota3A : vector<16xi32>
        %broadcast_in_dim3A_81 = arith.constant 7 : i32
        %broadcast_in_dim3A_82 = vector.broadcast %broadcast_in_dim3A_81 : i32 to vector<16xi32>
        tpu.vector_store_idx %arg5[%add3A_80, %broadcast_in_dim3A_82], %get3A_78 : memref<2048x8xi32, #tpu.memory_space<vmem>>[vector<16xi32>, vector<16xi32>], vector<16xi32>,
      }
      %scan3A_17 = arith.constant 128 : i32
      "tpu.region"() ({
        %run_scoped3A = tpu.sem_alloc : memref<!tpu.dma_semaphore, #tpu.memory_space<semaphore_mem>>
        %dma_start3A = arith.constant 0 : i32
        %dma_start3A_18 = tpu.memref_slice %arg3[%add3A_11, %dma_start3A] : memref<524288x8xi32, #tpu.memory_space<hbm>> -> memref<2048x8xi32, #tpu.memory_space<hbm>>
        %dma_start3A_19 = arith.constant 0 : i32
        %dma_start3A_20 = tpu.memref_slice %arg3[%add3A_11, %dma_start3A_19] : memref<524288x8xi32, #tpu.memory_space<hbm>> -> memref<2048x8xi32, #tpu.memory_space<hbm>>
        tpu.enqueue_dma source(%arg5 : memref<2048x8xi32, #tpu.memory_space<vmem>>) target(%dma_start3A_20 : memref<2048x8xi32, #tpu.memory_space<hbm>>) target_semaphore(%run_scoped3A : memref<!tpu.dma_semaphore, #tpu.memory_space<semaphore_mem>>)
        %dma_wait3A = arith.constant 0 : i32
        %dma_wait3A_21 = tpu.memref_slice %arg3[%add3A_11, %dma_wait3A] : memref<524288x8xi32, #tpu.memory_space<hbm>> -> memref<2048x8xi32, #tpu.memory_space<hbm>>
        %dma_wait3A_22 = arith.constant 0 : i32
        %dma_wait3A_23 = tpu.memref_slice %arg3[%add3A_11, %dma_wait3A_22] : memref<524288x8xi32, #tpu.memory_space<hbm>> -> memref<2048x8xi32, #tpu.memory_space<hbm>>
        tpu.wait_dma2 semaphore(%run_scoped3A : memref<!tpu.dma_semaphore, #tpu.memory_space<semaphore_mem>>) src(%arg5 : memref<2048x8xi32, #tpu.memory_space<vmem>>) dst(%dma_wait3A_23 : memref<2048x8xi32, #tpu.memory_space<hbm>>)
        tpu.yield
      }) : () -> ()
    }
    %scan3A_7 = arith.constant 8 : i32
    return
  }
}

</mosaic_0001>

<sc_bundles>
// kernel: kernel.4.cloned.1.call-start
scs
__scs_entry_jumppad:
0x0: {  	(pc) =	sbr.rel $0x88, $3  }
0x1: {  	(tag) =	ssettag $0x0;
	lr =	simm.s32 $0x1  }
0x2: {  	[smem:$0x3F9D] =	sst lr;
	_ =	strace $0xD0000000  }
0x3: {  	_ = 	snop  }
0x4: {  	_ = 	snop  }
0x5: {  	_ = 	snop  }
0x6: {  	_ = 	snop  }
0x7: {  	_ = 	snop  }
__scs_overlays_trampoline_lowered:
0x8: {  	[smem:$0x3FAC] =	sst s0  }
0x9: {  	[smem:$0x3FAD] =	sst s1  }
0xa: {  	[smem:$0x3FAE] =	sst s2  }
0xb: {  	[smem:$0x3FAF] =	sst s3  }
0xc: {  	[smem:$0x3FB0] =	sst s4  }
0xd: {  	[smem:$0x3FB1] =	sst s5  }
0xe: {  	[smem:$0x3FB2] =	sst s6  }
0xf: {  	[smem:$0x3FB3] =	sst s7  }
0x10: {  	[smem:$0x3FB4] =	sst s8  }
0x11: {  	[smem:$0x3FB5] =	sst s9;
	s0 =	simm.s32 @!p0 $0x0  }
0x12: {  	s1 =	sld [smem:$0x3F9B];
	s0 =	simm.s32 @p0 $0x1  }
0x13: {  	[smem:$0x3FB6] =	sst s0;
	s0 =	simm.s32 @!p1 $0x0  }
0x14: {  	s2 =	sld [smem:$0x3F9A];
	s0 =	simm.s32 @p1 $0x1  }
0x15: {  	[smem:$0x3FB7] =	sst s0;
	s0 =	simm.s32 @!p2 $0x0  }
0x16: {  	s3 =	sld [smem:$0x3FDB];
	s0 =	simm.s32 @p2 $0x1  }
0x17: {  	s4 =	simm.s32 $0x1BF5;
	[smem:$0x3FB9] =	sst s0  }
0x18: {  	s0 =	sld [smem:$0x3F9C];
	_ =	swait.ge [sflag:s4], $0x0  }
0x19: {  	s7 =	sld [smem:$0x3F9D]  }
0x1a: {  	s8 =	sadd.s32 $0xFFFFE003, lr  }
0x1b: {  	s9 =	sadd.s32 $0xFFFFFEF7, lr;
	s5 =	simm.s32 $0xFFFFFFFF;
	p2 =	slt.u32 s8, $0xFFFFF086  }
0x1c: {  	p1 =	slt.u32 s9, $0xF7A;
	s5 =	simm.s32 @!p2 $0x0  }
0x1d: {  	s5 =	simm.s32 @p1 $0x1;
	p0 =	seq.s32 s7, s2  }
0x1e: {  	s7 =	smul.u32 @!p0 $0xF7A, s2;
	p2 =	seq.s32 @!p0 s5, $0x0  }
0x1f: {  	s9 =	smul.u32 $0xF7A, s1;
	s8 =	simm.s32 @!p0 $0x1BF5;
	p2 =	por !p2, p0  }
0x20: {  	[sflag:s8] =	ssyncset.s32 @!p0 $0xFFFFF086;
	s6 =	sadd.s32 @!p0 s3, s7;
	s7 =	simm.s32 @!p0 $0x108  }
0x21: {  	s3 =	sadd.s32 s3, s9;
	s6 =	sadd.s32 @!p0 $0x88, s6;
	s7 =	simm.s32 @p2 $0x1082  }
0x22: {  	[simem:s7], [sflag:s8] =	dma.local @!p0 [hbm:s6], $0xF7A  }
0x23: {  	s9 =	sor.u32 $0xD0000000, s2;
	s6 =	simm.s32 $0x108;
	_ =	swait.ge @!p0 [sflag:s8], $0x0  }
0x24: {  	s3 =	sadd.s32 $0x88, s3;
	s6 =	simm.s32 @!p1 $0x1082;
	[sflag:s4] =	ssyncset.s32 $0xFFFFF086  }
0x25: {  	[simem:s6], [sflag:s4] =	dma.local [hbm:s3], $0xF7A  }
0x26: {  	[smem:$0x3F9D] =	sst s1;
	(tag) =	ssettag s2;
	_ =	strace s9  }
0x27: {  	s1 =	sld [smem:$0x3FAD]  }
0x28: {  	s2 =	sld [smem:$0x3FAE]  }
0x29: {  	s4 =	sld [smem:$0x3FB0]  }
0x2a: {  	p0 =	seq.s32 s5, $0x0;
	s5 =	sld [smem:$0x3FB1]  }
0x2b: {  	s6 =	sld [smem:$0x3FB2]  }
0x2c: {  	s7 =	sld [smem:$0x3FB3]  }
0x2d: {  	s3 =	simm.s32 $0x108;
	s8 =	sld [smem:$0x3FB4]  }
0x2e: {  	s3 =	simm.s32 @!p0 $0x1082;
	s9 =	sld [smem:$0x3FB5]  }
0x2f: {  	lr =	sadd.s32 s0, s3;
	s0 =	sld [smem:$0x3FAC]  }
0x30: {  	s3 =	sld [smem:$0x3FAF]  }
0x31: {  	[smem:$0x3FB8] =	sst s10  }
0x32: {  	s10 =	sld [smem:$0x3FB6];
	_ =	sdelay $0x3  }
0x33: {  	p0 =	seq.s32 s10, $0x1;
	s10 =	sld [smem:$0x3FB8];
	_ =	sdelay $0x3  }
0x34: {  	[smem:$0x3FB8] =	sst s10  }
0x35: {  	s10 =	sld [smem:$0x3FB7];
	_ =	sdelay $0x3  }
0x36: {  	p1 =	seq.s32 s10, $0x1;
	s10 =	sld [smem:$0x3FB8];
	_ =	sdelay $0x3  }
0x37: {  	[smem:$0x3FB8] =	sst s10  }
0x38: {  	s10 =	sld [smem:$0x3FB9]  }
0x39: {  	_ = 	snop;
	(pc) =	sbr.ind lr, $3  }
0x3a: {  	_ = 	snop  }
0x3b: {  	_ = 	snop  }
0x3c: {  	p2 =	seq.s32 s10, $0x1;
	s10 =	sld [smem:$0x3FB8]  }
0x3d: {  	_ =	shalt  }
0x3e: {  	_ =	shalt  }
0x3f: {  	_ =	shalt  }
0x40: {  	_ =	shalt  }
0x41: {  	_ =	shalt  }
0x42: {  	_ =	shalt  }
0x43: {  	_ =	shalt  }
0x44: {  	_ =	shalt  }
0x45: {  	_ =	shalt  }
0x46: {  	_ =	shalt  }
0x47: {  	_ =	shalt  }
0x48: {  	_ =	shalt  }
0x49: {  	_ =	shalt  }
0x4a: {  	_ =	shalt  }
0x4b: {  	_ =	shalt  }
0x4c: {  	_ =	shalt  }
0x4d: {  	_ =	shalt  }
0x4e: {  	_ =	shalt  }
0x4f: {  	_ =	shalt  }
0x50: {  	_ =	shalt  }
0x51: {  	_ =	shalt  }
0x52: {  	_ =	shalt  }
0x53: {  	_ =	shalt  }
0x54: {  	_ =	shalt  }
0x55: {  	_ =	shalt  }
0x56: {  	_ =	shalt  }
0x57: {  	_ =	shalt  }
0x58: {  	_ =	shalt  }
0x59: {  	_ =	shalt  }
0x5a: {  	_ =	shalt  }
0x5b: {  	_ =	shalt  }
0x5c: {  	_ =	shalt  }
0x5d: {  	_ =	shalt  }
0x5e: {  	_ =	shalt  }
0x5f: {  	_ =	shalt  }
0x60: {  	_ =	shalt  }
0x61: {  	_ =	shalt  }
0x62: {  	_ =	shalt  }
0x63: {  	_ =	shalt  }
0x64: {  	_ =	shalt  }
0x65: {  	_ =	shalt  }
0x66: {  	_ =	shalt  }
0x67: {  	_ =	shalt  }
0x68: {  	_ =	shalt  }
0x69: {  	_ =	shalt  }
0x6a: {  	_ =	shalt  }
0x6b: {  	_ =	shalt  }
0x6c: {  	_ =	shalt  }
0x6d: {  	_ =	shalt  }
0x6e: {  	_ =	shalt  }
0x6f: {  	_ =	shalt  }
0x70: {  	_ =	shalt  }
0x71: {  	_ =	shalt  }
0x72: {  	_ =	shalt  }
0x73: {  	_ =	shalt  }
0x74: {  	_ =	shalt  }
0x75: {  	_ =	shalt  }
0x76: {  	_ =	shalt  }
0x77: {  	_ =	shalt  }
0x78: {  	_ =	shalt  }
0x79: {  	_ =	shalt  }
0x7a: {  	_ =	shalt  }
0x7b: {  	_ =	shalt  }
0x7c: {  	_ =	shalt  }
0x7d: {  	_ =	shalt  }
0x7e: {  	_ =	shalt  }
0x7f: {  	_ =	shalt  }
0x80: {  	_ =	shalt  }
0x81: {  	_ =	shalt  }
0x82: {  	_ =	shalt  }
0x83: {  	_ =	shalt  }
0x84: {  	_ =	shalt  }
0x85: {  	_ =	shalt  }
0x86: {  	_ =	shalt  }
0x87: {  	_ =	shalt  }
.Lfunc_end0:
.L_simem_size_0:
called_computation_lowered:
.L_overlay_start_0:
0x88: {  	s2 =	sld [smem:$0x3FD9]  }
0x89: {  	s3 =	sld [smem:$0x3FFE];
	_ =	sdelay $0x1  }
0x8a: {  	s1 =	srdreg.scid  }
0x8b: {  	s0 =	sand.u32 $0x1, s1  }
0x8c: {  	s17 =	sshll.u32 s0, $0xA;
	s2 =	sadd.s32 s3, s2  }
0x8d: {  	s2 =	sadd.s32 s2, s17  }
0x8e: {  	[smem:$0x3FC4] =	sst s2  }
0x8f: {  	_ = 	snop  }
0x90: {  	s2 =	sld [smem:$0x3FD0];
	(tm) =	ssettm $0x1  }
0x91: {  	s18 =	sld [smem:$0x3FFB];
	_ =	sdelay $0x3  }
0x92: {  	_ =	strace s18  }
0x93: {  	s3 =	sld [smem:$0x3FFC];
	_ =	sdelay $0x3  }
0x94: {  	_ =	strace s3  }
0x95: {  	s3 =	sld [smem:$0x3FFD];
	_ =	sdelay $0x3  }
0x96: {  	_ =	strace s3  }
0x97: {  	_ =	strace $0x8FFFFFFF  }
0x98: {  	s19 =	sld [smem:$0x3FDB];
	_ =	sdelay $0x1  }
0x99: {  	s4 =	simm.s32 $_scs_section_size  }
0x9a: {  	s5 =	simm.s32 $_size__tile_overlayer_lowered;
	s6 =	simm.s32 $_tile_overlayer_lowered  }
0x9b: {  	s22 =	simm.s32 $0x1BFF;
	s21 =	sshll.u32 s6, $0x1;
	s3 =	sadd.s32 s4, s19  }
0x9c: {  	s7 =	simm.s32 $0x0;
	s20 =	sshll.u32 s5, $0x1;
	s5 =	sadd.s32 s21, s3  }
0x9d: {  	[timem:s7], [sflag:s22] =	dma.local [hbm:s5], s20  }
0x9e: {  	_ =	swait.ge [sflag:s22], s20  }
0x9f: {  	s4 =	ssub.s32 $0x0, s20;
	[sflag:s22] =	ssyncset.done $0x0  }
0xa0: {  	[sflag:s22] =	ssyncadd.s32 s4;
	_ =	sdelay $0x1  }
0xa1: {  	s23 =	simm.s32 $0x1B8B  }
0xa2: {  	_ =	swait.ge [sflag:s23], $0x1  }
0xa3: {  	[sflag:s23] =	ssyncset.done $0x0  }
0xa4: {  	s25 =	simm.s32 $0x1B8E;
	s24 =	sld [smem:$0x3FFE];
	[sflag:s23] =	ssyncadd.s32 $0xFFFFFFFF  }
0xa5: {  	s26 =	simm.s32 $execute0_lowered;
	[smem:$0x3FD2] =	sst s25  }
0xa6: {  	s5 =	sshll.u32 s26, $0x1;
	_ =	strace $0x80000046;
	[dreg:$0x1] =	wrdreg $0xFFFFFFFF  }
0xa7: {  	s28 =	simm.s32 $_size_execute0_lowered;
	s3 =	sadd.s32 s3, s5;
	[dreg:$0x0] =	wrdreg $0x0  }
0xa8: {  	s5 =	sshll.u32 s28, $0x1;
	[dreg:$0x2] =	wrdreg s3  }
0xa9: {  	[dreg:$0x3] =	wrdreg s5  }
0xaa: {  	[dreg:$0x4] =	wrdreg $0xC0  }
0xab: {  	_ =	task [dreg:s7], $0x5FFFF  }
0xac: {  	[dreg:$0x1] =	wrdreg $0xFFFFFFFF  }
0xad: {  	[dreg:$0x0] =	wrdreg $0x60  }
0xae: {  	[dreg:$0x2] =	wrdreg s2  }
0xaf: {  	[dreg:$0x3] =	wrdreg s24  }
0xb0: {  	[dreg:$0x4] =	wrdreg $0x9  }
0xb1: {  	_ =	task.clear_ibuf [dreg:s7], $0x5FFFF;
	_ =	strace $0x90000046  }
0xb2: {  	s29 =	simm.s32 $0x9;
	_ =	strace $0x80000048  }
0xb3: {  	_ =	swait.ge [sflag:s29], $0x1  }
0xb4: {  	[sflag:s29] =	ssyncadd.s32 $0xFFFFFFFF  }
0xb5: {  	_ =	strace $0x90000048  }
0xb6: {  	_ =	sfence  }
0xb7: {  	s30 =	sld [smem:$0x0];
	_ =	sdelay $0x2  }
0xb8: {  	s31 =	sshll.u32 s1, $0xD;
	s1 =	sshrl.u32 s1, $0x2  }
0xb9: {  	s3 =	sand.u32 $0x4000, s31;
	s1 =	sadd.s32 s1, s30  }
0xba: {  	s0 =	sor.u32 s3, s0;
	s1 =	sshll.u32 s1, $0x11  }
0xbb: {  	s0 =	sor.u32 s1, s0  }
0xbc: {  	s0 =	sadd.s32 $0x8F2B, s0  }
0xbd: {  	[sflag:s0] =	ssyncadd.remote.s32 $0x1  }
0xbe: {  	_ =	sfence.sel $0xFFFF  }
0xbf: {  	[dreg:$0x0] =	wrdreg $0xFFFFFFFF;
	(pc) =	sbr.abs _section_cstart, $3  }
0xc0: {  	[dreg:$0x1] =	wrdreg $0xFFFFFFFF  }
0xc1: {  	_ =	task.clear_ibuf [dreg:s7], $0x2FFFF;
	_ =	strace $0x9FFFFFFF  }
0xc2: {  	(tm) =	ssettm $0x7FFFFFFF  }
0xc3: {  	_ =	shalt  }
tec
execute0_lowered:
.L_overlay_start_1:
0x0: {  	(tag) =	ssettag $0x1  }
0x1: {  	s1 =	rddreg [dreg:$0x0]  }
0x2: {  	s4 =	rddreg [dreg:$0x1]  }
0x3: {  	s0 =	rddreg [dreg:$0x2];
	s2 =	simm.s32 $0x0  }
0x4: {  	s3 =	srdreg.scid;
	s9 =	simm.s32 $0x1;
	s10 =	simm.s32 $0x4000  }
0x5: {  	s11 =	simm.s32 $0x0;
	[smem:$0x7FF] =	sst s2;
	s5 =	sand.u32 $0x1, s3  }
0x6: {  	s3 =	stileid.u32;
	s4 =	sadd.s32 $0xA00, s4;
	s6 =	ssub.s32 $0x2, s5  }
0x7: {  	s8 =	sshll.u32 s3, $0xF;
	s5 =	sshll.u32 s5, $0xE;
	s7 =	sshrl.u32 s6, $0x1  }
0x8: {  	v0 =	vlaneseq.u32;
	_ =	strace $0x80000047;
	s5 =	sor.u32 s5, s8;
	s6 =	ssub.s32 s6, s7  }
0x9: {  	v0 =	vmul.u32 $0x8, v0;
	s8 =	simm.s32 $0x80000;
	s7 =	simm.s32 $0x800;
	s6 =	smax.u32 s6, $0x1  }
.LBB2_1:
0xa: {  	s12 =	simm.s32 $0x0  }
.LBB2_2:
0xb: {  	s13 =	sshll.u32 s12, $0xB  }
0xc: {  	s13 =	sadd.s32 s5, s13  }
0xd: {  	s14 =	sshrl.u32 s13, $0x3  }
0xe: {  	s15 =	simm.s32 $0x0;
	s14 =	sadd.s32 s1, s14  }
0xf: {  	[tilespmem:s15], [sflag:$0x1] =	stream.strided.gather [hbm4b:s14+s7], $0x4000, s8, s7, $0x38;
	[tilespmem:$0x8000] =	vst v63  }
0x10: {  	_ =	swait.ge [sflag:s9], $0x4000  }
0x11: {  	v1 =	vmov s15;
	[sflag:s9] =	ssyncset.done $0x0  }
0x12: {  	v1 =	vshll.u32 v1, $0x3;
	s14 =	simm.s32 $0x2000;
	[sflag:s9] =	ssyncadd.s32 $0xFFFFC000  }
0x13: {  	v3 =	vor.u32 v0, v1;
	v2 =	vld [tilespmem:s14+$0xFFFFE000];
	_ =	sdelay $0x4  }
0x14: {  	[tilespmem:v3+s10+$0x0] =	vst.idx.msk $0xffff, v2  }
0x15: {  	v2 =	vor.u32 $0x1, v3;
	v1 =	vld [tilespmem:s14+$0xFFFFE800];
	_ =	sdelay $0x4  }
0x16: {  	[tilespmem:v2+s10+$0x0] =	vst.idx.msk $0xffff, v1  }
0x17: {  	v2 =	vor.u32 $0x2, v3;
	v1 =	vld [tilespmem:s14+$0xFFFFF000];
	_ =	sdelay $0x4  }
0x18: {  	[tilespmem:v2+s10+$0x0] =	vst.idx.msk $0xffff, v1  }
0x19: {  	v2 =	vor.u32 $0x3, v3;
	v1 =	vld [tilespmem:s14+$0xFFFFF800];
	_ =	sdelay $0x4  }
0x1a: {  	[tilespmem:v2+s10+$0x0] =	vst.idx.msk $0xffff, v1  }
0x1b: {  	v2 =	vor.u32 $0x4, v3;
	v1 =	vld [tilespmem:s14+$0x0];
	_ =	sdelay $0x4  }
0x1c: {  	[tilespmem:v2+s10+$0x0] =	vst.idx.msk $0xffff, v1  }
0x1d: {  	v2 =	vor.u32 $0x5, v3;
	v1 =	vld [tilespmem:s14+$0x800];
	_ =	sdelay $0x4  }
0x1e: {  	[tilespmem:v2+s10+$0x0] =	vst.idx.msk $0xffff, v1  }
0x1f: {  	v2 =	vor.u32 $0x6, v3;
	v1 =	vld [tilespmem:s14+$0x1000];
	_ =	sdelay $0x4  }
0x20: {  	[tilespmem:v2+s10+$0x0] =	vst.idx.msk $0xffff, v1  }
0x21: {  	v2 =	vor.u32 $0x7, v3;
	v1 =	vld [tilespmem:s14+$0x1800];
	_ =	sdelay $0x2  }
0x22: {  	s31 =	simm.s32 $0x10  }
0x23: {  	s15 =	simm.s32 $0x20;
	v3 =	vmov s31  }
.LBB2_3:
0x24: {  	p0 =	sne.s32 s15, $0x7F0;
	v3 =	vshll.u32 v3, $0x3;
	[tilespmem:v2+s10+$0x0] =	vst.idx.msk $0xffff, v1;
	s14 =	sadd.s32 $0x10, s14  }
0x25: {  	v1 =	vld [tilespmem:s14+$0xFFFFE000];
	v2 =	vor.u32 v0, v3;
	_ =	sdelay $0x4  }
0x26: {  	[tilespmem:v2+s10+$0x0] =	vst.idx.msk $0xffff, v1  }
0x27: {  	v3 =	vor.u32 $0x1, v2;
	v1 =	vld [tilespmem:s14+$0xFFFFE800];
	_ =	sdelay $0x4  }
0x28: {  	[tilespmem:v3+s10+$0x0] =	vst.idx.msk $0xffff, v1  }
0x29: {  	v3 =	vor.u32 $0x2, v2;
	v1 =	vld [tilespmem:s14+$0xFFFFF000];
	_ =	sdelay $0x4  }
0x2a: {  	[tilespmem:v3+s10+$0x0] =	vst.idx.msk $0xffff, v1  }
0x2b: {  	v3 =	vor.u32 $0x3, v2;
	v1 =	vld [tilespmem:s14+$0xFFFFF800];
	_ =	sdelay $0x4  }
0x2c: {  	[tilespmem:v3+s10+$0x0] =	vst.idx.msk $0xffff, v1  }
0x2d: {  	v3 =	vor.u32 $0x4, v2;
	v1 =	vld [tilespmem:s14+$0x0];
	_ =	sdelay $0x4  }
0x2e: {  	[tilespmem:v3+s10+$0x0] =	vst.idx.msk $0xffff, v1  }
0x2f: {  	v3 =	vor.u32 $0x5, v2;
	v1 =	vld [tilespmem:s14+$0x800];
	_ =	sdelay $0x4  }
0x30: {  	[tilespmem:v3+s10+$0x0] =	vst.idx.msk $0xffff, v1  }
0x31: {  	v3 =	vor.u32 $0x6, v2;
	v1 =	vld [tilespmem:s14+$0x1000];
	_ =	sdelay $0x4  }
0x32: {  	[tilespmem:v3+s10+$0x0] =	vst.idx.msk $0xffff, v1  }
.Ltmp0:
0x33: {  	v2 =	vor.u32 $0x7, v2;
	v1 =	vld [tilespmem:s14+$0x1800];
	(pc) =	sbr.rel @p0 .LBB2_3-.Ltmp0, $2  }
0x34: {  	_ =	sdelay $0x2  }
0x35: {  	v3 =	vmov s15;
	s15 =	sadd.s32 $0x10, s15  }
0x36: {  	_ =	sdelay $0x3  }
0x37: {  	v3 =	vshll.u32 v3, $0x3;
	[tilespmem:v2+s10+$0x0] =	vst.idx.msk $0xffff, v1;
	s14 =	sadd.s32 $0x10, s14  }
0x38: {  	v1 =	vld [tilespmem:s14+$0xFFFFE000];
	v2 =	vor.u32 v0, v3;
	_ =	sdelay $0x4  }
0x39: {  	[tilespmem:v2+s10+$0x0] =	vst.idx.msk $0xffff, v1  }
0x3a: {  	v3 =	vor.u32 $0x1, v2;
	v1 =	vld [tilespmem:s14+$0xFFFFE800];
	_ =	sdelay $0x4  }
0x3b: {  	[tilespmem:v3+s10+$0x0] =	vst.idx.msk $0xffff, v1  }
0x3c: {  	v3 =	vor.u32 $0x2, v2;
	v1 =	vld [tilespmem:s14+$0xFFFFF000];
	_ =	sdelay $0x4  }
0x3d: {  	[tilespmem:v3+s10+$0x0] =	vst.idx.msk $0xffff, v1  }
0x3e: {  	v3 =	vor.u32 $0x3, v2;
	v1 =	vld [tilespmem:s14+$0xFFFFF800];
	_ =	sdelay $0x4  }
0x3f: {  	[tilespmem:v3+s10+$0x0] =	vst.idx.msk $0xffff, v1  }
0x40: {  	v3 =	vor.u32 $0x4, v2;
	v1 =	vld [tilespmem:s14+$0x0];
	_ =	sdelay $0x4  }
0x41: {  	[tilespmem:v3+s10+$0x0] =	vst.idx.msk $0xffff, v1  }
0x42: {  	v3 =	vor.u32 $0x5, v2;
	v1 =	vld [tilespmem:s14+$0x800];
	_ =	sdelay $0x4  }
0x43: {  	[tilespmem:v3+s10+$0x0] =	vst.idx.msk $0xffff, v1  }
0x44: {  	v3 =	vor.u32 $0x6, v2;
	v1 =	vld [tilespmem:s14+$0x1000];
	_ =	sdelay $0x4  }
0x45: {  	[tilespmem:v3+s10+$0x0] =	vst.idx.msk $0xffff, v1  }
0x46: {  	v2 =	vor.u32 $0x7, v2;
	v1 =	vld [tilespmem:s14+$0x1800];
	_ =	sdelay $0x2  }
0x47: {  	s12 =	sadd.s32 $0x1, s12  }
0x48: {  	p0 =	sne.s32 s12, $0x8  }
.Ltmp1:
0x49: {  	s13 =	sadd.s32 s4, s13;
	[tilespmem:v2+s10+$0x0] =	vst.idx.msk $0xffff, v1;
	(pc) =	sbr.rel @p0 .LBB2_2-.Ltmp1, $4  }
0x4a: {  	[hbm4b:s13+s2] =	stream.linear.scatter [tilespmem:s10], [sflag:$0x1], $0x4000, $0x38;
	[tilespmem:$0x8000] =	vst v63  }
0x4b: {  	_ =	swait.ge [sflag:s9], $0x4000  }
0x4c: {  	[sflag:s9] =	ssyncset.done $0x0  }
0x4d: {  	[sflag:s9] =	ssyncadd.s32 $0xFFFFC000  }
0x4e: {  	s11 =	sadd.s32 $0x1, s11  }
0x4f: {  	p0 =	sne.s32 s11, s6  }
.Ltmp2:
0x50: {  	_ = 	snop;
	(pc) =	sbr.rel @p0 .LBB2_1-.Ltmp2, $1  }
0x51: {  	_ =	sdelay $0x3  }
0x52: {  	_ =	sfence.sel $0x180000  }
0x53: {  	[bflag:$0x0] =	sbarrier.arrive $0xFFFF  }
0x54: {  	p0 =	sne.s32 s3, $0x0;
	_ =	strace $0x90000047  }
0x55: {  	s0 =	sadd.s32 @!p0 $0x100000, s0;
	[bflag:$0x2] =	sbarrier.arrive $0xFFFF  }
0x56: {  	[sflag:s0] =	ssyncadd.tile.s32 @!p0 $0x1;
	_ =	shalt  }
.Lfunc_end2:
_tile_overlayer_lowered:
.L_overlay_start_2:
0x57: {  	(tag) =	ssettag $0x2  }
0x58: {  	s0 =	rddreg [dreg:$0x0];
	s2 =	stileid.u32  }
0x59: {  	s1 =	rddreg [dreg:$0x1];
	p0 =	sne.s32 s2, $0x0  }
0x5a: {  	s3 =	rddreg [dreg:$0x2];
	[bflag:$0x3] =	sbarrier.arrive $0xFFFF;
	s2 =	simm.s32 @!p0 $0x1C01  }
0x5b: {  	[timem:s3], [sflag:s2] =	dma.local @!p0 [hbm:s0], s1  }
0x5c: {  	s0 =	simm.s32 @!p0 $0x1  }
0x5d: {  	_ =	swait.ge @!p0 [sflag:s0], s1  }
0x5e: {  	s1 =	ssub.s32 @!p0 $0x0, s1;
	[sflag:s0] =	ssyncset.done @!p0 $0x0  }
0x5f: {  	[sflag:s0] =	ssyncadd.s32 @!p0 s1  }
0x60: {  	[bflag:$0x3] =	sbarrier.arrive $0xFFFF  }
0x61: {  	_ =	shalt  }

// kernel: kernel.7.cloned.1.call-start
scs
__scs_entry_jumppad:
0x0: {  	(pc) =	sbr.rel $0x88, $3  }
0x1: {  	(tag) =	ssettag $0x0;
	lr =	simm.s32 $0x1  }
0x2: {  	[smem:$0x3F9D] =	sst lr;
	_ =	strace $0xD0000000  }
0x3: {  	_ = 	snop  }
0x4: {  	_ = 	snop  }
0x5: {  	_ = 	snop  }
0x6: {  	_ = 	snop  }
0x7: {  	_ = 	snop  }
__scs_overlays_trampoline_lowered:
0x8: {  	[smem:$0x3FAC] =	sst s0  }
0x9: {  	[smem:$0x3FAD] =	sst s1  }
0xa: {  	[smem:$0x3FAE] =	sst s2  }
0xb: {  	[smem:$0x3FAF] =	sst s3  }
0xc: {  	[smem:$0x3FB0] =	sst s4  }
0xd: {  	[smem:$0x3FB1] =	sst s5  }
0xe: {  	[smem:$0x3FB2] =	sst s6  }
0xf: {  	[smem:$0x3FB3] =	sst s7  }
0x10: {  	[smem:$0x3FB4] =	sst s8  }
0x11: {  	[smem:$0x3FB5] =	sst s9;
	s0 =	simm.s32 @!p0 $0x0  }
0x12: {  	s1 =	sld [smem:$0x3F9B];
	s0 =	simm.s32 @p0 $0x1  }
0x13: {  	[smem:$0x3FB6] =	sst s0;
	s0 =	simm.s32 @!p1 $0x0  }
0x14: {  	s2 =	sld [smem:$0x3F9A];
	s0 =	simm.s32 @p1 $0x1  }
0x15: {  	[smem:$0x3FB7] =	sst s0;
	s0 =	simm.s32 @!p2 $0x0  }
0x16: {  	s3 =	sld [smem:$0x3FDB];
	s0 =	simm.s32 @p2 $0x1  }
0x17: {  	s4 =	simm.s32 $0x1BF5;
	[smem:$0x3FB9] =	sst s0  }
0x18: {  	s0 =	sld [smem:$0x3F9C];
	_ =	swait.ge [sflag:s4], $0x0  }
0x19: {  	s7 =	sld [smem:$0x3F9D]  }
0x1a: {  	s8 =	sadd.s32 $0xFFFFE003, lr  }
0x1b: {  	s9 =	sadd.s32 $0xFFFFFEF7, lr;
	s5 =	simm.s32 $0xFFFFFFFF;
	p2 =	slt.u32 s8, $0xFFFFF086  }
0x1c: {  	p1 =	slt.u32 s9, $0xF7A;
	s5 =	simm.s32 @!p2 $0x0  }
0x1d: {  	s5 =	simm.s32 @p1 $0x1;
	p0 =	seq.s32 s7, s2  }
0x1e: {  	s7 =	smul.u32 @!p0 $0xF7A, s2;
	p2 =	seq.s32 @!p0 s5, $0x0  }
0x1f: {  	s9 =	smul.u32 $0xF7A, s1;
	s8 =	simm.s32 @!p0 $0x1BF5;
	p2 =	por !p2, p0  }
0x20: {  	[sflag:s8] =	ssyncset.s32 @!p0 $0xFFFFF086;
	s6 =	sadd.s32 @!p0 s3, s7;
	s7 =	simm.s32 @!p0 $0x108  }
0x21: {  	s3 =	sadd.s32 s3, s9;
	s6 =	sadd.s32 @!p0 $0x88, s6;
	s7 =	simm.s32 @p2 $0x1082  }
0x22: {  	[simem:s7], [sflag:s8] =	dma.local @!p0 [hbm:s6], $0xF7A  }
0x23: {  	s9 =	sor.u32 $0xD0000000, s2;
	s6 =	simm.s32 $0x108;
	_ =	swait.ge @!p0 [sflag:s8], $0x0  }
0x24: {  	s3 =	sadd.s32 $0x88, s3;
	s6 =	simm.s32 @!p1 $0x1082;
	[sflag:s4] =	ssyncset.s32 $0xFFFFF086  }
0x25: {  	[simem:s6], [sflag:s4] =	dma.local [hbm:s3], $0xF7A  }
0x26: {  	[smem:$0x3F9D] =	sst s1;
	(tag) =	ssettag s2;
	_ =	strace s9  }
0x27: {  	s1 =	sld [smem:$0x3FAD]  }
0x28: {  	s2 =	sld [smem:$0x3FAE]  }
0x29: {  	s4 =	sld [smem:$0x3FB0]  }
0x2a: {  	p0 =	seq.s32 s5, $0x0;
	s5 =	sld [smem:$0x3FB1]  }
0x2b: {  	s6 =	sld [smem:$0x3FB2]  }
0x2c: {  	s7 =	sld [smem:$0x3FB3]  }
0x2d: {  	s3 =	simm.s32 $0x108;
	s8 =	sld [smem:$0x3FB4]  }
0x2e: {  	s3 =	simm.s32 @!p0 $0x1082;
	s9 =	sld [smem:$0x3FB5]  }
0x2f: {  	lr =	sadd.s32 s0, s3;
	s0 =	sld [smem:$0x3FAC]  }
0x30: {  	s3 =	sld [smem:$0x3FAF]  }
0x31: {  	[smem:$0x3FB8] =	sst s10  }
0x32: {  	s10 =	sld [smem:$0x3FB6];
	_ =	sdelay $0x3  }
0x33: {  	p0 =	seq.s32 s10, $0x1;
	s10 =	sld [smem:$0x3FB8];
	_ =	sdelay $0x3  }
0x34: {  	[smem:$0x3FB8] =	sst s10  }
0x35: {  	s10 =	sld [smem:$0x3FB7];
	_ =	sdelay $0x3  }
0x36: {  	p1 =	seq.s32 s10, $0x1;
	s10 =	sld [smem:$0x3FB8];
	_ =	sdelay $0x3  }
0x37: {  	[smem:$0x3FB8] =	sst s10  }
0x38: {  	s10 =	sld [smem:$0x3FB9]  }
0x39: {  	_ = 	snop;
	(pc) =	sbr.ind lr, $3  }
0x3a: {  	_ = 	snop  }
0x3b: {  	_ = 	snop  }
0x3c: {  	p2 =	seq.s32 s10, $0x1;
	s10 =	sld [smem:$0x3FB8]  }
0x3d: {  	_ =	shalt  }
0x3e: {  	_ =	shalt  }
0x3f: {  	_ =	shalt  }
0x40: {  	_ =	shalt  }
0x41: {  	_ =	shalt  }
0x42: {  	_ =	shalt  }
0x43: {  	_ =	shalt  }
0x44: {  	_ =	shalt  }
0x45: {  	_ =	shalt  }
0x46: {  	_ =	shalt  }
0x47: {  	_ =	shalt  }
0x48: {  	_ =	shalt  }
0x49: {  	_ =	shalt  }
0x4a: {  	_ =	shalt  }
0x4b: {  	_ =	shalt  }
0x4c: {  	_ =	shalt  }
0x4d: {  	_ =	shalt  }
0x4e: {  	_ =	shalt  }
0x4f: {  	_ =	shalt  }
0x50: {  	_ =	shalt  }
0x51: {  	_ =	shalt  }
0x52: {  	_ =	shalt  }
0x53: {  	_ =	shalt  }
0x54: {  	_ =	shalt  }
0x55: {  	_ =	shalt  }
0x56: {  	_ =	shalt  }
0x57: {  	_ =	shalt  }
0x58: {  	_ =	shalt  }
0x59: {  	_ =	shalt  }
0x5a: {  	_ =	shalt  }
0x5b: {  	_ =	shalt  }
0x5c: {  	_ =	shalt  }
0x5d: {  	_ =	shalt  }
0x5e: {  	_ =	shalt  }
0x5f: {  	_ =	shalt  }
0x60: {  	_ =	shalt  }
0x61: {  	_ =	shalt  }
0x62: {  	_ =	shalt  }
0x63: {  	_ =	shalt  }
0x64: {  	_ =	shalt  }
0x65: {  	_ =	shalt  }
0x66: {  	_ =	shalt  }
0x67: {  	_ =	shalt  }
0x68: {  	_ =	shalt  }
0x69: {  	_ =	shalt  }
0x6a: {  	_ =	shalt  }
0x6b: {  	_ =	shalt  }
0x6c: {  	_ =	shalt  }
0x6d: {  	_ =	shalt  }
0x6e: {  	_ =	shalt  }
0x6f: {  	_ =	shalt  }
0x70: {  	_ =	shalt  }
0x71: {  	_ =	shalt  }
0x72: {  	_ =	shalt  }
0x73: {  	_ =	shalt  }
0x74: {  	_ =	shalt  }
0x75: {  	_ =	shalt  }
0x76: {  	_ =	shalt  }
0x77: {  	_ =	shalt  }
0x78: {  	_ =	shalt  }
0x79: {  	_ =	shalt  }
0x7a: {  	_ =	shalt  }
0x7b: {  	_ =	shalt  }
0x7c: {  	_ =	shalt  }
0x7d: {  	_ =	shalt  }
0x7e: {  	_ =	shalt  }
0x7f: {  	_ =	shalt  }
0x80: {  	_ =	shalt  }
0x81: {  	_ =	shalt  }
0x82: {  	_ =	shalt  }
0x83: {  	_ =	shalt  }
0x84: {  	_ =	shalt  }
0x85: {  	_ =	shalt  }
0x86: {  	_ =	shalt  }
0x87: {  	_ =	shalt  }
.Lfunc_end0:
.L_simem_size_0:
called_computation.1_lowered:
.L_overlay_start_0:
0x88: {  	s2 =	sld [smem:$0x3FD9]  }
0x89: {  	s3 =	sld [smem:$0x3FFE];
	_ =	sdelay $0x1  }
0x8a: {  	s1 =	srdreg.scid  }
0x8b: {  	s0 =	sand.u32 $0x1, s1  }
0x8c: {  	s17 =	sshll.u32 s0, $0xA;
	s2 =	sadd.s32 s3, s2  }
0x8d: {  	s2 =	sadd.s32 s2, s17  }
0x8e: {  	[smem:$0x3FC4] =	sst s2  }
0x8f: {  	_ = 	snop  }
0x90: {  	s2 =	sld [smem:$0x3FC9]  }
0x91: {  	s18 =	sld [smem:$0x3FD0];
	(tm) =	ssettm $0x1  }
0x92: {  	s4 =	sld [smem:$0x3FFB];
	_ =	sdelay $0x3  }
0x93: {  	_ =	strace s4  }
0x94: {  	s4 =	sld [smem:$0x3FFC];
	_ =	sdelay $0x3  }
0x95: {  	_ =	strace s4  }
0x96: {  	s4 =	sld [smem:$0x3FFD];
	_ =	sdelay $0x3  }
0x97: {  	_ =	strace s4  }
0x98: {  	_ =	strace $0x8FFFFFFF  }
0x99: {  	s19 =	sld [smem:$0x3FDB];
	_ =	sdelay $0x1  }
0x9a: {  	s5 =	simm.s32 $_scs_section_size  }
0x9b: {  	s6 =	simm.s32 $_size__tile_overlayer_lowered;
	s7 =	simm.s32 $_tile_overlayer_lowered  }
0x9c: {  	s22 =	simm.s32 $0x1BFF;
	s21 =	sshll.u32 s7, $0x1;
	s4 =	sadd.s32 s5, s19  }
0x9d: {  	s8 =	simm.s32 $0x0;
	s20 =	sshll.u32 s6, $0x1;
	s6 =	sadd.s32 s21, s4  }
0x9e: {  	[timem:s8], [sflag:s22] =	dma.local [hbm:s6], s20  }
0x9f: {  	_ =	swait.ge [sflag:s22], s20  }
0xa0: {  	s5 =	ssub.s32 $0x0, s20;
	[sflag:s22] =	ssyncset.done $0x0  }
0xa1: {  	[sflag:s22] =	ssyncadd.s32 s5;
	_ =	sdelay $0x1  }
0xa2: {  	s23 =	simm.s32 $0x1B8B  }
0xa3: {  	_ =	swait.ge [sflag:s23], $0x1  }
0xa4: {  	[sflag:s23] =	ssyncset.done $0x0  }
0xa5: {  	s25 =	simm.s32 $0x1B8E;
	s24 =	sld [smem:$0x3FFE];
	[sflag:s23] =	ssyncadd.s32 $0xFFFFFFFF  }
0xa6: {  	s26 =	simm.s32 $execute0_lowered;
	[smem:$0x3FD2] =	sst s25  }
0xa7: {  	s6 =	sshll.u32 s26, $0x1;
	_ =	strace $0x80000049;
	[dreg:$0x1] =	wrdreg $0xFFFFFFFF  }
0xa8: {  	s28 =	simm.s32 $_size_execute0_lowered;
	s4 =	sadd.s32 s4, s6;
	[dreg:$0x0] =	wrdreg $0x0  }
0xa9: {  	s6 =	sshll.u32 s28, $0x1;
	[dreg:$0x2] =	wrdreg s4  }
0xaa: {  	[dreg:$0x3] =	wrdreg s6  }
0xab: {  	[dreg:$0x4] =	wrdreg $0xC0  }
0xac: {  	_ =	task [dreg:s8], $0x5FFFF  }
0xad: {  	[dreg:$0x1] =	wrdreg $0xFFFFFFFF  }
0xae: {  	[dreg:$0x0] =	wrdreg $0x60  }
0xaf: {  	[dreg:$0x2] =	wrdreg s2  }
0xb0: {  	[dreg:$0x3] =	wrdreg s24  }
0xb1: {  	[dreg:$0x4] =	wrdreg s18  }
0xb2: {  	[dreg:$0x5] =	wrdreg $0x9  }
0xb3: {  	_ =	task.clear_ibuf [dreg:s8], $0x6FFFF;
	_ =	strace $0x90000049  }
0xb4: {  	s29 =	simm.s32 $0x9;
	_ =	strace $0x8000004B  }
0xb5: {  	_ =	swait.ge [sflag:s29], $0x1  }
0xb6: {  	[sflag:s29] =	ssyncadd.s32 $0xFFFFFFFF  }
0xb7: {  	_ =	strace $0x9000004B  }
0xb8: {  	_ =	sfence  }
0xb9: {  	s30 =	sld [smem:$0x0];
	_ =	sdelay $0x2  }
0xba: {  	s31 =	sshll.u32 s1, $0xD;
	s1 =	sshrl.u32 s1, $0x2  }
0xbb: {  	s3 =	sand.u32 $0x4000, s31;
	s1 =	sadd.s32 s1, s30  }
0xbc: {  	s0 =	sor.u32 s3, s0;
	s1 =	sshll.u32 s1, $0x11  }
0xbd: {  	s0 =	sor.u32 s1, s0  }
0xbe: {  	s0 =	sadd.s32 $0x8F2B, s0  }
0xbf: {  	[sflag:s0] =	ssyncadd.remote.s32 $0x1  }
0xc0: {  	_ =	sfence.sel $0xFFFF  }
0xc1: {  	[dreg:$0x0] =	wrdreg $0xFFFFFFFF;
	(pc) =	sbr.abs _section_cstart, $3  }
0xc2: {  	[dreg:$0x1] =	wrdreg $0xFFFFFFFF  }
0xc3: {  	_ =	task.clear_ibuf [dreg:s8], $0x2FFFF;
	_ =	strace $0x9FFFFFFF  }
0xc4: {  	(tm) =	ssettm $0x7FFFFFFF  }
0xc5: {  	_ =	shalt  }
tec
execute0_lowered:
.L_overlay_start_1:
0x0: {  	(tag) =	ssettag $0x1  }
0x1: {  	v1 =	vlaneseq.u32  }
0x2: {  	v0 =	vor.u32 $0x10, v1  }
0x3: {  	[tilespmem:$0x1FE10] =	vst v0;
	v0 =	vor.u32 $0x20, v1  }
0x4: {  	[tilespmem:$0x1FE20] =	vst v0;
	v0 =	vor.u32 $0x30, v1  }
0x5: {  	[tilespmem:$0x1FE30] =	vst v0;
	v0 =	vor.u32 $0x40, v1  }
0x6: {  	[tilespmem:$0x1FE40] =	vst v0;
	v0 =	vor.u32 $0x50, v1  }
0x7: {  	[tilespmem:$0x1FE50] =	vst v0;
	v0 =	vor.u32 $0x60, v1  }
0x8: {  	[tilespmem:$0x1FE60] =	vst v0;
	v0 =	vor.u32 $0x70, v1  }
0x9: {  	[tilespmem:$0x1FE70] =	vst v0;
	v0 =	vor.u32 $0x80, v1  }
0xa: {  	[tilespmem:$0x1FE80] =	vst v0;
	v0 =	vor.u32 $0x90, v1  }
0xb: {  	[tilespmem:$0x1FE90] =	vst v0;
	v0 =	vor.u32 $0xA0, v1  }
0xc: {  	[tilespmem:$0x1FEA0] =	vst v0;
	v0 =	vor.u32 $0xB0, v1  }
0xd: {  	[tilespmem:$0x1FEB0] =	vst v0;
	v0 =	vor.u32 $0xC0, v1  }
0xe: {  	[tilespmem:$0x1FEC0] =	vst v0;
	v0 =	vor.u32 $0xD0, v1  }
0xf: {  	[tilespmem:$0x1FED0] =	vst v0;
	v0 =	vor.u32 $0xE0, v1  }
0x10: {  	[tilespmem:$0x1FEE0] =	vst v0;
	v0 =	vor.u32 $0xF0, v1  }
0x11: {  	vm0 =	vcmask $0x300;
	[tilespmem:$0x1FEF0] =	vst v0;
	v0 =	vor.u32 $0x100, v1  }
0x12: {  	vm14 =	vcmask $0x704;
	vm15 =	vcmask $0xB08;
	[tilespmem:$0x1FF00] =	vst v0;
	v0 =	vor.u32 $0x110, v1  }
0x13: {  	vm4 =	vcmask $0xF0C;
	vm5 =	vcmask $0x1310;
	[tilespmem:$0x1FF10] =	vst v0;
	v0 =	vor.u32 $0x120, v1  }
0x14: {  	vm6 =	vcmask $0x1714;
	vm7 =	vcmask $0x1B18;
	[tilespmem:$0x1FF20] =	vst v0;
	v0 =	vor.u32 $0x130, v1  }
0x15: {  	vm8 =	vcmask $0x1F1C;
	vm9 =	vcmask $0x2320;
	[tilespmem:$0x1FF30] =	vst v0;
	v0 =	vor.u32 $0x140, v1  }
0x16: {  	vm10 =	vcmask $0x2724;
	vm11 =	vcmask $0x2B28;
	[tilespmem:$0x1FF40] =	vst v0;
	v0 =	vor.u32 $0x150, v1  }
0x17: {  	vm12 =	vcmask $0x2F2C;
	vm13 =	vcmask $0x3330;
	[tilespmem:$0x1FF50] =	vst v0;
	v0 =	vor.u32 $0x160, v1  }
0x18: {  	v2 =	vimm.s32 $0x0;
	v3 =	vimm.s32 $0x1;
	[tilespmem:$0x1FF60] =	vst v0;
	v0 =	vor.u32 $0x170, v1  }
0x19: {  	v4 =	vimm.s32 $0x2;
	v5 =	vimm.s32 $0x3;
	[tilespmem:$0x1FF70] =	vst v0;
	v0 =	vor.u32 $0x180, v1  }
0x1a: {  	v6 =	vimm.s32 $0x4;
	v7 =	vimm.s32 $0x5;
	[tilespmem:$0x1FF80] =	vst v0;
	v0 =	vor.u32 $0x190, v1  }
0x1b: {  	v8 =	vimm.s32 $0x6;
	v9 =	vimm.s32 $0x8;
	[tilespmem:$0x1FF90] =	vst v0;
	v0 =	vor.u32 $0x1A0, v1  }
0x1c: {  	v10 =	vimm.s32 $0x9;
	v11 =	vimm.s32 $0xA;
	[tilespmem:$0x1FFA0] =	vst v0;
	v0 =	vor.u32 $0x1B0, v1  }
0x1d: {  	v12 =	vimm.s32 $0xB;
	v13 =	vimm.s32 $0xC;
	[tilespmem:$0x1FFB0] =	vst v0;
	v0 =	vor.u32 $0x1C0, v1  }
0x1e: {  	v14 =	vimm.s32 $0xD;
	v15 =	vimm.s32 $0xE;
	[tilespmem:$0x1FFC0] =	vst v0;
	v0 =	vor.u32 $0x1D0, v1  }
0x1f: {  	v16 =	vimm.s32 $0xF;
	v32 =	vor.u32 $0x200, v1;
	[tilespmem:$0x1FFD0] =	vst v0;
	v0 =	vor.u32 $0x1E0, v1  }
0x20: {  	v33 =	vor.u32 $0x210, v1;
	v34 =	vor.u32 $0x220, v1;
	[tilespmem:$0x1FFE0] =	vst v0;
	v0 =	vor.u32 $0x1F0, v1  }
0x21: {  	v35 =	vor.u32 $0x230, v1;
	v36 =	vor.u32 $0x240, v1;
	[tilespmem:$0x1FFF0] =	vst v0;
	v0 =	vimm.s32 $0x381  }
0x22: {  	v37 =	vor.u32 $0x250, v1;
	v38 =	vor.u32 $0x260, v1;
	v0 =	vsel vm0, $0x0, v0  }
0x23: {  	s0 =	rddreg [dreg:$0x0];
	v39 =	vor.u32 $0x270, v1;
	v40 =	vor.u32 $0x280, v1;
	v0 =	vsel vm14, $0x80, v0  }
0x24: {  	s1 =	rddreg [dreg:$0x1];
	v41 =	vor.u32 $0x290, v1;
	v42 =	vor.u32 $0x2A0, v1;
	v0 =	vsel vm15, $0x100, v0  }
0x25: {  	s2 =	rddreg [dreg:$0x2];
	s3 =	simm.s32 $0x0;
	s4 =	srdreg.scid;
	v43 =	vor.u32 $0x2B0, v1;
	v44 =	vor.u32 $0x2C0, v1;
	v0 =	vsel vm4, $0x180, v0  }
0x26: {  	s6 =	stileid.u32;
	s11 =	simm.s32 $0x3;
	s12 =	simm.s32 $0x80;
	v45 =	vor.u32 $0x2D0, v1;
	v46 =	vor.u32 $0x2E0, v1;
	v0 =	vsel vm5, $0x200, v0  }
0x27: {  	s13 =	simm.s32 $0x1;
	s18 =	simm.s32 $0xD080;
	s19 =	simm.s32 $0xB00;
	v47 =	vor.u32 $0x2F0, v1;
	v48 =	vor.u32 $0x300, v1;
	v0 =	vsel vm6, $0x280, v0  }
0x28: {  	s20 =	simm.s32 $0xE080;
	s21 =	simm.s32 $0xB80;
	s22 =	simm.s32 $0xF080;
	v49 =	vor.u32 $0x310, v1;
	v50 =	vor.u32 $0x320, v1;
	v0 =	vsel vm7, $0x300, v0  }
0x29: {  	s23 =	simm.s32 $0xC00;
	s24 =	simm.s32 $0x10080;
	s25 =	simm.s32 $0x40000;
	v51 =	vor.u32 $0x330, v1;
	v52 =	vor.u32 $0x340, v1;
	v0 =	vsel vm8, $0x380, v0  }
0x2a: {  	s26 =	simm.s32 $0xC80;
	s28 =	simm.s32 $0x2;
	s4 =	sand.u32 $0x1, s4;
	v53 =	vor.u32 $0x350, v1;
	v54 =	vor.u32 $0x360, v1;
	v0 =	vsel vm9, $0x1, v0  }
0x2b: {  	s7 =	sshll.u32 s6, $0xE;
	v55 =	vor.u32 $0x370, v1;
	v56 =	vor.u32 $0x380, v1;
	s9 =	ssub.s32 $0x2, s4;
	s4 =	sshll.u32 s4, $0xD;
	v0 =	vsel vm10, $0x81, v0  }
0x2c: {  	[smem:$0x7FF] =	sst s3;
	s5 =	sadd.s32 $0xA00, s1;
	v57 =	vor.u32 $0x390, v1;
	v58 =	vor.u32 $0x3A0, v1;
	s7 =	sor.u32 s4, s7;
	v0 =	vsel vm11, $0x101, v0  }
0x2d: {  	s6 =	sadd.s32 $0x80A00, s1;
	v59 =	vor.u32 $0x3B0, v1;
	v60 =	vor.u32 $0x3C0, v1;
	s10 =	sshrl.u32 s9, $0x1;
	s4 =	sshrl.u32 s7, $0x3;
	v0 =	vsel vm12, $0x181, v0  }
0x2e: {  	s8 =	sadd.s32 $0x2CAA00, s1;
	v61 =	vor.u32 $0x3D0, v1;
	s31 =	ssub.s32 s9, s10;
	s4 =	sadd.s32 s0, s4;
	vm14 =	vcmask $0x3734;
	v0 =	vsel vm13, $0x201, v0  }
0x2f: {  	v62 =	vor.u32 $0x3E0, v1;
	s1 =	smax.u32 s31, $0x1;
	_ =	strace $0x8000004A;
	[dreg:$0x4] =	wrdreg s4;
	vm15 =	vcmask $0x3B38;
	v0 =	vsel vm14, $0x281, v0  }
0x30: {  	s29 =	simm.s32 $0x11080;
	[dreg:$0x5] =	wrdreg s1;
	s4 =	simm.s32 $0x0;
	v63 =	vsel vm15, $0x301, v0;
	v0 =	vor.u32 $0x3F0, v1;
	v1 =	vimm.s32 $0x7  }
.LBB2_1:
0x31: {  	[dreg:$0x6] =	wrdreg s4  }
0x32: {  	s1 =	rddreg [dreg:$0x4]  }
0x33: {  	[tilespmem:s3], [sflag:$0x3] =	stream.linear.gather [hbm4b:s1+s3], $0x80, $0x38;
	[tilespmem:$0x12080] =	vst v63  }
0x34: {  	_ =	swait.ge [sflag:s11], $0x80  }
0x35: {  	[sflag:s11] =	ssyncset.done $0x0  }
0x36: {  	v17 =	vlaneseq.u32;
	[sflag:s11] =	ssyncadd.s32 $0xFFFFFF80  }
0x37: {  	[tilespmem:s12], [sflag:$0x1] =	stream.indirect.gather [hbm4b:s5+s12], $0x8, s3, s12, $0xb8;
	[tilespmem:$0x12080] =	vst v63  }
0x38: {  	_ =	swait.ge [sflag:s13], $0x400  }
0x39: {  	[sflag:s13] =	ssyncset.done $0x0  }
0x3a: {  	[sflag:s13] =	ssyncadd.s32 $0xFFFFFC00  }
0x3b: {  	v17 =	vld.idx.msk [tilespmem:v17+s12+$0x0], $0xffff;
	_ =	sdelay $0x4  }
0x3c: {  	[tilespmem:$0x480] =	vst v17;
	v17 =	vld [tilespmem:$0x1FE10];
	_ =	sdelay $0x7  }
0x3d: {  	v17 =	vld.idx.msk [tilespmem:v17+s12+$0x0], $0xffff;
	_ =	sdelay $0x4  }
0x3e: {  	[tilespmem:$0x490] =	vst v17;
	v17 =	vld [tilespmem:$0x1FE20];
	_ =	sdelay $0x7  }
0x3f: {  	v17 =	vld.idx.msk [tilespmem:v17+s12+$0x0], $0xffff;
	_ =	sdelay $0x4  }
0x40: {  	[tilespmem:$0x4A0] =	vst v17;
	v17 =	vld [tilespmem:$0x1FE30];
	_ =	sdelay $0x7  }
0x41: {  	v17 =	vld.idx.msk [tilespmem:v17+s12+$0x0], $0xffff;
	_ =	sdelay $0x4  }
0x42: {  	[tilespmem:$0x4B0] =	vst v17;
	v17 =	vld [tilespmem:$0x1FE40];
	_ =	sdelay $0x7  }
0x43: {  	v17 =	vld.idx.msk [tilespmem:v17+s12+$0x0], $0xffff;
	_ =	sdelay $0x4  }
0x44: {  	[tilespmem:$0x4C0] =	vst v17;
	v17 =	vld [tilespmem:$0x1FE50];
	_ =	sdelay $0x7  }
0x45: {  	v17 =	vld.idx.msk [tilespmem:v17+s12+$0x0], $0xffff;
	_ =	sdelay $0x4  }
0x46: {  	[tilespmem:$0x4D0] =	vst v17;
	v17 =	vld [tilespmem:$0x1FE60];
	_ =	sdelay $0x7  }
0x47: {  	v17 =	vld.idx.msk [tilespmem:v17+s12+$0x0], $0xffff;
	_ =	sdelay $0x4  }
0x48: {  	[tilespmem:$0x4E0] =	vst v17;
	v17 =	vld [tilespmem:$0x1FE70];
	_ =	sdelay $0x7  }
0x49: {  	v17 =	vld.idx.msk [tilespmem:v17+s12+$0x0], $0xffff;
	_ =	sdelay $0x4  }
0x4a: {  	[tilespmem:$0x4F0] =	vst v17;
	v17 =	vld [tilespmem:$0x1FE80];
	_ =	sdelay $0x7  }
0x4b: {  	v17 =	vld.idx.msk [tilespmem:v17+s12+$0x0], $0xffff;
	_ =	sdelay $0x4  }
0x4c: {  	[tilespmem:$0x500] =	vst v17;
	v17 =	vld [tilespmem:$0x1FE90];
	_ =	sdelay $0x7  }
0x4d: {  	v17 =	vld.idx.msk [tilespmem:v17+s12+$0x0], $0xffff;
	_ =	sdelay $0x4  }
0x4e: {  	[tilespmem:$0x510] =	vst v17;
	v17 =	vld [tilespmem:$0x1FEA0];
	_ =	sdelay $0x7  }
0x4f: {  	v17 =	vld.idx.msk [tilespmem:v17+s12+$0x0], $0xffff;
	_ =	sdelay $0x4  }
0x50: {  	[tilespmem:$0x520] =	vst v17;
	v17 =	vld [tilespmem:$0x1FEB0];
	_ =	sdelay $0x7  }
0x51: {  	v17 =	vld.idx.msk [tilespmem:v17+s12+$0x0], $0xffff;
	_ =	sdelay $0x4  }
0x52: {  	[tilespmem:$0x530] =	vst v17;
	v17 =	vld [tilespmem:$0x1FEC0];
	_ =	sdelay $0x7  }
0x53: {  	v17 =	vld.idx.msk [tilespmem:v17+s12+$0x0], $0xffff;
	_ =	sdelay $0x4  }
0x54: {  	[tilespmem:$0x540] =	vst v17;
	v17 =	vld [tilespmem:$0x1FED0];
	_ =	sdelay $0x7  }
0x55: {  	v17 =	vld.idx.msk [tilespmem:v17+s12+$0x0], $0xffff;
	_ =	sdelay $0x4  }
0x56: {  	[tilespmem:$0x550] =	vst v17;
	v17 =	vld [tilespmem:$0x1FEE0];
	_ =	sdelay $0x7  }
0x57: {  	v17 =	vld.idx.msk [tilespmem:v17+s12+$0x0], $0xffff;
	_ =	sdelay $0x4  }
0x58: {  	[tilespmem:$0x560] =	vst v17;
	v17 =	vld [tilespmem:$0x1FEF0];
	_ =	sdelay $0x7  }
0x59: {  	v17 =	vld.idx.msk [tilespmem:v17+s12+$0x0], $0xffff;
	_ =	sdelay $0x4  }
0x5a: {  	[tilespmem:$0x570] =	vst v17;
	v17 =	vld [tilespmem:$0x1FF00];
	_ =	sdelay $0x7  }
0x5b: {  	v17 =	vld.idx.msk [tilespmem:v17+s12+$0x0], $0xffff;
	_ =	sdelay $0x4  }
0x5c: {  	[tilespmem:$0x580] =	vst v17;
	v17 =	vld [tilespmem:$0x1FF10];
	_ =	sdelay $0x7  }
0x5d: {  	v17 =	vld.idx.msk [tilespmem:v17+s12+$0x0], $0xffff;
	_ =	sdelay $0x4  }
0x5e: {  	[tilespmem:$0x590] =	vst v17;
	v17 =	vld [tilespmem:$0x1FF20];
	_ =	sdelay $0x7  }
0x5f: {  	v17 =	vld.idx.msk [tilespmem:v17+s12+$0x0], $0xffff;
	_ =	sdelay $0x4  }
0x60: {  	[tilespmem:$0x5A0] =	vst v17;
	v17 =	vld [tilespmem:$0x1FF30];
	_ =	sdelay $0x7  }
0x61: {  	v17 =	vld.idx.msk [tilespmem:v17+s12+$0x0], $0xffff;
	_ =	sdelay $0x4  }
0x62: {  	[tilespmem:$0x5B0] =	vst v17;
	v17 =	vld [tilespmem:$0x1FF40];
	_ =	sdelay $0x7  }
0x63: {  	v17 =	vld.idx.msk [tilespmem:v17+s12+$0x0], $0xffff;
	_ =	sdelay $0x4  }
0x64: {  	[tilespmem:$0x5C0] =	vst v17;
	v17 =	vld [tilespmem:$0x1FF50];
	_ =	sdelay $0x7  }
0x65: {  	v17 =	vld.idx.msk [tilespmem:v17+s12+$0x0], $0xffff;
	_ =	sdelay $0x4  }
0x66: {  	[tilespmem:$0x5D0] =	vst v17;
	v17 =	vld [tilespmem:$0x1FF60];
	_ =	sdelay $0x7  }
0x67: {  	v17 =	vld.idx.msk [tilespmem:v17+s12+$0x0], $0xffff;
	_ =	sdelay $0x4  }
0x68: {  	[tilespmem:$0x5E0] =	vst v17;
	v17 =	vld [tilespmem:$0x1FF70];
	_ =	sdelay $0x7  }
0x69: {  	v17 =	vld.idx.msk [tilespmem:v17+s12+$0x0], $0xffff;
	_ =	sdelay $0x4  }
0x6a: {  	[tilespmem:$0x5F0] =	vst v17;
	v17 =	vld [tilespmem:$0x1FF80];
	_ =	sdelay $0x7  }
0x6b: {  	v17 =	vld.idx.msk [tilespmem:v17+s12+$0x0], $0xffff;
	_ =	sdelay $0x4  }
0x6c: {  	[tilespmem:$0x600] =	vst v17;
	v17 =	vld [tilespmem:$0x1FF90];
	_ =	sdelay $0x7  }
0x6d: {  	v17 =	vld.idx.msk [tilespmem:v17+s12+$0x0], $0xffff;
	_ =	sdelay $0x4  }
0x6e: {  	[tilespmem:$0x610] =	vst v17;
	v17 =	vld [tilespmem:$0x1FFA0];
	_ =	sdelay $0x7  }
0x6f: {  	v17 =	vld.idx.msk [tilespmem:v17+s12+$0x0], $0xffff;
	_ =	sdelay $0x4  }
0x70: {  	[tilespmem:$0x620] =	vst v17;
	v17 =	vld [tilespmem:$0x1FFB0];
	_ =	sdelay $0x7  }
0x71: {  	v17 =	vld.idx.msk [tilespmem:v17+s12+$0x0], $0xffff;
	_ =	sdelay $0x4  }
0x72: {  	[tilespmem:$0x630] =	vst v17;
	v17 =	vld [tilespmem:$0x1FFC0];
	_ =	sdelay $0x7  }
0x73: {  	v17 =	vld.idx.msk [tilespmem:v17+s12+$0x0], $0xffff;
	_ =	sdelay $0x4  }
0x74: {  	[tilespmem:$0x640] =	vst v17;
	v17 =	vld [tilespmem:$0x1FFD0];
	_ =	sdelay $0x7  }
0x75: {  	v17 =	vld.idx.msk [tilespmem:v17+s12+$0x0], $0xffff;
	_ =	sdelay $0x4  }
0x76: {  	[tilespmem:$0x650] =	vst v17;
	v17 =	vld [tilespmem:$0x1FFE0];
	_ =	sdelay $0x7  }
0x77: {  	v17 =	vld.idx.msk [tilespmem:v17+s12+$0x0], $0xffff;
	_ =	sdelay $0x4  }
0x78: {  	[tilespmem:$0x660] =	vst v17;
	v17 =	vld [tilespmem:$0x1FFF0];
	_ =	sdelay $0x7  }
0x79: {  	v17 =	vld.idx.msk [tilespmem:v17+s12+$0x0], $0xffff;
	_ =	sdelay $0x4  }
0x7a: {  	[tilespmem:$0x670] =	vst v17  }
0x7b: {  	v17 =	vld.idx.msk [tilespmem:v32+s12+$0x0], $0xffff;
	_ =	sdelay $0x4  }
0x7c: {  	[tilespmem:$0x680] =	vst v17  }
0x7d: {  	v17 =	vld.idx.msk [tilespmem:v33+s12+$0x0], $0xffff;
	_ =	sdelay $0x4  }
0x7e: {  	[tilespmem:$0x690] =	vst v17  }
0x7f: {  	v17 =	vld.idx.msk [tilespmem:v34+s12+$0x0], $0xffff;
	_ =	sdelay $0x4  }
0x80: {  	[tilespmem:$0x6A0] =	vst v17  }
0x81: {  	v17 =	vld.idx.msk [tilespmem:v35+s12+$0x0], $0xffff;
	_ =	sdelay $0x4  }
0x82: {  	[tilespmem:$0x6B0] =	vst v17  }
0x83: {  	v17 =	vld.idx.msk [tilespmem:v36+s12+$0x0], $0xffff;
	_ =	sdelay $0x4  }
0x84: {  	[tilespmem:$0x6C0] =	vst v17  }
0x85: {  	v17 =	vld.idx.msk [tilespmem:v37+s12+$0x0], $0xffff;
	_ =	sdelay $0x4  }
0x86: {  	[tilespmem:$0x6D0] =	vst v17  }
0x87: {  	v17 =	vld.idx.msk [tilespmem:v38+s12+$0x0], $0xffff;
	_ =	sdelay $0x4  }
0x88: {  	[tilespmem:$0x6E0] =	vst v17  }
0x89: {  	v17 =	vld.idx.msk [tilespmem:v39+s12+$0x0], $0xffff;
	_ =	sdelay $0x4  }
0x8a: {  	[tilespmem:$0x6F0] =	vst v17  }
0x8b: {  	v17 =	vld.idx.msk [tilespmem:v40+s12+$0x0], $0xffff;
	_ =	sdelay $0x4  }
0x8c: {  	[tilespmem:$0x700] =	vst v17  }
0x8d: {  	v17 =	vld.idx.msk [tilespmem:v41+s12+$0x0], $0xffff;
	_ =	sdelay $0x4  }
0x8e: {  	[tilespmem:$0x710] =	vst v17  }
0x8f: {  	v17 =	vld.idx.msk [tilespmem:v42+s12+$0x0], $0xffff;
	_ =	sdelay $0x4  }
0x90: {  	[tilespmem:$0x720] =	vst v17  }
0x91: {  	v17 =	vld.idx.msk [tilespmem:v43+s12+$0x0], $0xffff;
	_ =	sdelay $0x4  }
0x92: {  	[tilespmem:$0x730] =	vst v17  }
0x93: {  	v17 =	vld.idx.msk [tilespmem:v44+s12+$0x0], $0xffff;
	_ =	sdelay $0x4  }
0x94: {  	[tilespmem:$0x740] =	vst v17  }
0x95: {  	v17 =	vld.idx.msk [tilespmem:v45+s12+$0x0], $0xffff;
	_ =	sdelay $0x4  }
0x96: {  	[tilespmem:$0x750] =	vst v17  }
0x97: {  	v17 =	vld.idx.msk [tilespmem:v46+s12+$0x0], $0xffff;
	_ =	sdelay $0x4  }
0x98: {  	[tilespmem:$0x760] =	vst v17  }
0x99: {  	v17 =	vld.idx.msk [tilespmem:v47+s12+$0x0], $0xffff;
	_ =	sdelay $0x4  }
0x9a: {  	[tilespmem:$0x770] =	vst v17  }
0x9b: {  	v17 =	vld.idx.msk [tilespmem:v48+s12+$0x0], $0xffff;
	_ =	sdelay $0x4  }
0x9c: {  	[tilespmem:$0x780] =	vst v17  }
0x9d: {  	v17 =	vld.idx.msk [tilespmem:v49+s12+$0x0], $0xffff;
	_ =	sdelay $0x4  }
0x9e: {  	[tilespmem:$0x790] =	vst v17  }
0x9f: {  	v17 =	vld.idx.msk [tilespmem:v50+s12+$0x0], $0xffff;
	_ =	sdelay $0x4  }
0xa0: {  	[tilespmem:$0x7A0] =	vst v17  }
0xa1: {  	v17 =	vld.idx.msk [tilespmem:v51+s12+$0x0], $0xffff;
	_ =	sdelay $0x4  }
0xa2: {  	[tilespmem:$0x7B0] =	vst v17  }
0xa3: {  	v17 =	vld.idx.msk [tilespmem:v52+s12+$0x0], $0xffff;
	_ =	sdelay $0x4  }
0xa4: {  	[tilespmem:$0x7C0] =	vst v17  }
0xa5: {  	v17 =	vld.idx.msk [tilespmem:v53+s12+$0x0], $0xffff;
	_ =	sdelay $0x4  }
0xa6: {  	[tilespmem:$0x7D0] =	vst v17  }
0xa7: {  	v17 =	vld.idx.msk [tilespmem:v54+s12+$0x0], $0xffff;
	_ =	sdelay $0x4  }
0xa8: {  	[tilespmem:$0x7E0] =	vst v17  }
0xa9: {  	v17 =	vld.idx.msk [tilespmem:v55+s12+$0x0], $0xffff;
	_ =	sdelay $0x4  }
0xaa: {  	[tilespmem:$0x7F0] =	vst v17  }
0xab: {  	v17 =	vld.idx.msk [tilespmem:v56+s12+$0x0], $0xffff;
	_ =	sdelay $0x4  }
0xac: {  	[tilespmem:$0x800] =	vst v17  }
0xad: {  	v17 =	vld.idx.msk [tilespmem:v57+s12+$0x0], $0xffff;
	_ =	sdelay $0x4  }
0xae: {  	[tilespmem:$0x810] =	vst v17  }
0xaf: {  	v17 =	vld.idx.msk [tilespmem:v58+s12+$0x0], $0xffff;
	_ =	sdelay $0x4  }
0xb0: {  	[tilespmem:$0x820] =	vst v17  }
0xb1: {  	v17 =	vld.idx.msk [tilespmem:v59+s12+$0x0], $0xffff;
	_ =	sdelay $0x4  }
0xb2: {  	[tilespmem:$0x830] =	vst v17  }
0xb3: {  	v17 =	vld.idx.msk [tilespmem:v60+s12+$0x0], $0xffff;
	_ =	sdelay $0x4  }
0xb4: {  	[tilespmem:$0x840] =	vst v17  }
0xb5: {  	v17 =	vld.idx.msk [tilespmem:v61+s12+$0x0], $0xffff;
	_ =	sdelay $0x4  }
0xb6: {  	[tilespmem:$0x850] =	vst v17  }
0xb7: {  	v17 =	vld.idx.msk [tilespmem:v62+s12+$0x0], $0xffff;
	_ =	sdelay $0x4  }
0xb8: {  	[tilespmem:$0x860] =	vst v17  }
0xb9: {  	v17 =	vld.idx.msk [tilespmem:v0+s12+$0x0], $0xffff;
	_ =	sdelay $0x4  }
0xba: {  	s4 =	simm.s32 $0x480;
	s9 =	simm.s32 $0x1080;
	[tilespmem:$0x870] =	vst v17  }
0xbb: {  	[tilespmem:s9], [sflag:$0x2] =	stream.indirect.gather [hbm4b:s6+s12], $0x20, s4, s12, $0xb8;
	[tilespmem:$0x12080] =	vst v63  }
0xbc: {  	s10 =	simm.s32 $0x500;
	s14 =	simm.s32 $0x2080  }
0xbd: {  	[tilespmem:s14], [sflag:$0x2] =	stream.indirect.gather [hbm4b:s6+s12], $0x20, s10, s12, $0xb8;
	[tilespmem:$0x12080] =	vst v63  }
0xbe: {  	s15 =	simm.s32 $0x580;
	s16 =	simm.s32 $0x3080  }
0xbf: {  	[tilespmem:s16], [sflag:$0x2] =	stream.indirect.gather [hbm4b:s6+s12], $0x20, s15, s12, $0xb8;
	[tilespmem:$0x12080] =	vst v63  }
0xc0: {  	s17 =	simm.s32 $0x600;
	s31 =	simm.s32 $0x4080  }
0xc1: {  	[tilespmem:s31], [sflag:$0x2] =	stream.indirect.gather [hbm4b:s6+s12], $0x20, s17, s12, $0xb8;
	[tilespmem:$0x12080] =	vst v63  }
0xc2: {  	s4 =	simm.s32 $0x680;
	s9 =	simm.s32 $0x5080  }
0xc3: {  	[tilespmem:s9], [sflag:$0x2] =	stream.indirect.gather [hbm4b:s6+s12], $0x20, s4, s12, $0xb8;
	[tilespmem:$0x12080] =	vst v63  }
0xc4: {  	s10 =	simm.s32 $0x700;
	s14 =	simm.s32 $0x6080  }
0xc5: {  	[tilespmem:s14], [sflag:$0x2] =	stream.indirect.gather [hbm4b:s6+s12], $0x20, s10, s12, $0xb8;
	[tilespmem:$0x12080] =	vst v63  }
0xc6: {  	s15 =	simm.s32 $0x780;
	s16 =	simm.s32 $0x7080  }
0xc7: {  	[tilespmem:s16], [sflag:$0x2] =	stream.indirect.gather [hbm4b:s6+s12], $0x20, s15, s12, $0xb8;
	[tilespmem:$0x12080] =	vst v63  }
0xc8: {  	s30 =	simm.s32 $0x0;
	s17 =	simm.s32 $0x800;
	s31 =	simm.s32 $0x8080  }
0xc9: {  	[tilespmem:s31], [sflag:$0x2] =	stream.indirect.gather [hbm4b:s6+s12], $0x20, s17, s12, $0xb8;
	[tilespmem:$0x12080] =	vst v63  }
.LBB2_2:
0xca: {  	s1 =	sshll.u32 s30, $0x8  }
0xcb: {  	s4 =	sadd.s32 s7, s1  }
0xcc: {  	s31 =	sor.u32 $0x80, s4  }
0xcd: {  	s1 =	sshrl.u32 s31, $0x3  }
0xce: {  	s10 =	simm.s32 $0x0;
	s9 =	sadd.s32 s0, s1  }
0xcf: {  	[tilespmem:s10], [sflag:$0x3] =	stream.linear.gather [hbm4b:s9+s10], $0x80, $0x38;
	[tilespmem:$0x12080] =	vst v63  }
0xd0: {  	_ =	swait.ge [sflag:s11], $0x80  }
0xd1: {  	[sflag:s11] =	ssyncset.done $0x0  }
0xd2: {  	v17 =	vlaneseq.u32;
	[sflag:s11] =	ssyncadd.s32 $0xFFFFFF80  }
0xd3: {  	[tilespmem:s12], [sflag:$0x1] =	stream.indirect.gather [hbm4b:s5+s12], $0x8, s10, s12, $0xb8;
	[tilespmem:$0x12080] =	vst v63  }
0xd4: {  	_ =	swait.ge [sflag:s13], $0x400  }
0xd5: {  	[sflag:s13] =	ssyncset.done $0x0  }
0xd6: {  	[sflag:s13] =	ssyncadd.s32 $0xFFFFFC00  }
0xd7: {  	v17 =	vld.idx.msk [tilespmem:v17+s12+$0x0], $0xffff;
	_ =	sdelay $0x4  }
0xd8: {  	[tilespmem:$0x880] =	vst v17;
	v17 =	vld [tilespmem:$0x1FE10];
	_ =	sdelay $0x7  }
0xd9: {  	v17 =	vld.idx.msk [tilespmem:v17+s12+$0x0], $0xffff;
	_ =	sdelay $0x4  }
0xda: {  	[tilespmem:$0x890] =	vst v17;
	v17 =	vld [tilespmem:$0x1FE20];
	_ =	sdelay $0x7  }
0xdb: {  	v17 =	vld.idx.msk [tilespmem:v17+s12+$0x0], $0xffff;
	_ =	sdelay $0x4  }
0xdc: {  	[tilespmem:$0x8A0] =	vst v17;
	v17 =	vld [tilespmem:$0x1FE30];
	_ =	sdelay $0x7  }
0xdd: {  	v17 =	vld.idx.msk [tilespmem:v17+s12+$0x0], $0xffff;
	_ =	sdelay $0x4  }
0xde: {  	[tilespmem:$0x8B0] =	vst v17;
	v17 =	vld [tilespmem:$0x1FE40];
	_ =	sdelay $0x7  }
0xdf: {  	v17 =	vld.idx.msk [tilespmem:v17+s12+$0x0], $0xffff;
	_ =	sdelay $0x4  }
0xe0: {  	[tilespmem:$0x8C0] =	vst v17;
	v17 =	vld [tilespmem:$0x1FE50];
	_ =	sdelay $0x7  }
0xe1: {  	v17 =	vld.idx.msk [tilespmem:v17+s12+$0x0], $0xffff;
	_ =	sdelay $0x4  }
0xe2: {  	[tilespmem:$0x8D0] =	vst v17;
	v17 =	vld [tilespmem:$0x1FE60];
	_ =	sdelay $0x7  }
0xe3: {  	v17 =	vld.idx.msk [tilespmem:v17+s12+$0x0], $0xffff;
	_ =	sdelay $0x4  }
0xe4: {  	[tilespmem:$0x8E0] =	vst v17;
	v17 =	vld [tilespmem:$0x1FE70];
	_ =	sdelay $0x7  }
0xe5: {  	v17 =	vld.idx.msk [tilespmem:v17+s12+$0x0], $0xffff;
	_ =	sdelay $0x4  }
0xe6: {  	[tilespmem:$0x8F0] =	vst v17;
	v17 =	vld [tilespmem:$0x1FE80];
	_ =	sdelay $0x7  }
0xe7: {  	v17 =	vld.idx.msk [tilespmem:v17+s12+$0x0], $0xffff;
	_ =	sdelay $0x4  }
0xe8: {  	[tilespmem:$0x900] =	vst v17;
	v17 =	vld [tilespmem:$0x1FE90];
	_ =	sdelay $0x7  }
0xe9: {  	v17 =	vld.idx.msk [tilespmem:v17+s12+$0x0], $0xffff;
	_ =	sdelay $0x4  }
0xea: {  	[tilespmem:$0x910] =	vst v17;
	v17 =	vld [tilespmem:$0x1FEA0];
	_ =	sdelay $0x7  }
0xeb: {  	v17 =	vld.idx.msk [tilespmem:v17+s12+$0x0], $0xffff;
	_ =	sdelay $0x4  }
0xec: {  	[tilespmem:$0x920] =	vst v17;
	v17 =	vld [tilespmem:$0x1FEB0];
	_ =	sdelay $0x7  }
0xed: {  	v17 =	vld.idx.msk [tilespmem:v17+s12+$0x0], $0xffff;
	_ =	sdelay $0x4  }
0xee: {  	[tilespmem:$0x930] =	vst v17;
	v17 =	vld [tilespmem:$0x1FEC0];
	_ =	sdelay $0x7  }
0xef: {  	v17 =	vld.idx.msk [tilespmem:v17+s12+$0x0], $0xffff;
	_ =	sdelay $0x4  }
0xf0: {  	[tilespmem:$0x940] =	vst v17;
	v17 =	vld [tilespmem:$0x1FED0];
	_ =	sdelay $0x7  }
0xf1: {  	v17 =	vld.idx.msk [tilespmem:v17+s12+$0x0], $0xffff;
	_ =	sdelay $0x4  }
0xf2: {  	[tilespmem:$0x950] =	vst v17;
	v17 =	vld [tilespmem:$0x1FEE0];
	_ =	sdelay $0x7  }
0xf3: {  	v17 =	vld.idx.msk [tilespmem:v17+s12+$0x0], $0xffff;
	_ =	sdelay $0x4  }
0xf4: {  	[tilespmem:$0x960] =	vst v17;
	v17 =	vld [tilespmem:$0x1FEF0];
	_ =	sdelay $0x7  }
0xf5: {  	v17 =	vld.idx.msk [tilespmem:v17+s12+$0x0], $0xffff;
	_ =	sdelay $0x4  }
0xf6: {  	[tilespmem:$0x970] =	vst v17;
	v17 =	vld [tilespmem:$0x1FF00];
	_ =	sdelay $0x7  }
0xf7: {  	v17 =	vld.idx.msk [tilespmem:v17+s12+$0x0], $0xffff;
	_ =	sdelay $0x4  }
0xf8: {  	[tilespmem:$0x980] =	vst v17;
	v17 =	vld [tilespmem:$0x1FF10];
	_ =	sdelay $0x7  }
0xf9: {  	v17 =	vld.idx.msk [tilespmem:v17+s12+$0x0], $0xffff;
	_ =	sdelay $0x4  }
0xfa: {  	[tilespmem:$0x990] =	vst v17;
	v17 =	vld [tilespmem:$0x1FF20];
	_ =	sdelay $0x7  }
0xfb: {  	v17 =	vld.idx.msk [tilespmem:v17+s12+$0x0], $0xffff;
	_ =	sdelay $0x4  }
0xfc: {  	[tilespmem:$0x9A0] =	vst v17;
	v17 =	vld [tilespmem:$0x1FF30];
	_ =	sdelay $0x7  }
0xfd: {  	v17 =	vld.idx.msk [tilespmem:v17+s12+$0x0], $0xffff;
	_ =	sdelay $0x4  }
0xfe: {  	[tilespmem:$0x9B0] =	vst v17;
	v17 =	vld [tilespmem:$0x1FF40];
	_ =	sdelay $0x7  }
0xff: {  	v17 =	vld.idx.msk [tilespmem:v17+s12+$0x0], $0xffff;
	_ =	sdelay $0x4  }
0x100: {  	[tilespmem:$0x9C0] =	vst v17;
	v17 =	vld [tilespmem:$0x1FF50];
	_ =	sdelay $0x7  }
0x101: {  	v17 =	vld.idx.msk [tilespmem:v17+s12+$0x0], $0xffff;
	_ =	sdelay $0x4  }
0x102: {  	[tilespmem:$0x9D0] =	vst v17;
	v17 =	vld [tilespmem:$0x1FF60];
	_ =	sdelay $0x7  }
0x103: {  	v17 =	vld.idx.msk [tilespmem:v17+s12+$0x0], $0xffff;
	_ =	sdelay $0x4  }
0x104: {  	[tilespmem:$0x9E0] =	vst v17;
	v17 =	vld [tilespmem:$0x1FF70];
	_ =	sdelay $0x7  }
0x105: {  	v17 =	vld.idx.msk [tilespmem:v17+s12+$0x0], $0xffff;
	_ =	sdelay $0x4  }
0x106: {  	[tilespmem:$0x9F0] =	vst v17;
	v17 =	vld [tilespmem:$0x1FF80];
	_ =	sdelay $0x7  }
0x107: {  	v17 =	vld.idx.msk [tilespmem:v17+s12+$0x0], $0xffff;
	_ =	sdelay $0x4  }
0x108: {  	[tilespmem:$0xA00] =	vst v17;
	v17 =	vld [tilespmem:$0x1FF90];
	_ =	sdelay $0x7  }
0x109: {  	v17 =	vld.idx.msk [tilespmem:v17+s12+$0x0], $0xffff;
	_ =	sdelay $0x4  }
0x10a: {  	[tilespmem:$0xA10] =	vst v17;
	v17 =	vld [tilespmem:$0x1FFA0];
	_ =	sdelay $0x7  }
0x10b: {  	v17 =	vld.idx.msk [tilespmem:v17+s12+$0x0], $0xffff;
	_ =	sdelay $0x4  }
0x10c: {  	[tilespmem:$0xA20] =	vst v17;
	v17 =	vld [tilespmem:$0x1FFB0];
	_ =	sdelay $0x7  }
0x10d: {  	v17 =	vld.idx.msk [tilespmem:v17+s12+$0x0], $0xffff;
	_ =	sdelay $0x4  }
0x10e: {  	[tilespmem:$0xA30] =	vst v17;
	v17 =	vld [tilespmem:$0x1FFC0];
	_ =	sdelay $0x7  }
0x10f: {  	v17 =	vld.idx.msk [tilespmem:v17+s12+$0x0], $0xffff;
	_ =	sdelay $0x4  }
0x110: {  	[tilespmem:$0xA40] =	vst v17;
	v17 =	vld [tilespmem:$0x1FFD0];
	_ =	sdelay $0x7  }
0x111: {  	v17 =	vld.idx.msk [tilespmem:v17+s12+$0x0], $0xffff;
	_ =	sdelay $0x4  }
0x112: {  	[tilespmem:$0xA50] =	vst v17;
	v17 =	vld [tilespmem:$0x1FFE0];
	_ =	sdelay $0x7  }
0x113: {  	v17 =	vld.idx.msk [tilespmem:v17+s12+$0x0], $0xffff;
	_ =	sdelay $0x4  }
0x114: {  	[tilespmem:$0xA60] =	vst v17;
	v17 =	vld [tilespmem:$0x1FFF0];
	_ =	sdelay $0x7  }
0x115: {  	v17 =	vld.idx.msk [tilespmem:v17+s12+$0x0], $0xffff;
	_ =	sdelay $0x4  }
0x116: {  	[tilespmem:$0xA70] =	vst v17  }
0x117: {  	v17 =	vld.idx.msk [tilespmem:v32+s12+$0x0], $0xffff;
	_ =	sdelay $0x4  }
0x118: {  	[tilespmem:$0xA80] =	vst v17  }
0x119: {  	v17 =	vld.idx.msk [tilespmem:v33+s12+$0x0], $0xffff;
	_ =	sdelay $0x4  }
0x11a: {  	[tilespmem:$0xA90] =	vst v17  }
0x11b: {  	v17 =	vld.idx.msk [tilespmem:v34+s12+$0x0], $0xffff;
	_ =	sdelay $0x4  }
0x11c: {  	[tilespmem:$0xAA0] =	vst v17  }
0x11d: {  	v17 =	vld.idx.msk [tilespmem:v35+s12+$0x0], $0xffff;
	_ =	sdelay $0x4  }
0x11e: {  	[tilespmem:$0xAB0] =	vst v17  }
0x11f: {  	v17 =	vld.idx.msk [tilespmem:v36+s12+$0x0], $0xffff;
	_ =	sdelay $0x4  }
0x120: {  	[tilespmem:$0xAC0] =	vst v17  }
0x121: {  	v17 =	vld.idx.msk [tilespmem:v37+s12+$0x0], $0xffff;
	_ =	sdelay $0x4  }
0x122: {  	[tilespmem:$0xAD0] =	vst v17  }
0x123: {  	v17 =	vld.idx.msk [tilespmem:v38+s12+$0x0], $0xffff;
	_ =	sdelay $0x4  }
0x124: {  	[tilespmem:$0xAE0] =	vst v17  }
0x125: {  	v17 =	vld.idx.msk [tilespmem:v39+s12+$0x0], $0xffff;
	_ =	sdelay $0x4  }
0x126: {  	[tilespmem:$0xAF0] =	vst v17  }
0x127: {  	v17 =	vld.idx.msk [tilespmem:v40+s12+$0x0], $0xffff;
	_ =	sdelay $0x4  }
0x128: {  	[tilespmem:$0xB00] =	vst v17  }
0x129: {  	v17 =	vld.idx.msk [tilespmem:v41+s12+$0x0], $0xffff;
	_ =	sdelay $0x4  }
0x12a: {  	[tilespmem:$0xB10] =	vst v17  }
0x12b: {  	v17 =	vld.idx.msk [tilespmem:v42+s12+$0x0], $0xffff;
	_ =	sdelay $0x4  }
0x12c: {  	[tilespmem:$0xB20] =	vst v17  }
0x12d: {  	v17 =	vld.idx.msk [tilespmem:v43+s12+$0x0], $0xffff;
	_ =	sdelay $0x4  }
0x12e: {  	[tilespmem:$0xB30] =	vst v17  }
0x12f: {  	v17 =	vld.idx.msk [tilespmem:v44+s12+$0x0], $0xffff;
	_ =	sdelay $0x4  }
0x130: {  	[tilespmem:$0xB40] =	vst v17  }
0x131: {  	v17 =	vld.idx.msk [tilespmem:v45+s12+$0x0], $0xffff;
	_ =	sdelay $0x4  }
0x132: {  	[tilespmem:$0xB50] =	vst v17  }
0x133: {  	v17 =	vld.idx.msk [tilespmem:v46+s12+$0x0], $0xffff;
	_ =	sdelay $0x4  }
0x134: {  	[tilespmem:$0xB60] =	vst v17  }
0x135: {  	v17 =	vld.idx.msk [tilespmem:v47+s12+$0x0], $0xffff;
	_ =	sdelay $0x4  }
0x136: {  	[tilespmem:$0xB70] =	vst v17  }
0x137: {  	v17 =	vld.idx.msk [tilespmem:v48+s12+$0x0], $0xffff;
	_ =	sdelay $0x4  }
0x138: {  	[tilespmem:$0xB80] =	vst v17  }
0x139: {  	v17 =	vld.idx.msk [tilespmem:v49+s12+$0x0], $0xffff;
	_ =	sdelay $0x4  }
0x13a: {  	[tilespmem:$0xB90] =	vst v17  }
0x13b: {  	v17 =	vld.idx.msk [tilespmem:v50+s12+$0x0], $0xffff;
	_ =	sdelay $0x4  }
0x13c: {  	[tilespmem:$0xBA0] =	vst v17  }
0x13d: {  	v17 =	vld.idx.msk [tilespmem:v51+s12+$0x0], $0xffff;
	_ =	sdelay $0x4  }
0x13e: {  	[tilespmem:$0xBB0] =	vst v17  }
0x13f: {  	v17 =	vld.idx.msk [tilespmem:v52+s12+$0x0], $0xffff;
	_ =	sdelay $0x4  }
0x140: {  	[tilespmem:$0xBC0] =	vst v17  }
0x141: {  	v17 =	vld.idx.msk [tilespmem:v53+s12+$0x0], $0xffff;
	_ =	sdelay $0x4  }
0x142: {  	[tilespmem:$0xBD0] =	vst v17  }
0x143: {  	v17 =	vld.idx.msk [tilespmem:v54+s12+$0x0], $0xffff;
	_ =	sdelay $0x4  }
0x144: {  	[tilespmem:$0xBE0] =	vst v17  }
0x145: {  	v17 =	vld.idx.msk [tilespmem:v55+s12+$0x0], $0xffff;
	_ =	sdelay $0x4  }
0x146: {  	[tilespmem:$0xBF0] =	vst v17  }
0x147: {  	v17 =	vld.idx.msk [tilespmem:v56+s12+$0x0], $0xffff;
	_ =	sdelay $0x4  }
0x148: {  	[tilespmem:$0xC00] =	vst v17  }
0x149: {  	v17 =	vld.idx.msk [tilespmem:v57+s12+$0x0], $0xffff;
	_ =	sdelay $0x4  }
0x14a: {  	[tilespmem:$0xC10] =	vst v17  }
0x14b: {  	v17 =	vld.idx.msk [tilespmem:v58+s12+$0x0], $0xffff;
	_ =	sdelay $0x4  }
0x14c: {  	[tilespmem:$0xC20] =	vst v17  }
0x14d: {  	v17 =	vld.idx.msk [tilespmem:v59+s12+$0x0], $0xffff;
	_ =	sdelay $0x4  }
0x14e: {  	[tilespmem:$0xC30] =	vst v17  }
0x14f: {  	v17 =	vld.idx.msk [tilespmem:v60+s12+$0x0], $0xffff;
	_ =	sdelay $0x4  }
0x150: {  	[tilespmem:$0xC40] =	vst v17  }
0x151: {  	v17 =	vld.idx.msk [tilespmem:v61+s12+$0x0], $0xffff;
	_ =	sdelay $0x4  }
0x152: {  	[tilespmem:$0xC50] =	vst v17  }
0x153: {  	v17 =	vld.idx.msk [tilespmem:v62+s12+$0x0], $0xffff;
	_ =	sdelay $0x4  }
0x154: {  	[tilespmem:$0xC60] =	vst v17  }
0x155: {  	v17 =	vld.idx.msk [tilespmem:v0+s12+$0x0], $0xffff;
	_ =	sdelay $0x4  }
0x156: {  	s17 =	simm.s32 $0x880;
	s14 =	simm.s32 $0x9080;
	[tilespmem:$0xC70] =	vst v17  }
0x157: {  	[tilespmem:s14], [sflag:$0x2] =	stream.indirect.gather [hbm4b:s6+s12], $0x20, s17, s12, $0xb8;
	[tilespmem:$0x12080] =	vst v63  }
0x158: {  	s15 =	simm.s32 $0xA080;
	s14 =	simm.s32 $0x900  }
0x159: {  	[tilespmem:s15], [sflag:$0x2] =	stream.indirect.gather [hbm4b:s6+s12], $0x20, s14, s12, $0xb8;
	[tilespmem:$0x12080] =	vst v63  }
0x15a: {  	s16 =	simm.s32 $0x980;
	s17 =	simm.s32 $0xB080  }
0x15b: {  	[tilespmem:s17], [sflag:$0x2] =	stream.indirect.gather [hbm4b:s6+s12], $0x20, s16, s12, $0xb8;
	[tilespmem:$0x12080] =	vst v63  }
0x15c: {  	s14 =	simm.s32 $0xA00;
	s15 =	simm.s32 $0xC080  }
0x15d: {  	[tilespmem:s15], [sflag:$0x2] =	stream.indirect.gather [hbm4b:s6+s12], $0x20, s14, s12, $0xb8;
	[tilespmem:$0x12080] =	vst v63  }
0x15e: {  	s16 =	simm.s32 $0xA80  }
0x15f: {  	[tilespmem:s18], [sflag:$0x2] =	stream.indirect.gather [hbm4b:s6+s12], $0x20, s16, s12, $0xb8;
	[tilespmem:$0x12080] =	vst v63  }
0x160: {  	_ = 	snop  }
0x161: {  	[tilespmem:s20], [sflag:$0x2] =	stream.indirect.gather [hbm4b:s6+s12], $0x20, s19, s12, $0xb8;
	[tilespmem:$0x12080] =	vst v63  }
0x162: {  	_ = 	snop  }
0x163: {  	[tilespmem:s22], [sflag:$0x2] =	stream.indirect.gather [hbm4b:s6+s12], $0x20, s21, s12, $0xb8;
	[tilespmem:$0x12080] =	vst v63  }
0x164: {  	s9 =	sshrl.u32 s4, $0x3  }
0x165: {  	[tilespmem:s24], [sflag:$0x2] =	stream.indirect.gather [hbm4b:s6+s12], $0x20, s23, s12, $0xb8;
	[tilespmem:$0x12080] =	vst v63  }
0x166: {  	s17 =	sadd.s32 s8, s9  }
0x167: {  	v17 =	vmov s10;
	[tilespmem:s26], [sflag:$0x3] =	stream.strided.gather [hbm4b:s17+s12], $0x400, s25, s12, $0x38;
	[tilespmem:$0x12080] =	vst v63  }
0x168: {  	v17 =	vand.u32 $0x7F, v17;
	_ =	swait.ge [sflag:s11], $0x400  }
0x169: {  	v17 =	vor.u32 v63, v17;
	[sflag:s11] =	ssyncset.done $0x0  }
0x16a: {  	[sflag:s11] =	ssyncadd.s32 $0xFFFFFC00  }
0x16b: {  	_ =	swait.ge [sflag:s28], $0x8000  }
0x16c: {  	[sflag:s28] =	ssyncset.done $0x0  }
0x16d: {  	[sflag:s28] =	ssyncadd.s32 $0xFFFF8000  }
0x16e: {  	v17 =	vld.idx.msk [tilespmem:v17+s26+$0x0], $0xffff  }
0x16f: {  	s14 =	simm.s32 $0x1180  }
0x170: {  	v18 =	vld [tilespmem:s14+$0xFFFFFF00]  }
0x171: {  	v19 =	vld [tilespmem:s14+$0xFFFFFF0C]  }
0x172: {  	v20 =	vld [tilespmem:s14+$0xFFFFFF20]  }
0x173: {  	v21 =	vld [tilespmem:s14+$0xFFFFFF2C];
	v22 =	vperm.xlane v17, v2  }
0x174: {  	v23 =	vld [tilespmem:s14+$0xFFFFFF40]  }
0x175: {  	v25 =	vld [tilespmem:s14+$0xFFFFFF4C];
	v24 =	vperm.xlane v17, v3;
	v18 =	vmul.f32 v18, v22  }
0x176: {  	v19 =	vmul.f32 v19, v22;
	v22 =	vld [tilespmem:s14+$0xFFFFFF60]  }
0x177: {  	v27 =	vld [tilespmem:s14+$0xFFFFFF6C];
	v26 =	vperm.xlane v17, v4;
	v20 =	vmul.f32 v20, v24;
	v18 =	vadd.f32 $0.0e+00, v18  }
0x178: {  	v21 =	vmul.f32 v21, v24;
	v24 =	vld [tilespmem:s14+$0xFFFFFF80];
	v19 =	vadd.f32 $0.0e+00, v19  }
0x179: {  	v28 =	vperm.xlane v17, v5;
	v23 =	vmul.f32 v23, v26;
	v18 =	vadd.f32 v20, v18;
	v20 =	vld [tilespmem:s14+$0xFFFFFF8C]  }
0x17a: {  	v25 =	vmul.f32 v25, v26;
	v19 =	vadd.f32 v21, v19;
	v21 =	vld [tilespmem:s14+$0xFFFFFFA0]  }
0x17b: {  	v26 =	vperm.xlane v17, v6;
	v22 =	vmul.f32 v22, v28;
	v18 =	vadd.f32 v23, v18;
	v23 =	vld [tilespmem:s14+$0xFFFFFFAC]  }
0x17c: {  	v27 =	vmul.f32 v27, v28;
	v19 =	vadd.f32 v25, v19;
	v25 =	vld [tilespmem:s14+$0xFFFFFFC0]  }
0x17d: {  	v28 =	vperm.xlane v17, v7;
	v24 =	vmul.f32 v24, v26;
	v18 =	vadd.f32 v22, v18;
	v22 =	vld [tilespmem:s14+$0xFFFFFFCC]  }
0x17e: {  	v19 =	vadd.f32 v27, v19;
	v20 =	vmul.f32 v20, v26;
	v26 =	vld [tilespmem:s14+$0xFFFFFFE0]  }
0x17f: {  	v31 =	vld [tilespmem:s14+$0xFFFFFFEC];
	v30 =	vperm.xlane v17, v8;
	v21 =	vmul.f32 v21, v28;
	v18 =	vadd.f32 v24, v18  }
0x180: {  	v23 =	vmul.f32 v23, v28;
	v19 =	vadd.f32 v20, v19  }
0x181: {  	v20 =	vperm.xlane v17, v1;
	v25 =	vmul.f32 v25, v30;
	v18 =	vadd.f32 v21, v18  }
0x182: {  	v22 =	vmul.f32 v22, v30;
	v19 =	vadd.f32 v23, v19  }
0x183: {  	v18 =	vadd.f32 v25, v18;
	v28 =	vmul.f32 v26, v20  }
0x184: {  	v20 =	vmul.f32 v31, v20;
	v19 =	vadd.f32 v22, v19  }
0x185: {  	v18 =	vadd.f32 v28, v18  }
0x186: {  	s10 =	simm.s32 $0x110A0;
	v19 =	vadd.f32 v20, v19  }
0x187: {  	[tilespmem:s10+$0xFFFFFFE0] =	vst v18  }
0x188: {  	[tilespmem:s10+$0xFFFFFFEC] =	vst v19  }
0x189: {  	v18 =	vld [tilespmem:s14+$0x0]  }
0x18a: {  	v19 =	vld [tilespmem:s14+$0xC]  }
0x18b: {  	v20 =	vld [tilespmem:s14+$0x20]  }
0x18c: {  	v29 =	vperm.xlane v17, v9;
	v22 =	vld [tilespmem:s14+$0x2C]  }
0x18d: {  	v30 =	vld [tilespmem:s14+$0x40]  }
0x18e: {  	v31 =	vperm.xlane v17, v10;
	v25 =	vld [tilespmem:s14+$0x4C];
	v18 =	vmul.f32 v18, v29  }
0x18f: {  	v21 =	vld [tilespmem:s14+$0x60];
	v19 =	vmul.f32 v19, v29  }
0x190: {  	v26 =	vperm.xlane v17, v11;
	v27 =	vld [tilespmem:s14+$0x6C];
	v20 =	vmul.f32 v20, v31;
	v18 =	vadd.f32 $0.0e+00, v18  }
0x191: {  	v24 =	vld [tilespmem:s14+$0x80];
	v22 =	vmul.f32 v22, v31;
	v19 =	vadd.f32 $0.0e+00, v19  }
0x192: {  	v23 =	vperm.xlane v17, v12;
	v28 =	vld [tilespmem:s14+$0x8C];
	v18 =	vadd.f32 v20, v18;
	v20 =	vmul.f32 v30, v26  }
0x193: {  	v19 =	vadd.f32 v22, v19;
	v30 =	vmul.f32 v25, v26;
	v25 =	vld [tilespmem:s14+$0xA0]  }
0x194: {  	v26 =	vld [tilespmem:s14+$0xAC];
	v18 =	vadd.f32 v20, v18;
	v20 =	vmul.f32 v21, v23;
	v21 =	vperm.xlane v17, v13  }
0x195: {  	v31 =	vmul.f32 v27, v23;
	v19 =	vadd.f32 v30, v19;
	v23 =	vld [tilespmem:s14+$0xC0]  }
0x196: {  	v30 =	vld [tilespmem:s14+$0xCC];
	v18 =	vadd.f32 v20, v18;
	v20 =	vmul.f32 v24, v21;
	v24 =	vperm.xlane v17, v14  }
0x197: {  	v22 =	vld [tilespmem:s14+$0xE0];
	v19 =	vadd.f32 v31, v19;
	v21 =	vmul.f32 v28, v21  }
0x198: {  	v31 =	vperm.xlane v17, v15;
	v18 =	vadd.f32 v20, v18;
	v20 =	vmul.f32 v25, v24  }
0x199: {  	v29 =	vld [tilespmem:s14+$0xEC];
	v19 =	vadd.f32 v21, v19;
	v28 =	vmul.f32 v26, v24  }
0x19a: {  	v17 =	vperm.xlane v17, v16;
	v18 =	vadd.f32 v20, v18;
	v20 =	vmul.f32 v23, v31  }
0x19b: {  	v30 =	vmul.f32 v30, v31;
	v19 =	vadd.f32 v28, v19  }
0x19c: {  	v18 =	vadd.f32 v20, v18;
	v20 =	vmul.f32 v22, v17  }
0x19d: {  	s15 =	simm.s32 $0x2;
	v19 =	vadd.f32 v30, v19  }
0x19e: {  	v17 =	vmul.f32 v29, v17;
	v20 =	vadd.f32 v20, v18;
	v18 =	vmov s15  }
0x19f: {  	v31 =	vand.u32 $0x7F, v18  }
0x1a0: {  	v18 =	vadd.f32 v17, v19;
	v17 =	vor.u32 v63, v31;
	_ =	sdelay $0x1  }
0x1a1: {  	s15 =	simm.s32 $0x4;
	[tilespmem:s10+$0x0] =	vst v20  }
.LBB2_3:
0x1a2: {  	[tilespmem:s10+$0xC] =	vst v18;
	s10 =	sadd.s32 $0x40, s10  }
0x1a3: {  	s14 =	sadd.s32 $0x200, s14;
	s16 =	smov.u32 s15;
	s17 =	sadd.s32 $0x2, s15  }
0x1a4: {  	p0 =	sne.s32 s15, $0x7E;
	v17 =	vld.idx.msk [tilespmem:v17+s26+$0x0], $0xffff;
	_ =	sdelay $0x1  }
0x1a5: {  	v18 =	vld [tilespmem:s14+$0xFFFFFF0C]  }
0x1a6: {  	v19 =	vld [tilespmem:s14+$0xFFFFFF00]  }
0x1a7: {  	v20 =	vld [tilespmem:s14+$0xFFFFFF2C]  }
0x1a8: {  	v21 =	vld [tilespmem:s14+$0xFFFFFF20]  }
0x1a9: {  	v22 =	vperm.xlane v17, v2;
	v23 =	vperm.xlane v17, v3;
	v24 =	vld [tilespmem:s14+$0xFFFFFF4C]  }
0x1aa: {  	v25 =	vperm.xlane v17, v4;
	v27 =	vperm.xlane v17, v5;
	v26 =	vld [tilespmem:s14+$0xFFFFFF40]  }
0x1ab: {  	v18 =	vmul.f32 v18, v22;
	v19 =	vmul.f32 v19, v22;
	v22 =	vld [tilespmem:s14+$0xFFFFFF6C]  }
0x1ac: {  	v29 =	vperm.xlane v17, v6;
	v20 =	vmul.f32 v20, v23;
	v28 =	vld [tilespmem:s14+$0xFFFFFF60]  }
0x1ad: {  	v18 =	vadd.f32 $0.0e+00, v18;
	v19 =	vadd.f32 $0.0e+00, v19;
	v21 =	vmul.f32 v21, v23;
	v23 =	vld [tilespmem:s14+$0xFFFFFF8C]  }
0x1ae: {  	v31 =	vperm.xlane v17, v7;
	v24 =	vmul.f32 v24, v25;
	v30 =	vld [tilespmem:s14+$0xFFFFFF80]  }
0x1af: {  	v18 =	vadd.f32 v20, v18;
	v19 =	vadd.f32 v21, v19;
	v20 =	vmul.f32 v26, v25;
	v21 =	vld [tilespmem:s14+$0xFFFFFFAC]  }
0x1b0: {  	v26 =	vperm.xlane v17, v8;
	v22 =	vmul.f32 v22, v27;
	v25 =	vld [tilespmem:s14+$0xFFFFFFA0]  }
0x1b1: {  	v18 =	vadd.f32 v24, v18;
	v19 =	vadd.f32 v20, v19;
	v20 =	vmul.f32 v28, v27;
	v24 =	vld [tilespmem:s14+$0xFFFFFFCC]  }
0x1b2: {  	v28 =	vperm.xlane v17, v1;
	v23 =	vmul.f32 v23, v29;
	v27 =	vld [tilespmem:s14+$0xFFFFFFC0]  }
0x1b3: {  	v18 =	vadd.f32 v22, v18;
	v19 =	vadd.f32 v20, v19;
	v20 =	vmul.f32 v30, v29  }
0x1b4: {  	v21 =	vmul.f32 v21, v31;
	v22 =	vld [tilespmem:s14+$0xFFFFFFE0]  }
0x1b5: {  	v18 =	vadd.f32 v23, v18;
	v19 =	vadd.f32 v20, v19;
	v20 =	vmul.f32 v25, v31;
	v23 =	vld [tilespmem:s14+$0xFFFFFFEC]  }
0x1b6: {  	v24 =	vmul.f32 v24, v26  }
0x1b7: {  	v18 =	vadd.f32 v21, v18;
	v19 =	vadd.f32 v20, v19;
	v20 =	vmul.f32 v27, v26;
	_ =	sdelay $0x1  }
0x1b8: {  	v18 =	vadd.f32 v24, v18;
	v19 =	vadd.f32 v20, v19;
	v20 =	vmul.f32 v22, v28  }
0x1b9: {  	v21 =	vmul.f32 v23, v28  }
0x1ba: {  	v19 =	vadd.f32 v20, v19  }
0x1bb: {  	v18 =	vadd.f32 v21, v18  }
0x1bc: {  	[tilespmem:s10+$0xFFFFFFE0] =	vst v19  }
0x1bd: {  	[tilespmem:s10+$0xFFFFFFEC] =	vst v18  }
0x1be: {  	v18 =	vld [tilespmem:s14+$0x0]  }
0x1bf: {  	v19 =	vld [tilespmem:s14+$0xC]  }
0x1c0: {  	v20 =	vld [tilespmem:s14+$0x20]  }
0x1c1: {  	v21 =	vperm.xlane v17, v9;
	v22 =	vld [tilespmem:s14+$0x2C]  }
0x1c2: {  	v23 =	vld [tilespmem:s14+$0x40]  }
0x1c3: {  	v24 =	vperm.xlane v17, v10;
	v18 =	vmul.f32 v18, v21;
	v25 =	vld [tilespmem:s14+$0x4C]  }
0x1c4: {  	v19 =	vmul.f32 v19, v21;
	v21 =	vld [tilespmem:s14+$0x60]  }
0x1c5: {  	v26 =	vperm.xlane v17, v11;
	v18 =	vadd.f32 $0.0e+00, v18;
	v20 =	vmul.f32 v20, v24;
	v27 =	vld [tilespmem:s14+$0x6C]  }
0x1c6: {  	v19 =	vadd.f32 $0.0e+00, v19;
	v22 =	vmul.f32 v22, v24;
	v24 =	vld [tilespmem:s14+$0x80]  }
0x1c7: {  	v18 =	vadd.f32 v20, v18;
	v20 =	vmul.f32 v23, v26;
	v23 =	vperm.xlane v17, v12;
	v28 =	vld [tilespmem:s14+$0x8C]  }
0x1c8: {  	v19 =	vadd.f32 v22, v19;
	v22 =	vmul.f32 v25, v26;
	v25 =	vld [tilespmem:s14+$0xA0]  }
0x1c9: {  	v18 =	vadd.f32 v20, v18;
	v20 =	vmul.f32 v21, v23;
	v21 =	vperm.xlane v17, v13;
	v26 =	vld [tilespmem:s14+$0xAC]  }
0x1ca: {  	v19 =	vadd.f32 v22, v19;
	v22 =	vmul.f32 v27, v23;
	v23 =	vld [tilespmem:s14+$0xC0]  }
0x1cb: {  	v18 =	vadd.f32 v20, v18;
	v20 =	vmul.f32 v24, v21;
	v24 =	vperm.xlane v17, v14;
	v27 =	vld [tilespmem:s14+$0xCC]  }
0x1cc: {  	v19 =	vadd.f32 v22, v19;
	v21 =	vmul.f32 v28, v21;
	v22 =	vld [tilespmem:s14+$0xE0]  }
0x1cd: {  	v18 =	vadd.f32 v20, v18;
	v20 =	vmul.f32 v25, v24;
	v25 =	vperm.xlane v17, v15;
	v28 =	vld [tilespmem:s14+$0xEC]  }
0x1ce: {  	v19 =	vadd.f32 v21, v19;
	v21 =	vmul.f32 v26, v24  }
0x1cf: {  	v18 =	vadd.f32 v20, v18;
	v20 =	vmul.f32 v23, v25;
	v23 =	vperm.xlane v17, v16  }
0x1d0: {  	v17 =	vmov s16;
	v19 =	vadd.f32 v21, v19;
	v21 =	vmul.f32 v27, v25  }
.Ltmp0:
0x1d1: {  	v17 =	vand.u32 $0x7F, v17;
	v18 =	vadd.f32 v20, v18;
	v20 =	vmul.f32 v22, v23;
	(pc) =	sbr.rel @p0 .LBB2_3-.Ltmp0, $4  }
0x1d2: {  	v17 =	vor.u32 v63, v17;
	v19 =	vadd.f32 v21, v19;
	v21 =	vmul.f32 v28, v23  }
0x1d3: {  	v20 =	vadd.f32 v20, v18  }
0x1d4: {  	v18 =	vadd.f32 v21, v19  }
0x1d5: {  	s15 =	smov.u32 s17;
	[tilespmem:s10+$0x0] =	vst v20  }
0x1d6: {  	_ =	sdelay $0x2  }
0x1d7: {  	[tilespmem:s10+$0xC] =	vst v18  }
0x1d8: {  	v17 =	vld.idx.msk [tilespmem:v17+s26+$0x0], $0xffff  }
0x1d9: {  	s14 =	sadd.s32 $0x200, s14  }
0x1da: {  	v18 =	vld [tilespmem:s14+$0xFFFFFF00]  }
0x1db: {  	v19 =	vld [tilespmem:s14+$0xFFFFFF0C]  }
0x1dc: {  	v20 =	vld [tilespmem:s14+$0xFFFFFF20]  }
0x1dd: {  	v21 =	vld [tilespmem:s14+$0xFFFFFF2C];
	v22 =	vperm.xlane v17, v2  }
0x1de: {  	v23 =	vld [tilespmem:s14+$0xFFFFFF40]  }
0x1df: {  	v25 =	vld [tilespmem:s14+$0xFFFFFF4C];
	v24 =	vperm.xlane v17, v3;
	v18 =	vmul.f32 v18, v22  }
0x1e0: {  	v19 =	vmul.f32 v19, v22;
	v22 =	vld [tilespmem:s14+$0xFFFFFF60]  }
0x1e1: {  	v27 =	vld [tilespmem:s14+$0xFFFFFF6C];
	v26 =	vperm.xlane v17, v4;
	v20 =	vmul.f32 v20, v24;
	v18 =	vadd.f32 $0.0e+00, v18  }
0x1e2: {  	v21 =	vmul.f32 v21, v24;
	v24 =	vld [tilespmem:s14+$0xFFFFFF80];
	v19 =	vadd.f32 $0.0e+00, v19  }
0x1e3: {  	v29 =	vld [tilespmem:s14+$0xFFFFFF8C];
	v28 =	vperm.xlane v17, v5;
	v31 =	vmul.f32 v23, v26;
	v18 =	vadd.f32 v20, v18  }
0x1e4: {  	v30 =	vmul.f32 v25, v26;
	v19 =	vadd.f32 v21, v19;
	v21 =	vld [tilespmem:s14+$0xFFFFFFA0]  }
0x1e5: {  	v25 =	vperm.xlane v17, v6;
	v26 =	vld [tilespmem:s14+$0xFFFFFFAC];
	v20 =	vmul.f32 v22, v28;
	v18 =	vadd.f32 v31, v18  }
0x1e6: {  	v23 =	vld [tilespmem:s14+$0xFFFFFFC0];
	v22 =	vmul.f32 v27, v28;
	v19 =	vadd.f32 v30, v19  }
0x1e7: {  	v27 =	vperm.xlane v17, v7;
	v28 =	vld [tilespmem:s14+$0xFFFFFFCC];
	v31 =	vmul.f32 v24, v25;
	v18 =	vadd.f32 v20, v18  }
0x1e8: {  	v30 =	vmul.f32 v29, v25;
	v19 =	vadd.f32 v22, v19;
	v22 =	vld [tilespmem:s14+$0xFFFFFFE0]  }
0x1e9: {  	v25 =	vperm.xlane v17, v8;
	v29 =	vld [tilespmem:s14+$0xFFFFFFEC];
	v18 =	vadd.f32 v31, v18;
	v31 =	vmul.f32 v21, v27  }
0x1ea: {  	v26 =	vmul.f32 v26, v27;
	v19 =	vadd.f32 v30, v19  }
0x1eb: {  	v30 =	vperm.xlane v17, v1;
	v18 =	vadd.f32 v31, v18;
	v31 =	vmul.f32 v23, v25  }
0x1ec: {  	v25 =	vmul.f32 v28, v25;
	v19 =	vadd.f32 v26, v19  }
0x1ed: {  	v27 =	vmul.f32 v22, v30;
	v18 =	vadd.f32 v31, v18  }
0x1ee: {  	v21 =	vmul.f32 v29, v30;
	v19 =	vadd.f32 v25, v19  }
0x1ef: {  	v18 =	vadd.f32 v27, v18  }
0x1f0: {  	s17 =	sadd.s32 $0x40, s10;
	v19 =	vadd.f32 v21, v19  }
0x1f1: {  	[tilespmem:s17+$0xFFFFFFE0] =	vst v18  }
0x1f2: {  	[tilespmem:s17+$0xFFFFFFEC] =	vst v19  }
0x1f3: {  	v18 =	vld [tilespmem:s14+$0x0]  }
0x1f4: {  	v19 =	vld [tilespmem:s14+$0xC]  }
0x1f5: {  	v28 =	vld [tilespmem:s14+$0x20]  }
0x1f6: {  	v29 =	vperm.xlane v17, v9;
	v22 =	vld [tilespmem:s14+$0x2C]  }
0x1f7: {  	v31 =	vld [tilespmem:s14+$0x40]  }
0x1f8: {  	v30 =	vperm.xlane v17, v10;
	v25 =	vld [tilespmem:s14+$0x4C];
	v18 =	vmul.f32 v18, v29  }
0x1f9: {  	v21 =	vld [tilespmem:s14+$0x60];
	v19 =	vmul.f32 v19, v29  }
0x1fa: {  	v26 =	vperm.xlane v17, v11;
	v27 =	vld [tilespmem:s14+$0x6C];
	v20 =	vmul.f32 v28, v30;
	v18 =	vadd.f32 $0.0e+00, v18  }
0x1fb: {  	v24 =	vld [tilespmem:s14+$0x80];
	v22 =	vmul.f32 v22, v30;
	v19 =	vadd.f32 $0.0e+00, v19  }
0x1fc: {  	v23 =	vperm.xlane v17, v12;
	v28 =	vld [tilespmem:s14+$0x8C];
	v18 =	vadd.f32 v20, v18;
	v20 =	vmul.f32 v31, v26  }
0x1fd: {  	v19 =	vadd.f32 v22, v19;
	v31 =	vmul.f32 v25, v26;
	v25 =	vld [tilespmem:s14+$0xA0]  }
0x1fe: {  	v29 =	vmul.f32 v21, v23;
	v21 =	vperm.xlane v17, v13;
	v26 =	vld [tilespmem:s14+$0xAC];
	v18 =	vadd.f32 v20, v18  }
0x1ff: {  	v30 =	vmul.f32 v27, v23;
	v23 =	vld [tilespmem:s14+$0xC0];
	v19 =	vadd.f32 v31, v19  }
0x200: {  	v27 =	vld [tilespmem:s14+$0xCC];
	v31 =	vmul.f32 v24, v21;
	v24 =	vperm.xlane v17, v14;
	v18 =	vadd.f32 v29, v18  }
0x201: {  	v22 =	vld [tilespmem:s14+$0xE0];
	v21 =	vmul.f32 v28, v21;
	v19 =	vadd.f32 v30, v19  }
0x202: {  	v28 =	vld [tilespmem:s14+$0xEC];
	v20 =	vmul.f32 v25, v24;
	v25 =	vperm.xlane v17, v15;
	v18 =	vadd.f32 v31, v18  }
0x203: {  	v26 =	vmul.f32 v26, v24;
	v19 =	vadd.f32 v21, v19  }
0x204: {  	v17 =	vperm.xlane v17, v16;
	v29 =	vmul.f32 v23, v25;
	v18 =	vadd.f32 v20, v18  }
0x205: {  	v30 =	vmul.f32 v27, v25;
	v19 =	vadd.f32 v26, v19  }
0x206: {  	v31 =	vmul.f32 v22, v17;
	v18 =	vadd.f32 v29, v18  }
0x207: {  	v17 =	vmul.f32 v28, v17;
	v19 =	vadd.f32 v30, v19  }
0x208: {  	v18 =	vadd.f32 v31, v18  }
0x209: {  	v17 =	vadd.f32 v17, v19  }
0x20a: {  	s4 =	sshll.u32 s4, $0x2;
	p0 =	seq.s32 s30, $0x1F;
	[tilespmem:s17+$0x0] =	vst v18  }
.Ltmp1:
0x20b: {  	s4 =	sadd.s32 s2, s4;
	[tilespmem:s17+$0xC] =	vst v17;
	(pc) =	sbr.rel @p0 .LBB2_6-.Ltmp1, $4  }
0x20c: {  	[hbm4b:s4+s3] =	stream.linear.scatter [tilespmem:s29], [sflag:$0x3], $0x1000, $0x38;
	[tilespmem:$0x12080] =	vst v63  }
0x20d: {  	_ =	swait.ge [sflag:s11], $0x1000  }
0x20e: {  	[sflag:s11] =	ssyncset.done $0x0  }
0x20f: {  	[sflag:s11] =	ssyncadd.s32 $0xFFFFF000  }
0x210: {  	s4 =	sadd.s32 s0, s9  }
0x211: {  	s4 =	sadd.s32 $0x20, s4  }
0x212: {  	[tilespmem:s3], [sflag:$0x3] =	stream.linear.gather [hbm4b:s4+s3], $0x80, $0x38;
	[tilespmem:$0x12080] =	vst v63  }
0x213: {  	_ =	swait.ge [sflag:s11], $0x80  }
0x214: {  	[sflag:s11] =	ssyncset.done $0x0  }
0x215: {  	v17 =	vlaneseq.u32;
	[sflag:s11] =	ssyncadd.s32 $0xFFFFFF80  }
0x216: {  	[tilespmem:s12], [sflag:$0x1] =	stream.indirect.gather [hbm4b:s5+s12], $0x8, s3, s12, $0xb8;
	[tilespmem:$0x12080] =	vst v63  }
0x217: {  	_ =	swait.ge [sflag:s13], $0x400  }
0x218: {  	[sflag:s13] =	ssyncset.done $0x0  }
0x219: {  	[sflag:s13] =	ssyncadd.s32 $0xFFFFFC00  }
0x21a: {  	v17 =	vld.idx.msk [tilespmem:v17+s12+$0x0], $0xffff;
	_ =	sdelay $0x4  }
0x21b: {  	[tilespmem:$0x480] =	vst v17;
	v17 =	vld [tilespmem:$0x1FE10];
	_ =	sdelay $0x7  }
0x21c: {  	v17 =	vld.idx.msk [tilespmem:v17+s12+$0x0], $0xffff;
	_ =	sdelay $0x4  }
0x21d: {  	[tilespmem:$0x490] =	vst v17;
	v17 =	vld [tilespmem:$0x1FE20];
	_ =	sdelay $0x7  }
0x21e: {  	v17 =	vld.idx.msk [tilespmem:v17+s12+$0x0], $0xffff;
	_ =	sdelay $0x4  }
0x21f: {  	[tilespmem:$0x4A0] =	vst v17;
	v17 =	vld [tilespmem:$0x1FE30];
	_ =	sdelay $0x7  }
0x220: {  	v17 =	vld.idx.msk [tilespmem:v17+s12+$0x0], $0xffff;
	_ =	sdelay $0x4  }
0x221: {  	[tilespmem:$0x4B0] =	vst v17;
	v17 =	vld [tilespmem:$0x1FE40];
	_ =	sdelay $0x7  }
0x222: {  	v17 =	vld.idx.msk [tilespmem:v17+s12+$0x0], $0xffff;
	_ =	sdelay $0x4  }
0x223: {  	[tilespmem:$0x4C0] =	vst v17;
	v17 =	vld [tilespmem:$0x1FE50];
	_ =	sdelay $0x7  }
0x224: {  	v17 =	vld.idx.msk [tilespmem:v17+s12+$0x0], $0xffff;
	_ =	sdelay $0x4  }
0x225: {  	[tilespmem:$0x4D0] =	vst v17;
	v17 =	vld [tilespmem:$0x1FE60];
	_ =	sdelay $0x7  }
0x226: {  	v17 =	vld.idx.msk [tilespmem:v17+s12+$0x0], $0xffff;
	_ =	sdelay $0x4  }
0x227: {  	[tilespmem:$0x4E0] =	vst v17;
	v17 =	vld [tilespmem:$0x1FE70];
	_ =	sdelay $0x7  }
0x228: {  	v17 =	vld.idx.msk [tilespmem:v17+s12+$0x0], $0xffff;
	_ =	sdelay $0x4  }
0x229: {  	[tilespmem:$0x4F0] =	vst v17;
	v17 =	vld [tilespmem:$0x1FE80];
	_ =	sdelay $0x7  }
0x22a: {  	v17 =	vld.idx.msk [tilespmem:v17+s12+$0x0], $0xffff;
	_ =	sdelay $0x4  }
0x22b: {  	[tilespmem:$0x500] =	vst v17;
	v17 =	vld [tilespmem:$0x1FE90];
	_ =	sdelay $0x7  }
0x22c: {  	v17 =	vld.idx.msk [tilespmem:v17+s12+$0x0], $0xffff;
	_ =	sdelay $0x4  }
0x22d: {  	[tilespmem:$0x510] =	vst v17;
	v17 =	vld [tilespmem:$0x1FEA0];
	_ =	sdelay $0x7  }
0x22e: {  	v17 =	vld.idx.msk [tilespmem:v17+s12+$0x0], $0xffff;
	_ =	sdelay $0x4  }
0x22f: {  	[tilespmem:$0x520] =	vst v17;
	v17 =	vld [tilespmem:$0x1FEB0];
	_ =	sdelay $0x7  }
0x230: {  	v17 =	vld.idx.msk [tilespmem:v17+s12+$0x0], $0xffff;
	_ =	sdelay $0x4  }
0x231: {  	[tilespmem:$0x530] =	vst v17;
	v17 =	vld [tilespmem:$0x1FEC0];
	_ =	sdelay $0x7  }
0x232: {  	v17 =	vld.idx.msk [tilespmem:v17+s12+$0x0], $0xffff;
	_ =	sdelay $0x4  }
0x233: {  	[tilespmem:$0x540] =	vst v17;
	v17 =	vld [tilespmem:$0x1FED0];
	_ =	sdelay $0x7  }
0x234: {  	v17 =	vld.idx.msk [tilespmem:v17+s12+$0x0], $0xffff;
	_ =	sdelay $0x4  }
0x235: {  	[tilespmem:$0x550] =	vst v17;
	v17 =	vld [tilespmem:$0x1FEE0];
	_ =	sdelay $0x7  }
0x236: {  	v17 =	vld.idx.msk [tilespmem:v17+s12+$0x0], $0xffff;
	_ =	sdelay $0x4  }
0x237: {  	[tilespmem:$0x560] =	vst v17;
	v17 =	vld [tilespmem:$0x1FEF0];
	_ =	sdelay $0x7  }
0x238: {  	v17 =	vld.idx.msk [tilespmem:v17+s12+$0x0], $0xffff;
	_ =	sdelay $0x4  }
0x239: {  	[tilespmem:$0x570] =	vst v17;
	v17 =	vld [tilespmem:$0x1FF00];
	_ =	sdelay $0x7  }
0x23a: {  	v17 =	vld.idx.msk [tilespmem:v17+s12+$0x0], $0xffff;
	_ =	sdelay $0x4  }
0x23b: {  	[tilespmem:$0x580] =	vst v17;
	v17 =	vld [tilespmem:$0x1FF10];
	_ =	sdelay $0x7  }
0x23c: {  	v17 =	vld.idx.msk [tilespmem:v17+s12+$0x0], $0xffff;
	_ =	sdelay $0x4  }
0x23d: {  	[tilespmem:$0x590] =	vst v17;
	v17 =	vld [tilespmem:$0x1FF20];
	_ =	sdelay $0x7  }
0x23e: {  	v17 =	vld.idx.msk [tilespmem:v17+s12+$0x0], $0xffff;
	_ =	sdelay $0x4  }
0x23f: {  	[tilespmem:$0x5A0] =	vst v17;
	v17 =	vld [tilespmem:$0x1FF30];
	_ =	sdelay $0x7  }
0x240: {  	v17 =	vld.idx.msk [tilespmem:v17+s12+$0x0], $0xffff;
	_ =	sdelay $0x4  }
0x241: {  	[tilespmem:$0x5B0] =	vst v17;
	v17 =	vld [tilespmem:$0x1FF40];
	_ =	sdelay $0x7  }
0x242: {  	v17 =	vld.idx.msk [tilespmem:v17+s12+$0x0], $0xffff;
	_ =	sdelay $0x4  }
0x243: {  	[tilespmem:$0x5C0] =	vst v17;
	v17 =	vld [tilespmem:$0x1FF50];
	_ =	sdelay $0x7  }
0x244: {  	v17 =	vld.idx.msk [tilespmem:v17+s12+$0x0], $0xffff;
	_ =	sdelay $0x4  }
0x245: {  	[tilespmem:$0x5D0] =	vst v17;
	v17 =	vld [tilespmem:$0x1FF60];
	_ =	sdelay $0x7  }
0x246: {  	v17 =	vld.idx.msk [tilespmem:v17+s12+$0x0], $0xffff;
	_ =	sdelay $0x4  }
0x247: {  	[tilespmem:$0x5E0] =	vst v17;
	v17 =	vld [tilespmem:$0x1FF70];
	_ =	sdelay $0x7  }
0x248: {  	v17 =	vld.idx.msk [tilespmem:v17+s12+$0x0], $0xffff;
	_ =	sdelay $0x4  }
0x249: {  	[tilespmem:$0x5F0] =	vst v17;
	v17 =	vld [tilespmem:$0x1FF80];
	_ =	sdelay $0x7  }
0x24a: {  	v17 =	vld.idx.msk [tilespmem:v17+s12+$0x0], $0xffff;
	_ =	sdelay $0x4  }
0x24b: {  	[tilespmem:$0x600] =	vst v17;
	v17 =	vld [tilespmem:$0x1FF90];
	_ =	sdelay $0x7  }
0x24c: {  	v17 =	vld.idx.msk [tilespmem:v17+s12+$0x0], $0xffff;
	_ =	sdelay $0x4  }
0x24d: {  	[tilespmem:$0x610] =	vst v17;
	v17 =	vld [tilespmem:$0x1FFA0];
	_ =	sdelay $0x7  }
0x24e: {  	v17 =	vld.idx.msk [tilespmem:v17+s12+$0x0], $0xffff;
	_ =	sdelay $0x4  }
0x24f: {  	[tilespmem:$0x620] =	vst v17;
	v17 =	vld [tilespmem:$0x1FFB0];
	_ =	sdelay $0x7  }
0x250: {  	v17 =	vld.idx.msk [tilespmem:v17+s12+$0x0], $0xffff;
	_ =	sdelay $0x4  }
0x251: {  	[tilespmem:$0x630] =	vst v17;
	v17 =	vld [tilespmem:$0x1FFC0];
	_ =	sdelay $0x7  }
0x252: {  	v17 =	vld.idx.msk [tilespmem:v17+s12+$0x0], $0xffff;
	_ =	sdelay $0x4  }
0x253: {  	[tilespmem:$0x640] =	vst v17;
	v17 =	vld [tilespmem:$0x1FFD0];
	_ =	sdelay $0x7  }
0x254: {  	v17 =	vld.idx.msk [tilespmem:v17+s12+$0x0], $0xffff;
	_ =	sdelay $0x4  }
0x255: {  	[tilespmem:$0x650] =	vst v17;
	v17 =	vld [tilespmem:$0x1FFE0];
	_ =	sdelay $0x7  }
0x256: {  	v17 =	vld.idx.msk [tilespmem:v17+s12+$0x0], $0xffff;
	_ =	sdelay $0x4  }
0x257: {  	[tilespmem:$0x660] =	vst v17;
	v17 =	vld [tilespmem:$0x1FFF0];
	_ =	sdelay $0x7  }
0x258: {  	v17 =	vld.idx.msk [tilespmem:v17+s12+$0x0], $0xffff;
	_ =	sdelay $0x4  }
0x259: {  	[tilespmem:$0x670] =	vst v17  }
0x25a: {  	v17 =	vld.idx.msk [tilespmem:v32+s12+$0x0], $0xffff;
	_ =	sdelay $0x4  }
0x25b: {  	[tilespmem:$0x680] =	vst v17  }
0x25c: {  	v17 =	vld.idx.msk [tilespmem:v33+s12+$0x0], $0xffff;
	_ =	sdelay $0x4  }
0x25d: {  	[tilespmem:$0x690] =	vst v17  }
0x25e: {  	v17 =	vld.idx.msk [tilespmem:v34+s12+$0x0], $0xffff;
	_ =	sdelay $0x4  }
0x25f: {  	[tilespmem:$0x6A0] =	vst v17  }
0x260: {  	v17 =	vld.idx.msk [tilespmem:v35+s12+$0x0], $0xffff;
	_ =	sdelay $0x4  }
0x261: {  	[tilespmem:$0x6B0] =	vst v17  }
0x262: {  	v17 =	vld.idx.msk [tilespmem:v36+s12+$0x0], $0xffff;
	_ =	sdelay $0x4  }
0x263: {  	[tilespmem:$0x6C0] =	vst v17  }
0x264: {  	v17 =	vld.idx.msk [tilespmem:v37+s12+$0x0], $0xffff;
	_ =	sdelay $0x4  }
0x265: {  	[tilespmem:$0x6D0] =	vst v17  }
0x266: {  	v17 =	vld.idx.msk [tilespmem:v38+s12+$0x0], $0xffff;
	_ =	sdelay $0x4  }
0x267: {  	[tilespmem:$0x6E0] =	vst v17  }
0x268: {  	v17 =	vld.idx.msk [tilespmem:v39+s12+$0x0], $0xffff;
	_ =	sdelay $0x4  }
0x269: {  	[tilespmem:$0x6F0] =	vst v17  }
0x26a: {  	v17 =	vld.idx.msk [tilespmem:v40+s12+$0x0], $0xffff;
	_ =	sdelay $0x4  }
0x26b: {  	[tilespmem:$0x700] =	vst v17  }
0x26c: {  	v17 =	vld.idx.msk [tilespmem:v41+s12+$0x0], $0xffff;
	_ =	sdelay $0x4  }
0x26d: {  	[tilespmem:$0x710] =	vst v17  }
0x26e: {  	v17 =	vld.idx.msk [tilespmem:v42+s12+$0x0], $0xffff;
	_ =	sdelay $0x4  }
0x26f: {  	[tilespmem:$0x720] =	vst v17  }
0x270: {  	v17 =	vld.idx.msk [tilespmem:v43+s12+$0x0], $0xffff;
	_ =	sdelay $0x4  }
0x271: {  	[tilespmem:$0x730] =	vst v17  }
0x272: {  	v17 =	vld.idx.msk [tilespmem:v44+s12+$0x0], $0xffff;
	_ =	sdelay $0x4  }
0x273: {  	[tilespmem:$0x740] =	vst v17  }
0x274: {  	v17 =	vld.idx.msk [tilespmem:v45+s12+$0x0], $0xffff;
	_ =	sdelay $0x4  }
0x275: {  	[tilespmem:$0x750] =	vst v17  }
0x276: {  	v17 =	vld.idx.msk [tilespmem:v46+s12+$0x0], $0xffff;
	_ =	sdelay $0x4  }
0x277: {  	[tilespmem:$0x760] =	vst v17  }
0x278: {  	v17 =	vld.idx.msk [tilespmem:v47+s12+$0x0], $0xffff;
	_ =	sdelay $0x4  }
0x279: {  	[tilespmem:$0x770] =	vst v17  }
0x27a: {  	v17 =	vld.idx.msk [tilespmem:v48+s12+$0x0], $0xffff;
	_ =	sdelay $0x4  }
0x27b: {  	[tilespmem:$0x780] =	vst v17  }
0x27c: {  	v17 =	vld.idx.msk [tilespmem:v49+s12+$0x0], $0xffff;
	_ =	sdelay $0x4  }
0x27d: {  	[tilespmem:$0x790] =	vst v17  }
0x27e: {  	v17 =	vld.idx.msk [tilespmem:v50+s12+$0x0], $0xffff;
	_ =	sdelay $0x4  }
0x27f: {  	[tilespmem:$0x7A0] =	vst v17  }
0x280: {  	v17 =	vld.idx.msk [tilespmem:v51+s12+$0x0], $0xffff;
	_ =	sdelay $0x4  }
0x281: {  	[tilespmem:$0x7B0] =	vst v17  }
0x282: {  	v17 =	vld.idx.msk [tilespmem:v52+s12+$0x0], $0xffff;
	_ =	sdelay $0x4  }
0x283: {  	[tilespmem:$0x7C0] =	vst v17  }
0x284: {  	v17 =	vld.idx.msk [tilespmem:v53+s12+$0x0], $0xffff;
	_ =	sdelay $0x4  }
0x285: {  	[tilespmem:$0x7D0] =	vst v17  }
0x286: {  	v17 =	vld.idx.msk [tilespmem:v54+s12+$0x0], $0xffff;
	_ =	sdelay $0x4  }
0x287: {  	[tilespmem:$0x7E0] =	vst v17  }
0x288: {  	v17 =	vld.idx.msk [tilespmem:v55+s12+$0x0], $0xffff;
	_ =	sdelay $0x4  }
0x289: {  	[tilespmem:$0x7F0] =	vst v17  }
0x28a: {  	v17 =	vld.idx.msk [tilespmem:v56+s12+$0x0], $0xffff;
	_ =	sdelay $0x4  }
0x28b: {  	[tilespmem:$0x800] =	vst v17  }
0x28c: {  	v17 =	vld.idx.msk [tilespmem:v57+s12+$0x0], $0xffff;
	_ =	sdelay $0x4  }
0x28d: {  	[tilespmem:$0x810] =	vst v17  }
0x28e: {  	v17 =	vld.idx.msk [tilespmem:v58+s12+$0x0], $0xffff;
	_ =	sdelay $0x4  }
0x28f: {  	[tilespmem:$0x820] =	vst v17  }
0x290: {  	v17 =	vld.idx.msk [tilespmem:v59+s12+$0x0], $0xffff;
	_ =	sdelay $0x4  }
0x291: {  	[tilespmem:$0x830] =	vst v17  }
0x292: {  	v17 =	vld.idx.msk [tilespmem:v60+s12+$0x0], $0xffff;
	_ =	sdelay $0x4  }
0x293: {  	[tilespmem:$0x840] =	vst v17  }
0x294: {  	v17 =	vld.idx.msk [tilespmem:v61+s12+$0x0], $0xffff;
	_ =	sdelay $0x4  }
0x295: {  	[tilespmem:$0x850] =	vst v17  }
0x296: {  	v17 =	vld.idx.msk [tilespmem:v62+s12+$0x0], $0xffff;
	_ =	sdelay $0x4  }
0x297: {  	[tilespmem:$0x860] =	vst v17  }
0x298: {  	v17 =	vld.idx.msk [tilespmem:v0+s12+$0x0], $0xffff;
	_ =	sdelay $0x4  }
0x299: {  	s14 =	simm.s32 $0x480;
	s15 =	simm.s32 $0x1080;
	[tilespmem:$0x870] =	vst v17  }
0x29a: {  	[tilespmem:s15], [sflag:$0x2] =	stream.indirect.gather [hbm4b:s6+s12], $0x20, s14, s12, $0xb8;
	[tilespmem:$0x12080] =	vst v63  }
0x29b: {  	s16 =	simm.s32 $0x500;
	s17 =	simm.s32 $0x2080  }
0x29c: {  	[tilespmem:s17], [sflag:$0x2] =	stream.indirect.gather [hbm4b:s6+s12], $0x20, s16, s12, $0xb8;
	[tilespmem:$0x12080] =	vst v63  }
0x29d: {  	s9 =	simm.s32 $0x580;
	s10 =	simm.s32 $0x3080  }
0x29e: {  	[tilespmem:s10], [sflag:$0x2] =	stream.indirect.gather [hbm4b:s6+s12], $0x20, s9, s12, $0xb8;
	[tilespmem:$0x12080] =	vst v63  }
0x29f: {  	s14 =	simm.s32 $0x600;
	s15 =	simm.s32 $0x4080  }
0x2a0: {  	[tilespmem:s15], [sflag:$0x2] =	stream.indirect.gather [hbm4b:s6+s12], $0x20, s14, s12, $0xb8;
	[tilespmem:$0x12080] =	vst v63  }
0x2a1: {  	s16 =	simm.s32 $0x680;
	s17 =	simm.s32 $0x5080  }
0x2a2: {  	[tilespmem:s17], [sflag:$0x2] =	stream.indirect.gather [hbm4b:s6+s12], $0x20, s16, s12, $0xb8;
	[tilespmem:$0x12080] =	vst v63  }
0x2a3: {  	s9 =	simm.s32 $0x700;
	s10 =	simm.s32 $0x6080  }
0x2a4: {  	[tilespmem:s10], [sflag:$0x2] =	stream.indirect.gather [hbm4b:s6+s12], $0x20, s9, s12, $0xb8;
	[tilespmem:$0x12080] =	vst v63  }
0x2a5: {  	s14 =	simm.s32 $0x780;
	s15 =	simm.s32 $0x7080  }
0x2a6: {  	[tilespmem:s15], [sflag:$0x2] =	stream.indirect.gather [hbm4b:s6+s12], $0x20, s14, s12, $0xb8;
	[tilespmem:$0x12080] =	vst v63  }
0x2a7: {  	s16 =	simm.s32 $0x800;
	s17 =	simm.s32 $0x8080  }
0x2a8: {  	[tilespmem:s17], [sflag:$0x2] =	stream.indirect.gather [hbm4b:s6+s12], $0x20, s16, s12, $0xb8;
	[tilespmem:$0x12080] =	vst v63  }
.LBB2_6:
0x2a9: {  	s1 =	sadd.s32 s8, s1;
	s4 =	simm.s32 $0x0  }
0x2aa: {  	[tilespmem:s26], [sflag:$0x3] =	stream.strided.gather [hbm4b:s1+s12], $0x400, s25, s12, $0x38;
	v17 =	vmov s4;
	[tilespmem:$0x12080] =	vst v63  }
0x2ab: {  	_ =	swait.ge [sflag:s11], $0x400;
	v17 =	vand.u32 $0x7F, v17  }
0x2ac: {  	[sflag:s11] =	ssyncset.done $0x0;
	v17 =	vor.u32 v63, v17  }
0x2ad: {  	[sflag:s11] =	ssyncadd.s32 $0xFFFFFC00  }
0x2ae: {  	_ =	swait.ge [sflag:s28], $0x8000  }
0x2af: {  	[sflag:s28] =	ssyncset.done $0x0  }
0x2b0: {  	[sflag:s28] =	ssyncadd.s32 $0xFFFF8000  }
0x2b1: {  	v17 =	vld.idx.msk [tilespmem:v17+s26+$0x0], $0xffff  }
0x2b2: {  	s4 =	simm.s32 $0x9180  }
0x2b3: {  	v18 =	vld [tilespmem:s4+$0xFFFFFF00]  }
0x2b4: {  	v19 =	vld [tilespmem:s4+$0xFFFFFF0C]  }
0x2b5: {  	v20 =	vld [tilespmem:s4+$0xFFFFFF20]  }
0x2b6: {  	v21 =	vld [tilespmem:s4+$0xFFFFFF2C];
	v22 =	vperm.xlane v17, v2  }
0x2b7: {  	v23 =	vld [tilespmem:s4+$0xFFFFFF40]  }
0x2b8: {  	v25 =	vld [tilespmem:s4+$0xFFFFFF4C];
	v24 =	vperm.xlane v17, v3;
	v18 =	vmul.f32 v18, v22  }
0x2b9: {  	v19 =	vmul.f32 v19, v22;
	v22 =	vld [tilespmem:s4+$0xFFFFFF60]  }
0x2ba: {  	v27 =	vld [tilespmem:s4+$0xFFFFFF6C];
	v26 =	vperm.xlane v17, v4;
	v20 =	vmul.f32 v20, v24;
	v18 =	vadd.f32 $0.0e+00, v18  }
0x2bb: {  	v21 =	vmul.f32 v21, v24;
	v24 =	vld [tilespmem:s4+$0xFFFFFF80];
	v19 =	vadd.f32 $0.0e+00, v19  }
0x2bc: {  	v29 =	vld [tilespmem:s4+$0xFFFFFF8C];
	v28 =	vperm.xlane v17, v5;
	v18 =	vadd.f32 v20, v18;
	v20 =	vmul.f32 v23, v26  }
0x2bd: {  	v30 =	vmul.f32 v25, v26;
	v19 =	vadd.f32 v21, v19;
	v21 =	vld [tilespmem:s4+$0xFFFFFFA0]  }
0x2be: {  	v25 =	vperm.xlane v17, v6;
	v26 =	vld [tilespmem:s4+$0xFFFFFFAC];
	v18 =	vadd.f32 v20, v18;
	v20 =	vmul.f32 v22, v28  }
0x2bf: {  	v23 =	vld [tilespmem:s4+$0xFFFFFFC0];
	v22 =	vmul.f32 v27, v28;
	v19 =	vadd.f32 v30, v19  }
0x2c0: {  	v27 =	vperm.xlane v17, v7;
	v28 =	vld [tilespmem:s4+$0xFFFFFFCC];
	v18 =	vadd.f32 v20, v18;
	v20 =	vmul.f32 v24, v25  }
0x2c1: {  	v31 =	vmul.f32 v29, v25;
	v19 =	vadd.f32 v22, v19;
	v22 =	vld [tilespmem:s4+$0xFFFFFFE0]  }
0x2c2: {  	v29 =	vperm.xlane v17, v8;
	v30 =	vld [tilespmem:s4+$0xFFFFFFEC];
	v18 =	vadd.f32 v20, v18;
	v20 =	vmul.f32 v21, v27  }
0x2c3: {  	v26 =	vmul.f32 v26, v27;
	v19 =	vadd.f32 v31, v19  }
0x2c4: {  	v31 =	vperm.xlane v17, v1;
	v18 =	vadd.f32 v20, v18;
	v20 =	vmul.f32 v23, v29  }
0x2c5: {  	v28 =	vmul.f32 v28, v29;
	v19 =	vadd.f32 v26, v19  }
0x2c6: {  	v18 =	vadd.f32 v20, v18;
	v20 =	vmul.f32 v22, v31  }
0x2c7: {  	v21 =	vmul.f32 v30, v31;
	v19 =	vadd.f32 v28, v19  }
0x2c8: {  	v18 =	vadd.f32 v20, v18  }
0x2c9: {  	s1 =	simm.s32 $0x110A0;
	v19 =	vadd.f32 v21, v19  }
0x2ca: {  	[tilespmem:s1+$0xFFFFFFE0] =	vst v18  }
0x2cb: {  	[tilespmem:s1+$0xFFFFFFEC] =	vst v19  }
0x2cc: {  	v18 =	vld [tilespmem:s4+$0x0]  }
0x2cd: {  	v19 =	vld [tilespmem:s4+$0xC]  }
0x2ce: {  	v20 =	vld [tilespmem:s4+$0x20]  }
0x2cf: {  	v29 =	vperm.xlane v17, v9;
	v22 =	vld [tilespmem:s4+$0x2C]  }
0x2d0: {  	v30 =	vld [tilespmem:s4+$0x40]  }
0x2d1: {  	v31 =	vperm.xlane v17, v10;
	v25 =	vld [tilespmem:s4+$0x4C];
	v18 =	vmul.f32 v18, v29  }
0x2d2: {  	v21 =	vld [tilespmem:s4+$0x60];
	v19 =	vmul.f32 v19, v29  }
0x2d3: {  	v26 =	vperm.xlane v17, v11;
	v27 =	vld [tilespmem:s4+$0x6C];
	v20 =	vmul.f32 v20, v31;
	v18 =	vadd.f32 $0.0e+00, v18  }
0x2d4: {  	v24 =	vld [tilespmem:s4+$0x80];
	v22 =	vmul.f32 v22, v31;
	v19 =	vadd.f32 $0.0e+00, v19  }
0x2d5: {  	v23 =	vperm.xlane v17, v12;
	v28 =	vld [tilespmem:s4+$0x8C];
	v18 =	vadd.f32 v20, v18;
	v20 =	vmul.f32 v30, v26  }
0x2d6: {  	v29 =	vmul.f32 v25, v26;
	v25 =	vld [tilespmem:s4+$0xA0];
	v19 =	vadd.f32 v22, v19  }
0x2d7: {  	v30 =	vperm.xlane v17, v13;
	v26 =	vld [tilespmem:s4+$0xAC];
	v18 =	vadd.f32 v20, v18;
	v20 =	vmul.f32 v21, v23  }
0x2d8: {  	v31 =	vmul.f32 v27, v23;
	v19 =	vadd.f32 v29, v19;
	v23 =	vld [tilespmem:s4+$0xC0]  }
0x2d9: {  	v27 =	vld [tilespmem:s4+$0xCC];
	v18 =	vadd.f32 v20, v18;
	v20 =	vmul.f32 v24, v30;
	v24 =	vperm.xlane v17, v14  }
0x2da: {  	v22 =	vld [tilespmem:s4+$0xE0];
	v21 =	vmul.f32 v28, v30;
	v19 =	vadd.f32 v31, v19  }
0x2db: {  	v28 =	vld [tilespmem:s4+$0xEC];
	v18 =	vadd.f32 v20, v18;
	v20 =	vmul.f32 v25, v24;
	v25 =	vperm.xlane v17, v15  }
0x2dc: {  	v19 =	vadd.f32 v21, v19;
	v26 =	vmul.f32 v26, v24  }
0x2dd: {  	v17 =	vperm.xlane v17, v16;
	v18 =	vadd.f32 v20, v18;
	v20 =	vmul.f32 v23, v25  }
0x2de: {  	s9 =	simm.s32 $0x2;
	v19 =	vadd.f32 v26, v19;
	v29 =	vmul.f32 v27, v25  }
0x2df: {  	v30 =	vmov s9;
	v18 =	vadd.f32 v20, v18;
	v20 =	vmul.f32 v22, v17  }
0x2e0: {  	v31 =	vmul.f32 v28, v17;
	v19 =	vadd.f32 v29, v19;
	v17 =	vand.u32 $0x7F, v30  }
0x2e1: {  	v17 =	vor.u32 v63, v17;
	v20 =	vadd.f32 v20, v18  }
0x2e2: {  	v18 =	vadd.f32 v31, v19  }
0x2e3: {  	s14 =	simm.s32 $0x4;
	[tilespmem:s1+$0x0] =	vst v20  }
.LBB2_7:
0x2e4: {  	[tilespmem:s1+$0xC] =	vst v18;
	s1 =	sadd.s32 $0x40, s1  }
0x2e5: {  	s4 =	sadd.s32 $0x200, s4;
	s10 =	smov.u32 s14;
	s9 =	sadd.s32 $0x2, s14  }
0x2e6: {  	p0 =	sne.s32 s14, $0x7E;
	v17 =	vld.idx.msk [tilespmem:v17+s26+$0x0], $0xffff;
	_ =	sdelay $0x1  }
0x2e7: {  	v18 =	vld [tilespmem:s4+$0xFFFFFF0C]  }
0x2e8: {  	v19 =	vld [tilespmem:s4+$0xFFFFFF00]  }
0x2e9: {  	v20 =	vld [tilespmem:s4+$0xFFFFFF2C]  }
0x2ea: {  	v21 =	vld [tilespmem:s4+$0xFFFFFF20]  }
0x2eb: {  	v22 =	vperm.xlane v17, v2;
	v23 =	vperm.xlane v17, v3;
	v24 =	vld [tilespmem:s4+$0xFFFFFF4C]  }
0x2ec: {  	v25 =	vperm.xlane v17, v4;
	v27 =	vperm.xlane v17, v5;
	v26 =	vld [tilespmem:s4+$0xFFFFFF40]  }
0x2ed: {  	v18 =	vmul.f32 v18, v22;
	v19 =	vmul.f32 v19, v22;
	v22 =	vld [tilespmem:s4+$0xFFFFFF6C]  }
0x2ee: {  	v29 =	vperm.xlane v17, v6;
	v20 =	vmul.f32 v20, v23;
	v28 =	vld [tilespmem:s4+$0xFFFFFF60]  }
0x2ef: {  	v18 =	vadd.f32 $0.0e+00, v18;
	v19 =	vadd.f32 $0.0e+00, v19;
	v21 =	vmul.f32 v21, v23;
	v23 =	vld [tilespmem:s4+$0xFFFFFF8C]  }
0x2f0: {  	v31 =	vperm.xlane v17, v7;
	v24 =	vmul.f32 v24, v25;
	v30 =	vld [tilespmem:s4+$0xFFFFFF80]  }
0x2f1: {  	v18 =	vadd.f32 v20, v18;
	v19 =	vadd.f32 v21, v19;
	v20 =	vmul.f32 v26, v25;
	v21 =	vld [tilespmem:s4+$0xFFFFFFAC]  }
0x2f2: {  	v26 =	vperm.xlane v17, v8;
	v22 =	vmul.f32 v22, v27;
	v25 =	vld [tilespmem:s4+$0xFFFFFFA0]  }
0x2f3: {  	v18 =	vadd.f32 v24, v18;
	v19 =	vadd.f32 v20, v19;
	v20 =	vmul.f32 v28, v27;
	v24 =	vld [tilespmem:s4+$0xFFFFFFCC]  }
0x2f4: {  	v28 =	vperm.xlane v17, v1;
	v23 =	vmul.f32 v23, v29;
	v27 =	vld [tilespmem:s4+$0xFFFFFFC0]  }
0x2f5: {  	v18 =	vadd.f32 v22, v18;
	v19 =	vadd.f32 v20, v19;
	v20 =	vmul.f32 v30, v29  }
0x2f6: {  	v21 =	vmul.f32 v21, v31;
	v22 =	vld [tilespmem:s4+$0xFFFFFFE0]  }
0x2f7: {  	v18 =	vadd.f32 v23, v18;
	v19 =	vadd.f32 v20, v19;
	v20 =	vmul.f32 v25, v31;
	v23 =	vld [tilespmem:s4+$0xFFFFFFEC]  }
0x2f8: {  	v24 =	vmul.f32 v24, v26  }
0x2f9: {  	v18 =	vadd.f32 v21, v18;
	v19 =	vadd.f32 v20, v19;
	v20 =	vmul.f32 v27, v26;
	_ =	sdelay $0x1  }
0x2fa: {  	v18 =	vadd.f32 v24, v18;
	v19 =	vadd.f32 v20, v19;
	v20 =	vmul.f32 v22, v28  }
0x2fb: {  	v21 =	vmul.f32 v23, v28  }
0x2fc: {  	v19 =	vadd.f32 v20, v19  }
0x2fd: {  	v18 =	vadd.f32 v21, v18  }
0x2fe: {  	[tilespmem:s1+$0xFFFFFFE0] =	vst v19  }
0x2ff: {  	[tilespmem:s1+$0xFFFFFFEC] =	vst v18  }
0x300: {  	v18 =	vld [tilespmem:s4+$0x0]  }
0x301: {  	v19 =	vld [tilespmem:s4+$0xC]  }
0x302: {  	v20 =	vld [tilespmem:s4+$0x20]  }
0x303: {  	v21 =	vperm.xlane v17, v9;
	v22 =	vld [tilespmem:s4+$0x2C]  }
0x304: {  	v23 =	vld [tilespmem:s4+$0x40]  }
0x305: {  	v24 =	vperm.xlane v17, v10;
	v18 =	vmul.f32 v18, v21;
	v25 =	vld [tilespmem:s4+$0x4C]  }
0x306: {  	v19 =	vmul.f32 v19, v21;
	v21 =	vld [tilespmem:s4+$0x60]  }
0x307: {  	v26 =	vperm.xlane v17, v11;
	v18 =	vadd.f32 $0.0e+00, v18;
	v20 =	vmul.f32 v20, v24;
	v27 =	vld [tilespmem:s4+$0x6C]  }
0x308: {  	v19 =	vadd.f32 $0.0e+00, v19;
	v22 =	vmul.f32 v22, v24;
	v24 =	vld [tilespmem:s4+$0x80]  }
0x309: {  	v18 =	vadd.f32 v20, v18;
	v20 =	vmul.f32 v23, v26;
	v23 =	vperm.xlane v17, v12;
	v28 =	vld [tilespmem:s4+$0x8C]  }
0x30a: {  	v19 =	vadd.f32 v22, v19;
	v22 =	vmul.f32 v25, v26;
	v25 =	vld [tilespmem:s4+$0xA0]  }
0x30b: {  	v18 =	vadd.f32 v20, v18;
	v20 =	vmul.f32 v21, v23;
	v21 =	vperm.xlane v17, v13;
	v26 =	vld [tilespmem:s4+$0xAC]  }
0x30c: {  	v19 =	vadd.f32 v22, v19;
	v22 =	vmul.f32 v27, v23;
	v23 =	vld [tilespmem:s4+$0xC0]  }
0x30d: {  	v18 =	vadd.f32 v20, v18;
	v20 =	vmul.f32 v24, v21;
	v24 =	vperm.xlane v17, v14;
	v27 =	vld [tilespmem:s4+$0xCC]  }
0x30e: {  	v19 =	vadd.f32 v22, v19;
	v21 =	vmul.f32 v28, v21;
	v22 =	vld [tilespmem:s4+$0xE0]  }
0x30f: {  	v18 =	vadd.f32 v20, v18;
	v20 =	vmul.f32 v25, v24;
	v25 =	vperm.xlane v17, v15;
	v28 =	vld [tilespmem:s4+$0xEC]  }
0x310: {  	v19 =	vadd.f32 v21, v19;
	v21 =	vmul.f32 v26, v24  }
0x311: {  	v18 =	vadd.f32 v20, v18;
	v20 =	vmul.f32 v23, v25;
	v23 =	vperm.xlane v17, v16  }
0x312: {  	v17 =	vmov s10;
	v19 =	vadd.f32 v21, v19;
	v21 =	vmul.f32 v27, v25  }
.Ltmp2:
0x313: {  	v17 =	vand.u32 $0x7F, v17;
	v18 =	vadd.f32 v20, v18;
	v20 =	vmul.f32 v22, v23;
	(pc) =	sbr.rel @p0 .LBB2_7-.Ltmp2, $4  }
0x314: {  	v17 =	vor.u32 v63, v17;
	v19 =	vadd.f32 v21, v19;
	v21 =	vmul.f32 v28, v23  }
0x315: {  	v20 =	vadd.f32 v20, v18  }
0x316: {  	v18 =	vadd.f32 v21, v19  }
0x317: {  	s14 =	smov.u32 s9;
	[tilespmem:s1+$0x0] =	vst v20  }
0x318: {  	_ =	sdelay $0x2  }
0x319: {  	[tilespmem:s1+$0xC] =	vst v18  }
0x31a: {  	v17 =	vld.idx.msk [tilespmem:v17+s26+$0x0], $0xffff  }
0x31b: {  	s4 =	sadd.s32 $0x200, s4  }
0x31c: {  	v18 =	vld [tilespmem:s4+$0xFFFFFF00]  }
0x31d: {  	v19 =	vld [tilespmem:s4+$0xFFFFFF0C]  }
0x31e: {  	v20 =	vld [tilespmem:s4+$0xFFFFFF20]  }
0x31f: {  	v21 =	vld [tilespmem:s4+$0xFFFFFF2C];
	v22 =	vperm.xlane v17, v2  }
0x320: {  	v23 =	vld [tilespmem:s4+$0xFFFFFF40]  }
0x321: {  	v25 =	vld [tilespmem:s4+$0xFFFFFF4C];
	v24 =	vperm.xlane v17, v3;
	v18 =	vmul.f32 v18, v22  }
0x322: {  	v19 =	vmul.f32 v19, v22;
	v22 =	vld [tilespmem:s4+$0xFFFFFF60]  }
0x323: {  	v27 =	vld [tilespmem:s4+$0xFFFFFF6C];
	v26 =	vperm.xlane v17, v4;
	v20 =	vmul.f32 v20, v24;
	v18 =	vadd.f32 $0.0e+00, v18  }
0x324: {  	v21 =	vmul.f32 v21, v24;
	v24 =	vld [tilespmem:s4+$0xFFFFFF80];
	v19 =	vadd.f32 $0.0e+00, v19  }
0x325: {  	v29 =	vld [tilespmem:s4+$0xFFFFFF8C];
	v28 =	vperm.xlane v17, v5;
	v31 =	vmul.f32 v23, v26;
	v18 =	vadd.f32 v20, v18  }
0x326: {  	v30 =	vmul.f32 v25, v26;
	v19 =	vadd.f32 v21, v19;
	v21 =	vld [tilespmem:s4+$0xFFFFFFA0]  }
0x327: {  	v25 =	vperm.xlane v17, v6;
	v26 =	vld [tilespmem:s4+$0xFFFFFFAC];
	v20 =	vmul.f32 v22, v28;
	v18 =	vadd.f32 v31, v18  }
0x328: {  	v23 =	vld [tilespmem:s4+$0xFFFFFFC0];
	v22 =	vmul.f32 v27, v28;
	v19 =	vadd.f32 v30, v19  }
0x329: {  	v27 =	vperm.xlane v17, v7;
	v28 =	vld [tilespmem:s4+$0xFFFFFFCC];
	v31 =	vmul.f32 v24, v25;
	v18 =	vadd.f32 v20, v18  }
0x32a: {  	v30 =	vmul.f32 v29, v25;
	v19 =	vadd.f32 v22, v19;
	v22 =	vld [tilespmem:s4+$0xFFFFFFE0]  }
0x32b: {  	v25 =	vperm.xlane v17, v8;
	v29 =	vld [tilespmem:s4+$0xFFFFFFEC];
	v18 =	vadd.f32 v31, v18;
	v31 =	vmul.f32 v21, v27  }
0x32c: {  	v26 =	vmul.f32 v26, v27;
	v19 =	vadd.f32 v30, v19  }
0x32d: {  	v30 =	vperm.xlane v17, v1;
	v18 =	vadd.f32 v31, v18;
	v31 =	vmul.f32 v23, v25  }
0x32e: {  	v25 =	vmul.f32 v28, v25;
	v19 =	vadd.f32 v26, v19  }
0x32f: {  	v27 =	vmul.f32 v22, v30;
	v18 =	vadd.f32 v31, v18  }
0x330: {  	v21 =	vmul.f32 v29, v30;
	v19 =	vadd.f32 v25, v19  }
0x331: {  	v18 =	vadd.f32 v27, v18  }
0x332: {  	s16 =	sadd.s32 $0x40, s1;
	v19 =	vadd.f32 v21, v19  }
0x333: {  	[tilespmem:s16+$0xFFFFFFE0] =	vst v18  }
0x334: {  	[tilespmem:s16+$0xFFFFFFEC] =	vst v19  }
0x335: {  	v18 =	vld [tilespmem:s4+$0x0]  }
0x336: {  	v19 =	vld [tilespmem:s4+$0xC]  }
0x337: {  	v28 =	vld [tilespmem:s4+$0x20]  }
0x338: {  	v29 =	vperm.xlane v17, v9;
	v22 =	vld [tilespmem:s4+$0x2C]  }
0x339: {  	v31 =	vld [tilespmem:s4+$0x40]  }
0x33a: {  	v30 =	vperm.xlane v17, v10;
	v25 =	vld [tilespmem:s4+$0x4C];
	v18 =	vmul.f32 v18, v29  }
0x33b: {  	v21 =	vld [tilespmem:s4+$0x60];
	v19 =	vmul.f32 v19, v29  }
0x33c: {  	v26 =	vperm.xlane v17, v11;
	v27 =	vld [tilespmem:s4+$0x6C];
	v20 =	vmul.f32 v28, v30;
	v18 =	vadd.f32 $0.0e+00, v18  }
0x33d: {  	v24 =	vld [tilespmem:s4+$0x80];
	v22 =	vmul.f32 v22, v30;
	v19 =	vadd.f32 $0.0e+00, v19  }
0x33e: {  	v23 =	vperm.xlane v17, v12;
	v28 =	vld [tilespmem:s4+$0x8C];
	v18 =	vadd.f32 v20, v18;
	v20 =	vmul.f32 v31, v26  }
0x33f: {  	v19 =	vadd.f32 v22, v19;
	v31 =	vmul.f32 v25, v26;
	v25 =	vld [tilespmem:s4+$0xA0]  }
0x340: {  	v29 =	vmul.f32 v21, v23;
	v21 =	vperm.xlane v17, v13;
	v26 =	vld [tilespmem:s4+$0xAC];
	v18 =	vadd.f32 v20, v18  }
0x341: {  	v30 =	vmul.f32 v27, v23;
	v23 =	vld [tilespmem:s4+$0xC0];
	v19 =	vadd.f32 v31, v19  }
0x342: {  	v27 =	vld [tilespmem:s4+$0xCC];
	v31 =	vmul.f32 v24, v21;
	v24 =	vperm.xlane v17, v14;
	v18 =	vadd.f32 v29, v18  }
0x343: {  	v22 =	vld [tilespmem:s4+$0xE0];
	v21 =	vmul.f32 v28, v21;
	v19 =	vadd.f32 v30, v19  }
0x344: {  	v28 =	vld [tilespmem:s4+$0xEC];
	v20 =	vmul.f32 v25, v24;
	v25 =	vperm.xlane v17, v15;
	v18 =	vadd.f32 v31, v18  }
0x345: {  	v26 =	vmul.f32 v26, v24;
	v19 =	vadd.f32 v21, v19  }
0x346: {  	v17 =	vperm.xlane v17, v16;
	v29 =	vmul.f32 v23, v25;
	v18 =	vadd.f32 v20, v18  }
0x347: {  	v30 =	vmul.f32 v27, v25;
	v19 =	vadd.f32 v26, v19  }
0x348: {  	v31 =	vmul.f32 v22, v17;
	v18 =	vadd.f32 v29, v18  }
0x349: {  	v17 =	vmul.f32 v28, v17;
	v19 =	vadd.f32 v30, v19  }
0x34a: {  	v18 =	vadd.f32 v31, v18  }
0x34b: {  	s17 =	sshll.u32 s31, $0x2;
	s30 =	sadd.s32 $0x1, s30;
	v17 =	vadd.f32 v17, v19  }
0x34c: {  	p0 =	sne.s32 s30, $0x20;
	s4 =	sand.u32 $0x1FFFFE00, s17;
	[tilespmem:s16+$0x0] =	vst v18  }
.Ltmp3:
0x34d: {  	s31 =	sadd.s32 s2, s4;
	[tilespmem:s16+$0xC] =	vst v17;
	(pc) =	sbr.rel @p0 .LBB2_2-.Ltmp3, $4  }
0x34e: {  	[hbm4b:s31+s3] =	stream.linear.scatter [tilespmem:s29], [sflag:$0x3], $0x1000, $0x38;
	[tilespmem:$0x12080] =	vst v63  }
0x34f: {  	_ =	swait.ge [sflag:s11], $0x1000  }
0x350: {  	[sflag:s11] =	ssyncset.done $0x0  }
0x351: {  	[sflag:s11] =	ssyncadd.s32 $0xFFFFF000  }
0x352: {  	s4 =	rddreg [dreg:$0x6]  }
0x353: {  	s1 =	rddreg [dreg:$0x5];
	s4 =	sadd.s32 $0x1, s4  }
0x354: {  	p0 =	sne.s32 s4, s1  }
.Ltmp4:
0x355: {  	_ = 	snop;
	(pc) =	sbr.rel @p0 .LBB2_1-.Ltmp4, $1  }
0x356: {  	_ =	sdelay $0x3  }
0x357: {  	_ =	sfence.sel $0x180000  }
0x358: {  	[bflag:$0x0] =	sbarrier.arrive $0xFFFF  }
0x359: {  	_ =	strace $0x9000004A  }
0x35a: {  	s0 =	stileid.u32;
	[bflag:$0x2] =	sbarrier.arrive $0xFFFF  }
0x35b: {  	p0 =	sne.s32 s0, $0x0;
	s0 =	rddreg [dreg:$0x3]  }
0x35c: {  	s0 =	sadd.s32 @!p0 $0x100000, s0  }
0x35d: {  	[sflag:s0] =	ssyncadd.tile.s32 @!p0 $0x1;
	_ =	shalt  }
.Lfunc_end2:
_tile_overlayer_lowered:
.L_overlay_start_2:
0x35e: {  	(tag) =	ssettag $0x2  }
0x35f: {  	s0 =	rddreg [dreg:$0x0];
	s2 =	stileid.u32  }
0x360: {  	s1 =	rddreg [dreg:$0x1];
	p0 =	sne.s32 s2, $0x0  }
0x361: {  	s3 =	rddreg [dreg:$0x2];
	[bflag:$0x3] =	sbarrier.arrive $0xFFFF;
	s2 =	simm.s32 @!p0 $0x1C03  }
0x362: {  	[timem:s3], [sflag:s2] =	dma.local @!p0 [hbm:s0], s1  }
0x363: {  	s0 =	simm.s32 @!p0 $0x3  }
0x364: {  	_ =	swait.ge @!p0 [sflag:s0], s1  }
0x365: {  	s1 =	ssub.s32 @!p0 $0x0, s1;
	[sflag:s0] =	ssyncset.done @!p0 $0x0  }
0x366: {  	[sflag:s0] =	ssyncadd.s32 @!p0 s1  }
0x367: {  	[bflag:$0x3] =	sbarrier.arrive $0xFFFF  }
0x368: {  	_ =	shalt  }

</sc_bundles>
